<compile_context>
chip_gen: v7x
topology: tpu7x:2x2x1
jax: 0.10.2.dev20260603
libtpu: 0.0.44.dev20260713+nightly
codegen_flags: <defaults>
</compile_context>

<pallas_src>
import math

import jax
import jax.numpy as jnp
import numpy as np
from jax.experimental import pallas as pl
from jax.experimental.pallas import tpu as pltpu
from jax.experimental.pallas import tpu_sc as plsc

N = 10000
E = 160000
F = 32
S = 8
G = 64
RMAX = 5.0
EPS = 0.1
_SQS = math.sqrt(float(S))
_OFFS = np.arange(0.0, -8.0, -1.0, dtype=np.float32).reshape(8, 1)

NC = 2
NS = 16
NW = NC * NS
CH = 128
N_PAD = 10240
E_PAD = 163840

BN = 1000
BE = 2048
BEB = 1024

_SC_PARAMS = pltpu.CompilerParams(use_tc_tiling_on_sc=False)


def _pcall(f, grid, in_specs, out_specs, out_shape):
    return pl.pallas_call(f, grid=grid, in_specs=in_specs,
                          out_specs=out_specs, out_shape=out_shape)



def _sc_gather(table, idx, width):
    rows_per_w = E_PAD // NW
    nch = rows_per_w // CH
    mesh = plsc.VectorSubcoreMesh(core_axis_name="c", subcore_axis_name="s")

    def body(table_hbm, idx_hbm, out_hbm, idx_v, rows_v, sem):
        wid = jax.lax.axis_index("s") * NC + jax.lax.axis_index("c")
        base = wid * rows_per_w

        def step(i, carry):
            off = base + i * CH
            pltpu.sync_copy(idx_hbm.at[pl.ds(off, CH)], idx_v)
            pltpu.async_copy(table_hbm.at[idx_v], rows_v, sem).wait()
            pltpu.sync_copy(rows_v, out_hbm.at[pl.ds(off, CH)])
            return carry

        jax.lax.fori_loop(0, nch, step, 0)

    run = pl.kernel(
        body,
        out_type=jax.ShapeDtypeStruct((E_PAD, width), jnp.float32),
        mesh=mesh,
        compiler_params=_SC_PARAMS,
        scratch_types=[
            pltpu.VMEM((CH,), jnp.int32),
            pltpu.VMEM((CH, width), jnp.float32),
            pltpu.SemaphoreType.DMA,
        ],
    )
    return run(table, idx)


def _sc_scatter(vals, idx, width):
    vrows = vals.shape[0]
    rows_per_w = vrows // NW
    nch = rows_per_w // CH
    rows_per_sub = N_PAD // NS
    zeros = jnp.zeros((N_PAD, width), jnp.float32)
    mesh = plsc.VectorSubcoreMesh(core_axis_name="c", subcore_axis_name="s")

    def body(vals_hbm, idx_hbm, zeros_hbm, out_hbm, idx_v, vals_v, shared):
        cid = jax.lax.axis_index("c")
        sid = jax.lax.axis_index("s")
        wid = sid * NC + cid
        pltpu.sync_copy(zeros_hbm.at[pl.ds(sid * rows_per_sub, rows_per_sub)],
                        shared.at[pl.ds(sid * rows_per_sub, rows_per_sub)])
        plsc.subcore_barrier()
        base = wid * rows_per_w

        def step(i, carry):
            off = base + i * CH
            pltpu.sync_copy(idx_hbm.at[pl.ds(off, CH)], idx_v)
            pltpu.sync_copy(vals_hbm.at[pl.ds(off, CH)], vals_v)
            pltpu.sync_copy(vals_v, shared.at[idx_v], add=True)
            return carry

        jax.lax.fori_loop(0, nch, step, 0)
        plsc.subcore_barrier()
        pltpu.sync_copy(shared.at[pl.ds(sid * rows_per_sub, rows_per_sub)],
                        out_hbm.at[cid, pl.ds(sid * rows_per_sub, rows_per_sub)])

    run = pl.kernel(
        body,
        out_type=jax.ShapeDtypeStruct((NC, N_PAD, width), jnp.float32),
        mesh=mesh,
        compiler_params=_SC_PARAMS,
        scratch_types=[
            pltpu.VMEM((CH,), jnp.int32),
            pltpu.VMEM((CH, width), jnp.float32),
            pltpu.VMEM_SHARED((N_PAD, width), jnp.float32),
        ],
    )
    return run(vals, idx, zeros)



def _dot(a, b):
    return jnp.dot(a, b, preferred_element_type=jnp.float32)


def _split4(a):
    return a[:, 0:32], a[:, 32:64], a[:, 64:96], a[:, 96:128]


def _edge_math(vecs, xs, wm1, wm2, wm3, wm4r):
    vx, vy, vz = vecs[:, 0:1], vecs[:, 1:2], vecs[:, 2:3]
    r = jnp.sqrt(vx * vx + vy * vy + vz * vz)
    xr = jnp.maximum(r, 1e-9)
    ux, uy, uz = vx / xr, vy / xr, vz / xr
    ns = jax.lax.broadcasted_iota(jnp.int32, (1, 8), 1).astype(
        jnp.float32) + 1.0
    b = np.float32(np.sqrt(2.0 / RMAX)) * jnp.sin(ns * (np.pi / RMAX) * xr) / xr
    t = r * (1.0 / RMAX)
    xp = t * t * t * t * t
    env = 1.0 - 21.0 * xp + 35.0 * xp * t - 15.0 * xp * t * t
    cut = jnp.where(r < RMAX, env, 0.0)
    rad = b * cut
    h = jax.nn.silu(_dot(rad, wm1))
    h = jax.nn.silu(_dot(h, wm2))
    h = jax.nn.silu(_dot(h, wm3))
    mixr = _dot(h, wm4r)
    mix0, mix1, mix2, mix3, mix4 = (mixr[:, 32 * j:32 * j + 32]
                                    for j in range(5))
    x0, x1, x2, x3 = _split4(xs)
    dotv = x1 * ux + x2 * uy + x3 * uz
    m0 = mix0 * x0 + mix1 * dotv
    c1 = x2 * uz - x3 * uy
    c2 = x3 * ux - x1 * uz
    c3 = x1 * uy - x2 * ux
    mv1 = mix2 * x0 * ux + mix3 * x1 + mix4 * c1
    mv2 = mix2 * x0 * uy + mix3 * x2 + mix4 * c2
    mv3 = mix2 * x0 * uz + mix3 * x3 + mix4 * c3
    return jnp.concatenate([m0, mv1, mv2, mv3], axis=1) * EPS


def _edge_geom(vecs):
    vx, vy, vz = vecs[:, 0:1], vecs[:, 1:2], vecs[:, 2:3]
    r = jnp.sqrt(vx * vx + vy * vy + vz * vz)
    xr = jnp.maximum(r, 1e-9)
    ns = jax.lax.broadcasted_iota(jnp.int32, (1, 8), 1).astype(
        jnp.float32) + 1.0
    b = np.float32(np.sqrt(2.0 / RMAX)) * jnp.sin(ns * (np.pi / RMAX) * xr) / xr
    t = r * (1.0 / RMAX)
    xp = t * t * t * t * t
    env = 1.0 - 21.0 * xp + 35.0 * xp * t - 15.0 * xp * t * t
    rad = b * jnp.where(r < RMAX, env, 0.0)
    return rad, vx / xr, vy / xr, vz / xr


def _edge_mlp(rad, wm1, wm2, wm3, wm4):
    h = jax.nn.silu(_dot(rad, wm1))
    h = jax.nn.silu(_dot(h, wm2))
    h = jax.nn.silu(_dot(h, wm3))
    return _dot(h, wm4)


def _edge_math0(vecs, x0, wm1, wm2, wm3, wm4a):
    rad, ux, uy, uz = _edge_geom(vecs)
    mm = _edge_mlp(rad, wm1, wm2, wm3, wm4a)
    mix0, mix2 = mm[:, 0:32], mm[:, 32:64]
    s = mix2 * x0
    return jnp.concatenate(
        [mix0 * x0, s * ux, s * uy, s * uz], axis=1) * EPS


def _edge_math1_m0(vecs, xs, wm1, wm2, wm3, wm4b):
    rad, ux, uy, uz = _edge_geom(vecs)
    mm = _edge_mlp(rad, wm1, wm2, wm3, wm4b)
    mix0, mix1 = mm[:, 0:32], mm[:, 32:64]
    x0, x1, x2, x3 = _split4(xs)
    dotv = x1 * ux + x2 * uy + x3 * uz
    return (mix0 * x0 + mix1 * dotv) * EPS


def _node0_math(agg, oh, wdn0, wdn1, wskip0, wsc0r, wpost0, wpost1, wro0,
                wup10, wup11):
    a0, a1, a2, a3 = _split4(agg)
    y0 = _dot(a0, wdn0)
    yv = [_dot(a, wdn1) for a in (a1, a2, a3)]

    def gcontract(tq):
        acc = jnp.zeros_like(tq)
        for s in range(S):
            acc = acc + oh[:, s:s + 1] * _dot(tq, wskip0[s])
        return acc * (1.0 / _SQS)

    y0 = gcontract(y0)
    yv = [gcontract(y) for y in yv]
    ws = _dot(oh, wsc0r)
    ws0, ws1 = ws[:, 0:32], ws[:, 32:64]
    z0 = ws0 * y0 + ws1 * y0 * y0
    p0 = _dot(z0, wpost0)
    pv = [_dot(ws0 * y, wpost1) for y in yv]
    e0 = _dot(p0, wro0)
    tx1 = jnp.concatenate([_dot(p0, wup10)] + [_dot(p, wup11) for p in pv],
                          axis=1)
    return tx1, e0


def _e1_math(a0, oh, wdn10, wsc1r, wpost10, wmlp, wro1):
    y0 = _dot(a0, wdn10)
    ws = _dot(oh, wsc1r)
    z0 = ws[:, 0:32] * y0 + ws[:, 32:64] * y0 * y0
    p0 = _dot(z0, wpost10)
    h = jax.nn.silu(_dot(p0, wmlp))
    return _dot(h, wro1)


def _onehot(sp_ref, k):
    sp = sp_ref[0, 0, :]
    ids = jax.lax.broadcasted_iota(jnp.int32, (sp.shape[0], k), 1).astype(
        jnp.float32)
    return jnp.where(sp[:, None] == ids, 1.0, 0.0)



def _full(shape):
    return pl.BlockSpec(shape, lambda i: tuple(0 for _ in shape))


def _rows(bs, w):
    return pl.BlockSpec((bs, w), lambda i: (i, 0))


def _sp3(bs):
    return pl.BlockSpec((1, 1, bs), lambda i: (i, 0, 0))


def _k_init(species3, emb, wup00):
    def body(sp_ref, emb_ref, w_ref, tx_ref):
        oh = _onehot(sp_ref, S)
        x00 = _dot(oh, emb_ref[...]) * (1.0 / _SQS)
        tx_ref[...] = _dot(x00, w_ref[...])

    return _pcall(body, (N // BN,),
                  [_sp3(BN), _full((S, F)), _full((F, F))],
                  _rows(BN, 32),
                  jax.ShapeDtypeStruct((N, 32), jnp.float32))(
                      species3, emb, wup00)


def _k_edge_fwd(vecs_p, xs, wm1, wm2, wm3, wm4r):
    def body(v_ref, xs_ref, w1, w2, w3, w4, m_ref):
        m_ref[...] = _edge_math(v_ref[...], xs_ref[...], w1[...], w2[...],
                                w3[...], w4[...])

    return _pcall(body, (E_PAD // BE,),
                  [_rows(BE, 3), _rows(BE, 128), _full((8, 64)),
                   _full((64, 64)), _full((64, 64)), _full((64, 160))],
                  _rows(BE, 128),
                  jax.ShapeDtypeStruct((E_PAD, 128), jnp.float32))(
                      vecs_p, xs, wm1, wm2, wm3, wm4r)


def _k_edge_fwd0(vecs_p, xs0, wm1, wm2, wm3, wm4a):
    def body(v_ref, xs_ref, w1, w2, w3, w4, m_ref):
        m_ref[...] = _edge_math0(v_ref[...], xs_ref[...], w1[...], w2[...],
                                 w3[...], w4[...])

    return _pcall(body, (E_PAD // BE,),
                  [_rows(BE, 3), _rows(BE, 32), _full((8, 64)),
                   _full((64, 64)), _full((64, 64)), _full((64, 64))],
                  _rows(BE, 128),
                  jax.ShapeDtypeStruct((E_PAD, 128), jnp.float32))(
                      vecs_p, xs0, wm1, wm2, wm3, wm4a)


def _k_edge_bwd1(vecs_p, xs, dm32, wm1, wm2, wm3, wm4b):
    def body(v_ref, xs_ref, dm_ref, w1, w2, w3, w4, dv_ref, dxs_ref):
        w1v, w2v, w3v, w4v = w1[...], w2[...], w3[...], w4[...]
        fn = lambda v, x: _edge_math1_m0(v, x, w1v, w2v, w3v, w4v)
        _, vjpf = jax.vjp(fn, v_ref[...], xs_ref[...])
        dv, dxs = vjpf(dm_ref[...])
        dv_ref[...] = dv
        dxs_ref[...] = dxs

    return _pcall(body, (E_PAD // BEB,),
                  [_rows(BEB, 3), _rows(BEB, 128), _rows(BEB, 32),
                   _full((8, 64)), _full((64, 64)), _full((64, 64)),
                   _full((64, 64))],
                  [_rows(BEB, 3), _rows(BEB, 128)],
                  [jax.ShapeDtypeStruct((E_PAD, 3), jnp.float32),
                   jax.ShapeDtypeStruct((E_PAD, 128), jnp.float32)])(
                      vecs_p, xs, dm32, wm1, wm2, wm3, wm4b)


def _k_edge_bwd0(vecs_p, xs0, dm, wm1, wm2, wm3, wm4a):
    def body(v_ref, xs_ref, dm_ref, w1, w2, w3, w4, dv_ref):
        w1v, w2v, w3v, w4v = w1[...], w2[...], w3[...], w4[...]
        x0v = xs_ref[...]
        fn = lambda v: _edge_math0(v, x0v, w1v, w2v, w3v, w4v)
        _, vjpf = jax.vjp(fn, v_ref[...])
        (dv,) = vjpf(dm_ref[...])
        dv_ref[...] = dv

    return _pcall(body, (E_PAD // BEB,),
                  [_rows(BEB, 3), _rows(BEB, 32), _rows(BEB, 128),
                   _full((8, 64)), _full((64, 64)), _full((64, 64)),
                   _full((64, 64))],
                  _rows(BEB, 3),
                  jax.ShapeDtypeStruct((E_PAD, 3), jnp.float32))(
                      vecs_p, xs0, dm, wm1, wm2, wm3, wm4a)


def _k_node0_fwd(p0t, p1t, species3, w):
    def body(p0_ref, p1_ref, sp_ref, wdn0, wdn1, wskip0, wsc0r, wpost0,
             wpost1, wro0, wup10, wup11, tx_ref, e_ref):
        agg = p0_ref[...] + p1_ref[...]
        oh = _onehot(sp_ref, S)
        tx1, e0 = _node0_math(agg, oh, wdn0[...], wdn1[...], wskip0[...],
                              wsc0r[...], wpost0[...], wpost1[...], wro0[...],
                              wup10[...], wup11[...])
        tx_ref[...] = tx1
        e_ref[...] = e0

    return _pcall(body, (N // BN,),
                  [_rows(BN, 128), _rows(BN, 128), _sp3(BN),
                   _full((F, F)), _full((F, F)), _full((S, F, F)),
                   _full((S, 2 * F)), _full((F, F)), _full((F, F)),
                   _full((F, 1)), _full((F, F)), _full((F, F))],
                  [_rows(BN, 128), _rows(BN, 1)],
                  [jax.ShapeDtypeStruct((N, 128), jnp.float32),
                   jax.ShapeDtypeStruct((N, 1), jnp.float32)])(
                      p0t, p1t, species3, *w)


def _k_node0_bwd(p0t, p1t, species3, dtx0, dtx1, w):
    def body(p0_ref, p1_ref, sp_ref, dt0_ref, dt1_ref, wdn0, wdn1, wskip0,
             wsc0r, wpost0, wpost1, wro0, wup10, wup11, dagg_ref):
        agg = p0_ref[...] + p1_ref[...]
        oh = _onehot(sp_ref, S)
        args = (wdn0[...], wdn1[...], wskip0[...], wsc0r[...], wpost0[...],
                wpost1[...], wro0[...], wup10[...], wup11[...])
        fn = lambda a: _node0_math(a, oh, *args)
        _, vjpf = jax.vjp(fn, agg)
        dtx = dt0_ref[...] + dt1_ref[...]
        (dagg,) = vjpf((dtx, jnp.ones((agg.shape[0], 1), jnp.float32)))
        dagg_ref[...] = dagg

    return _pcall(body, (N // BN,),
                  [_rows(BN, 128), _rows(BN, 128), _sp3(BN),
                   _rows(BN, 128), _rows(BN, 128),
                   _full((F, F)), _full((F, F)), _full((S, F, F)),
                   _full((S, 2 * F)), _full((F, F)), _full((F, F)),
                   _full((F, 1)), _full((F, F)), _full((F, F))],
                  _rows(BN, 128),
                  jax.ShapeDtypeStruct((N, 128), jnp.float32))(
                      p0t, p1t, species3, dtx0, dtx1, *w)


def _k_final_e(a0p0, a0p1, species3, inde3, e0, w):
    def body(p0_ref, p1_ref, sp_ref, ge_ref, e0_ref, wdn10, wsc1r, wpost10,
             wmlp, wro1, offs_ref, eg_ref):
        i = pl.program_id(0)
        a0 = p0_ref[...] + p1_ref[...]
        oh = _onehot(sp_ref, S)
        e1 = _e1_math(a0, oh, wdn10[...], wsc1r[...], wpost10[...],
                      wmlp[...], wro1[...])
        off = _dot(oh, offs_ref[...])
        ei = e0_ref[...] + e1 + off
        ohg = _onehot(ge_ref, G)
        blk = _dot(ei.reshape(1, ei.shape[0]), ohg)

        @pl.when(i == 0)
        def _():
            eg_ref[...] = jnp.zeros_like(eg_ref)

        eg_ref[...] += blk

    return _pcall(body, (N // BN,),
                  [_rows(BN, 32), _rows(BN, 32), _sp3(BN), _sp3(BN),
                   _rows(BN, 1), _full((F, F)), _full((S, 2 * F)),
                   _full((F, F)), _full((F, 16)), _full((16, 1)),
                   _full((S, 1))],
                  pl.BlockSpec((1, G), lambda i: (0, 0)),
                  jax.ShapeDtypeStruct((1, G), jnp.float32))(
                      a0p0, a0p1, species3, inde3, e0, *w,
                      jnp.asarray(_OFFS))


def _k_node1_bwd(a0p0, a0p1, species3, w):
    def body(p0_ref, p1_ref, sp_ref, wdn10, wsc1r, wpost10, wmlp, wro1,
             da_ref):
        a0 = p0_ref[...] + p1_ref[...]
        oh = _onehot(sp_ref, S)
        args = (wdn10[...], wsc1r[...], wpost10[...], wmlp[...], wro1[...])
        fn = lambda a: _e1_math(a, oh, *args)
        _, vjpf = jax.vjp(fn, a0)
        (da,) = vjpf(jnp.ones((a0.shape[0], 1), jnp.float32))
        da_ref[...] = da

    return _pcall(body, (N // BN,),
                  [_rows(BN, 32), _rows(BN, 32), _sp3(BN), _full((F, F)),
                   _full((S, 2 * F)), _full((F, F)), _full((F, 16)),
                   _full((16, 1))],
                  _rows(BN, 32),
                  jax.ShapeDtypeStruct((N, 32), jnp.float32))(
                      a0p0, a0p1, species3, *w)


def _k_fo_vals(dv0, dv1, mask_p):
    def body(d0_ref, d1_ref, m_ref, va_ref, vb_ref):
        ft = (d0_ref[...] + d1_ref[...]) * m_ref[...]
        pad = jnp.zeros((ft.shape[0], 13), jnp.float32)
        va = jnp.concatenate([ft, pad], axis=1)
        va_ref[...] = va
        vb_ref[...] = -va

    return _pcall(body, (E_PAD // BE,),
                  [_rows(BE, 3), _rows(BE, 3), _rows(BE, 1)],
                  [_rows(BE, 16), _rows(BE, 16)],
                  [jax.ShapeDtypeStruct((E_PAD, 16), jnp.float32),
                   jax.ShapeDtypeStruct((E_PAD, 16), jnp.float32)])(
                      dv0, dv1, mask_p)



def kernel(nn_vecs, species, inda, indb, inde, mask, nats, emb, W_up, W_m1,
           W_m2, W_m3, W_m4, W_dn, W_sc, W_post, W_skip, W_ro0, W_mlp,
           W_ro1):
    f32 = jnp.float32
    pe = E_PAD - E

    vecs_p = jnp.concatenate(
        [nn_vecs.astype(f32), jnp.ones((pe, 3), f32)], axis=0)
    mask_p = jnp.concatenate(
        [mask.astype(f32), jnp.zeros((pe,), f32)], axis=0).reshape(E_PAD, 1)
    inda32 = inda.astype(jnp.int32)
    indb32 = indb.astype(jnp.int32)
    zpad = jnp.zeros((pe,), jnp.int32)
    npad = jnp.full((pe,), N, jnp.int32)
    inda_g = jnp.concatenate([inda32, zpad])
    indb_g = jnp.concatenate([indb32, zpad])
    inda_s = jnp.concatenate([inda32, npad])
    indb_s = jnp.concatenate([indb32, npad])

    species3 = species.astype(f32).reshape(N // BN, 1, BN)
    inde3 = inde.astype(f32).reshape(N // BN, 1, BN)

    wm4r = [W_m4[l].reshape(64, F, 5).transpose(0, 2, 1).reshape(64, 5 * F)
            for l in range(2)]
    wscr = [W_sc[l].reshape(S, 2 * F) for l in range(2)]

    w_node0 = (W_dn[0, 0], W_dn[0, 1], W_skip[0], wscr[0], W_post[0, 0],
               W_post[0, 1], W_ro0, W_up[1, 0], W_up[1, 1])
    w_e1 = (W_dn[1, 0], wscr[1], W_post[1, 0], W_mlp, W_ro1)

    tx0 = _k_init(species3, emb, W_up[0, 0])
    xs0 = _sc_gather(tx0, inda_g, 32)
    wm4a0 = jnp.concatenate([wm4r[0][:, 0:32], wm4r[0][:, 64:96]], axis=1)
    wm4b1 = wm4r[1][:, 0:64]
    m0 = _k_edge_fwd0(vecs_p, xs0, W_m1[0], W_m2[0], W_m3[0], wm4a0)
    parts0 = _sc_scatter(m0, indb_s, 128)
    p0a, p0b = parts0[0], parts0[1]
    tx1, e0 = _k_node0_fwd(p0a, p0b, species3, w_node0)
    xs1 = _sc_gather(tx1, inda_g, 128)
    m1 = _k_edge_fwd(vecs_p, xs1, W_m1[1], W_m2[1], W_m3[1], wm4r[1])
    parts1 = _sc_scatter(m1, indb_s, 128)
    a1p0, a1p1 = parts1[0, :, 0:32], parts1[1, :, 0:32]
    eg = _k_final_e(a1p0, a1p1, species3, inde3, e0, w_e1)

    dagg1 = _k_node1_bwd(a1p0, a1p1, species3, w_e1)
    dm1 = _sc_gather(dagg1, indb_g, 32)
    dv1, dxs1 = _k_edge_bwd1(vecs_p, xs1, dm1, W_m1[1], W_m2[1], W_m3[1],
                             wm4b1)
    dtx = _sc_scatter(dxs1, inda_s, 128)
    dagg0 = _k_node0_bwd(p0a, p0b, species3, dtx[0], dtx[1], w_node0)
    dm0 = _sc_gather(dagg0, indb_g, 128)
    dv0 = _k_edge_bwd0(vecs_p, xs0, dm0, W_m1[0], W_m2[0], W_m3[0], wm4a0)

    va, vb = _k_fo_vals(dv0, dv1, mask_p)
    vals2 = jnp.concatenate([va, vb], axis=0)
    idx2 = jnp.concatenate([inda_s, indb_s])
    fparts = _sc_scatter(vals2, idx2, 16)
    fo = (fparts[0] + fparts[1])[:N, 0:3]

    return eg[0], fo

# --- scband reference (transcript-rebuilt; emitter-appended) ---
"""Pipeline reference for scband-macemodel-42614665511392 (READ-ONLY COPY).

The authoritative reference and input builder live on the scoring server;
editing this copy changes nothing except your own understanding.
"""

import jax, jax.numpy as jnp
import numpy as np

N = 10000; E = 160000; F = 32; S = 8; R = 8; L = 2; G = 64
RMAX = 5.0; EPS = 0.1
OFFSETS = jnp.array([0.0, -1.0, -2.0, -3.0, -4.0, -5.0, -6.0, -7.0], dtype=jnp.float32)

def _envelope(x):
    p = 5.0
    xs = x / RMAX
    xp = xs ** 5
    return 1.0 - 0.5 * (p + 1.0) * (p + 2.0) * xp + p * (p + 2.0) * xp * xs - 0.5 * p * (p + 1.0) * xp * xs * xs

def _radial(r):
    ns = jnp.arange(1, R + 1, dtype=jnp.float32)
    xs = jnp.maximum(r, 1e-9)[:, None]
    b = jnp.sqrt(2.0 / RMAX) * jnp.sin(ns * jnp.pi * xs / RMAX) / xs
    cut = jnp.where(r < RMAX, _envelope(r), 0.0)[:, None]
    return b * cut

def _mlp(x, W1, W2, W3, W4):
    x = jax.nn.silu(x @ W1)
    x = jax.nn.silu(x @ W2)
    x = jax.nn.silu(x @ W3)
    return x @ W4

def setup_inputs(seed: int = 0):
    key = jax.random.key(seed)
    ks = jax.random.split(key, 24)
    inp = {}
    inp['nn_vecs'] = jax.random.normal(ks[0], (E, 3), jnp.float32)
    inp['species'] = jax.random.randint(ks[1], (N,), 0, S)
    inp['inda'] = jax.random.randint(ks[2], (E,), 0, N)
    inp['indb'] = jax.random.randint(ks[3], (E,), 0, N)
    inp['inde'] = jnp.sort(jax.random.randint(ks[4], (N,), 0, G))
    inp['mask'] = jnp.ones((E,), jnp.float32)
    inp['nats'] = jax.random.randint(ks[5], (G,), 1, 200)
    inp['emb'] = jax.random.normal(ks[6], (S, F), jnp.float32)
    inp['W_up'] = jax.random.normal(ks[7], (L, 2, F, F), jnp.float32) / np.sqrt(F)
    inp['W_m1'] = jax.random.normal(ks[8], (L, R, 64), jnp.float32) / np.sqrt(R)
    inp['W_m2'] = jax.random.normal(ks[9], (L, 64, 64), jnp.float32) / 8.0
    inp['W_m3'] = jax.random.normal(ks[10], (L, 64, 64), jnp.float32) / 8.0
    inp['W_m4'] = jax.random.normal(ks[11], (L, 64, F * 5), jnp.float32) / 8.0
    inp['W_dn'] = jax.random.normal(ks[12], (L, 2, F, F), jnp.float32) / np.sqrt(F)
    inp['W_sc'] = jax.random.normal(ks[13], (L, S, 2, F), jnp.float32)
    inp['W_post'] = jax.random.normal(ks[14], (L, 2, F, F), jnp.float32) / np.sqrt(F)
    inp['W_skip'] = jax.random.normal(ks[15], (L, S, F, F), jnp.float32) / np.sqrt(F)
    inp['W_ro0'] = jax.random.normal(ks[16], (F, 1), jnp.float32) / np.sqrt(F)
    inp['W_mlp'] = jax.random.normal(ks[17], (F, 16), jnp.float32) / np.sqrt(F)
    inp['W_ro1'] = jax.random.normal(ks[18], (16, 1), jnp.float32) / 4.0
    return inp

def reference(nn_vecs, species, inda, indb, inde, mask, nats, emb, W_up, W_m1, W_m2, W_m3, W_m4, W_dn, W_sc, W_post, W_skip, W_ro0, W_mlp, W_ro1):
    num_graphs = nats.shape[0]

    def model(vecs):
        r = jnp.linalg.norm(vecs, axis=1)
        rad = _radial(r)
        u = vecs / jnp.maximum(r, 1e-9)[:, None]
        x = jnp.zeros((N, F, 4), jnp.float32).at[:, :, 0].set(emb[species] / np.sqrt(S))
        Es = 0.0
        for l in range(L):
            sc = None
            if l > 0:
                Wg = W_skip[l][species]
                sc = jnp.einsum('nfi,nfg->ngi', x, Wg) / np.sqrt(S)
            x0 = x[:, :, 0] @ W_up[l, 0]
            xv = jnp.einsum('nfi,fg->ngi', x[:, :, 1:4], W_up[l, 1])
            xs0 = x0[inda]
            xsv = xv[inda]
            mix = _mlp(rad, W_m1[l], W_m2[l], W_m3[l], W_m4[l]).reshape(E, F, 5)
            dotv = jnp.einsum('efi,ei->ef', xsv, u)
            ub = jnp.broadcast_to(u[:, None, :], (E, F, 3))
            m0 = mix[:, :, 0] * xs0 + mix[:, :, 1] * dotv
            mv = mix[:, :, 2][..., None] * xs0[..., None] * u[:, None, :] + mix[:, :, 3][..., None] * xsv + mix[:, :, 4][..., None] * jnp.cross(xsv, ub, axis=-1)
        # channelwise tensor product messages, scatter-add to receivers
            m = jnp.concatenate([m0[..., None], mv], axis=-1) * EPS
            agg = jnp.zeros((N, F, 4), jnp.float32).at[indb].add(m)
            y0 = agg[:, :, 0] @ W_dn[l, 0]
            yv = jnp.einsum('nfi,fg->ngi', agg[:, :, 1:4], W_dn[l, 1])
            if l == 0:
                Wg0 = W_skip[0][species]
                y0 = jnp.einsum('nf,nfg->ng', y0, Wg0) / np.sqrt(S)
                yv = jnp.einsum('nfi,nfg->ngi', yv, Wg0) / np.sqrt(S)
            ws = W_sc[l][species]
            z0 = ws[:, 0, :] * y0 + ws[:, 1, :] * y0 * y0
            zv = ws[:, 0, :][..., None] * yv
            p0 = z0 @ W_post[l, 0]
            pv = jnp.einsum('nfi,fg->ngi', zv, W_post[l, 1])
            xn = jnp.concatenate([p0[..., None], pv], axis=-1)
            if sc is not None:
                xn = xn + sc
            if l == L - 1:
                h = jax.nn.silu(p0 @ W_mlp)
                e = (h @ W_ro1)[:, 0]
            else:
                e = (p0 @ W_ro0)[:, 0]
            Es = Es + e
            x = xn
        return jnp.sum(Es), Es

    Fterms, Ei = jax.grad(model, has_aux=True)(nn_vecs)
    Fterms = Fterms * mask[:, None]
    Ei = Ei + OFFSETS[species]
    Eg = jnp.zeros((num_graphs,), Ei.dtype).at[inde].add(Ei)
    Fo = jnp.zeros((N, 3), Ei.dtype).at[inda].add(Fterms).at[indb].add(-Fterms)
    return (Eg, Fo)

if __name__ == "__main__":
    import jax
    _d = setup_inputs()
    print(jax.jit(kernel)(*tuple(_d.values())))

</pallas_src>

<mosaic_0001>
#map = affine_map<(d0, d1) -> (0, 0)>
#map1 = affine_map<(d0, d1) -> (0)>
#map2 = affine_map<(d0, d1) -> (0, 0, 0)>
module attributes {stable_mosaic.version = 14 : i64} {
  func.func @body(%arg0: i32, %arg1: i32, %arg2: memref<163840x128xf32, #tpu.memory_space<hbm>>, %arg3: memref<163840xi32, #tpu.memory_space<hbm>>, %arg4: memref<10240x128xf32, #tpu.memory_space<hbm>>, %arg5: memref<2x10240x128xf32, #tpu.memory_space<hbm>>, %arg6: memref<128xi32, #tpu.memory_space<vmem>>, %arg7: memref<128x128xf32, #tpu.memory_space<vmem>>, %arg8: memref<10240x128xf32, #tpu.memory_space<vmem_shared>>) attributes {dimension_semantics = [#tpu.dimension_semantics<core_parallel>, #tpu.dimension_semantics<subcore_parallel>], iteration_bounds = array<i64: 2, 16>, scalar_prefetch = 0 : i64, scratch_operands = 3 : i64, tpu.core_type = #tpu.core_type<sc_vector_subcore>, window_params = [{transform_indices = #map}, {transform_indices = #map1}, {transform_indices = #map}, {transform_indices = #map2}]} {
    %mul3A = arith.constant 2 : i32
    %mul3A_0 = arith.muli %arg1, %mul3A : i32
    %add3A = arith.addi %mul3A_0, %arg0 : i32
    %mul3A_1 = arith.constant 640 : i32
    %mul3A_2 = arith.muli %arg1, %mul3A_1 : i32
    %mul3A_3 = arith.constant 640 : i32
    %mul3A_4 = arith.muli %arg1, %mul3A_3 : i32
    "tpu.region"() ({
      %run_scoped3A = tpu.sem_alloc : memref<!tpu.dma_semaphore, #tpu.memory_space<semaphore_mem>>
      %dma_start3A = arith.constant 0 : i32
      %dma_start3A_17 = tpu.memref_slice %arg8[%mul3A_4, %dma_start3A] : memref<10240x128xf32, #tpu.memory_space<vmem_shared>> -> memref<640x128xf32, #tpu.memory_space<vmem_shared>>
      %dma_start3A_18 = arith.constant 0 : i32
      %dma_start3A_19 = tpu.memref_slice %arg4[%mul3A_2, %dma_start3A_18] : memref<10240x128xf32, #tpu.memory_space<hbm>> -> memref<640x128xf32, #tpu.memory_space<hbm>>
      tpu.enqueue_dma source(%dma_start3A_19 : memref<640x128xf32, #tpu.memory_space<hbm>>) target(%dma_start3A_17 : memref<640x128xf32, #tpu.memory_space<vmem_shared>>) target_semaphore(%run_scoped3A : memref<!tpu.dma_semaphore, #tpu.memory_space<semaphore_mem>>)
      %dma_wait3A = arith.constant 0 : i32
      %dma_wait3A_20 = tpu.memref_slice %arg8[%mul3A_4, %dma_wait3A] : memref<10240x128xf32, #tpu.memory_space<vmem_shared>> -> memref<640x128xf32, #tpu.memory_space<vmem_shared>>
      %dma_wait3A_21 = arith.constant 0 : i32
      %dma_wait3A_22 = tpu.memref_slice %arg4[%mul3A_2, %dma_wait3A_21] : memref<10240x128xf32, #tpu.memory_space<hbm>> -> memref<640x128xf32, #tpu.memory_space<hbm>>
      tpu.wait_dma2 semaphore(%run_scoped3A : memref<!tpu.dma_semaphore, #tpu.memory_space<semaphore_mem>>) src(%dma_wait3A_22 : memref<640x128xf32, #tpu.memory_space<hbm>>) dst(%dma_wait3A_20 : memref<640x128xf32, #tpu.memory_space<vmem_shared>>)
      tpu.yield
    }) : () -> ()
    %barrier3A = arith.constant 0 : index
    tpu.barrier barrier_id(%barrier3A)
    %mul3A_5 = arith.constant 5120 : i32
    %mul3A_6 = arith.muli %add3A, %mul3A_5 : i32
    %scan3A = arith.constant 0 : i32
    %scan3A_7 = arith.constant 0 : i32
    %scan3A_8 = arith.constant 40 : i32
    %scan3A_9 = arith.addi %scan3A_7, %scan3A_8 : i32
    %scan3A_10 = arith.constant 1 : i32
    scf.for %scan3A_17 = %scan3A_7 to %scan3A_9 step %scan3A_10  : i32 {
      %mul3A_18 = arith.constant 128 : i32
      %mul3A_19 = arith.muli %scan3A_17, %mul3A_18 : i32
      %add3A_20 = arith.addi %mul3A_6, %mul3A_19 : i32
      "tpu.region"() ({
        %run_scoped3A = tpu.sem_alloc : memref<!tpu.dma_semaphore, #tpu.memory_space<semaphore_mem>>
        %dma_start3A = tpu.memref_slice %arg3[%add3A_20] : memref<163840xi32, #tpu.memory_space<hbm>> -> memref<128xi32, #tpu.memory_space<hbm>>
        %dma_start3A_21 = tpu.memref_slice %arg3[%add3A_20] : memref<163840xi32, #tpu.memory_space<hbm>> -> memref<128xi32, #tpu.memory_space<hbm>>
        tpu.enqueue_dma source(%dma_start3A_21 : memref<128xi32, #tpu.memory_space<hbm>>) target(%arg6 : memref<128xi32, #tpu.memory_space<vmem>>) target_semaphore(%run_scoped3A : memref<!tpu.dma_semaphore, #tpu.memory_space<semaphore_mem>>)
        %dma_wait3A = tpu.memref_slice %arg3[%add3A_20] : memref<163840xi32, #tpu.memory_space<hbm>> -> memref<128xi32, #tpu.memory_space<hbm>>
        %dma_wait3A_22 = tpu.memref_slice %arg3[%add3A_20] : memref<163840xi32, #tpu.memory_space<hbm>> -> memref<128xi32, #tpu.memory_space<hbm>>
        tpu.wait_dma2 semaphore(%run_scoped3A : memref<!tpu.dma_semaphore, #tpu.memory_space<semaphore_mem>>) src(%dma_wait3A_22 : memref<128xi32, #tpu.memory_space<hbm>>) dst(%arg6 : memref<128xi32, #tpu.memory_space<vmem>>)
        tpu.yield
      }) : () -> ()
      "tpu.region"() ({
        %run_scoped3A = tpu.sem_alloc : memref<!tpu.dma_semaphore, #tpu.memory_space<semaphore_mem>>
        %dma_start3A = arith.constant 0 : i32
        %dma_start3A_21 = tpu.memref_slice %arg2[%add3A_20, %dma_start3A] : memref<163840x128xf32, #tpu.memory_space<hbm>> -> memref<128x128xf32, #tpu.memory_space<hbm>>
        %dma_start3A_22 = arith.constant 0 : i32
        %dma_start3A_23 = tpu.memref_slice %arg2[%add3A_20, %dma_start3A_22] : memref<163840x128xf32, #tpu.memory_space<hbm>> -> memref<128x128xf32, #tpu.memory_space<hbm>>
        tpu.enqueue_dma source(%dma_start3A_23 : memref<128x128xf32, #tpu.memory_space<hbm>>) target(%arg7 : memref<128x128xf32, #tpu.memory_space<vmem>>) target_semaphore(%run_scoped3A : memref<!tpu.dma_semaphore, #tpu.memory_space<semaphore_mem>>)
        %dma_wait3A = arith.constant 0 : i32
        %dma_wait3A_24 = tpu.memref_slice %arg2[%add3A_20, %dma_wait3A] : memref<163840x128xf32, #tpu.memory_space<hbm>> -> memref<128x128xf32, #tpu.memory_space<hbm>>
        %dma_wait3A_25 = arith.constant 0 : i32
        %dma_wait3A_26 = tpu.memref_slice %arg2[%add3A_20, %dma_wait3A_25] : memref<163840x128xf32, #tpu.memory_space<hbm>> -> memref<128x128xf32, #tpu.memory_space<hbm>>
        tpu.wait_dma2 semaphore(%run_scoped3A : memref<!tpu.dma_semaphore, #tpu.memory_space<semaphore_mem>>) src(%dma_wait3A_26 : memref<128x128xf32, #tpu.memory_space<hbm>>) dst(%arg7 : memref<128x128xf32, #tpu.memory_space<vmem>>)
        tpu.yield
      }) : () -> ()
      "tpu.region"() ({
        %run_scoped3A = tpu.sem_alloc : memref<!tpu.dma_semaphore, #tpu.memory_space<semaphore_mem>>
        %dma_start3A = arith.constant 0 : i32
        %dma_start3A_21 = arith.constant 0 : i32
        %dma_start3A_22 = tpu.memref_slice %arg8[%dma_start3A, %dma_start3A_21] : memref<10240x128xf32, #tpu.memory_space<vmem_shared>> -> memref<10240x128xf32, #tpu.memory_space<vmem_shared>>
        tpu.enqueue_indirect_dma source(%arg7 : memref<128x128xf32, #tpu.memory_space<vmem>>) target(%dma_start3A_22 : memref<10240x128xf32, #tpu.memory_space<vmem_shared>>) offsets(%arg6 : memref<128xi32, #tpu.memory_space<vmem>>) semaphore(%run_scoped3A : memref<!tpu.dma_semaphore, #tpu.memory_space<semaphore_mem>>) {add = true}
        %dma_wait3A = arith.constant 0 : i32
        %dma_wait3A_23 = arith.constant 0 : i32
        %dma_wait3A_24 = tpu.memref_slice %arg8[%dma_wait3A, %dma_wait3A_23] : memref<10240x128xf32, #tpu.memory_space<vmem_shared>> -> memref<10240x128xf32, #tpu.memory_space<vmem_shared>>
        tpu.wait_indirect_dma semaphore(%run_scoped3A : memref<!tpu.dma_semaphore, #tpu.memory_space<semaphore_mem>>) src(%arg7 : memref<128x128xf32, #tpu.memory_space<vmem>>) dst(%dma_wait3A_24 : memref<10240x128xf32, #tpu.memory_space<vmem_shared>>)
        tpu.yield
      }) : () -> ()
    }
    %scan3A_11 = arith.constant 40 : i32
    %barrier3A_12 = arith.constant 0 : index
    tpu.barrier barrier_id(%barrier3A_12)
    %mul3A_13 = arith.constant 640 : i32
    %mul3A_14 = arith.muli %arg1, %mul3A_13 : i32
    %mul3A_15 = arith.constant 640 : i32
    %mul3A_16 = arith.muli %arg1, %mul3A_15 : i32
    "tpu.region"() ({
      %run_scoped3A = tpu.sem_alloc : memref<!tpu.dma_semaphore, #tpu.memory_space<semaphore_mem>>
      %dma_start3A = arith.constant 0 : i32
      %dma_start3A_17 = tpu.memref_slice %arg5[%arg0, %mul3A_16, %dma_start3A] : memref<2x10240x128xf32, #tpu.memory_space<hbm>> -> memref<1x640x128xf32, #tpu.memory_space<hbm>>
      %dma_start3A_18 = tpu.memref_squeeze %dma_start3A_17 : memref<1x640x128xf32, #tpu.memory_space<hbm>> -> memref<640x128xf32, #tpu.memory_space<hbm>>
      %dma_start3A_19 = arith.constant 0 : i32
      %dma_start3A_20 = tpu.memref_slice %arg8[%mul3A_14, %dma_start3A_19] : memref<10240x128xf32, #tpu.memory_space<vmem_shared>> -> memref<640x128xf32, #tpu.memory_space<vmem_shared>>
      tpu.enqueue_dma source(%dma_start3A_20 : memref<640x128xf32, #tpu.memory_space<vmem_shared>>) target(%dma_start3A_18 : memref<640x128xf32, #tpu.memory_space<hbm>>) target_semaphore(%run_scoped3A : memref<!tpu.dma_semaphore, #tpu.memory_space<semaphore_mem>>)
      %dma_wait3A = arith.constant 0 : i32
      %dma_wait3A_21 = tpu.memref_slice %arg5[%arg0, %mul3A_16, %dma_wait3A] : memref<2x10240x128xf32, #tpu.memory_space<hbm>> -> memref<1x640x128xf32, #tpu.memory_space<hbm>>
      %dma_wait3A_22 = tpu.memref_squeeze %dma_wait3A_21 : memref<1x640x128xf32, #tpu.memory_space<hbm>> -> memref<640x128xf32, #tpu.memory_space<hbm>>
      %dma_wait3A_23 = arith.constant 0 : i32
      %dma_wait3A_24 = tpu.memref_slice %arg8[%mul3A_14, %dma_wait3A_23] : memref<10240x128xf32, #tpu.memory_space<vmem_shared>> -> memref<640x128xf32, #tpu.memory_space<vmem_shared>>
      tpu.wait_dma2 semaphore(%run_scoped3A : memref<!tpu.dma_semaphore, #tpu.memory_space<semaphore_mem>>) src(%dma_wait3A_24 : memref<640x128xf32, #tpu.memory_space<vmem_shared>>) dst(%dma_wait3A_22 : memref<640x128xf32, #tpu.memory_space<hbm>>)
      tpu.yield
    }) : () -> ()
    return
  }
}

#map = affine_map<(d0, d1) -> (0, 0)>
#map1 = affine_map<(d0, d1) -> (0)>
module attributes {stable_mosaic.version = 14 : i64} {
  func.func @body(%arg0: i32, %arg1: i32, %arg2: memref<10000x32xf32, #tpu.memory_space<hbm>>, %arg3: memref<163840xi32, #tpu.memory_space<hbm>>, %arg4: memref<163840x32xf32, #tpu.memory_space<hbm>>, %arg5: memref<128xi32, #tpu.memory_space<vmem>>, %arg6: memref<128x32xf32, #tpu.memory_space<vmem>>, %arg7: memref<!tpu.dma_semaphore, #tpu.memory_space<semaphore_mem>>) attributes {dimension_semantics = [#tpu.dimension_semantics<core_parallel>, #tpu.dimension_semantics<subcore_parallel>], iteration_bounds = array<i64: 2, 16>, scalar_prefetch = 0 : i64, scratch_operands = 3 : i64, tpu.core_type = #tpu.core_type<sc_vector_subcore>, window_params = [{transform_indices = #map}, {transform_indices = #map1}, {transform_indices = #map}]} {
    %mul3A = arith.constant 2 : i32
    %mul3A_0 = arith.muli %arg1, %mul3A : i32
    %add3A = arith.addi %mul3A_0, %arg0 : i32
    %mul3A_1 = arith.constant 5120 : i32
    %mul3A_2 = arith.muli %add3A, %mul3A_1 : i32
    %scan3A = arith.constant 0 : i32
    %scan3A_3 = arith.constant 0 : i32
    %scan3A_4 = arith.constant 40 : i32
    %scan3A_5 = arith.addi %scan3A_3, %scan3A_4 : i32
    %scan3A_6 = arith.constant 1 : i32
    scf.for %scan3A_8 = %scan3A_3 to %scan3A_5 step %scan3A_6  : i32 {
      %mul3A_9 = arith.constant 128 : i32
      %mul3A_10 = arith.muli %scan3A_8, %mul3A_9 : i32
      %add3A_11 = arith.addi %mul3A_2, %mul3A_10 : i32
      "tpu.region"() ({
        %run_scoped3A = tpu.sem_alloc : memref<!tpu.dma_semaphore, #tpu.memory_space<semaphore_mem>>
        %dma_start3A_16 = tpu.memref_slice %arg3[%add3A_11] : memref<163840xi32, #tpu.memory_space<hbm>> -> memref<128xi32, #tpu.memory_space<hbm>>
        %dma_start3A_17 = tpu.memref_slice %arg3[%add3A_11] : memref<163840xi32, #tpu.memory_space<hbm>> -> memref<128xi32, #tpu.memory_space<hbm>>
        tpu.enqueue_dma source(%dma_start3A_17 : memref<128xi32, #tpu.memory_space<hbm>>) target(%arg5 : memref<128xi32, #tpu.memory_space<vmem>>) target_semaphore(%run_scoped3A : memref<!tpu.dma_semaphore, #tpu.memory_space<semaphore_mem>>)
        %dma_wait3A_18 = tpu.memref_slice %arg3[%add3A_11] : memref<163840xi32, #tpu.memory_space<hbm>> -> memref<128xi32, #tpu.memory_space<hbm>>
        %dma_wait3A_19 = tpu.memref_slice %arg3[%add3A_11] : memref<163840xi32, #tpu.memory_space<hbm>> -> memref<128xi32, #tpu.memory_space<hbm>>
        tpu.wait_dma2 semaphore(%run_scoped3A : memref<!tpu.dma_semaphore, #tpu.memory_space<semaphore_mem>>) src(%dma_wait3A_19 : memref<128xi32, #tpu.memory_space<hbm>>) dst(%arg5 : memref<128xi32, #tpu.memory_space<vmem>>)
        tpu.yield
      }) : () -> ()
      %dma_start3A = arith.constant 0 : i32
      %dma_start3A_12 = arith.constant 0 : i32
      %dma_start3A_13 = tpu.memref_slice %arg2[%dma_start3A, %dma_start3A_12] : memref<10000x32xf32, #tpu.memory_space<hbm>> -> memref<10000x32xf32, #tpu.memory_space<hbm>>
      tpu.enqueue_indirect_dma source(%dma_start3A_13 : memref<10000x32xf32, #tpu.memory_space<hbm>>) target(%arg6 : memref<128x32xf32, #tpu.memory_space<vmem>>) offsets(%arg5 : memref<128xi32, #tpu.memory_space<vmem>>) semaphore(%arg7 : memref<!tpu.dma_semaphore, #tpu.memory_space<semaphore_mem>>)
      %dma_wait3A = arith.constant 0 : i32
      %dma_wait3A_14 = arith.constant 0 : i32
      %dma_wait3A_15 = tpu.memref_slice %arg2[%dma_wait3A, %dma_wait3A_14] : memref<10000x32xf32, #tpu.memory_space<hbm>> -> memref<10000x32xf32, #tpu.memory_space<hbm>>
      tpu.wait_indirect_dma semaphore(%arg7 : memref<!tpu.dma_semaphore, #tpu.memory_space<semaphore_mem>>) src(%dma_wait3A_15 : memref<10000x32xf32, #tpu.memory_space<hbm>>) dst(%arg6 : memref<128x32xf32, #tpu.memory_space<vmem>>)
      "tpu.region"() ({
        %run_scoped3A = tpu.sem_alloc : memref<!tpu.dma_semaphore, #tpu.memory_space<semaphore_mem>>
        %dma_start3A_16 = arith.constant 0 : i32
        %dma_start3A_17 = tpu.memref_slice %arg4[%add3A_11, %dma_start3A_16] : memref<163840x32xf32, #tpu.memory_space<hbm>> -> memref<128x32xf32, #tpu.memory_space<hbm>>
        %dma_start3A_18 = arith.constant 0 : i32
        %dma_start3A_19 = tpu.memref_slice %arg4[%add3A_11, %dma_start3A_18] : memref<163840x32xf32, #tpu.memory_space<hbm>> -> memref<128x32xf32, #tpu.memory_space<hbm>>
        tpu.enqueue_dma source(%arg6 : memref<128x32xf32, #tpu.memory_space<vmem>>) target(%dma_start3A_19 : memref<128x32xf32, #tpu.memory_space<hbm>>) target_semaphore(%run_scoped3A : memref<!tpu.dma_semaphore, #tpu.memory_space<semaphore_mem>>)
        %dma_wait3A_20 = arith.constant 0 : i32
        %dma_wait3A_21 = tpu.memref_slice %arg4[%add3A_11, %dma_wait3A_20] : memref<163840x32xf32, #tpu.memory_space<hbm>> -> memref<128x32xf32, #tpu.memory_space<hbm>>
        %dma_wait3A_22 = arith.constant 0 : i32
        %dma_wait3A_23 = tpu.memref_slice %arg4[%add3A_11, %dma_wait3A_22] : memref<163840x32xf32, #tpu.memory_space<hbm>> -> memref<128x32xf32, #tpu.memory_space<hbm>>
        tpu.wait_dma2 semaphore(%run_scoped3A : memref<!tpu.dma_semaphore, #tpu.memory_space<semaphore_mem>>) src(%arg6 : memref<128x32xf32, #tpu.memory_space<vmem>>) dst(%dma_wait3A_23 : memref<128x32xf32, #tpu.memory_space<hbm>>)
        tpu.yield
      }) : () -> ()
    }
    %scan3A_7 = arith.constant 40 : i32
    return
  }
}

#map = affine_map<(d0, d1) -> (0, 0)>
#map1 = affine_map<(d0, d1) -> (0)>
#map2 = affine_map<(d0, d1) -> (0, 0, 0)>
module attributes {stable_mosaic.version = 14 : i64} {
  func.func @body(%arg0: i32, %arg1: i32, %arg2: memref<163840x128xf32, #tpu.memory_space<hbm>>, %arg3: memref<163840xi32, #tpu.memory_space<hbm>>, %arg4: memref<10240x128xf32, #tpu.memory_space<hbm>>, %arg5: memref<2x10240x128xf32, #tpu.memory_space<hbm>>, %arg6: memref<128xi32, #tpu.memory_space<vmem>>, %arg7: memref<128x128xf32, #tpu.memory_space<vmem>>, %arg8: memref<10240x128xf32, #tpu.memory_space<vmem_shared>>) attributes {dimension_semantics = [#tpu.dimension_semantics<core_parallel>, #tpu.dimension_semantics<subcore_parallel>], iteration_bounds = array<i64: 2, 16>, scalar_prefetch = 0 : i64, scratch_operands = 3 : i64, tpu.core_type = #tpu.core_type<sc_vector_subcore>, window_params = [{transform_indices = #map}, {transform_indices = #map1}, {transform_indices = #map}, {transform_indices = #map2}]} {
    %mul3A = arith.constant 2 : i32
    %mul3A_0 = arith.muli %arg1, %mul3A : i32
    %add3A = arith.addi %mul3A_0, %arg0 : i32
    %mul3A_1 = arith.constant 640 : i32
    %mul3A_2 = arith.muli %arg1, %mul3A_1 : i32
    %mul3A_3 = arith.constant 640 : i32
    %mul3A_4 = arith.muli %arg1, %mul3A_3 : i32
    "tpu.region"() ({
      %run_scoped3A = tpu.sem_alloc : memref<!tpu.dma_semaphore, #tpu.memory_space<semaphore_mem>>
      %dma_start3A = arith.constant 0 : i32
      %dma_start3A_17 = tpu.memref_slice %arg8[%mul3A_4, %dma_start3A] : memref<10240x128xf32, #tpu.memory_space<vmem_shared>> -> memref<640x128xf32, #tpu.memory_space<vmem_shared>>
      %dma_start3A_18 = arith.constant 0 : i32
      %dma_start3A_19 = tpu.memref_slice %arg4[%mul3A_2, %dma_start3A_18] : memref<10240x128xf32, #tpu.memory_space<hbm>> -> memref<640x128xf32, #tpu.memory_space<hbm>>
      tpu.enqueue_dma source(%dma_start3A_19 : memref<640x128xf32, #tpu.memory_space<hbm>>) target(%dma_start3A_17 : memref<640x128xf32, #tpu.memory_space<vmem_shared>>) target_semaphore(%run_scoped3A : memref<!tpu.dma_semaphore, #tpu.memory_space<semaphore_mem>>)
      %dma_wait3A = arith.constant 0 : i32
      %dma_wait3A_20 = tpu.memref_slice %arg8[%mul3A_4, %dma_wait3A] : memref<10240x128xf32, #tpu.memory_space<vmem_shared>> -> memref<640x128xf32, #tpu.memory_space<vmem_shared>>
      %dma_wait3A_21 = arith.constant 0 : i32
      %dma_wait3A_22 = tpu.memref_slice %arg4[%mul3A_2, %dma_wait3A_21] : memref<10240x128xf32, #tpu.memory_space<hbm>> -> memref<640x128xf32, #tpu.memory_space<hbm>>
      tpu.wait_dma2 semaphore(%run_scoped3A : memref<!tpu.dma_semaphore, #tpu.memory_space<semaphore_mem>>) src(%dma_wait3A_22 : memref<640x128xf32, #tpu.memory_space<hbm>>) dst(%dma_wait3A_20 : memref<640x128xf32, #tpu.memory_space<vmem_shared>>)
      tpu.yield
    }) : () -> ()
    %barrier3A = arith.constant 0 : index
    tpu.barrier barrier_id(%barrier3A)
    %mul3A_5 = arith.constant 5120 : i32
    %mul3A_6 = arith.muli %add3A, %mul3A_5 : i32
    %scan3A = arith.constant 0 : i32
    %scan3A_7 = arith.constant 0 : i32
    %scan3A_8 = arith.constant 40 : i32
    %scan3A_9 = arith.addi %scan3A_7, %scan3A_8 : i32
    %scan3A_10 = arith.constant 1 : i32
    scf.for %scan3A_17 = %scan3A_7 to %scan3A_9 step %scan3A_10  : i32 {
      %mul3A_18 = arith.constant 128 : i32
      %mul3A_19 = arith.muli %scan3A_17, %mul3A_18 : i32
      %add3A_20 = arith.addi %mul3A_6, %mul3A_19 : i32
      "tpu.region"() ({
        %run_scoped3A = tpu.sem_alloc : memref<!tpu.dma_semaphore, #tpu.memory_space<semaphore_mem>>
        %dma_start3A = tpu.memref_slice %arg3[%add3A_20] : memref<163840xi32, #tpu.memory_space<hbm>> -> memref<128xi32, #tpu.memory_space<hbm>>
        %dma_start3A_21 = tpu.memref_slice %arg3[%add3A_20] : memref<163840xi32, #tpu.memory_space<hbm>> -> memref<128xi32, #tpu.memory_space<hbm>>
        tpu.enqueue_dma source(%dma_start3A_21 : memref<128xi32, #tpu.memory_space<hbm>>) target(%arg6 : memref<128xi32, #tpu.memory_space<vmem>>) target_semaphore(%run_scoped3A : memref<!tpu.dma_semaphore, #tpu.memory_space<semaphore_mem>>)
        %dma_wait3A = tpu.memref_slice %arg3[%add3A_20] : memref<163840xi32, #tpu.memory_space<hbm>> -> memref<128xi32, #tpu.memory_space<hbm>>
        %dma_wait3A_22 = tpu.memref_slice %arg3[%add3A_20] : memref<163840xi32, #tpu.memory_space<hbm>> -> memref<128xi32, #tpu.memory_space<hbm>>
        tpu.wait_dma2 semaphore(%run_scoped3A : memref<!tpu.dma_semaphore, #tpu.memory_space<semaphore_mem>>) src(%dma_wait3A_22 : memref<128xi32, #tpu.memory_space<hbm>>) dst(%arg6 : memref<128xi32, #tpu.memory_space<vmem>>)
        tpu.yield
      }) : () -> ()
      "tpu.region"() ({
        %run_scoped3A = tpu.sem_alloc : memref<!tpu.dma_semaphore, #tpu.memory_space<semaphore_mem>>
        %dma_start3A = arith.constant 0 : i32
        %dma_start3A_21 = tpu.memref_slice %arg2[%add3A_20, %dma_start3A] : memref<163840x128xf32, #tpu.memory_space<hbm>> -> memref<128x128xf32, #tpu.memory_space<hbm>>
        %dma_start3A_22 = arith.constant 0 : i32
        %dma_start3A_23 = tpu.memref_slice %arg2[%add3A_20, %dma_start3A_22] : memref<163840x128xf32, #tpu.memory_space<hbm>> -> memref<128x128xf32, #tpu.memory_space<hbm>>
        tpu.enqueue_dma source(%dma_start3A_23 : memref<128x128xf32, #tpu.memory_space<hbm>>) target(%arg7 : memref<128x128xf32, #tpu.memory_space<vmem>>) target_semaphore(%run_scoped3A : memref<!tpu.dma_semaphore, #tpu.memory_space<semaphore_mem>>)
        %dma_wait3A = arith.constant 0 : i32
        %dma_wait3A_24 = tpu.memref_slice %arg2[%add3A_20, %dma_wait3A] : memref<163840x128xf32, #tpu.memory_space<hbm>> -> memref<128x128xf32, #tpu.memory_space<hbm>>
        %dma_wait3A_25 = arith.constant 0 : i32
        %dma_wait3A_26 = tpu.memref_slice %arg2[%add3A_20, %dma_wait3A_25] : memref<163840x128xf32, #tpu.memory_space<hbm>> -> memref<128x128xf32, #tpu.memory_space<hbm>>
        tpu.wait_dma2 semaphore(%run_scoped3A : memref<!tpu.dma_semaphore, #tpu.memory_space<semaphore_mem>>) src(%dma_wait3A_26 : memref<128x128xf32, #tpu.memory_space<hbm>>) dst(%arg7 : memref<128x128xf32, #tpu.memory_space<vmem>>)
        tpu.yield
      }) : () -> ()
      "tpu.region"() ({
        %run_scoped3A = tpu.sem_alloc : memref<!tpu.dma_semaphore, #tpu.memory_space<semaphore_mem>>
        %dma_start3A = arith.constant 0 : i32
        %dma_start3A_21 = arith.constant 0 : i32
        %dma_start3A_22 = tpu.memref_slice %arg8[%dma_start3A, %dma_start3A_21] : memref<10240x128xf32, #tpu.memory_space<vmem_shared>> -> memref<10240x128xf32, #tpu.memory_space<vmem_shared>>
        tpu.enqueue_indirect_dma source(%arg7 : memref<128x128xf32, #tpu.memory_space<vmem>>) target(%dma_start3A_22 : memref<10240x128xf32, #tpu.memory_space<vmem_shared>>) offsets(%arg6 : memref<128xi32, #tpu.memory_space<vmem>>) semaphore(%run_scoped3A : memref<!tpu.dma_semaphore, #tpu.memory_space<semaphore_mem>>) {add = true}
        %dma_wait3A = arith.constant 0 : i32
        %dma_wait3A_23 = arith.constant 0 : i32
        %dma_wait3A_24 = tpu.memref_slice %arg8[%dma_wait3A, %dma_wait3A_23] : memref<10240x128xf32, #tpu.memory_space<vmem_shared>> -> memref<10240x128xf32, #tpu.memory_space<vmem_shared>>
        tpu.wait_indirect_dma semaphore(%run_scoped3A : memref<!tpu.dma_semaphore, #tpu.memory_space<semaphore_mem>>) src(%arg7 : memref<128x128xf32, #tpu.memory_space<vmem>>) dst(%dma_wait3A_24 : memref<10240x128xf32, #tpu.memory_space<vmem_shared>>)
        tpu.yield
      }) : () -> ()
    }
    %scan3A_11 = arith.constant 40 : i32
    %barrier3A_12 = arith.constant 0 : index
    tpu.barrier barrier_id(%barrier3A_12)
    %mul3A_13 = arith.constant 640 : i32
    %mul3A_14 = arith.muli %arg1, %mul3A_13 : i32
    %mul3A_15 = arith.constant 640 : i32
    %mul3A_16 = arith.muli %arg1, %mul3A_15 : i32
    "tpu.region"() ({
      %run_scoped3A = tpu.sem_alloc : memref<!tpu.dma_semaphore, #tpu.memory_space<semaphore_mem>>
      %dma_start3A = arith.constant 0 : i32
      %dma_start3A_17 = tpu.memref_slice %arg5[%arg0, %mul3A_16, %dma_start3A] : memref<2x10240x128xf32, #tpu.memory_space<hbm>> -> memref<1x640x128xf32, #tpu.memory_space<hbm>>
      %dma_start3A_18 = tpu.memref_squeeze %dma_start3A_17 : memref<1x640x128xf32, #tpu.memory_space<hbm>> -> memref<640x128xf32, #tpu.memory_space<hbm>>
      %dma_start3A_19 = arith.constant 0 : i32
      %dma_start3A_20 = tpu.memref_slice %arg8[%mul3A_14, %dma_start3A_19] : memref<10240x128xf32, #tpu.memory_space<vmem_shared>> -> memref<640x128xf32, #tpu.memory_space<vmem_shared>>
      tpu.enqueue_dma source(%dma_start3A_20 : memref<640x128xf32, #tpu.memory_space<vmem_shared>>) target(%dma_start3A_18 : memref<640x128xf32, #tpu.memory_space<hbm>>) target_semaphore(%run_scoped3A : memref<!tpu.dma_semaphore, #tpu.memory_space<semaphore_mem>>)
      %dma_wait3A = arith.constant 0 : i32
      %dma_wait3A_21 = tpu.memref_slice %arg5[%arg0, %mul3A_16, %dma_wait3A] : memref<2x10240x128xf32, #tpu.memory_space<hbm>> -> memref<1x640x128xf32, #tpu.memory_space<hbm>>
      %dma_wait3A_22 = tpu.memref_squeeze %dma_wait3A_21 : memref<1x640x128xf32, #tpu.memory_space<hbm>> -> memref<640x128xf32, #tpu.memory_space<hbm>>
      %dma_wait3A_23 = arith.constant 0 : i32
      %dma_wait3A_24 = tpu.memref_slice %arg8[%mul3A_14, %dma_wait3A_23] : memref<10240x128xf32, #tpu.memory_space<vmem_shared>> -> memref<640x128xf32, #tpu.memory_space<vmem_shared>>
      tpu.wait_dma2 semaphore(%run_scoped3A : memref<!tpu.dma_semaphore, #tpu.memory_space<semaphore_mem>>) src(%dma_wait3A_24 : memref<640x128xf32, #tpu.memory_space<vmem_shared>>) dst(%dma_wait3A_22 : memref<640x128xf32, #tpu.memory_space<hbm>>)
      tpu.yield
    }) : () -> ()
    return
  }
}

#map = affine_map<(d0, d1) -> (0, 0)>
#map1 = affine_map<(d0, d1) -> (0)>
module attributes {stable_mosaic.version = 14 : i64} {
  func.func @body(%arg0: i32, %arg1: i32, %arg2: memref<10000x128xf32, #tpu.memory_space<hbm>>, %arg3: memref<163840xi32, #tpu.memory_space<hbm>>, %arg4: memref<163840x128xf32, #tpu.memory_space<hbm>>, %arg5: memref<128xi32, #tpu.memory_space<vmem>>, %arg6: memref<128x128xf32, #tpu.memory_space<vmem>>, %arg7: memref<!tpu.dma_semaphore, #tpu.memory_space<semaphore_mem>>) attributes {dimension_semantics = [#tpu.dimension_semantics<core_parallel>, #tpu.dimension_semantics<subcore_parallel>], iteration_bounds = array<i64: 2, 16>, scalar_prefetch = 0 : i64, scratch_operands = 3 : i64, tpu.core_type = #tpu.core_type<sc_vector_subcore>, window_params = [{transform_indices = #map}, {transform_indices = #map1}, {transform_indices = #map}]} {
    %mul3A = arith.constant 2 : i32
    %mul3A_0 = arith.muli %arg1, %mul3A : i32
    %add3A = arith.addi %mul3A_0, %arg0 : i32
    %mul3A_1 = arith.constant 5120 : i32
    %mul3A_2 = arith.muli %add3A, %mul3A_1 : i32
    %scan3A = arith.constant 0 : i32
    %scan3A_3 = arith.constant 0 : i32
    %scan3A_4 = arith.constant 40 : i32
    %scan3A_5 = arith.addi %scan3A_3, %scan3A_4 : i32
    %scan3A_6 = arith.constant 1 : i32
    scf.for %scan3A_8 = %scan3A_3 to %scan3A_5 step %scan3A_6  : i32 {
      %mul3A_9 = arith.constant 128 : i32
      %mul3A_10 = arith.muli %scan3A_8, %mul3A_9 : i32
      %add3A_11 = arith.addi %mul3A_2, %mul3A_10 : i32
      "tpu.region"() ({
        %run_scoped3A = tpu.sem_alloc : memref<!tpu.dma_semaphore, #tpu.memory_space<semaphore_mem>>
        %dma_start3A_16 = tpu.memref_slice %arg3[%add3A_11] : memref<163840xi32, #tpu.memory_space<hbm>> -> memref<128xi32, #tpu.memory_space<hbm>>
        %dma_start3A_17 = tpu.memref_slice %arg3[%add3A_11] : memref<163840xi32, #tpu.memory_space<hbm>> -> memref<128xi32, #tpu.memory_space<hbm>>
        tpu.enqueue_dma source(%dma_start3A_17 : memref<128xi32, #tpu.memory_space<hbm>>) target(%arg5 : memref<128xi32, #tpu.memory_space<vmem>>) target_semaphore(%run_scoped3A : memref<!tpu.dma_semaphore, #tpu.memory_space<semaphore_mem>>)
        %dma_wait3A_18 = tpu.memref_slice %arg3[%add3A_11] : memref<163840xi32, #tpu.memory_space<hbm>> -> memref<128xi32, #tpu.memory_space<hbm>>
        %dma_wait3A_19 = tpu.memref_slice %arg3[%add3A_11] : memref<163840xi32, #tpu.memory_space<hbm>> -> memref<128xi32, #tpu.memory_space<hbm>>
        tpu.wait_dma2 semaphore(%run_scoped3A : memref<!tpu.dma_semaphore, #tpu.memory_space<semaphore_mem>>) src(%dma_wait3A_19 : memref<128xi32, #tpu.memory_space<hbm>>) dst(%arg5 : memref<128xi32, #tpu.memory_space<vmem>>)
        tpu.yield
      }) : () -> ()
      %dma_start3A = arith.constant 0 : i32
      %dma_start3A_12 = arith.constant 0 : i32
      %dma_start3A_13 = tpu.memref_slice %arg2[%dma_start3A, %dma_start3A_12] : memref<10000x128xf32, #tpu.memory_space<hbm>> -> memref<10000x128xf32, #tpu.memory_space<hbm>>
      tpu.enqueue_indirect_dma source(%dma_start3A_13 : memref<10000x128xf32, #tpu.memory_space<hbm>>) target(%arg6 : memref<128x128xf32, #tpu.memory_space<vmem>>) offsets(%arg5 : memref<128xi32, #tpu.memory_space<vmem>>) semaphore(%arg7 : memref<!tpu.dma_semaphore, #tpu.memory_space<semaphore_mem>>)
      %dma_wait3A = arith.constant 0 : i32
      %dma_wait3A_14 = arith.constant 0 : i32
      %dma_wait3A_15 = tpu.memref_slice %arg2[%dma_wait3A, %dma_wait3A_14] : memref<10000x128xf32, #tpu.memory_space<hbm>> -> memref<10000x128xf32, #tpu.memory_space<hbm>>
      tpu.wait_indirect_dma semaphore(%arg7 : memref<!tpu.dma_semaphore, #tpu.memory_space<semaphore_mem>>) src(%dma_wait3A_15 : memref<10000x128xf32, #tpu.memory_space<hbm>>) dst(%arg6 : memref<128x128xf32, #tpu.memory_space<vmem>>)
      "tpu.region"() ({
        %run_scoped3A = tpu.sem_alloc : memref<!tpu.dma_semaphore, #tpu.memory_space<semaphore_mem>>
        %dma_start3A_16 = arith.constant 0 : i32
        %dma_start3A_17 = tpu.memref_slice %arg4[%add3A_11, %dma_start3A_16] : memref<163840x128xf32, #tpu.memory_space<hbm>> -> memref<128x128xf32, #tpu.memory_space<hbm>>
        %dma_start3A_18 = arith.constant 0 : i32
        %dma_start3A_19 = tpu.memref_slice %arg4[%add3A_11, %dma_start3A_18] : memref<163840x128xf32, #tpu.memory_space<hbm>> -> memref<128x128xf32, #tpu.memory_space<hbm>>
        tpu.enqueue_dma source(%arg6 : memref<128x128xf32, #tpu.memory_space<vmem>>) target(%dma_start3A_19 : memref<128x128xf32, #tpu.memory_space<hbm>>) target_semaphore(%run_scoped3A : memref<!tpu.dma_semaphore, #tpu.memory_space<semaphore_mem>>)
        %dma_wait3A_20 = arith.constant 0 : i32
        %dma_wait3A_21 = tpu.memref_slice %arg4[%add3A_11, %dma_wait3A_20] : memref<163840x128xf32, #tpu.memory_space<hbm>> -> memref<128x128xf32, #tpu.memory_space<hbm>>
        %dma_wait3A_22 = arith.constant 0 : i32
        %dma_wait3A_23 = tpu.memref_slice %arg4[%add3A_11, %dma_wait3A_22] : memref<163840x128xf32, #tpu.memory_space<hbm>> -> memref<128x128xf32, #tpu.memory_space<hbm>>
        tpu.wait_dma2 semaphore(%run_scoped3A : memref<!tpu.dma_semaphore, #tpu.memory_space<semaphore_mem>>) src(%arg6 : memref<128x128xf32, #tpu.memory_space<vmem>>) dst(%dma_wait3A_23 : memref<128x128xf32, #tpu.memory_space<hbm>>)
        tpu.yield
      }) : () -> ()
    }
    %scan3A_7 = arith.constant 40 : i32
    return
  }
}

#map = affine_map<(d0, d1) -> (0, 0)>
#map1 = affine_map<(d0, d1) -> (0)>
module attributes {stable_mosaic.version = 14 : i64} {
  func.func @body(%arg0: i32, %arg1: i32, %arg2: memref<10000x32xf32, #tpu.memory_space<hbm>>, %arg3: memref<163840xi32, #tpu.memory_space<hbm>>, %arg4: memref<163840x32xf32, #tpu.memory_space<hbm>>, %arg5: memref<128xi32, #tpu.memory_space<vmem>>, %arg6: memref<128x32xf32, #tpu.memory_space<vmem>>, %arg7: memref<!tpu.dma_semaphore, #tpu.memory_space<semaphore_mem>>) attributes {dimension_semantics = [#tpu.dimension_semantics<core_parallel>, #tpu.dimension_semantics<subcore_parallel>], iteration_bounds = array<i64: 2, 16>, scalar_prefetch = 0 : i64, scratch_operands = 3 : i64, tpu.core_type = #tpu.core_type<sc_vector_subcore>, window_params = [{transform_indices = #map}, {transform_indices = #map1}, {transform_indices = #map}]} {
    %mul3A = arith.constant 2 : i32
    %mul3A_0 = arith.muli %arg1, %mul3A : i32
    %add3A = arith.addi %mul3A_0, %arg0 : i32
    %mul3A_1 = arith.constant 5120 : i32
    %mul3A_2 = arith.muli %add3A, %mul3A_1 : i32
    %scan3A = arith.constant 0 : i32
    %scan3A_3 = arith.constant 0 : i32
    %scan3A_4 = arith.constant 40 : i32
    %scan3A_5 = arith.addi %scan3A_3, %scan3A_4 : i32
    %scan3A_6 = arith.constant 1 : i32
    scf.for %scan3A_8 = %scan3A_3 to %scan3A_5 step %scan3A_6  : i32 {
      %mul3A_9 = arith.constant 128 : i32
      %mul3A_10 = arith.muli %scan3A_8, %mul3A_9 : i32
      %add3A_11 = arith.addi %mul3A_2, %mul3A_10 : i32
      "tpu.region"() ({
        %run_scoped3A = tpu.sem_alloc : memref<!tpu.dma_semaphore, #tpu.memory_space<semaphore_mem>>
        %dma_start3A_16 = tpu.memref_slice %arg3[%add3A_11] : memref<163840xi32, #tpu.memory_space<hbm>> -> memref<128xi32, #tpu.memory_space<hbm>>
        %dma_start3A_17 = tpu.memref_slice %arg3[%add3A_11] : memref<163840xi32, #tpu.memory_space<hbm>> -> memref<128xi32, #tpu.memory_space<hbm>>
        tpu.enqueue_dma source(%dma_start3A_17 : memref<128xi32, #tpu.memory_space<hbm>>) target(%arg5 : memref<128xi32, #tpu.memory_space<vmem>>) target_semaphore(%run_scoped3A : memref<!tpu.dma_semaphore, #tpu.memory_space<semaphore_mem>>)
        %dma_wait3A_18 = tpu.memref_slice %arg3[%add3A_11] : memref<163840xi32, #tpu.memory_space<hbm>> -> memref<128xi32, #tpu.memory_space<hbm>>
        %dma_wait3A_19 = tpu.memref_slice %arg3[%add3A_11] : memref<163840xi32, #tpu.memory_space<hbm>> -> memref<128xi32, #tpu.memory_space<hbm>>
        tpu.wait_dma2 semaphore(%run_scoped3A : memref<!tpu.dma_semaphore, #tpu.memory_space<semaphore_mem>>) src(%dma_wait3A_19 : memref<128xi32, #tpu.memory_space<hbm>>) dst(%arg5 : memref<128xi32, #tpu.memory_space<vmem>>)
        tpu.yield
      }) : () -> ()
      %dma_start3A = arith.constant 0 : i32
      %dma_start3A_12 = arith.constant 0 : i32
      %dma_start3A_13 = tpu.memref_slice %arg2[%dma_start3A, %dma_start3A_12] : memref<10000x32xf32, #tpu.memory_space<hbm>> -> memref<10000x32xf32, #tpu.memory_space<hbm>>
      tpu.enqueue_indirect_dma source(%dma_start3A_13 : memref<10000x32xf32, #tpu.memory_space<hbm>>) target(%arg6 : memref<128x32xf32, #tpu.memory_space<vmem>>) offsets(%arg5 : memref<128xi32, #tpu.memory_space<vmem>>) semaphore(%arg7 : memref<!tpu.dma_semaphore, #tpu.memory_space<semaphore_mem>>)
      %dma_wait3A = arith.constant 0 : i32
      %dma_wait3A_14 = arith.constant 0 : i32
      %dma_wait3A_15 = tpu.memref_slice %arg2[%dma_wait3A, %dma_wait3A_14] : memref<10000x32xf32, #tpu.memory_space<hbm>> -> memref<10000x32xf32, #tpu.memory_space<hbm>>
      tpu.wait_indirect_dma semaphore(%arg7 : memref<!tpu.dma_semaphore, #tpu.memory_space<semaphore_mem>>) src(%dma_wait3A_15 : memref<10000x32xf32, #tpu.memory_space<hbm>>) dst(%arg6 : memref<128x32xf32, #tpu.memory_space<vmem>>)
      "tpu.region"() ({
        %run_scoped3A = tpu.sem_alloc : memref<!tpu.dma_semaphore, #tpu.memory_space<semaphore_mem>>
        %dma_start3A_16 = arith.constant 0 : i32
        %dma_start3A_17 = tpu.memref_slice %arg4[%add3A_11, %dma_start3A_16] : memref<163840x32xf32, #tpu.memory_space<hbm>> -> memref<128x32xf32, #tpu.memory_space<hbm>>
        %dma_start3A_18 = arith.constant 0 : i32
        %dma_start3A_19 = tpu.memref_slice %arg4[%add3A_11, %dma_start3A_18] : memref<163840x32xf32, #tpu.memory_space<hbm>> -> memref<128x32xf32, #tpu.memory_space<hbm>>
        tpu.enqueue_dma source(%arg6 : memref<128x32xf32, #tpu.memory_space<vmem>>) target(%dma_start3A_19 : memref<128x32xf32, #tpu.memory_space<hbm>>) target_semaphore(%run_scoped3A : memref<!tpu.dma_semaphore, #tpu.memory_space<semaphore_mem>>)
        %dma_wait3A_20 = arith.constant 0 : i32
        %dma_wait3A_21 = tpu.memref_slice %arg4[%add3A_11, %dma_wait3A_20] : memref<163840x32xf32, #tpu.memory_space<hbm>> -> memref<128x32xf32, #tpu.memory_space<hbm>>
        %dma_wait3A_22 = arith.constant 0 : i32
        %dma_wait3A_23 = tpu.memref_slice %arg4[%add3A_11, %dma_wait3A_22] : memref<163840x32xf32, #tpu.memory_space<hbm>> -> memref<128x32xf32, #tpu.memory_space<hbm>>
        tpu.wait_dma2 semaphore(%run_scoped3A : memref<!tpu.dma_semaphore, #tpu.memory_space<semaphore_mem>>) src(%arg6 : memref<128x32xf32, #tpu.memory_space<vmem>>) dst(%dma_wait3A_23 : memref<128x32xf32, #tpu.memory_space<hbm>>)
        tpu.yield
      }) : () -> ()
    }
    %scan3A_7 = arith.constant 40 : i32
    return
  }
}

#map = affine_map<(d0, d1) -> (0, 0)>
#map1 = affine_map<(d0, d1) -> (0)>
#map2 = affine_map<(d0, d1) -> (0, 0, 0)>
module attributes {stable_mosaic.version = 14 : i64} {
  func.func @body(%arg0: i32, %arg1: i32, %arg2: memref<163840x128xf32, #tpu.memory_space<hbm>>, %arg3: memref<163840xi32, #tpu.memory_space<hbm>>, %arg4: memref<10240x128xf32, #tpu.memory_space<hbm>>, %arg5: memref<2x10240x128xf32, #tpu.memory_space<hbm>>, %arg6: memref<128xi32, #tpu.memory_space<vmem>>, %arg7: memref<128x128xf32, #tpu.memory_space<vmem>>, %arg8: memref<10240x128xf32, #tpu.memory_space<vmem_shared>>) attributes {dimension_semantics = [#tpu.dimension_semantics<core_parallel>, #tpu.dimension_semantics<subcore_parallel>], iteration_bounds = array<i64: 2, 16>, scalar_prefetch = 0 : i64, scratch_operands = 3 : i64, tpu.core_type = #tpu.core_type<sc_vector_subcore>, window_params = [{transform_indices = #map}, {transform_indices = #map1}, {transform_indices = #map}, {transform_indices = #map2}]} {
    %mul3A = arith.constant 2 : i32
    %mul3A_0 = arith.muli %arg1, %mul3A : i32
    %add3A = arith.addi %mul3A_0, %arg0 : i32
    %mul3A_1 = arith.constant 640 : i32
    %mul3A_2 = arith.muli %arg1, %mul3A_1 : i32
    %mul3A_3 = arith.constant 640 : i32
    %mul3A_4 = arith.muli %arg1, %mul3A_3 : i32
    "tpu.region"() ({
      %run_scoped3A = tpu.sem_alloc : memref<!tpu.dma_semaphore, #tpu.memory_space<semaphore_mem>>
      %dma_start3A = arith.constant 0 : i32
      %dma_start3A_17 = tpu.memref_slice %arg8[%mul3A_4, %dma_start3A] : memref<10240x128xf32, #tpu.memory_space<vmem_shared>> -> memref<640x128xf32, #tpu.memory_space<vmem_shared>>
      %dma_start3A_18 = arith.constant 0 : i32
      %dma_start3A_19 = tpu.memref_slice %arg4[%mul3A_2, %dma_start3A_18] : memref<10240x128xf32, #tpu.memory_space<hbm>> -> memref<640x128xf32, #tpu.memory_space<hbm>>
      tpu.enqueue_dma source(%dma_start3A_19 : memref<640x128xf32, #tpu.memory_space<hbm>>) target(%dma_start3A_17 : memref<640x128xf32, #tpu.memory_space<vmem_shared>>) target_semaphore(%run_scoped3A : memref<!tpu.dma_semaphore, #tpu.memory_space<semaphore_mem>>)
      %dma_wait3A = arith.constant 0 : i32
      %dma_wait3A_20 = tpu.memref_slice %arg8[%mul3A_4, %dma_wait3A] : memref<10240x128xf32, #tpu.memory_space<vmem_shared>> -> memref<640x128xf32, #tpu.memory_space<vmem_shared>>
      %dma_wait3A_21 = arith.constant 0 : i32
      %dma_wait3A_22 = tpu.memref_slice %arg4[%mul3A_2, %dma_wait3A_21] : memref<10240x128xf32, #tpu.memory_space<hbm>> -> memref<640x128xf32, #tpu.memory_space<hbm>>
      tpu.wait_dma2 semaphore(%run_scoped3A : memref<!tpu.dma_semaphore, #tpu.memory_space<semaphore_mem>>) src(%dma_wait3A_22 : memref<640x128xf32, #tpu.memory_space<hbm>>) dst(%dma_wait3A_20 : memref<640x128xf32, #tpu.memory_space<vmem_shared>>)
      tpu.yield
    }) : () -> ()
    %barrier3A = arith.constant 0 : index
    tpu.barrier barrier_id(%barrier3A)
    %mul3A_5 = arith.constant 5120 : i32
    %mul3A_6 = arith.muli %add3A, %mul3A_5 : i32
    %scan3A = arith.constant 0 : i32
    %scan3A_7 = arith.constant 0 : i32
    %scan3A_8 = arith.constant 40 : i32
    %scan3A_9 = arith.addi %scan3A_7, %scan3A_8 : i32
    %scan3A_10 = arith.constant 1 : i32
    scf.for %scan3A_17 = %scan3A_7 to %scan3A_9 step %scan3A_10  : i32 {
      %mul3A_18 = arith.constant 128 : i32
      %mul3A_19 = arith.muli %scan3A_17, %mul3A_18 : i32
      %add3A_20 = arith.addi %mul3A_6, %mul3A_19 : i32
      "tpu.region"() ({
        %run_scoped3A = tpu.sem_alloc : memref<!tpu.dma_semaphore, #tpu.memory_space<semaphore_mem>>
        %dma_start3A = tpu.memref_slice %arg3[%add3A_20] : memref<163840xi32, #tpu.memory_space<hbm>> -> memref<128xi32, #tpu.memory_space<hbm>>
        %dma_start3A_21 = tpu.memref_slice %arg3[%add3A_20] : memref<163840xi32, #tpu.memory_space<hbm>> -> memref<128xi32, #tpu.memory_space<hbm>>
        tpu.enqueue_dma source(%dma_start3A_21 : memref<128xi32, #tpu.memory_space<hbm>>) target(%arg6 : memref<128xi32, #tpu.memory_space<vmem>>) target_semaphore(%run_scoped3A : memref<!tpu.dma_semaphore, #tpu.memory_space<semaphore_mem>>)
        %dma_wait3A = tpu.memref_slice %arg3[%add3A_20] : memref<163840xi32, #tpu.memory_space<hbm>> -> memref<128xi32, #tpu.memory_space<hbm>>
        %dma_wait3A_22 = tpu.memref_slice %arg3[%add3A_20] : memref<163840xi32, #tpu.memory_space<hbm>> -> memref<128xi32, #tpu.memory_space<hbm>>
        tpu.wait_dma2 semaphore(%run_scoped3A : memref<!tpu.dma_semaphore, #tpu.memory_space<semaphore_mem>>) src(%dma_wait3A_22 : memref<128xi32, #tpu.memory_space<hbm>>) dst(%arg6 : memref<128xi32, #tpu.memory_space<vmem>>)
        tpu.yield
      }) : () -> ()
      "tpu.region"() ({
        %run_scoped3A = tpu.sem_alloc : memref<!tpu.dma_semaphore, #tpu.memory_space<semaphore_mem>>
        %dma_start3A = arith.constant 0 : i32
        %dma_start3A_21 = tpu.memref_slice %arg2[%add3A_20, %dma_start3A] : memref<163840x128xf32, #tpu.memory_space<hbm>> -> memref<128x128xf32, #tpu.memory_space<hbm>>
        %dma_start3A_22 = arith.constant 0 : i32
        %dma_start3A_23 = tpu.memref_slice %arg2[%add3A_20, %dma_start3A_22] : memref<163840x128xf32, #tpu.memory_space<hbm>> -> memref<128x128xf32, #tpu.memory_space<hbm>>
        tpu.enqueue_dma source(%dma_start3A_23 : memref<128x128xf32, #tpu.memory_space<hbm>>) target(%arg7 : memref<128x128xf32, #tpu.memory_space<vmem>>) target_semaphore(%run_scoped3A : memref<!tpu.dma_semaphore, #tpu.memory_space<semaphore_mem>>)
        %dma_wait3A = arith.constant 0 : i32
        %dma_wait3A_24 = tpu.memref_slice %arg2[%add3A_20, %dma_wait3A] : memref<163840x128xf32, #tpu.memory_space<hbm>> -> memref<128x128xf32, #tpu.memory_space<hbm>>
        %dma_wait3A_25 = arith.constant 0 : i32
        %dma_wait3A_26 = tpu.memref_slice %arg2[%add3A_20, %dma_wait3A_25] : memref<163840x128xf32, #tpu.memory_space<hbm>> -> memref<128x128xf32, #tpu.memory_space<hbm>>
        tpu.wait_dma2 semaphore(%run_scoped3A : memref<!tpu.dma_semaphore, #tpu.memory_space<semaphore_mem>>) src(%dma_wait3A_26 : memref<128x128xf32, #tpu.memory_space<hbm>>) dst(%arg7 : memref<128x128xf32, #tpu.memory_space<vmem>>)
        tpu.yield
      }) : () -> ()
      "tpu.region"() ({
        %run_scoped3A = tpu.sem_alloc : memref<!tpu.dma_semaphore, #tpu.memory_space<semaphore_mem>>
        %dma_start3A = arith.constant 0 : i32
        %dma_start3A_21 = arith.constant 0 : i32
        %dma_start3A_22 = tpu.memref_slice %arg8[%dma_start3A, %dma_start3A_21] : memref<10240x128xf32, #tpu.memory_space<vmem_shared>> -> memref<10240x128xf32, #tpu.memory_space<vmem_shared>>
        tpu.enqueue_indirect_dma source(%arg7 : memref<128x128xf32, #tpu.memory_space<vmem>>) target(%dma_start3A_22 : memref<10240x128xf32, #tpu.memory_space<vmem_shared>>) offsets(%arg6 : memref<128xi32, #tpu.memory_space<vmem>>) semaphore(%run_scoped3A : memref<!tpu.dma_semaphore, #tpu.memory_space<semaphore_mem>>) {add = true}
        %dma_wait3A = arith.constant 0 : i32
        %dma_wait3A_23 = arith.constant 0 : i32
        %dma_wait3A_24 = tpu.memref_slice %arg8[%dma_wait3A, %dma_wait3A_23] : memref<10240x128xf32, #tpu.memory_space<vmem_shared>> -> memref<10240x128xf32, #tpu.memory_space<vmem_shared>>
        tpu.wait_indirect_dma semaphore(%run_scoped3A : memref<!tpu.dma_semaphore, #tpu.memory_space<semaphore_mem>>) src(%arg7 : memref<128x128xf32, #tpu.memory_space<vmem>>) dst(%dma_wait3A_24 : memref<10240x128xf32, #tpu.memory_space<vmem_shared>>)
        tpu.yield
      }) : () -> ()
    }
    %scan3A_11 = arith.constant 40 : i32
    %barrier3A_12 = arith.constant 0 : index
    tpu.barrier barrier_id(%barrier3A_12)
    %mul3A_13 = arith.constant 640 : i32
    %mul3A_14 = arith.muli %arg1, %mul3A_13 : i32
    %mul3A_15 = arith.constant 640 : i32
    %mul3A_16 = arith.muli %arg1, %mul3A_15 : i32
    "tpu.region"() ({
      %run_scoped3A = tpu.sem_alloc : memref<!tpu.dma_semaphore, #tpu.memory_space<semaphore_mem>>
      %dma_start3A = arith.constant 0 : i32
      %dma_start3A_17 = tpu.memref_slice %arg5[%arg0, %mul3A_16, %dma_start3A] : memref<2x10240x128xf32, #tpu.memory_space<hbm>> -> memref<1x640x128xf32, #tpu.memory_space<hbm>>
      %dma_start3A_18 = tpu.memref_squeeze %dma_start3A_17 : memref<1x640x128xf32, #tpu.memory_space<hbm>> -> memref<640x128xf32, #tpu.memory_space<hbm>>
      %dma_start3A_19 = arith.constant 0 : i32
      %dma_start3A_20 = tpu.memref_slice %arg8[%mul3A_14, %dma_start3A_19] : memref<10240x128xf32, #tpu.memory_space<vmem_shared>> -> memref<640x128xf32, #tpu.memory_space<vmem_shared>>
      tpu.enqueue_dma source(%dma_start3A_20 : memref<640x128xf32, #tpu.memory_space<vmem_shared>>) target(%dma_start3A_18 : memref<640x128xf32, #tpu.memory_space<hbm>>) target_semaphore(%run_scoped3A : memref<!tpu.dma_semaphore, #tpu.memory_space<semaphore_mem>>)
      %dma_wait3A = arith.constant 0 : i32
      %dma_wait3A_21 = tpu.memref_slice %arg5[%arg0, %mul3A_16, %dma_wait3A] : memref<2x10240x128xf32, #tpu.memory_space<hbm>> -> memref<1x640x128xf32, #tpu.memory_space<hbm>>
      %dma_wait3A_22 = tpu.memref_squeeze %dma_wait3A_21 : memref<1x640x128xf32, #tpu.memory_space<hbm>> -> memref<640x128xf32, #tpu.memory_space<hbm>>
      %dma_wait3A_23 = arith.constant 0 : i32
      %dma_wait3A_24 = tpu.memref_slice %arg8[%mul3A_14, %dma_wait3A_23] : memref<10240x128xf32, #tpu.memory_space<vmem_shared>> -> memref<640x128xf32, #tpu.memory_space<vmem_shared>>
      tpu.wait_dma2 semaphore(%run_scoped3A : memref<!tpu.dma_semaphore, #tpu.memory_space<semaphore_mem>>) src(%dma_wait3A_24 : memref<640x128xf32, #tpu.memory_space<vmem_shared>>) dst(%dma_wait3A_22 : memref<640x128xf32, #tpu.memory_space<hbm>>)
      tpu.yield
    }) : () -> ()
    return
  }
}

#map = affine_map<(d0, d1) -> (0, 0)>
#map1 = affine_map<(d0, d1) -> (0)>
module attributes {stable_mosaic.version = 14 : i64} {
  func.func @body(%arg0: i32, %arg1: i32, %arg2: memref<10000x128xf32, #tpu.memory_space<hbm>>, %arg3: memref<163840xi32, #tpu.memory_space<hbm>>, %arg4: memref<163840x128xf32, #tpu.memory_space<hbm>>, %arg5: memref<128xi32, #tpu.memory_space<vmem>>, %arg6: memref<128x128xf32, #tpu.memory_space<vmem>>, %arg7: memref<!tpu.dma_semaphore, #tpu.memory_space<semaphore_mem>>) attributes {dimension_semantics = [#tpu.dimension_semantics<core_parallel>, #tpu.dimension_semantics<subcore_parallel>], iteration_bounds = array<i64: 2, 16>, scalar_prefetch = 0 : i64, scratch_operands = 3 : i64, tpu.core_type = #tpu.core_type<sc_vector_subcore>, window_params = [{transform_indices = #map}, {transform_indices = #map1}, {transform_indices = #map}]} {
    %mul3A = arith.constant 2 : i32
    %mul3A_0 = arith.muli %arg1, %mul3A : i32
    %add3A = arith.addi %mul3A_0, %arg0 : i32
    %mul3A_1 = arith.constant 5120 : i32
    %mul3A_2 = arith.muli %add3A, %mul3A_1 : i32
    %scan3A = arith.constant 0 : i32
    %scan3A_3 = arith.constant 0 : i32
    %scan3A_4 = arith.constant 40 : i32
    %scan3A_5 = arith.addi %scan3A_3, %scan3A_4 : i32
    %scan3A_6 = arith.constant 1 : i32
    scf.for %scan3A_8 = %scan3A_3 to %scan3A_5 step %scan3A_6  : i32 {
      %mul3A_9 = arith.constant 128 : i32
      %mul3A_10 = arith.muli %scan3A_8, %mul3A_9 : i32
      %add3A_11 = arith.addi %mul3A_2, %mul3A_10 : i32
      "tpu.region"() ({
        %run_scoped3A = tpu.sem_alloc : memref<!tpu.dma_semaphore, #tpu.memory_space<semaphore_mem>>
        %dma_start3A_16 = tpu.memref_slice %arg3[%add3A_11] : memref<163840xi32, #tpu.memory_space<hbm>> -> memref<128xi32, #tpu.memory_space<hbm>>
        %dma_start3A_17 = tpu.memref_slice %arg3[%add3A_11] : memref<163840xi32, #tpu.memory_space<hbm>> -> memref<128xi32, #tpu.memory_space<hbm>>
        tpu.enqueue_dma source(%dma_start3A_17 : memref<128xi32, #tpu.memory_space<hbm>>) target(%arg5 : memref<128xi32, #tpu.memory_space<vmem>>) target_semaphore(%run_scoped3A : memref<!tpu.dma_semaphore, #tpu.memory_space<semaphore_mem>>)
        %dma_wait3A_18 = tpu.memref_slice %arg3[%add3A_11] : memref<163840xi32, #tpu.memory_space<hbm>> -> memref<128xi32, #tpu.memory_space<hbm>>
        %dma_wait3A_19 = tpu.memref_slice %arg3[%add3A_11] : memref<163840xi32, #tpu.memory_space<hbm>> -> memref<128xi32, #tpu.memory_space<hbm>>
        tpu.wait_dma2 semaphore(%run_scoped3A : memref<!tpu.dma_semaphore, #tpu.memory_space<semaphore_mem>>) src(%dma_wait3A_19 : memref<128xi32, #tpu.memory_space<hbm>>) dst(%arg5 : memref<128xi32, #tpu.memory_space<vmem>>)
        tpu.yield
      }) : () -> ()
      %dma_start3A = arith.constant 0 : i32
      %dma_start3A_12 = arith.constant 0 : i32
      %dma_start3A_13 = tpu.memref_slice %arg2[%dma_start3A, %dma_start3A_12] : memref<10000x128xf32, #tpu.memory_space<hbm>> -> memref<10000x128xf32, #tpu.memory_space<hbm>>
      tpu.enqueue_indirect_dma source(%dma_start3A_13 : memref<10000x128xf32, #tpu.memory_space<hbm>>) target(%arg6 : memref<128x128xf32, #tpu.memory_space<vmem>>) offsets(%arg5 : memref<128xi32, #tpu.memory_space<vmem>>) semaphore(%arg7 : memref<!tpu.dma_semaphore, #tpu.memory_space<semaphore_mem>>)
      %dma_wait3A = arith.constant 0 : i32
      %dma_wait3A_14 = arith.constant 0 : i32
      %dma_wait3A_15 = tpu.memref_slice %arg2[%dma_wait3A, %dma_wait3A_14] : memref<10000x128xf32, #tpu.memory_space<hbm>> -> memref<10000x128xf32, #tpu.memory_space<hbm>>
      tpu.wait_indirect_dma semaphore(%arg7 : memref<!tpu.dma_semaphore, #tpu.memory_space<semaphore_mem>>) src(%dma_wait3A_15 : memref<10000x128xf32, #tpu.memory_space<hbm>>) dst(%arg6 : memref<128x128xf32, #tpu.memory_space<vmem>>)
      "tpu.region"() ({
        %run_scoped3A = tpu.sem_alloc : memref<!tpu.dma_semaphore, #tpu.memory_space<semaphore_mem>>
        %dma_start3A_16 = arith.constant 0 : i32
        %dma_start3A_17 = tpu.memref_slice %arg4[%add3A_11, %dma_start3A_16] : memref<163840x128xf32, #tpu.memory_space<hbm>> -> memref<128x128xf32, #tpu.memory_space<hbm>>
        %dma_start3A_18 = arith.constant 0 : i32
        %dma_start3A_19 = tpu.memref_slice %arg4[%add3A_11, %dma_start3A_18] : memref<163840x128xf32, #tpu.memory_space<hbm>> -> memref<128x128xf32, #tpu.memory_space<hbm>>
        tpu.enqueue_dma source(%arg6 : memref<128x128xf32, #tpu.memory_space<vmem>>) target(%dma_start3A_19 : memref<128x128xf32, #tpu.memory_space<hbm>>) target_semaphore(%run_scoped3A : memref<!tpu.dma_semaphore, #tpu.memory_space<semaphore_mem>>)
        %dma_wait3A_20 = arith.constant 0 : i32
        %dma_wait3A_21 = tpu.memref_slice %arg4[%add3A_11, %dma_wait3A_20] : memref<163840x128xf32, #tpu.memory_space<hbm>> -> memref<128x128xf32, #tpu.memory_space<hbm>>
        %dma_wait3A_22 = arith.constant 0 : i32
        %dma_wait3A_23 = tpu.memref_slice %arg4[%add3A_11, %dma_wait3A_22] : memref<163840x128xf32, #tpu.memory_space<hbm>> -> memref<128x128xf32, #tpu.memory_space<hbm>>
        tpu.wait_dma2 semaphore(%run_scoped3A : memref<!tpu.dma_semaphore, #tpu.memory_space<semaphore_mem>>) src(%arg6 : memref<128x128xf32, #tpu.memory_space<vmem>>) dst(%dma_wait3A_23 : memref<128x128xf32, #tpu.memory_space<hbm>>)
        tpu.yield
      }) : () -> ()
    }
    %scan3A_7 = arith.constant 40 : i32
    return
  }
}

#map = affine_map<(d0, d1) -> (0, 0)>
#map1 = affine_map<(d0, d1) -> (0)>
#map2 = affine_map<(d0, d1) -> (0, 0, 0)>
module attributes {stable_mosaic.version = 14 : i64} {
  func.func @body(%arg0: i32, %arg1: i32, %arg2: memref<327680x16xf32, #tpu.memory_space<hbm>>, %arg3: memref<327680xi32, #tpu.memory_space<hbm>>, %arg4: memref<10240x16xf32, #tpu.memory_space<hbm>>, %arg5: memref<2x10240x16xf32, #tpu.memory_space<hbm>>, %arg6: memref<128xi32, #tpu.memory_space<vmem>>, %arg7: memref<128x16xf32, #tpu.memory_space<vmem>>, %arg8: memref<10240x16xf32, #tpu.memory_space<vmem_shared>>) attributes {dimension_semantics = [#tpu.dimension_semantics<core_parallel>, #tpu.dimension_semantics<subcore_parallel>], iteration_bounds = array<i64: 2, 16>, scalar_prefetch = 0 : i64, scratch_operands = 3 : i64, tpu.core_type = #tpu.core_type<sc_vector_subcore>, window_params = [{transform_indices = #map}, {transform_indices = #map1}, {transform_indices = #map}, {transform_indices = #map2}]} {
    %mul3A = arith.constant 2 : i32
    %mul3A_0 = arith.muli %arg1, %mul3A : i32
    %add3A = arith.addi %mul3A_0, %arg0 : i32
    %mul3A_1 = arith.constant 640 : i32
    %mul3A_2 = arith.muli %arg1, %mul3A_1 : i32
    %mul3A_3 = arith.constant 640 : i32
    %mul3A_4 = arith.muli %arg1, %mul3A_3 : i32
    "tpu.region"() ({
      %run_scoped3A = tpu.sem_alloc : memref<!tpu.dma_semaphore, #tpu.memory_space<semaphore_mem>>
      %dma_start3A = arith.constant 0 : i32
      %dma_start3A_17 = tpu.memref_slice %arg8[%mul3A_4, %dma_start3A] : memref<10240x16xf32, #tpu.memory_space<vmem_shared>> -> memref<640x16xf32, #tpu.memory_space<vmem_shared>>
      %dma_start3A_18 = arith.constant 0 : i32
      %dma_start3A_19 = tpu.memref_slice %arg4[%mul3A_2, %dma_start3A_18] : memref<10240x16xf32, #tpu.memory_space<hbm>> -> memref<640x16xf32, #tpu.memory_space<hbm>>
      tpu.enqueue_dma source(%dma_start3A_19 : memref<640x16xf32, #tpu.memory_space<hbm>>) target(%dma_start3A_17 : memref<640x16xf32, #tpu.memory_space<vmem_shared>>) target_semaphore(%run_scoped3A : memref<!tpu.dma_semaphore, #tpu.memory_space<semaphore_mem>>)
      %dma_wait3A = arith.constant 0 : i32
      %dma_wait3A_20 = tpu.memref_slice %arg8[%mul3A_4, %dma_wait3A] : memref<10240x16xf32, #tpu.memory_space<vmem_shared>> -> memref<640x16xf32, #tpu.memory_space<vmem_shared>>
      %dma_wait3A_21 = arith.constant 0 : i32
      %dma_wait3A_22 = tpu.memref_slice %arg4[%mul3A_2, %dma_wait3A_21] : memref<10240x16xf32, #tpu.memory_space<hbm>> -> memref<640x16xf32, #tpu.memory_space<hbm>>
      tpu.wait_dma2 semaphore(%run_scoped3A : memref<!tpu.dma_semaphore, #tpu.memory_space<semaphore_mem>>) src(%dma_wait3A_22 : memref<640x16xf32, #tpu.memory_space<hbm>>) dst(%dma_wait3A_20 : memref<640x16xf32, #tpu.memory_space<vmem_shared>>)
      tpu.yield
    }) : () -> ()
    %barrier3A = arith.constant 0 : index
    tpu.barrier barrier_id(%barrier3A)
    %mul3A_5 = arith.constant 10240 : i32
    %mul3A_6 = arith.muli %add3A, %mul3A_5 : i32
    %scan3A = arith.constant 0 : i32
    %scan3A_7 = arith.constant 0 : i32
    %scan3A_8 = arith.constant 80 : i32
    %scan3A_9 = arith.addi %scan3A_7, %scan3A_8 : i32
    %scan3A_10 = arith.constant 1 : i32
    scf.for %scan3A_17 = %scan3A_7 to %scan3A_9 step %scan3A_10  : i32 {
      %mul3A_18 = arith.constant 128 : i32
      %mul3A_19 = arith.muli %scan3A_17, %mul3A_18 : i32
      %add3A_20 = arith.addi %mul3A_6, %mul3A_19 : i32
      "tpu.region"() ({
        %run_scoped3A = tpu.sem_alloc : memref<!tpu.dma_semaphore, #tpu.memory_space<semaphore_mem>>
        %dma_start3A = tpu.memref_slice %arg3[%add3A_20] : memref<327680xi32, #tpu.memory_space<hbm>> -> memref<128xi32, #tpu.memory_space<hbm>>
        %dma_start3A_21 = tpu.memref_slice %arg3[%add3A_20] : memref<327680xi32, #tpu.memory_space<hbm>> -> memref<128xi32, #tpu.memory_space<hbm>>
        tpu.enqueue_dma source(%dma_start3A_21 : memref<128xi32, #tpu.memory_space<hbm>>) target(%arg6 : memref<128xi32, #tpu.memory_space<vmem>>) target_semaphore(%run_scoped3A : memref<!tpu.dma_semaphore, #tpu.memory_space<semaphore_mem>>)
        %dma_wait3A = tpu.memref_slice %arg3[%add3A_20] : memref<327680xi32, #tpu.memory_space<hbm>> -> memref<128xi32, #tpu.memory_space<hbm>>
        %dma_wait3A_22 = tpu.memref_slice %arg3[%add3A_20] : memref<327680xi32, #tpu.memory_space<hbm>> -> memref<128xi32, #tpu.memory_space<hbm>>
        tpu.wait_dma2 semaphore(%run_scoped3A : memref<!tpu.dma_semaphore, #tpu.memory_space<semaphore_mem>>) src(%dma_wait3A_22 : memref<128xi32, #tpu.memory_space<hbm>>) dst(%arg6 : memref<128xi32, #tpu.memory_space<vmem>>)
        tpu.yield
      }) : () -> ()
      "tpu.region"() ({
        %run_scoped3A = tpu.sem_alloc : memref<!tpu.dma_semaphore, #tpu.memory_space<semaphore_mem>>
        %dma_start3A = arith.constant 0 : i32
        %dma_start3A_21 = tpu.memref_slice %arg2[%add3A_20, %dma_start3A] : memref<327680x16xf32, #tpu.memory_space<hbm>> -> memref<128x16xf32, #tpu.memory_space<hbm>>
        %dma_start3A_22 = arith.constant 0 : i32
        %dma_start3A_23 = tpu.memref_slice %arg2[%add3A_20, %dma_start3A_22] : memref<327680x16xf32, #tpu.memory_space<hbm>> -> memref<128x16xf32, #tpu.memory_space<hbm>>
        tpu.enqueue_dma source(%dma_start3A_23 : memref<128x16xf32, #tpu.memory_space<hbm>>) target(%arg7 : memref<128x16xf32, #tpu.memory_space<vmem>>) target_semaphore(%run_scoped3A : memref<!tpu.dma_semaphore, #tpu.memory_space<semaphore_mem>>)
        %dma_wait3A = arith.constant 0 : i32
        %dma_wait3A_24 = tpu.memref_slice %arg2[%add3A_20, %dma_wait3A] : memref<327680x16xf32, #tpu.memory_space<hbm>> -> memref<128x16xf32, #tpu.memory_space<hbm>>
        %dma_wait3A_25 = arith.constant 0 : i32
        %dma_wait3A_26 = tpu.memref_slice %arg2[%add3A_20, %dma_wait3A_25] : memref<327680x16xf32, #tpu.memory_space<hbm>> -> memref<128x16xf32, #tpu.memory_space<hbm>>
        tpu.wait_dma2 semaphore(%run_scoped3A : memref<!tpu.dma_semaphore, #tpu.memory_space<semaphore_mem>>) src(%dma_wait3A_26 : memref<128x16xf32, #tpu.memory_space<hbm>>) dst(%arg7 : memref<128x16xf32, #tpu.memory_space<vmem>>)
        tpu.yield
      }) : () -> ()
      "tpu.region"() ({
        %run_scoped3A = tpu.sem_alloc : memref<!tpu.dma_semaphore, #tpu.memory_space<semaphore_mem>>
        %dma_start3A = arith.constant 0 : i32
        %dma_start3A_21 = arith.constant 0 : i32
        %dma_start3A_22 = tpu.memref_slice %arg8[%dma_start3A, %dma_start3A_21] : memref<10240x16xf32, #tpu.memory_space<vmem_shared>> -> memref<10240x16xf32, #tpu.memory_space<vmem_shared>>
        tpu.enqueue_indirect_dma source(%arg7 : memref<128x16xf32, #tpu.memory_space<vmem>>) target(%dma_start3A_22 : memref<10240x16xf32, #tpu.memory_space<vmem_shared>>) offsets(%arg6 : memref<128xi32, #tpu.memory_space<vmem>>) semaphore(%run_scoped3A : memref<!tpu.dma_semaphore, #tpu.memory_space<semaphore_mem>>) {add = true}
        %dma_wait3A = arith.constant 0 : i32
        %dma_wait3A_23 = arith.constant 0 : i32
        %dma_wait3A_24 = tpu.memref_slice %arg8[%dma_wait3A, %dma_wait3A_23] : memref<10240x16xf32, #tpu.memory_space<vmem_shared>> -> memref<10240x16xf32, #tpu.memory_space<vmem_shared>>
        tpu.wait_indirect_dma semaphore(%run_scoped3A : memref<!tpu.dma_semaphore, #tpu.memory_space<semaphore_mem>>) src(%arg7 : memref<128x16xf32, #tpu.memory_space<vmem>>) dst(%dma_wait3A_24 : memref<10240x16xf32, #tpu.memory_space<vmem_shared>>)
        tpu.yield
      }) : () -> ()
    }
    %scan3A_11 = arith.constant 80 : i32
    %barrier3A_12 = arith.constant 0 : index
    tpu.barrier barrier_id(%barrier3A_12)
    %mul3A_13 = arith.constant 640 : i32
    %mul3A_14 = arith.muli %arg1, %mul3A_13 : i32
    %mul3A_15 = arith.constant 640 : i32
    %mul3A_16 = arith.muli %arg1, %mul3A_15 : i32
    "tpu.region"() ({
      %run_scoped3A = tpu.sem_alloc : memref<!tpu.dma_semaphore, #tpu.memory_space<semaphore_mem>>
      %dma_start3A = arith.constant 0 : i32
      %dma_start3A_17 = tpu.memref_slice %arg5[%arg0, %mul3A_16, %dma_start3A] : memref<2x10240x16xf32, #tpu.memory_space<hbm>> -> memref<1x640x16xf32, #tpu.memory_space<hbm>>
      %dma_start3A_18 = tpu.memref_squeeze %dma_start3A_17 : memref<1x640x16xf32, #tpu.memory_space<hbm>> -> memref<640x16xf32, #tpu.memory_space<hbm>>
      %dma_start3A_19 = arith.constant 0 : i32
      %dma_start3A_20 = tpu.memref_slice %arg8[%mul3A_14, %dma_start3A_19] : memref<10240x16xf32, #tpu.memory_space<vmem_shared>> -> memref<640x16xf32, #tpu.memory_space<vmem_shared>>
      tpu.enqueue_dma source(%dma_start3A_20 : memref<640x16xf32, #tpu.memory_space<vmem_shared>>) target(%dma_start3A_18 : memref<640x16xf32, #tpu.memory_space<hbm>>) target_semaphore(%run_scoped3A : memref<!tpu.dma_semaphore, #tpu.memory_space<semaphore_mem>>)
      %dma_wait3A = arith.constant 0 : i32
      %dma_wait3A_21 = tpu.memref_slice %arg5[%arg0, %mul3A_16, %dma_wait3A] : memref<2x10240x16xf32, #tpu.memory_space<hbm>> -> memref<1x640x16xf32, #tpu.memory_space<hbm>>
      %dma_wait3A_22 = tpu.memref_squeeze %dma_wait3A_21 : memref<1x640x16xf32, #tpu.memory_space<hbm>> -> memref<640x16xf32, #tpu.memory_space<hbm>>
      %dma_wait3A_23 = arith.constant 0 : i32
      %dma_wait3A_24 = tpu.memref_slice %arg8[%mul3A_14, %dma_wait3A_23] : memref<10240x16xf32, #tpu.memory_space<vmem_shared>> -> memref<640x16xf32, #tpu.memory_space<vmem_shared>>
      tpu.wait_dma2 semaphore(%run_scoped3A : memref<!tpu.dma_semaphore, #tpu.memory_space<semaphore_mem>>) src(%dma_wait3A_24 : memref<640x16xf32, #tpu.memory_space<vmem_shared>>) dst(%dma_wait3A_22 : memref<640x16xf32, #tpu.memory_space<hbm>>)
      tpu.yield
    }) : () -> ()
    return
  }
}

module attributes {stable_mosaic.version = 14 : i64} {
  func.func @body(%arg0: i32, %arg1: memref<1x1x1000xf32, #tpu.memory_space<vmem>>, %arg2: memref<8x32xf32, #tpu.memory_space<vmem>>, %arg3: memref<32x32xf32, #tpu.memory_space<vmem>>, %arg4: memref<1000x32xf32, #tpu.memory_space<vmem>>) attributes {dimension_semantics = [#tpu.dimension_semantics<arbitrary>], iteration_bounds = array<i64: 10>, scalar_prefetch = 0 : i64, scratch_operands = 0 : i64, tpu.core_type = #tpu.core_type<tc>, window_params = [{transform_indices = @transform_0, window_bounds = array<i64: 1, 1, 1000>}, {pipeline_mode = #tpu.pipeline_mode<synchronous>, transform_indices = @transform_1, window_bounds = array<i64: 8, 32>}, {pipeline_mode = #tpu.pipeline_mode<synchronous>, transform_indices = @transform_2, window_bounds = array<i64: 32, 32>}, {transform_indices = @transform_3, window_bounds = array<i64: 1000, 32>}]} {
    %get3A = arith.constant 0 : index
    %get3A_0 = arith.constant 0 : index
    %get3A_1 = arith.constant 0 : index
    %get3A_2 = vector.load %arg1[%get3A, %get3A_0, %get3A_1] : memref<1x1x1000xf32, #tpu.memory_space<vmem>>, vector<1x1x1000xf32>
    %get3A_3 = vector.shape_cast %get3A_2 : vector<1x1x1000xf32> to vector<1000xf32>
    %iota3A = tpu.iota {dimensions = array<i32: 1>} : vector<1000x8xi32>
    %convert_element_type3A = arith.sitofp %iota3A : vector<1000x8xi32> to vector<1000x8xf32>
    %broadcast_in_dim3A = vector.shape_cast %get3A_3 : vector<1000xf32> to vector<1000x1xf32>
    %eq3A = vector.broadcast %broadcast_in_dim3A : vector<1000x1xf32> to vector<1000x8xf32>
    %eq3A_4 = arith.cmpf oeq, %eq3A, %convert_element_type3A : vector<1000x8xf32>
    %jit3A = arith.constant 1.000000e+00 : f32
    %jit3A_5 = arith.constant 0.000000e+00 : f32
    %broadcast_in_dim3A_6 = vector.broadcast %jit3A : f32 to vector<1000x8xf32>
    %broadcast_in_dim3A_7 = vector.broadcast %jit3A_5 : f32 to vector<1000x8xf32>
    %select_n3A = arith.select %eq3A_4, %broadcast_in_dim3A_6, %broadcast_in_dim3A_7 : vector<1000x8xi1>, vector<1000x8xf32>
    %get3A_8 = arith.constant 0 : index
    %get3A_9 = arith.constant 0 : index
    %get3A_10 = vector.load %arg2[%get3A_8, %get3A_9] : memref<8x32xf32, #tpu.memory_space<vmem>>, vector<8x32xf32>
    %dot_general3A = arith.constant dense<0.000000e+00> : vector<1000x32xf32>
    %dot_general3A_11 = tpu.matmul %select_n3A, %get3A_10, %dot_general3A {dimension_numbers = #tpu.dot_dimension_numbers<[1], [0], [0], [1], [0, 0, 1, 1], [], []>, transpose_lhs_hint = false} : vector<1000x8xf32>, vector<8x32xf32>, vector<1000x32xf32> -> vector<1000x32xf32>
    %mul3A = arith.constant 0.353553385 : f32
    %mul3A_12 = vector.broadcast %mul3A : f32 to vector<1000x32xf32>
    %mul3A_13 = arith.mulf %dot_general3A_11, %mul3A_12 : vector<1000x32xf32>
    %get3A_14 = arith.constant 0 : index
    %get3A_15 = arith.constant 0 : index
    %get3A_16 = vector.load %arg3[%get3A_14, %get3A_15] : memref<32x32xf32, #tpu.memory_space<vmem>>, vector<32x32xf32>
    %dot_general3A_17 = arith.constant dense<0.000000e+00> : vector<1000x32xf32>
    %dot_general3A_18 = tpu.matmul %mul3A_13, %get3A_16, %dot_general3A_17 {dimension_numbers = #tpu.dot_dimension_numbers<[1], [0], [0], [1], [0, 0, 1, 1], [], []>, transpose_lhs_hint = false} : vector<1000x32xf32>, vector<32x32xf32>, vector<1000x32xf32> -> vector<1000x32xf32>
    %swap3A = arith.constant 0 : index
    %swap3A_19 = arith.constant 0 : index
    %swap3A_20 = vector.load %arg4[%swap3A, %swap3A_19] : memref<1000x32xf32, #tpu.memory_space<vmem>>, vector<1000x32xf32>
    tpu.vector_store %arg4[%swap3A, %swap3A_19], %dot_general3A_18 {strides = array<i32>} : memref<1000x32xf32, #tpu.memory_space<vmem>>, vector<1000x32xf32>,
    return
  }
  func.func @transform_0(%arg0: i32) -> (i32, i32, i32) {
    %c0_i32 = arith.constant 0 : i32
    %c0_i32_0 = arith.constant 0 : i32
    %c0_i32_1 = arith.constant 0 : i32
    return %arg0, %c0_i32, %c0_i32_0 : i32, i32, i32
  }
  func.func @transform_1(%arg0: i32) -> (i32, i32) {
    %c0_i32 = arith.constant 0 : i32
    %c0_i32_0 = arith.constant 0 : i32
    %c0_i32_1 = arith.constant 0 : i32
    return %c0_i32, %c0_i32_0 : i32, i32
  }
  func.func @transform_2(%arg0: i32) -> (i32, i32) {
    %c0_i32 = arith.constant 0 : i32
    %c0_i32_0 = arith.constant 0 : i32
    %c0_i32_1 = arith.constant 0 : i32
    return %c0_i32, %c0_i32_0 : i32, i32
  }
  func.func @transform_3(%arg0: i32) -> (i32, i32) {
    %c0_i32 = arith.constant 0 : i32
    %c0_i32_0 = arith.constant 0 : i32
    return %arg0, %c0_i32 : i32, i32
  }
}

module attributes {stable_mosaic.version = 14 : i64} {
  func.func @body(%arg0: i32, %arg1: memref<2048x3xf32, #tpu.memory_space<vmem>>, %arg2: memref<2048x32xf32, #tpu.memory_space<vmem>>, %arg3: memref<8x64xf32, #tpu.memory_space<vmem>>, %arg4: memref<64x64xf32, #tpu.memory_space<vmem>>, %arg5: memref<64x64xf32, #tpu.memory_space<vmem>>, %arg6: memref<64x64xf32, #tpu.memory_space<vmem>>, %arg7: memref<2048x128xf32, #tpu.memory_space<vmem>>) attributes {dimension_semantics = [#tpu.dimension_semantics<arbitrary>], iteration_bounds = array<i64: 80>, scalar_prefetch = 0 : i64, scratch_operands = 0 : i64, tpu.core_type = #tpu.core_type<tc>, window_params = [{transform_indices = @transform_0, window_bounds = array<i64: 2048, 3>}, {transform_indices = @transform_1, window_bounds = array<i64: 2048, 32>}, {pipeline_mode = #tpu.pipeline_mode<synchronous>, transform_indices = @transform_2, window_bounds = array<i64: 8, 64>}, {pipeline_mode = #tpu.pipeline_mode<synchronous>, transform_indices = @transform_3, window_bounds = array<i64: 64, 64>}, {pipeline_mode = #tpu.pipeline_mode<synchronous>, transform_indices = @transform_4, window_bounds = array<i64: 64, 64>}, {pipeline_mode = #tpu.pipeline_mode<synchronous>, transform_indices = @transform_5, window_bounds = array<i64: 64, 64>}, {transform_indices = @transform_6, window_bounds = array<i64: 2048, 128>}]} {
    %get3A = arith.constant 0 : index
    %get3A_0 = arith.constant 0 : index
    %get3A_1 = vector.load %arg1[%get3A, %get3A_0] : memref<2048x3xf32, #tpu.memory_space<vmem>>, vector<2048x3xf32>
    %get3A_2 = arith.constant 0 : index
    %get3A_3 = arith.constant 0 : index
    %get3A_4 = vector.load %arg2[%get3A_2, %get3A_3] : memref<2048x32xf32, #tpu.memory_space<vmem>>, vector<2048x32xf32>
    %get3A_5 = arith.constant 0 : index
    %get3A_6 = arith.constant 0 : index
    %get3A_7 = vector.load %arg3[%get3A_5, %get3A_6] : memref<8x64xf32, #tpu.memory_space<vmem>>, vector<8x64xf32>
    %get3A_8 = arith.constant 0 : index
    %get3A_9 = arith.constant 0 : index
    %get3A_10 = vector.load %arg4[%get3A_8, %get3A_9] : memref<64x64xf32, #tpu.memory_space<vmem>>, vector<64x64xf32>
    %get3A_11 = arith.constant 0 : index
    %get3A_12 = arith.constant 0 : index
    %get3A_13 = vector.load %arg5[%get3A_11, %get3A_12] : memref<64x64xf32, #tpu.memory_space<vmem>>, vector<64x64xf32>
    %get3A_14 = arith.constant 0 : index
    %get3A_15 = arith.constant 0 : index
    %get3A_16 = vector.load %arg6[%get3A_14, %get3A_15] : memref<64x64xf32, #tpu.memory_space<vmem>>, vector<64x64xf32>
    %slice3A = vector.extract_strided_slice %get3A_1 {offsets = [0, 0], sizes = [2048, 1], strides = [1, 1]} : vector<2048x3xf32> to vector<2048x1xf32>
    %slice3A_17 = vector.extract_strided_slice %get3A_1 {offsets = [0, 1], sizes = [2048, 1], strides = [1, 1]} : vector<2048x3xf32> to vector<2048x1xf32>
    %slice3A_18 = vector.extract_strided_slice %get3A_1 {offsets = [0, 2], sizes = [2048, 1], strides = [1, 1]} : vector<2048x3xf32> to vector<2048x1xf32>
    %mul3A = arith.mulf %slice3A, %slice3A : vector<2048x1xf32>
    %mul3A_19 = arith.mulf %slice3A_17, %slice3A_17 : vector<2048x1xf32>
    %add3A = arith.addf %mul3A, %mul3A_19 : vector<2048x1xf32>
    %mul3A_20 = arith.mulf %slice3A_18, %slice3A_18 : vector<2048x1xf32>
    %add3A_21 = arith.addf %add3A, %mul3A_20 : vector<2048x1xf32>
    %sqrt3A = math.sqrt %add3A_21 : vector<2048x1xf32>
    %max3A = arith.constant 9.99999971E-10 : f32
    %max3A_22 = vector.broadcast %max3A : f32 to vector<2048x1xf32>
    %max3A_23 = arith.maximumf %sqrt3A, %max3A_22 : vector<2048x1xf32>
    %iota3A = tpu.iota {dimensions = array<i32: 1>} : vector<1x8xi32>
    %convert_element_type3A = arith.sitofp %iota3A : vector<1x8xi32> to vector<1x8xf32>
    %add3A_24 = arith.constant 1.000000e+00 : f32
    %add3A_25 = vector.broadcast %add3A_24 : f32 to vector<1x8xf32>
    %add3A_26 = arith.addf %convert_element_type3A, %add3A_25 : vector<1x8xf32>
    %mul3A_27 = arith.constant 0.628318548 : f32
    %mul3A_28 = vector.broadcast %mul3A_27 : f32 to vector<1x8xf32>
    %mul3A_29 = arith.mulf %add3A_26, %mul3A_28 : vector<1x8xf32>
    %mul3A_30 = vector.broadcast %mul3A_29 : vector<1x8xf32> to vector<2048x8xf32>
    %mul3A_31 = vector.broadcast %max3A_23 : vector<2048x1xf32> to vector<2048x8xf32>
    %mul3A_32 = arith.mulf %mul3A_30, %mul3A_31 : vector<2048x8xf32>
    %sin3A = math.sin %mul3A_32 : vector<2048x8xf32>
    %mul3A_33 = arith.constant 0.632455527 : f32
    %mul3A_34 = vector.broadcast %mul3A_33 : f32 to vector<2048x8xf32>
    %mul3A_35 = arith.mulf %mul3A_34, %sin3A : vector<2048x8xf32>
    %div3A = vector.broadcast %max3A_23 : vector<2048x1xf32> to vector<2048x8xf32>
    %div3A_36 = arith.divf %mul3A_35, %div3A : vector<2048x8xf32>
    %mul3A_37 = arith.constant 2.000000e-01 : f32
    %mul3A_38 = vector.broadcast %mul3A_37 : f32 to vector<2048x1xf32>
    %mul3A_39 = arith.mulf %sqrt3A, %mul3A_38 : vector<2048x1xf32>
    %mul3A_40 = arith.mulf %mul3A_39, %mul3A_39 : vector<2048x1xf32>
    %mul3A_41 = arith.mulf %mul3A_40, %mul3A_39 : vector<2048x1xf32>
    %mul3A_42 = arith.mulf %mul3A_41, %mul3A_39 : vector<2048x1xf32>
    %mul3A_43 = arith.mulf %mul3A_42, %mul3A_39 : vector<2048x1xf32>
    %mul3A_44 = arith.constant 2.100000e+01 : f32
    %mul3A_45 = vector.broadcast %mul3A_44 : f32 to vector<2048x1xf32>
    %mul3A_46 = arith.mulf %mul3A_45, %mul3A_43 : vector<2048x1xf32>
    %sub3A = arith.constant 1.000000e+00 : f32
    %sub3A_47 = vector.broadcast %sub3A : f32 to vector<2048x1xf32>
    %sub3A_48 = arith.subf %sub3A_47, %mul3A_46 : vector<2048x1xf32>
    %mul3A_49 = arith.constant 3.500000e+01 : f32
    %mul3A_50 = vector.broadcast %mul3A_49 : f32 to vector<2048x1xf32>
    %mul3A_51 = arith.mulf %mul3A_50, %mul3A_43 : vector<2048x1xf32>
    %mul3A_52 = arith.mulf %mul3A_51, %mul3A_39 : vector<2048x1xf32>
    %add3A_53 = arith.addf %sub3A_48, %mul3A_52 : vector<2048x1xf32>
    %mul3A_54 = arith.constant 1.500000e+01 : f32
    %mul3A_55 = vector.broadcast %mul3A_54 : f32 to vector<2048x1xf32>
    %mul3A_56 = arith.mulf %mul3A_55, %mul3A_43 : vector<2048x1xf32>
    %mul3A_57 = arith.mulf %mul3A_56, %mul3A_39 : vector<2048x1xf32>
    %mul3A_58 = arith.mulf %mul3A_57, %mul3A_39 : vector<2048x1xf32>
    %sub3A_59 = arith.subf %add3A_53, %mul3A_58 : vector<2048x1xf32>
    %lt3A = arith.constant 5.000000e+00 : f32
    %lt3A_60 = vector.broadcast %lt3A : f32 to vector<2048x1xf32>
    %lt3A_61 = arith.cmpf olt, %sqrt3A, %lt3A_60 : vector<2048x1xf32>
    %jit3A = arith.constant 0.000000e+00 : f32
    %broadcast_in_dim3A = vector.broadcast %jit3A : f32 to vector<2048x1xf32>
    %select_n3A = arith.select %lt3A_61, %sub3A_59, %broadcast_in_dim3A : vector<2048x1xi1>, vector<2048x1xf32>
    %mul3A_62 = vector.broadcast %select_n3A : vector<2048x1xf32> to vector<2048x8xf32>
    %mul3A_63 = arith.mulf %div3A_36, %mul3A_62 : vector<2048x8xf32>
    %div3A_64 = arith.divf %slice3A, %max3A_23 : vector<2048x1xf32>
    %div3A_65 = arith.divf %slice3A_17, %max3A_23 : vector<2048x1xf32>
    %div3A_66 = arith.divf %slice3A_18, %max3A_23 : vector<2048x1xf32>
    %dot_general3A = arith.constant dense<0.000000e+00> : vector<2048x64xf32>
    %dot_general3A_67 = tpu.matmul %mul3A_63, %get3A_7, %dot_general3A {dimension_numbers = #tpu.dot_dimension_numbers<[1], [0], [0], [1], [0, 0, 1, 1], [], []>, transpose_lhs_hint = false} : vector<2048x8xf32>, vector<8x64xf32>, vector<2048x64xf32> -> vector<2048x64xf32>
    %logistic3A = arith.negf %dot_general3A_67 : vector<2048x64xf32>
    %logistic3A_68 = math.exp %logistic3A : vector<2048x64xf32>
    %logistic3A_69 = arith.constant 1.000000e+00 : f32
    %logistic3A_70 = vector.broadcast %logistic3A_69 : f32 to vector<2048x64xf32>
    %logistic3A_71 = arith.addf %logistic3A_70, %logistic3A_68 : vector<2048x64xf32>
    %logistic3A_72 = arith.divf %logistic3A_70, %logistic3A_71 : vector<2048x64xf32>
    %mul3A_73 = arith.mulf %dot_general3A_67, %logistic3A_72 : vector<2048x64xf32>
    %dot_general3A_74 = arith.constant dense<0.000000e+00> : vector<2048x64xf32>
    %dot_general3A_75 = tpu.matmul %mul3A_73, %get3A_10, %dot_general3A_74 {dimension_numbers = #tpu.dot_dimension_numbers<[1], [0], [0], [1], [0, 0, 1, 1], [], []>, transpose_lhs_hint = false} : vector<2048x64xf32>, vector<64x64xf32>, vector<2048x64xf32> -> vector<2048x64xf32>
    %logistic3A_76 = arith.negf %dot_general3A_75 : vector<2048x64xf32>
    %logistic3A_77 = math.exp %logistic3A_76 : vector<2048x64xf32>
    %logistic3A_78 = arith.constant 1.000000e+00 : f32
    %logistic3A_79 = vector.broadcast %logistic3A_78 : f32 to vector<2048x64xf32>
    %logistic3A_80 = arith.addf %logistic3A_79, %logistic3A_77 : vector<2048x64xf32>
    %logistic3A_81 = arith.divf %logistic3A_79, %logistic3A_80 : vector<2048x64xf32>
    %mul3A_82 = arith.mulf %dot_general3A_75, %logistic3A_81 : vector<2048x64xf32>
    %dot_general3A_83 = arith.constant dense<0.000000e+00> : vector<2048x64xf32>
    %dot_general3A_84 = tpu.matmul %mul3A_82, %get3A_13, %dot_general3A_83 {dimension_numbers = #tpu.dot_dimension_numbers<[1], [0], [0], [1], [0, 0, 1, 1], [], []>, transpose_lhs_hint = false} : vector<2048x64xf32>, vector<64x64xf32>, vector<2048x64xf32> -> vector<2048x64xf32>
    %logistic3A_85 = arith.negf %dot_general3A_84 : vector<2048x64xf32>
    %logistic3A_86 = math.exp %logistic3A_85 : vector<2048x64xf32>
    %logistic3A_87 = arith.constant 1.000000e+00 : f32
    %logistic3A_88 = vector.broadcast %logistic3A_87 : f32 to vector<2048x64xf32>
    %logistic3A_89 = arith.addf %logistic3A_88, %logistic3A_86 : vector<2048x64xf32>
    %logistic3A_90 = arith.divf %logistic3A_88, %logistic3A_89 : vector<2048x64xf32>
    %mul3A_91 = arith.mulf %dot_general3A_84, %logistic3A_90 : vector<2048x64xf32>
    %dot_general3A_92 = arith.constant dense<0.000000e+00> : vector<2048x64xf32>
    %dot_general3A_93 = tpu.matmul %mul3A_91, %get3A_16, %dot_general3A_92 {dimension_numbers = #tpu.dot_dimension_numbers<[1], [0], [0], [1], [0, 0, 1, 1], [], []>, transpose_lhs_hint = false} : vector<2048x64xf32>, vector<64x64xf32>, vector<2048x64xf32> -> vector<2048x64xf32>
    %slice3A_94 = vector.extract_strided_slice %dot_general3A_93 {offsets = [0, 0], sizes = [2048, 32], strides = [1, 1]} : vector<2048x64xf32> to vector<2048x32xf32>
    %slice3A_95 = vector.extract_strided_slice %dot_general3A_93 {offsets = [0, 32], sizes = [2048, 32], strides = [1, 1]} : vector<2048x64xf32> to vector<2048x32xf32>
    %mul3A_96 = arith.mulf %slice3A_95, %get3A_4 : vector<2048x32xf32>
    %mul3A_97 = arith.mulf %slice3A_94, %get3A_4 : vector<2048x32xf32>
    %mul3A_98 = vector.broadcast %div3A_64 : vector<2048x1xf32> to vector<2048x32xf32>
    %mul3A_99 = arith.mulf %mul3A_96, %mul3A_98 : vector<2048x32xf32>
    %mul3A_100 = vector.broadcast %div3A_65 : vector<2048x1xf32> to vector<2048x32xf32>
    %mul3A_101 = arith.mulf %mul3A_96, %mul3A_100 : vector<2048x32xf32>
    %mul3A_102 = vector.broadcast %div3A_66 : vector<2048x1xf32> to vector<2048x32xf32>
    %mul3A_103 = arith.mulf %mul3A_96, %mul3A_102 : vector<2048x32xf32>
    %concatenate3A = tpu.concatenate %mul3A_97, %mul3A_99, %mul3A_101, %mul3A_103 in 1 : vector<2048x32xf32>, vector<2048x32xf32>, vector<2048x32xf32>, vector<2048x32xf32> -> vector<2048x128xf32>
    %mul3A_104 = arith.constant 1.000000e-01 : f32
    %mul3A_105 = vector.broadcast %mul3A_104 : f32 to vector<2048x128xf32>
    %mul3A_106 = arith.mulf %concatenate3A, %mul3A_105 : vector<2048x128xf32>
    %swap3A = arith.constant 0 : index
    %swap3A_107 = arith.constant 0 : index
    %swap3A_108 = vector.load %arg7[%swap3A, %swap3A_107] : memref<2048x128xf32, #tpu.memory_space<vmem>>, vector<2048x128xf32>
    tpu.vector_store %arg7[%swap3A, %swap3A_107], %mul3A_106 {strides = array<i32>} : memref<2048x128xf32, #tpu.memory_space<vmem>>, vector<2048x128xf32>,
    return
  }
  func.func @transform_0(%arg0: i32) -> (i32, i32) {
    %c0_i32 = arith.constant 0 : i32
    %c0_i32_0 = arith.constant 0 : i32
    return %arg0, %c0_i32 : i32, i32
  }
  func.func @transform_1(%arg0: i32) -> (i32, i32) {
    %c0_i32 = arith.constant 0 : i32
    %c0_i32_0 = arith.constant 0 : i32
    return %arg0, %c0_i32 : i32, i32
  }
  func.func @transform_2(%arg0: i32) -> (i32, i32) {
    %c0_i32 = arith.constant 0 : i32
    %c0_i32_0 = arith.constant 0 : i32
    %c0_i32_1 = arith.constant 0 : i32
    return %c0_i32, %c0_i32_0 : i32, i32
  }
  func.func @transform_3(%arg0: i32) -> (i32, i32) {
    %c0_i32 = arith.constant 0 : i32
    %c0_i32_0 = arith.constant 0 : i32
    %c0_i32_1 = arith.constant 0 : i32
    return %c0_i32, %c0_i32_0 : i32, i32
  }
  func.func @transform_4(%arg0: i32) -> (i32, i32) {
    %c0_i32 = arith.constant 0 : i32
    %c0_i32_0 = arith.constant 0 : i32
    %c0_i32_1 = arith.constant 0 : i32
    return %c0_i32, %c0_i32_0 : i32, i32
  }
  func.func @transform_5(%arg0: i32) -> (i32, i32) {
    %c0_i32 = arith.constant 0 : i32
    %c0_i32_0 = arith.constant 0 : i32
    %c0_i32_1 = arith.constant 0 : i32
    return %c0_i32, %c0_i32_0 : i32, i32
  }
  func.func @transform_6(%arg0: i32) -> (i32, i32) {
    %c0_i32 = arith.constant 0 : i32
    %c0_i32_0 = arith.constant 0 : i32
    return %arg0, %c0_i32 : i32, i32
  }
}

module attributes {stable_mosaic.version = 14 : i64} {
  func.func @body(%arg0: i32, %arg1: memref<1000x128xf32, #tpu.memory_space<vmem>>, %arg2: memref<1000x128xf32, #tpu.memory_space<vmem>>, %arg3: memref<1x1x1000xf32, #tpu.memory_space<vmem>>, %arg4: memref<32x32xf32, #tpu.memory_space<vmem>>, %arg5: memref<32x32xf32, #tpu.memory_space<vmem>>, %arg6: memref<8x32x32xf32, #tpu.memory_space<vmem>>, %arg7: memref<8x64xf32, #tpu.memory_space<vmem>>, %arg8: memref<32x32xf32, #tpu.memory_space<vmem>>, %arg9: memref<32x32xf32, #tpu.memory_space<vmem>>, %arg10: memref<32x1xf32, #tpu.memory_space<vmem>>, %arg11: memref<32x32xf32, #tpu.memory_space<vmem>>, %arg12: memref<32x32xf32, #tpu.memory_space<vmem>>, %arg13: memref<1000x128xf32, #tpu.memory_space<vmem>>, %arg14: memref<1000x1xf32, #tpu.memory_space<vmem>>) attributes {dimension_semantics = [#tpu.dimension_semantics<arbitrary>], iteration_bounds = array<i64: 10>, scalar_prefetch = 0 : i64, scratch_operands = 0 : i64, tpu.core_type = #tpu.core_type<tc>, window_params = [{transform_indices = @transform_0, window_bounds = array<i64: 1000, 128>}, {transform_indices = @transform_1, window_bounds = array<i64: 1000, 128>}, {transform_indices = @transform_2, window_bounds = array<i64: 1, 1, 1000>}, {pipeline_mode = #tpu.pipeline_mode<synchronous>, transform_indices = @transform_3, window_bounds = array<i64: 32, 32>}, {pipeline_mode = #tpu.pipeline_mode<synchronous>, transform_indices = @transform_4, window_bounds = array<i64: 32, 32>}, {pipeline_mode = #tpu.pipeline_mode<synchronous>, transform_indices = @transform_5, window_bounds = array<i64: 8, 32, 32>}, {pipeline_mode = #tpu.pipeline_mode<synchronous>, transform_indices = @transform_6, window_bounds = array<i64: 8, 64>}, {pipeline_mode = #tpu.pipeline_mode<synchronous>, transform_indices = @transform_7, window_bounds = array<i64: 32, 32>}, {pipeline_mode = #tpu.pipeline_mode<synchronous>, transform_indices = @transform_8, window_bounds = array<i64: 32, 32>}, {pipeline_mode = #tpu.pipeline_mode<synchronous>, transform_indices = @transform_9, window_bounds = array<i64: 32, 1>}, {pipeline_mode = #tpu.pipeline_mode<synchronous>, transform_indices = @transform_10, window_bounds = array<i64: 32, 32>}, {pipeline_mode = #tpu.pipeline_mode<synchronous>, transform_indices = @transform_11, window_bounds = array<i64: 32, 32>}, {transform_indices = @transform_12, window_bounds = array<i64: 1000, 128>}, {transform_indices = @transform_13, window_bounds = array<i64: 1000, 1>}]} {
    %get3A = arith.constant 0 : index
    %get3A_0 = arith.constant 0 : index
    %get3A_1 = vector.load %arg1[%get3A, %get3A_0] : memref<1000x128xf32, #tpu.memory_space<vmem>>, vector<1000x128xf32>
    %get3A_2 = arith.constant 0 : index
    %get3A_3 = arith.constant 0 : index
    %get3A_4 = vector.load %arg2[%get3A_2, %get3A_3] : memref<1000x128xf32, #tpu.memory_space<vmem>>, vector<1000x128xf32>
    %add3A = arith.addf %get3A_1, %get3A_4 : vector<1000x128xf32>
    %get3A_5 = arith.constant 0 : index
    %get3A_6 = arith.constant 0 : index
    %get3A_7 = arith.constant 0 : index
    %get3A_8 = vector.load %arg3[%get3A_5, %get3A_6, %get3A_7] : memref<1x1x1000xf32, #tpu.memory_space<vmem>>, vector<1x1x1000xf32>
    %get3A_9 = vector.shape_cast %get3A_8 : vector<1x1x1000xf32> to vector<1000xf32>
    %iota3A = tpu.iota {dimensions = array<i32: 1>} : vector<1000x8xi32>
    %convert_element_type3A = arith.sitofp %iota3A : vector<1000x8xi32> to vector<1000x8xf32>
    %broadcast_in_dim3A = vector.shape_cast %get3A_9 : vector<1000xf32> to vector<1000x1xf32>
    %eq3A = vector.broadcast %broadcast_in_dim3A : vector<1000x1xf32> to vector<1000x8xf32>
    %eq3A_10 = arith.cmpf oeq, %eq3A, %convert_element_type3A : vector<1000x8xf32>
    %jit3A = arith.constant 1.000000e+00 : f32
    %jit3A_11 = arith.constant 0.000000e+00 : f32
    %broadcast_in_dim3A_12 = vector.broadcast %jit3A : f32 to vector<1000x8xf32>
    %broadcast_in_dim3A_13 = vector.broadcast %jit3A_11 : f32 to vector<1000x8xf32>
    %select_n3A = arith.select %eq3A_10, %broadcast_in_dim3A_12, %broadcast_in_dim3A_13 : vector<1000x8xi1>, vector<1000x8xf32>
    %get3A_14 = arith.constant 0 : index
    %get3A_15 = arith.constant 0 : index
    %get3A_16 = vector.load %arg4[%get3A_14, %get3A_15] : memref<32x32xf32, #tpu.memory_space<vmem>>, vector<32x32xf32>
    %get3A_17 = arith.constant 0 : index
    %get3A_18 = arith.constant 0 : index
    %get3A_19 = vector.load %arg5[%get3A_17, %get3A_18] : memref<32x32xf32, #tpu.memory_space<vmem>>, vector<32x32xf32>
    %get3A_20 = arith.constant 0 : index
    %get3A_21 = arith.constant 0 : index
    %get3A_22 = arith.constant 0 : index
    %get3A_23 = vector.load %arg6[%get3A_20, %get3A_21, %get3A_22] : memref<8x32x32xf32, #tpu.memory_space<vmem>>, vector<8x32x32xf32>
    %get3A_24 = arith.constant 0 : index
    %get3A_25 = arith.constant 0 : index
    %get3A_26 = vector.load %arg7[%get3A_24, %get3A_25] : memref<8x64xf32, #tpu.memory_space<vmem>>, vector<8x64xf32>
    %get3A_27 = arith.constant 0 : index
    %get3A_28 = arith.constant 0 : index
    %get3A_29 = vector.load %arg8[%get3A_27, %get3A_28] : memref<32x32xf32, #tpu.memory_space<vmem>>, vector<32x32xf32>
    %get3A_30 = arith.constant 0 : index
    %get3A_31 = arith.constant 0 : index
    %get3A_32 = vector.load %arg9[%get3A_30, %get3A_31] : memref<32x32xf32, #tpu.memory_space<vmem>>, vector<32x32xf32>
    %get3A_33 = arith.constant 0 : index
    %get3A_34 = arith.constant 0 : index
    %get3A_35 = vector.load %arg10[%get3A_33, %get3A_34] : memref<32x1xf32, #tpu.memory_space<vmem>>, vector<32x1xf32>
    %get3A_36 = arith.constant 0 : index
    %get3A_37 = arith.constant 0 : index
    %get3A_38 = vector.load %arg11[%get3A_36, %get3A_37] : memref<32x32xf32, #tpu.memory_space<vmem>>, vector<32x32xf32>
    %get3A_39 = arith.constant 0 : index
    %get3A_40 = arith.constant 0 : index
    %get3A_41 = vector.load %arg12[%get3A_39, %get3A_40] : memref<32x32xf32, #tpu.memory_space<vmem>>, vector<32x32xf32>
    %slice3A = vector.extract_strided_slice %add3A {offsets = [0, 0], sizes = [1000, 32], strides = [1, 1]} : vector<1000x128xf32> to vector<1000x32xf32>
    %slice3A_42 = vector.extract_strided_slice %add3A {offsets = [0, 32], sizes = [1000, 32], strides = [1, 1]} : vector<1000x128xf32> to vector<1000x32xf32>
    %slice3A_43 = vector.extract_strided_slice %add3A {offsets = [0, 64], sizes = [1000, 32], strides = [1, 1]} : vector<1000x128xf32> to vector<1000x32xf32>
    %slice3A_44 = vector.extract_strided_slice %add3A {offsets = [0, 96], sizes = [1000, 32], strides = [1, 1]} : vector<1000x128xf32> to vector<1000x32xf32>
    %dot_general3A = arith.constant dense<0.000000e+00> : vector<1000x32xf32>
    %dot_general3A_45 = tpu.matmul %slice3A, %get3A_16, %dot_general3A {dimension_numbers = #tpu.dot_dimension_numbers<[1], [0], [0], [1], [0, 0, 1, 1], [], []>, transpose_lhs_hint = false} : vector<1000x32xf32>, vector<32x32xf32>, vector<1000x32xf32> -> vector<1000x32xf32>
    %dot_general3A_46 = arith.constant dense<0.000000e+00> : vector<1000x32xf32>
    %dot_general3A_47 = tpu.matmul %slice3A_42, %get3A_19, %dot_general3A_46 {dimension_numbers = #tpu.dot_dimension_numbers<[1], [0], [0], [1], [0, 0, 1, 1], [], []>, transpose_lhs_hint = false} : vector<1000x32xf32>, vector<32x32xf32>, vector<1000x32xf32> -> vector<1000x32xf32>
    %dot_general3A_48 = arith.constant dense<0.000000e+00> : vector<1000x32xf32>
    %dot_general3A_49 = tpu.matmul %slice3A_43, %get3A_19, %dot_general3A_48 {dimension_numbers = #tpu.dot_dimension_numbers<[1], [0], [0], [1], [0, 0, 1, 1], [], []>, transpose_lhs_hint = false} : vector<1000x32xf32>, vector<32x32xf32>, vector<1000x32xf32> -> vector<1000x32xf32>
    %dot_general3A_50 = arith.constant dense<0.000000e+00> : vector<1000x32xf32>
    %dot_general3A_51 = tpu.matmul %slice3A_44, %get3A_19, %dot_general3A_50 {dimension_numbers = #tpu.dot_dimension_numbers<[1], [0], [0], [1], [0, 0, 1, 1], [], []>, transpose_lhs_hint = false} : vector<1000x32xf32>, vector<32x32xf32>, vector<1000x32xf32> -> vector<1000x32xf32>
    %broadcast_in_dim3A_52 = arith.constant 0.000000e+00 : f32
    %broadcast_in_dim3A_53 = vector.broadcast %broadcast_in_dim3A_52 : f32 to vector<1000x32xf32>
    %slice3A_54 = vector.extract_strided_slice %select_n3A {offsets = [0, 0], sizes = [1000, 1], strides = [1, 1]} : vector<1000x8xf32> to vector<1000x1xf32>
    %slice3A_55 = vector.extract_strided_slice %get3A_23 {offsets = [0, 0, 0], sizes = [1, 32, 32], strides = [1, 1, 1]} : vector<8x32x32xf32> to vector<1x32x32xf32>
    %squeeze3A = vector.shape_cast %slice3A_55 : vector<1x32x32xf32> to vector<32x32xf32>
    %dot_general3A_56 = arith.constant dense<0.000000e+00> : vector<1000x32xf32>
    %dot_general3A_57 = tpu.matmul %dot_general3A_45, %squeeze3A, %dot_general3A_56 {dimension_numbers = #tpu.dot_dimension_numbers<[1], [0], [0], [1], [0, 0, 1, 1], [], []>, transpose_lhs_hint = false} : vector<1000x32xf32>, vector<32x32xf32>, vector<1000x32xf32> -> vector<1000x32xf32>
    %mul3A = vector.broadcast %slice3A_54 : vector<1000x1xf32> to vector<1000x32xf32>
    %mul3A_58 = arith.mulf %mul3A, %dot_general3A_57 : vector<1000x32xf32>
    %add3A_59 = arith.addf %broadcast_in_dim3A_53, %mul3A_58 : vector<1000x32xf32>
    %slice3A_60 = vector.extract_strided_slice %select_n3A {offsets = [0, 1], sizes = [1000, 1], strides = [1, 1]} : vector<1000x8xf32> to vector<1000x1xf32>
    %slice3A_61 = vector.extract_strided_slice %get3A_23 {offsets = [1, 0, 0], sizes = [1, 32, 32], strides = [1, 1, 1]} : vector<8x32x32xf32> to vector<1x32x32xf32>
    %squeeze3A_62 = vector.shape_cast %slice3A_61 : vector<1x32x32xf32> to vector<32x32xf32>
    %dot_general3A_63 = arith.constant dense<0.000000e+00> : vector<1000x32xf32>
    %dot_general3A_64 = tpu.matmul %dot_general3A_45, %squeeze3A_62, %dot_general3A_63 {dimension_numbers = #tpu.dot_dimension_numbers<[1], [0], [0], [1], [0, 0, 1, 1], [], []>, transpose_lhs_hint = false} : vector<1000x32xf32>, vector<32x32xf32>, vector<1000x32xf32> -> vector<1000x32xf32>
    %mul3A_65 = vector.broadcast %slice3A_60 : vector<1000x1xf32> to vector<1000x32xf32>
    %mul3A_66 = arith.mulf %mul3A_65, %dot_general3A_64 : vector<1000x32xf32>
    %add3A_67 = arith.addf %add3A_59, %mul3A_66 : vector<1000x32xf32>
    %slice3A_68 = vector.extract_strided_slice %select_n3A {offsets = [0, 2], sizes = [1000, 1], strides = [1, 1]} : vector<1000x8xf32> to vector<1000x1xf32>
    %slice3A_69 = vector.extract_strided_slice %get3A_23 {offsets = [2, 0, 0], sizes = [1, 32, 32], strides = [1, 1, 1]} : vector<8x32x32xf32> to vector<1x32x32xf32>
    %squeeze3A_70 = vector.shape_cast %slice3A_69 : vector<1x32x32xf32> to vector<32x32xf32>
    %dot_general3A_71 = arith.constant dense<0.000000e+00> : vector<1000x32xf32>
    %dot_general3A_72 = tpu.matmul %dot_general3A_45, %squeeze3A_70, %dot_general3A_71 {dimension_numbers = #tpu.dot_dimension_numbers<[1], [0], [0], [1], [0, 0, 1, 1], [], []>, transpose_lhs_hint = false} : vector<1000x32xf32>, vector<32x32xf32>, vector<1000x32xf32> -> vector<1000x32xf32>
    %mul3A_73 = vector.broadcast %slice3A_68 : vector<1000x1xf32> to vector<1000x32xf32>
    %mul3A_74 = arith.mulf %mul3A_73, %dot_general3A_72 : vector<1000x32xf32>
    %add3A_75 = arith.addf %add3A_67, %mul3A_74 : vector<1000x32xf32>
    %slice3A_76 = vector.extract_strided_slice %select_n3A {offsets = [0, 3], sizes = [1000, 1], strides = [1, 1]} : vector<1000x8xf32> to vector<1000x1xf32>
    %slice3A_77 = vector.extract_strided_slice %get3A_23 {offsets = [3, 0, 0], sizes = [1, 32, 32], strides = [1, 1, 1]} : vector<8x32x32xf32> to vector<1x32x32xf32>
    %squeeze3A_78 = vector.shape_cast %slice3A_77 : vector<1x32x32xf32> to vector<32x32xf32>
    %dot_general3A_79 = arith.constant dense<0.000000e+00> : vector<1000x32xf32>
    %dot_general3A_80 = tpu.matmul %dot_general3A_45, %squeeze3A_78, %dot_general3A_79 {dimension_numbers = #tpu.dot_dimension_numbers<[1], [0], [0], [1], [0, 0, 1, 1], [], []>, transpose_lhs_hint = false} : vector<1000x32xf32>, vector<32x32xf32>, vector<1000x32xf32> -> vector<1000x32xf32>
    %mul3A_81 = vector.broadcast %slice3A_76 : vector<1000x1xf32> to vector<1000x32xf32>
    %mul3A_82 = arith.mulf %mul3A_81, %dot_general3A_80 : vector<1000x32xf32>
    %add3A_83 = arith.addf %add3A_75, %mul3A_82 : vector<1000x32xf32>
    %slice3A_84 = vector.extract_strided_slice %select_n3A {offsets = [0, 4], sizes = [1000, 1], strides = [1, 1]} : vector<1000x8xf32> to vector<1000x1xf32>
    %slice3A_85 = vector.extract_strided_slice %get3A_23 {offsets = [4, 0, 0], sizes = [1, 32, 32], strides = [1, 1, 1]} : vector<8x32x32xf32> to vector<1x32x32xf32>
    %squeeze3A_86 = vector.shape_cast %slice3A_85 : vector<1x32x32xf32> to vector<32x32xf32>
    %dot_general3A_87 = arith.constant dense<0.000000e+00> : vector<1000x32xf32>
    %dot_general3A_88 = tpu.matmul %dot_general3A_45, %squeeze3A_86, %dot_general3A_87 {dimension_numbers = #tpu.dot_dimension_numbers<[1], [0], [0], [1], [0, 0, 1, 1], [], []>, transpose_lhs_hint = false} : vector<1000x32xf32>, vector<32x32xf32>, vector<1000x32xf32> -> vector<1000x32xf32>
    %mul3A_89 = vector.broadcast %slice3A_84 : vector<1000x1xf32> to vector<1000x32xf32>
    %mul3A_90 = arith.mulf %mul3A_89, %dot_general3A_88 : vector<1000x32xf32>
    %add3A_91 = arith.addf %add3A_83, %mul3A_90 : vector<1000x32xf32>
    %slice3A_92 = vector.extract_strided_slice %select_n3A {offsets = [0, 5], sizes = [1000, 1], strides = [1, 1]} : vector<1000x8xf32> to vector<1000x1xf32>
    %slice3A_93 = vector.extract_strided_slice %get3A_23 {offsets = [5, 0, 0], sizes = [1, 32, 32], strides = [1, 1, 1]} : vector<8x32x32xf32> to vector<1x32x32xf32>
    %squeeze3A_94 = vector.shape_cast %slice3A_93 : vector<1x32x32xf32> to vector<32x32xf32>
    %dot_general3A_95 = arith.constant dense<0.000000e+00> : vector<1000x32xf32>
    %dot_general3A_96 = tpu.matmul %dot_general3A_45, %squeeze3A_94, %dot_general3A_95 {dimension_numbers = #tpu.dot_dimension_numbers<[1], [0], [0], [1], [0, 0, 1, 1], [], []>, transpose_lhs_hint = false} : vector<1000x32xf32>, vector<32x32xf32>, vector<1000x32xf32> -> vector<1000x32xf32>
    %mul3A_97 = vector.broadcast %slice3A_92 : vector<1000x1xf32> to vector<1000x32xf32>
    %mul3A_98 = arith.mulf %mul3A_97, %dot_general3A_96 : vector<1000x32xf32>
    %add3A_99 = arith.addf %add3A_91, %mul3A_98 : vector<1000x32xf32>
    %slice3A_100 = vector.extract_strided_slice %select_n3A {offsets = [0, 6], sizes = [1000, 1], strides = [1, 1]} : vector<1000x8xf32> to vector<1000x1xf32>
    %slice3A_101 = vector.extract_strided_slice %get3A_23 {offsets = [6, 0, 0], sizes = [1, 32, 32], strides = [1, 1, 1]} : vector<8x32x32xf32> to vector<1x32x32xf32>
    %squeeze3A_102 = vector.shape_cast %slice3A_101 : vector<1x32x32xf32> to vector<32x32xf32>
    %dot_general3A_103 = arith.constant dense<0.000000e+00> : vector<1000x32xf32>
    %dot_general3A_104 = tpu.matmul %dot_general3A_45, %squeeze3A_102, %dot_general3A_103 {dimension_numbers = #tpu.dot_dimension_numbers<[1], [0], [0], [1], [0, 0, 1, 1], [], []>, transpose_lhs_hint = false} : vector<1000x32xf32>, vector<32x32xf32>, vector<1000x32xf32> -> vector<1000x32xf32>
    %mul3A_105 = vector.broadcast %slice3A_100 : vector<1000x1xf32> to vector<1000x32xf32>
    %mul3A_106 = arith.mulf %mul3A_105, %dot_general3A_104 : vector<1000x32xf32>
    %add3A_107 = arith.addf %add3A_99, %mul3A_106 : vector<1000x32xf32>
    %slice3A_108 = vector.extract_strided_slice %select_n3A {offsets = [0, 7], sizes = [1000, 1], strides = [1, 1]} : vector<1000x8xf32> to vector<1000x1xf32>
    %slice3A_109 = vector.extract_strided_slice %get3A_23 {offsets = [7, 0, 0], sizes = [1, 32, 32], strides = [1, 1, 1]} : vector<8x32x32xf32> to vector<1x32x32xf32>
    %squeeze3A_110 = vector.shape_cast %slice3A_109 : vector<1x32x32xf32> to vector<32x32xf32>
    %dot_general3A_111 = arith.constant dense<0.000000e+00> : vector<1000x32xf32>
    %dot_general3A_112 = tpu.matmul %dot_general3A_45, %squeeze3A_110, %dot_general3A_111 {dimension_numbers = #tpu.dot_dimension_numbers<[1], [0], [0], [1], [0, 0, 1, 1], [], []>, transpose_lhs_hint = false} : vector<1000x32xf32>, vector<32x32xf32>, vector<1000x32xf32> -> vector<1000x32xf32>
    %mul3A_113 = vector.broadcast %slice3A_108 : vector<1000x1xf32> to vector<1000x32xf32>
    %mul3A_114 = arith.mulf %mul3A_113, %dot_general3A_112 : vector<1000x32xf32>
    %add3A_115 = arith.addf %add3A_107, %mul3A_114 : vector<1000x32xf32>
    %mul3A_116 = arith.constant 0.353553385 : f32
    %mul3A_117 = vector.broadcast %mul3A_116 : f32 to vector<1000x32xf32>
    %mul3A_118 = arith.mulf %add3A_115, %mul3A_117 : vector<1000x32xf32>
    %broadcast_in_dim3A_119 = arith.constant 0.000000e+00 : f32
    %broadcast_in_dim3A_120 = vector.broadcast %broadcast_in_dim3A_119 : f32 to vector<1000x32xf32>
    %slice3A_121 = vector.extract_strided_slice %select_n3A {offsets = [0, 0], sizes = [1000, 1], strides = [1, 1]} : vector<1000x8xf32> to vector<1000x1xf32>
    %slice3A_122 = vector.extract_strided_slice %get3A_23 {offsets = [0, 0, 0], sizes = [1, 32, 32], strides = [1, 1, 1]} : vector<8x32x32xf32> to vector<1x32x32xf32>
    %squeeze3A_123 = vector.shape_cast %slice3A_122 : vector<1x32x32xf32> to vector<32x32xf32>
    %dot_general3A_124 = arith.constant dense<0.000000e+00> : vector<1000x32xf32>
    %dot_general3A_125 = tpu.matmul %dot_general3A_47, %squeeze3A_123, %dot_general3A_124 {dimension_numbers = #tpu.dot_dimension_numbers<[1], [0], [0], [1], [0, 0, 1, 1], [], []>, transpose_lhs_hint = false} : vector<1000x32xf32>, vector<32x32xf32>, vector<1000x32xf32> -> vector<1000x32xf32>
    %mul3A_126 = vector.broadcast %slice3A_121 : vector<1000x1xf32> to vector<1000x32xf32>
    %mul3A_127 = arith.mulf %mul3A_126, %dot_general3A_125 : vector<1000x32xf32>
    %add3A_128 = arith.addf %broadcast_in_dim3A_120, %mul3A_127 : vector<1000x32xf32>
    %slice3A_129 = vector.extract_strided_slice %select_n3A {offsets = [0, 1], sizes = [1000, 1], strides = [1, 1]} : vector<1000x8xf32> to vector<1000x1xf32>
    %slice3A_130 = vector.extract_strided_slice %get3A_23 {offsets = [1, 0, 0], sizes = [1, 32, 32], strides = [1, 1, 1]} : vector<8x32x32xf32> to vector<1x32x32xf32>
    %squeeze3A_131 = vector.shape_cast %slice3A_130 : vector<1x32x32xf32> to vector<32x32xf32>
    %dot_general3A_132 = arith.constant dense<0.000000e+00> : vector<1000x32xf32>
    %dot_general3A_133 = tpu.matmul %dot_general3A_47, %squeeze3A_131, %dot_general3A_132 {dimension_numbers = #tpu.dot_dimension_numbers<[1], [0], [0], [1], [0, 0, 1, 1], [], []>, transpose_lhs_hint = false} : vector<1000x32xf32>, vector<32x32xf32>, vector<1000x32xf32> -> vector<1000x32xf32>
    %mul3A_134 = vector.broadcast %slice3A_129 : vector<1000x1xf32> to vector<1000x32xf32>
    %mul3A_135 = arith.mulf %mul3A_134, %dot_general3A_133 : vector<1000x32xf32>
    %add3A_136 = arith.addf %add3A_128, %mul3A_135 : vector<1000x32xf32>
    %slice3A_137 = vector.extract_strided_slice %select_n3A {offsets = [0, 2], sizes = [1000, 1], strides = [1, 1]} : vector<1000x8xf32> to vector<1000x1xf32>
    %slice3A_138 = vector.extract_strided_slice %get3A_23 {offsets = [2, 0, 0], sizes = [1, 32, 32], strides = [1, 1, 1]} : vector<8x32x32xf32> to vector<1x32x32xf32>
    %squeeze3A_139 = vector.shape_cast %slice3A_138 : vector<1x32x32xf32> to vector<32x32xf32>
    %dot_general3A_140 = arith.constant dense<0.000000e+00> : vector<1000x32xf32>
    %dot_general3A_141 = tpu.matmul %dot_general3A_47, %squeeze3A_139, %dot_general3A_140 {dimension_numbers = #tpu.dot_dimension_numbers<[1], [0], [0], [1], [0, 0, 1, 1], [], []>, transpose_lhs_hint = false} : vector<1000x32xf32>, vector<32x32xf32>, vector<1000x32xf32> -> vector<1000x32xf32>
    %mul3A_142 = vector.broadcast %slice3A_137 : vector<1000x1xf32> to vector<1000x32xf32>
    %mul3A_143 = arith.mulf %mul3A_142, %dot_general3A_141 : vector<1000x32xf32>
    %add3A_144 = arith.addf %add3A_136, %mul3A_143 : vector<1000x32xf32>
    %slice3A_145 = vector.extract_strided_slice %select_n3A {offsets = [0, 3], sizes = [1000, 1], strides = [1, 1]} : vector<1000x8xf32> to vector<1000x1xf32>
    %slice3A_146 = vector.extract_strided_slice %get3A_23 {offsets = [3, 0, 0], sizes = [1, 32, 32], strides = [1, 1, 1]} : vector<8x32x32xf32> to vector<1x32x32xf32>
    %squeeze3A_147 = vector.shape_cast %slice3A_146 : vector<1x32x32xf32> to vector<32x32xf32>
    %dot_general3A_148 = arith.constant dense<0.000000e+00> : vector<1000x32xf32>
    %dot_general3A_149 = tpu.matmul %dot_general3A_47, %squeeze3A_147, %dot_general3A_148 {dimension_numbers = #tpu.dot_dimension_numbers<[1], [0], [0], [1], [0, 0, 1, 1], [], []>, transpose_lhs_hint = false} : vector<1000x32xf32>, vector<32x32xf32>, vector<1000x32xf32> -> vector<1000x32xf32>
    %mul3A_150 = vector.broadcast %slice3A_145 : vector<1000x1xf32> to vector<1000x32xf32>
    %mul3A_151 = arith.mulf %mul3A_150, %dot_general3A_149 : vector<1000x32xf32>
    %add3A_152 = arith.addf %add3A_144, %mul3A_151 : vector<1000x32xf32>
    %slice3A_153 = vector.extract_strided_slice %select_n3A {offsets = [0, 4], sizes = [1000, 1], strides = [1, 1]} : vector<1000x8xf32> to vector<1000x1xf32>
    %slice3A_154 = vector.extract_strided_slice %get3A_23 {offsets = [4, 0, 0], sizes = [1, 32, 32], strides = [1, 1, 1]} : vector<8x32x32xf32> to vector<1x32x32xf32>
    %squeeze3A_155 = vector.shape_cast %slice3A_154 : vector<1x32x32xf32> to vector<32x32xf32>
    %dot_general3A_156 = arith.constant dense<0.000000e+00> : vector<1000x32xf32>
    %dot_general3A_157 = tpu.matmul %dot_general3A_47, %squeeze3A_155, %dot_general3A_156 {dimension_numbers = #tpu.dot_dimension_numbers<[1], [0], [0], [1], [0, 0, 1, 1], [], []>, transpose_lhs_hint = false} : vector<1000x32xf32>, vector<32x32xf32>, vector<1000x32xf32> -> vector<1000x32xf32>
    %mul3A_158 = vector.broadcast %slice3A_153 : vector<1000x1xf32> to vector<1000x32xf32>
    %mul3A_159 = arith.mulf %mul3A_158, %dot_general3A_157 : vector<1000x32xf32>
    %add3A_160 = arith.addf %add3A_152, %mul3A_159 : vector<1000x32xf32>
    %slice3A_161 = vector.extract_strided_slice %select_n3A {offsets = [0, 5], sizes = [1000, 1], strides = [1, 1]} : vector<1000x8xf32> to vector<1000x1xf32>
    %slice3A_162 = vector.extract_strided_slice %get3A_23 {offsets = [5, 0, 0], sizes = [1, 32, 32], strides = [1, 1, 1]} : vector<8x32x32xf32> to vector<1x32x32xf32>
    %squeeze3A_163 = vector.shape_cast %slice3A_162 : vector<1x32x32xf32> to vector<32x32xf32>
    %dot_general3A_164 = arith.constant dense<0.000000e+00> : vector<1000x32xf32>
    %dot_general3A_165 = tpu.matmul %dot_general3A_47, %squeeze3A_163, %dot_general3A_164 {dimension_numbers = #tpu.dot_dimension_numbers<[1], [0], [0], [1], [0, 0, 1, 1], [], []>, transpose_lhs_hint = false} : vector<1000x32xf32>, vector<32x32xf32>, vector<1000x32xf32> -> vector<1000x32xf32>
    %mul3A_166 = vector.broadcast %slice3A_161 : vector<1000x1xf32> to vector<1000x32xf32>
    %mul3A_167 = arith.mulf %mul3A_166, %dot_general3A_165 : vector<1000x32xf32>
    %add3A_168 = arith.addf %add3A_160, %mul3A_167 : vector<1000x32xf32>
    %slice3A_169 = vector.extract_strided_slice %select_n3A {offsets = [0, 6], sizes = [1000, 1], strides = [1, 1]} : vector<1000x8xf32> to vector<1000x1xf32>
    %slice3A_170 = vector.extract_strided_slice %get3A_23 {offsets = [6, 0, 0], sizes = [1, 32, 32], strides = [1, 1, 1]} : vector<8x32x32xf32> to vector<1x32x32xf32>
    %squeeze3A_171 = vector.shape_cast %slice3A_170 : vector<1x32x32xf32> to vector<32x32xf32>
    %dot_general3A_172 = arith.constant dense<0.000000e+00> : vector<1000x32xf32>
    %dot_general3A_173 = tpu.matmul %dot_general3A_47, %squeeze3A_171, %dot_general3A_172 {dimension_numbers = #tpu.dot_dimension_numbers<[1], [0], [0], [1], [0, 0, 1, 1], [], []>, transpose_lhs_hint = false} : vector<1000x32xf32>, vector<32x32xf32>, vector<1000x32xf32> -> vector<1000x32xf32>
    %mul3A_174 = vector.broadcast %slice3A_169 : vector<1000x1xf32> to vector<1000x32xf32>
    %mul3A_175 = arith.mulf %mul3A_174, %dot_general3A_173 : vector<1000x32xf32>
    %add3A_176 = arith.addf %add3A_168, %mul3A_175 : vector<1000x32xf32>
    %slice3A_177 = vector.extract_strided_slice %select_n3A {offsets = [0, 7], sizes = [1000, 1], strides = [1, 1]} : vector<1000x8xf32> to vector<1000x1xf32>
    %slice3A_178 = vector.extract_strided_slice %get3A_23 {offsets = [7, 0, 0], sizes = [1, 32, 32], strides = [1, 1, 1]} : vector<8x32x32xf32> to vector<1x32x32xf32>
    %squeeze3A_179 = vector.shape_cast %slice3A_178 : vector<1x32x32xf32> to vector<32x32xf32>
    %dot_general3A_180 = arith.constant dense<0.000000e+00> : vector<1000x32xf32>
    %dot_general3A_181 = tpu.matmul %dot_general3A_47, %squeeze3A_179, %dot_general3A_180 {dimension_numbers = #tpu.dot_dimension_numbers<[1], [0], [0], [1], [0, 0, 1, 1], [], []>, transpose_lhs_hint = false} : vector<1000x32xf32>, vector<32x32xf32>, vector<1000x32xf32> -> vector<1000x32xf32>
    %mul3A_182 = vector.broadcast %slice3A_177 : vector<1000x1xf32> to vector<1000x32xf32>
    %mul3A_183 = arith.mulf %mul3A_182, %dot_general3A_181 : vector<1000x32xf32>
    %add3A_184 = arith.addf %add3A_176, %mul3A_183 : vector<1000x32xf32>
    %mul3A_185 = arith.constant 0.353553385 : f32
    %mul3A_186 = vector.broadcast %mul3A_185 : f32 to vector<1000x32xf32>
    %mul3A_187 = arith.mulf %add3A_184, %mul3A_186 : vector<1000x32xf32>
    %broadcast_in_dim3A_188 = arith.constant 0.000000e+00 : f32
    %broadcast_in_dim3A_189 = vector.broadcast %broadcast_in_dim3A_188 : f32 to vector<1000x32xf32>
    %slice3A_190 = vector.extract_strided_slice %select_n3A {offsets = [0, 0], sizes = [1000, 1], strides = [1, 1]} : vector<1000x8xf32> to vector<1000x1xf32>
    %slice3A_191 = vector.extract_strided_slice %get3A_23 {offsets = [0, 0, 0], sizes = [1, 32, 32], strides = [1, 1, 1]} : vector<8x32x32xf32> to vector<1x32x32xf32>
    %squeeze3A_192 = vector.shape_cast %slice3A_191 : vector<1x32x32xf32> to vector<32x32xf32>
    %dot_general3A_193 = arith.constant dense<0.000000e+00> : vector<1000x32xf32>
    %dot_general3A_194 = tpu.matmul %dot_general3A_49, %squeeze3A_192, %dot_general3A_193 {dimension_numbers = #tpu.dot_dimension_numbers<[1], [0], [0], [1], [0, 0, 1, 1], [], []>, transpose_lhs_hint = false} : vector<1000x32xf32>, vector<32x32xf32>, vector<1000x32xf32> -> vector<1000x32xf32>
    %mul3A_195 = vector.broadcast %slice3A_190 : vector<1000x1xf32> to vector<1000x32xf32>
    %mul3A_196 = arith.mulf %mul3A_195, %dot_general3A_194 : vector<1000x32xf32>
    %add3A_197 = arith.addf %broadcast_in_dim3A_189, %mul3A_196 : vector<1000x32xf32>
    %slice3A_198 = vector.extract_strided_slice %select_n3A {offsets = [0, 1], sizes = [1000, 1], strides = [1, 1]} : vector<1000x8xf32> to vector<1000x1xf32>
    %slice3A_199 = vector.extract_strided_slice %get3A_23 {offsets = [1, 0, 0], sizes = [1, 32, 32], strides = [1, 1, 1]} : vector<8x32x32xf32> to vector<1x32x32xf32>
    %squeeze3A_200 = vector.shape_cast %slice3A_199 : vector<1x32x32xf32> to vector<32x32xf32>
    %dot_general3A_201 = arith.constant dense<0.000000e+00> : vector<1000x32xf32>
    %dot_general3A_202 = tpu.matmul %dot_general3A_49, %squeeze3A_200, %dot_general3A_201 {dimension_numbers = #tpu.dot_dimension_numbers<[1], [0], [0], [1], [0, 0, 1, 1], [], []>, transpose_lhs_hint = false} : vector<1000x32xf32>, vector<32x32xf32>, vector<1000x32xf32> -> vector<1000x32xf32>
    %mul3A_203 = vector.broadcast %slice3A_198 : vector<1000x1xf32> to vector<1000x32xf32>
    %mul3A_204 = arith.mulf %mul3A_203, %dot_general3A_202 : vector<1000x32xf32>
    %add3A_205 = arith.addf %add3A_197, %mul3A_204 : vector<1000x32xf32>
    %slice3A_206 = vector.extract_strided_slice %select_n3A {offsets = [0, 2], sizes = [1000, 1], strides = [1, 1]} : vector<1000x8xf32> to vector<1000x1xf32>
    %slice3A_207 = vector.extract_strided_slice %get3A_23 {offsets = [2, 0, 0], sizes = [1, 32, 32], strides = [1, 1, 1]} : vector<8x32x32xf32> to vector<1x32x32xf32>
    %squeeze3A_208 = vector.shape_cast %slice3A_207 : vector<1x32x32xf32> to vector<32x32xf32>
    %dot_general3A_209 = arith.constant dense<0.000000e+00> : vector<1000x32xf32>
    %dot_general3A_210 = tpu.matmul %dot_general3A_49, %squeeze3A_208, %dot_general3A_209 {dimension_numbers = #tpu.dot_dimension_numbers<[1], [0], [0], [1], [0, 0, 1, 1], [], []>, transpose_lhs_hint = false} : vector<1000x32xf32>, vector<32x32xf32>, vector<1000x32xf32> -> vector<1000x32xf32>
    %mul3A_211 = vector.broadcast %slice3A_206 : vector<1000x1xf32> to vector<1000x32xf32>
    %mul3A_212 = arith.mulf %mul3A_211, %dot_general3A_210 : vector<1000x32xf32>
    %add3A_213 = arith.addf %add3A_205, %mul3A_212 : vector<1000x32xf32>
    %slice3A_214 = vector.extract_strided_slice %select_n3A {offsets = [0, 3], sizes = [1000, 1], strides = [1, 1]} : vector<1000x8xf32> to vector<1000x1xf32>
    %slice3A_215 = vector.extract_strided_slice %get3A_23 {offsets = [3, 0, 0], sizes = [1, 32, 32], strides = [1, 1, 1]} : vector<8x32x32xf32> to vector<1x32x32xf32>
    %squeeze3A_216 = vector.shape_cast %slice3A_215 : vector<1x32x32xf32> to vector<32x32xf32>
    %dot_general3A_217 = arith.constant dense<0.000000e+00> : vector<1000x32xf32>
    %dot_general3A_218 = tpu.matmul %dot_general3A_49, %squeeze3A_216, %dot_general3A_217 {dimension_numbers = #tpu.dot_dimension_numbers<[1], [0], [0], [1], [0, 0, 1, 1], [], []>, transpose_lhs_hint = false} : vector<1000x32xf32>, vector<32x32xf32>, vector<1000x32xf32> -> vector<1000x32xf32>
    %mul3A_219 = vector.broadcast %slice3A_214 : vector<1000x1xf32> to vector<1000x32xf32>
    %mul3A_220 = arith.mulf %mul3A_219, %dot_general3A_218 : vector<1000x32xf32>
    %add3A_221 = arith.addf %add3A_213, %mul3A_220 : vector<1000x32xf32>
    %slice3A_222 = vector.extract_strided_slice %select_n3A {offsets = [0, 4], sizes = [1000, 1], strides = [1, 1]} : vector<1000x8xf32> to vector<1000x1xf32>
    %slice3A_223 = vector.extract_strided_slice %get3A_23 {offsets = [4, 0, 0], sizes = [1, 32, 32], strides = [1, 1, 1]} : vector<8x32x32xf32> to vector<1x32x32xf32>
    %squeeze3A_224 = vector.shape_cast %slice3A_223 : vector<1x32x32xf32> to vector<32x32xf32>
    %dot_general3A_225 = arith.constant dense<0.000000e+00> : vector<1000x32xf32>
    %dot_general3A_226 = tpu.matmul %dot_general3A_49, %squeeze3A_224, %dot_general3A_225 {dimension_numbers = #tpu.dot_dimension_numbers<[1], [0], [0], [1], [0, 0, 1, 1], [], []>, transpose_lhs_hint = false} : vector<1000x32xf32>, vector<32x32xf32>, vector<1000x32xf32> -> vector<1000x32xf32>
    %mul3A_227 = vector.broadcast %slice3A_222 : vector<1000x1xf32> to vector<1000x32xf32>
    %mul3A_228 = arith.mulf %mul3A_227, %dot_general3A_226 : vector<1000x32xf32>
    %add3A_229 = arith.addf %add3A_221, %mul3A_228 : vector<1000x32xf32>
    %slice3A_230 = vector.extract_strided_slice %select_n3A {offsets = [0, 5], sizes = [1000, 1], strides = [1, 1]} : vector<1000x8xf32> to vector<1000x1xf32>
    %slice3A_231 = vector.extract_strided_slice %get3A_23 {offsets = [5, 0, 0], sizes = [1, 32, 32], strides = [1, 1, 1]} : vector<8x32x32xf32> to vector<1x32x32xf32>
    %squeeze3A_232 = vector.shape_cast %slice3A_231 : vector<1x32x32xf32> to vector<32x32xf32>
    %dot_general3A_233 = arith.constant dense<0.000000e+00> : vector<1000x32xf32>
    %dot_general3A_234 = tpu.matmul %dot_general3A_49, %squeeze3A_232, %dot_general3A_233 {dimension_numbers = #tpu.dot_dimension_numbers<[1], [0], [0], [1], [0, 0, 1, 1], [], []>, transpose_lhs_hint = false} : vector<1000x32xf32>, vector<32x32xf32>, vector<1000x32xf32> -> vector<1000x32xf32>
    %mul3A_235 = vector.broadcast %slice3A_230 : vector<1000x1xf32> to vector<1000x32xf32>
    %mul3A_236 = arith.mulf %mul3A_235, %dot_general3A_234 : vector<1000x32xf32>
    %add3A_237 = arith.addf %add3A_229, %mul3A_236 : vector<1000x32xf32>
    %slice3A_238 = vector.extract_strided_slice %select_n3A {offsets = [0, 6], sizes = [1000, 1], strides = [1, 1]} : vector<1000x8xf32> to vector<1000x1xf32>
    %slice3A_239 = vector.extract_strided_slice %get3A_23 {offsets = [6, 0, 0], sizes = [1, 32, 32], strides = [1, 1, 1]} : vector<8x32x32xf32> to vector<1x32x32xf32>
    %squeeze3A_240 = vector.shape_cast %slice3A_239 : vector<1x32x32xf32> to vector<32x32xf32>
    %dot_general3A_241 = arith.constant dense<0.000000e+00> : vector<1000x32xf32>
    %dot_general3A_242 = tpu.matmul %dot_general3A_49, %squeeze3A_240, %dot_general3A_241 {dimension_numbers = #tpu.dot_dimension_numbers<[1], [0], [0], [1], [0, 0, 1, 1], [], []>, transpose_lhs_hint = false} : vector<1000x32xf32>, vector<32x32xf32>, vector<1000x32xf32> -> vector<1000x32xf32>
    %mul3A_243 = vector.broadcast %slice3A_238 : vector<1000x1xf32> to vector<1000x32xf32>
    %mul3A_244 = arith.mulf %mul3A_243, %dot_general3A_242 : vector<1000x32xf32>
    %add3A_245 = arith.addf %add3A_237, %mul3A_244 : vector<1000x32xf32>
    %slice3A_246 = vector.extract_strided_slice %select_n3A {offsets = [0, 7], sizes = [1000, 1], strides = [1, 1]} : vector<1000x8xf32> to vector<1000x1xf32>
    %slice3A_247 = vector.extract_strided_slice %get3A_23 {offsets = [7, 0, 0], sizes = [1, 32, 32], strides = [1, 1, 1]} : vector<8x32x32xf32> to vector<1x32x32xf32>
    %squeeze3A_248 = vector.shape_cast %slice3A_247 : vector<1x32x32xf32> to vector<32x32xf32>
    %dot_general3A_249 = arith.constant dense<0.000000e+00> : vector<1000x32xf32>
    %dot_general3A_250 = tpu.matmul %dot_general3A_49, %squeeze3A_248, %dot_general3A_249 {dimension_numbers = #tpu.dot_dimension_numbers<[1], [0], [0], [1], [0, 0, 1, 1], [], []>, transpose_lhs_hint = false} : vector<1000x32xf32>, vector<32x32xf32>, vector<1000x32xf32> -> vector<1000x32xf32>
    %mul3A_251 = vector.broadcast %slice3A_246 : vector<1000x1xf32> to vector<1000x32xf32>
    %mul3A_252 = arith.mulf %mul3A_251, %dot_general3A_250 : vector<1000x32xf32>
    %add3A_253 = arith.addf %add3A_245, %mul3A_252 : vector<1000x32xf32>
    %mul3A_254 = arith.constant 0.353553385 : f32
    %mul3A_255 = vector.broadcast %mul3A_254 : f32 to vector<1000x32xf32>
    %mul3A_256 = arith.mulf %add3A_253, %mul3A_255 : vector<1000x32xf32>
    %broadcast_in_dim3A_257 = arith.constant 0.000000e+00 : f32
    %broadcast_in_dim3A_258 = vector.broadcast %broadcast_in_dim3A_257 : f32 to vector<1000x32xf32>
    %slice3A_259 = vector.extract_strided_slice %select_n3A {offsets = [0, 0], sizes = [1000, 1], strides = [1, 1]} : vector<1000x8xf32> to vector<1000x1xf32>
    %slice3A_260 = vector.extract_strided_slice %get3A_23 {offsets = [0, 0, 0], sizes = [1, 32, 32], strides = [1, 1, 1]} : vector<8x32x32xf32> to vector<1x32x32xf32>
    %squeeze3A_261 = vector.shape_cast %slice3A_260 : vector<1x32x32xf32> to vector<32x32xf32>
    %dot_general3A_262 = arith.constant dense<0.000000e+00> : vector<1000x32xf32>
    %dot_general3A_263 = tpu.matmul %dot_general3A_51, %squeeze3A_261, %dot_general3A_262 {dimension_numbers = #tpu.dot_dimension_numbers<[1], [0], [0], [1], [0, 0, 1, 1], [], []>, transpose_lhs_hint = false} : vector<1000x32xf32>, vector<32x32xf32>, vector<1000x32xf32> -> vector<1000x32xf32>
    %mul3A_264 = vector.broadcast %slice3A_259 : vector<1000x1xf32> to vector<1000x32xf32>
    %mul3A_265 = arith.mulf %mul3A_264, %dot_general3A_263 : vector<1000x32xf32>
    %add3A_266 = arith.addf %broadcast_in_dim3A_258, %mul3A_265 : vector<1000x32xf32>
    %slice3A_267 = vector.extract_strided_slice %select_n3A {offsets = [0, 1], sizes = [1000, 1], strides = [1, 1]} : vector<1000x8xf32> to vector<1000x1xf32>
    %slice3A_268 = vector.extract_strided_slice %get3A_23 {offsets = [1, 0, 0], sizes = [1, 32, 32], strides = [1, 1, 1]} : vector<8x32x32xf32> to vector<1x32x32xf32>
    %squeeze3A_269 = vector.shape_cast %slice3A_268 : vector<1x32x32xf32> to vector<32x32xf32>
    %dot_general3A_270 = arith.constant dense<0.000000e+00> : vector<1000x32xf32>
    %dot_general3A_271 = tpu.matmul %dot_general3A_51, %squeeze3A_269, %dot_general3A_270 {dimension_numbers = #tpu.dot_dimension_numbers<[1], [0], [0], [1], [0, 0, 1, 1], [], []>, transpose_lhs_hint = false} : vector<1000x32xf32>, vector<32x32xf32>, vector<1000x32xf32> -> vector<1000x32xf32>
    %mul3A_272 = vector.broadcast %slice3A_267 : vector<1000x1xf32> to vector<1000x32xf32>
    %mul3A_273 = arith.mulf %mul3A_272, %dot_general3A_271 : vector<1000x32xf32>
    %add3A_274 = arith.addf %add3A_266, %mul3A_273 : vector<1000x32xf32>
    %slice3A_275 = vector.extract_strided_slice %select_n3A {offsets = [0, 2], sizes = [1000, 1], strides = [1, 1]} : vector<1000x8xf32> to vector<1000x1xf32>
    %slice3A_276 = vector.extract_strided_slice %get3A_23 {offsets = [2, 0, 0], sizes = [1, 32, 32], strides = [1, 1, 1]} : vector<8x32x32xf32> to vector<1x32x32xf32>
    %squeeze3A_277 = vector.shape_cast %slice3A_276 : vector<1x32x32xf32> to vector<32x32xf32>
    %dot_general3A_278 = arith.constant dense<0.000000e+00> : vector<1000x32xf32>
    %dot_general3A_279 = tpu.matmul %dot_general3A_51, %squeeze3A_277, %dot_general3A_278 {dimension_numbers = #tpu.dot_dimension_numbers<[1], [0], [0], [1], [0, 0, 1, 1], [], []>, transpose_lhs_hint = false} : vector<1000x32xf32>, vector<32x32xf32>, vector<1000x32xf32> -> vector<1000x32xf32>
    %mul3A_280 = vector.broadcast %slice3A_275 : vector<1000x1xf32> to vector<1000x32xf32>
    %mul3A_281 = arith.mulf %mul3A_280, %dot_general3A_279 : vector<1000x32xf32>
    %add3A_282 = arith.addf %add3A_274, %mul3A_281 : vector<1000x32xf32>
    %slice3A_283 = vector.extract_strided_slice %select_n3A {offsets = [0, 3], sizes = [1000, 1], strides = [1, 1]} : vector<1000x8xf32> to vector<1000x1xf32>
    %slice3A_284 = vector.extract_strided_slice %get3A_23 {offsets = [3, 0, 0], sizes = [1, 32, 32], strides = [1, 1, 1]} : vector<8x32x32xf32> to vector<1x32x32xf32>
    %squeeze3A_285 = vector.shape_cast %slice3A_284 : vector<1x32x32xf32> to vector<32x32xf32>
    %dot_general3A_286 = arith.constant dense<0.000000e+00> : vector<1000x32xf32>
    %dot_general3A_287 = tpu.matmul %dot_general3A_51, %squeeze3A_285, %dot_general3A_286 {dimension_numbers = #tpu.dot_dimension_numbers<[1], [0], [0], [1], [0, 0, 1, 1], [], []>, transpose_lhs_hint = false} : vector<1000x32xf32>, vector<32x32xf32>, vector<1000x32xf32> -> vector<1000x32xf32>
    %mul3A_288 = vector.broadcast %slice3A_283 : vector<1000x1xf32> to vector<1000x32xf32>
    %mul3A_289 = arith.mulf %mul3A_288, %dot_general3A_287 : vector<1000x32xf32>
    %add3A_290 = arith.addf %add3A_282, %mul3A_289 : vector<1000x32xf32>
    %slice3A_291 = vector.extract_strided_slice %select_n3A {offsets = [0, 4], sizes = [1000, 1], strides = [1, 1]} : vector<1000x8xf32> to vector<1000x1xf32>
    %slice3A_292 = vector.extract_strided_slice %get3A_23 {offsets = [4, 0, 0], sizes = [1, 32, 32], strides = [1, 1, 1]} : vector<8x32x32xf32> to vector<1x32x32xf32>
    %squeeze3A_293 = vector.shape_cast %slice3A_292 : vector<1x32x32xf32> to vector<32x32xf32>
    %dot_general3A_294 = arith.constant dense<0.000000e+00> : vector<1000x32xf32>
    %dot_general3A_295 = tpu.matmul %dot_general3A_51, %squeeze3A_293, %dot_general3A_294 {dimension_numbers = #tpu.dot_dimension_numbers<[1], [0], [0], [1], [0, 0, 1, 1], [], []>, transpose_lhs_hint = false} : vector<1000x32xf32>, vector<32x32xf32>, vector<1000x32xf32> -> vector<1000x32xf32>
    %mul3A_296 = vector.broadcast %slice3A_291 : vector<1000x1xf32> to vector<1000x32xf32>
    %mul3A_297 = arith.mulf %mul3A_296, %dot_general3A_295 : vector<1000x32xf32>
    %add3A_298 = arith.addf %add3A_290, %mul3A_297 : vector<1000x32xf32>
    %slice3A_299 = vector.extract_strided_slice %select_n3A {offsets = [0, 5], sizes = [1000, 1], strides = [1, 1]} : vector<1000x8xf32> to vector<1000x1xf32>
    %slice3A_300 = vector.extract_strided_slice %get3A_23 {offsets = [5, 0, 0], sizes = [1, 32, 32], strides = [1, 1, 1]} : vector<8x32x32xf32> to vector<1x32x32xf32>
    %squeeze3A_301 = vector.shape_cast %slice3A_300 : vector<1x32x32xf32> to vector<32x32xf32>
    %dot_general3A_302 = arith.constant dense<0.000000e+00> : vector<1000x32xf32>
    %dot_general3A_303 = tpu.matmul %dot_general3A_51, %squeeze3A_301, %dot_general3A_302 {dimension_numbers = #tpu.dot_dimension_numbers<[1], [0], [0], [1], [0, 0, 1, 1], [], []>, transpose_lhs_hint = false} : vector<1000x32xf32>, vector<32x32xf32>, vector<1000x32xf32> -> vector<1000x32xf32>
    %mul3A_304 = vector.broadcast %slice3A_299 : vector<1000x1xf32> to vector<1000x32xf32>
    %mul3A_305 = arith.mulf %mul3A_304, %dot_general3A_303 : vector<1000x32xf32>
    %add3A_306 = arith.addf %add3A_298, %mul3A_305 : vector<1000x32xf32>
    %slice3A_307 = vector.extract_strided_slice %select_n3A {offsets = [0, 6], sizes = [1000, 1], strides = [1, 1]} : vector<1000x8xf32> to vector<1000x1xf32>
    %slice3A_308 = vector.extract_strided_slice %get3A_23 {offsets = [6, 0, 0], sizes = [1, 32, 32], strides = [1, 1, 1]} : vector<8x32x32xf32> to vector<1x32x32xf32>
    %squeeze3A_309 = vector.shape_cast %slice3A_308 : vector<1x32x32xf32> to vector<32x32xf32>
    %dot_general3A_310 = arith.constant dense<0.000000e+00> : vector<1000x32xf32>
    %dot_general3A_311 = tpu.matmul %dot_general3A_51, %squeeze3A_309, %dot_general3A_310 {dimension_numbers = #tpu.dot_dimension_numbers<[1], [0], [0], [1], [0, 0, 1, 1], [], []>, transpose_lhs_hint = false} : vector<1000x32xf32>, vector<32x32xf32>, vector<1000x32xf32> -> vector<1000x32xf32>
    %mul3A_312 = vector.broadcast %slice3A_307 : vector<1000x1xf32> to vector<1000x32xf32>
    %mul3A_313 = arith.mulf %mul3A_312, %dot_general3A_311 : vector<1000x32xf32>
    %add3A_314 = arith.addf %add3A_306, %mul3A_313 : vector<1000x32xf32>
    %slice3A_315 = vector.extract_strided_slice %select_n3A {offsets = [0, 7], sizes = [1000, 1], strides = [1, 1]} : vector<1000x8xf32> to vector<1000x1xf32>
    %slice3A_316 = vector.extract_strided_slice %get3A_23 {offsets = [7, 0, 0], sizes = [1, 32, 32], strides = [1, 1, 1]} : vector<8x32x32xf32> to vector<1x32x32xf32>
    %squeeze3A_317 = vector.shape_cast %slice3A_316 : vector<1x32x32xf32> to vector<32x32xf32>
    %dot_general3A_318 = arith.constant dense<0.000000e+00> : vector<1000x32xf32>
    %dot_general3A_319 = tpu.matmul %dot_general3A_51, %squeeze3A_317, %dot_general3A_318 {dimension_numbers = #tpu.dot_dimension_numbers<[1], [0], [0], [1], [0, 0, 1, 1], [], []>, transpose_lhs_hint = false} : vector<1000x32xf32>, vector<32x32xf32>, vector<1000x32xf32> -> vector<1000x32xf32>
    %mul3A_320 = vector.broadcast %slice3A_315 : vector<1000x1xf32> to vector<1000x32xf32>
    %mul3A_321 = arith.mulf %mul3A_320, %dot_general3A_319 : vector<1000x32xf32>
    %add3A_322 = arith.addf %add3A_314, %mul3A_321 : vector<1000x32xf32>
    %mul3A_323 = arith.constant 0.353553385 : f32
    %mul3A_324 = vector.broadcast %mul3A_323 : f32 to vector<1000x32xf32>
    %mul3A_325 = arith.mulf %add3A_322, %mul3A_324 : vector<1000x32xf32>
    %dot_general3A_326 = arith.constant dense<0.000000e+00> : vector<1000x64xf32>
    %dot_general3A_327 = tpu.matmul %select_n3A, %get3A_26, %dot_general3A_326 {dimension_numbers = #tpu.dot_dimension_numbers<[1], [0], [0], [1], [0, 0, 1, 1], [], []>, transpose_lhs_hint = false} : vector<1000x8xf32>, vector<8x64xf32>, vector<1000x64xf32> -> vector<1000x64xf32>
    %slice3A_328 = vector.extract_strided_slice %dot_general3A_327 {offsets = [0, 0], sizes = [1000, 32], strides = [1, 1]} : vector<1000x64xf32> to vector<1000x32xf32>
    %slice3A_329 = vector.extract_strided_slice %dot_general3A_327 {offsets = [0, 32], sizes = [1000, 32], strides = [1, 1]} : vector<1000x64xf32> to vector<1000x32xf32>
    %mul3A_330 = arith.mulf %slice3A_328, %mul3A_118 : vector<1000x32xf32>
    %mul3A_331 = arith.mulf %slice3A_329, %mul3A_118 : vector<1000x32xf32>
    %mul3A_332 = arith.mulf %mul3A_331, %mul3A_118 : vector<1000x32xf32>
    %add3A_333 = arith.addf %mul3A_330, %mul3A_332 : vector<1000x32xf32>
    %dot_general3A_334 = arith.constant dense<0.000000e+00> : vector<1000x32xf32>
    %dot_general3A_335 = tpu.matmul %add3A_333, %get3A_29, %dot_general3A_334 {dimension_numbers = #tpu.dot_dimension_numbers<[1], [0], [0], [1], [0, 0, 1, 1], [], []>, transpose_lhs_hint = false} : vector<1000x32xf32>, vector<32x32xf32>, vector<1000x32xf32> -> vector<1000x32xf32>
    %mul3A_336 = arith.mulf %slice3A_328, %mul3A_187 : vector<1000x32xf32>
    %dot_general3A_337 = arith.constant dense<0.000000e+00> : vector<1000x32xf32>
    %dot_general3A_338 = tpu.matmul %mul3A_336, %get3A_32, %dot_general3A_337 {dimension_numbers = #tpu.dot_dimension_numbers<[1], [0], [0], [1], [0, 0, 1, 1], [], []>, transpose_lhs_hint = false} : vector<1000x32xf32>, vector<32x32xf32>, vector<1000x32xf32> -> vector<1000x32xf32>
    %mul3A_339 = arith.mulf %slice3A_328, %mul3A_256 : vector<1000x32xf32>
    %dot_general3A_340 = arith.constant dense<0.000000e+00> : vector<1000x32xf32>
    %dot_general3A_341 = tpu.matmul %mul3A_339, %get3A_32, %dot_general3A_340 {dimension_numbers = #tpu.dot_dimension_numbers<[1], [0], [0], [1], [0, 0, 1, 1], [], []>, transpose_lhs_hint = false} : vector<1000x32xf32>, vector<32x32xf32>, vector<1000x32xf32> -> vector<1000x32xf32>
    %mul3A_342 = arith.mulf %slice3A_328, %mul3A_325 : vector<1000x32xf32>
    %dot_general3A_343 = arith.constant dense<0.000000e+00> : vector<1000x32xf32>
    %dot_general3A_344 = tpu.matmul %mul3A_342, %get3A_32, %dot_general3A_343 {dimension_numbers = #tpu.dot_dimension_numbers<[1], [0], [0], [1], [0, 0, 1, 1], [], []>, transpose_lhs_hint = false} : vector<1000x32xf32>, vector<32x32xf32>, vector<1000x32xf32> -> vector<1000x32xf32>
    %dot_general3A_345 = arith.constant dense<0.000000e+00> : vector<1000x1xf32>
    %dot_general3A_346 = tpu.matmul %dot_general3A_335, %get3A_35, %dot_general3A_345 {dimension_numbers = #tpu.dot_dimension_numbers<[1], [0], [0], [1], [0, 0, 1, 1], [], []>, transpose_lhs_hint = false} : vector<1000x32xf32>, vector<32x1xf32>, vector<1000x1xf32> -> vector<1000x1xf32>
    %dot_general3A_347 = arith.constant dense<0.000000e+00> : vector<1000x32xf32>
    %dot_general3A_348 = tpu.matmul %dot_general3A_335, %get3A_38, %dot_general3A_347 {dimension_numbers = #tpu.dot_dimension_numbers<[1], [0], [0], [1], [0, 0, 1, 1], [], []>, transpose_lhs_hint = false} : vector<1000x32xf32>, vector<32x32xf32>, vector<1000x32xf32> -> vector<1000x32xf32>
    %dot_general3A_349 = arith.constant dense<0.000000e+00> : vector<1000x32xf32>
    %dot_general3A_350 = tpu.matmul %dot_general3A_338, %get3A_41, %dot_general3A_349 {dimension_numbers = #tpu.dot_dimension_numbers<[1], [0], [0], [1], [0, 0, 1, 1], [], []>, transpose_lhs_hint = false} : vector<1000x32xf32>, vector<32x32xf32>, vector<1000x32xf32> -> vector<1000x32xf32>
    %dot_general3A_351 = arith.constant dense<0.000000e+00> : vector<1000x32xf32>
    %dot_general3A_352 = tpu.matmul %dot_general3A_341, %get3A_41, %dot_general3A_351 {dimension_numbers = #tpu.dot_dimension_numbers<[1], [0], [0], [1], [0, 0, 1, 1], [], []>, transpose_lhs_hint = false} : vector<1000x32xf32>, vector<32x32xf32>, vector<1000x32xf32> -> vector<1000x32xf32>
    %dot_general3A_353 = arith.constant dense<0.000000e+00> : vector<1000x32xf32>
    %dot_general3A_354 = tpu.matmul %dot_general3A_344, %get3A_41, %dot_general3A_353 {dimension_numbers = #tpu.dot_dimension_numbers<[1], [0], [0], [1], [0, 0, 1, 1], [], []>, transpose_lhs_hint = false} : vector<1000x32xf32>, vector<32x32xf32>, vector<1000x32xf32> -> vector<1000x32xf32>
    %concatenate3A = tpu.concatenate %dot_general3A_348, %dot_general3A_350, %dot_general3A_352, %dot_general3A_354 in 1 : vector<1000x32xf32>, vector<1000x32xf32>, vector<1000x32xf32>, vector<1000x32xf32> -> vector<1000x128xf32>
    %swap3A = arith.constant 0 : index
    %swap3A_355 = arith.constant 0 : index
    %swap3A_356 = vector.load %arg13[%swap3A, %swap3A_355] : memref<1000x128xf32, #tpu.memory_space<vmem>>, vector<1000x128xf32>
    tpu.vector_store %arg13[%swap3A, %swap3A_355], %concatenate3A {strides = array<i32>} : memref<1000x128xf32, #tpu.memory_space<vmem>>, vector<1000x128xf32>,
    %swap3A_357 = arith.constant 0 : index
    %swap3A_358 = arith.constant 0 : index
    %swap3A_359 = vector.load %arg14[%swap3A_357, %swap3A_358] : memref<1000x1xf32, #tpu.memory_space<vmem>>, vector<1000x1xf32>
    tpu.vector_store %arg14[%swap3A_357, %swap3A_358], %dot_general3A_346 {strides = array<i32>} : memref<1000x1xf32, #tpu.memory_space<vmem>>, vector<1000x1xf32>,
    return
  }
  func.func @transform_0(%arg0: i32) -> (i32, i32) {
    %c0_i32 = arith.constant 0 : i32
    %c0_i32_0 = arith.constant 0 : i32
    return %arg0, %c0_i32 : i32, i32
  }
  func.func @transform_1(%arg0: i32) -> (i32, i32) {
    %c0_i32 = arith.constant 0 : i32
    %c0_i32_0 = arith.constant 0 : i32
    return %arg0, %c0_i32 : i32, i32
  }
  func.func @transform_2(%arg0: i32) -> (i32, i32, i32) {
    %c0_i32 = arith.constant 0 : i32
    %c0_i32_0 = arith.constant 0 : i32
    %c0_i32_1 = arith.constant 0 : i32
    return %arg0, %c0_i32, %c0_i32_0 : i32, i32, i32
  }
  func.func @transform_3(%arg0: i32) -> (i32, i32) {
    %c0_i32 = arith.constant 0 : i32
    %c0_i32_0 = arith.constant 0 : i32
    %c0_i32_1 = arith.constant 0 : i32
    return %c0_i32, %c0_i32_0 : i32, i32
  }
  func.func @transform_4(%arg0: i32) -> (i32, i32) {
    %c0_i32 = arith.constant 0 : i32
    %c0_i32_0 = arith.constant 0 : i32
    %c0_i32_1 = arith.constant 0 : i32
    return %c0_i32, %c0_i32_0 : i32, i32
  }
  func.func @transform_5(%arg0: i32) -> (i32, i32, i32) {
    %c0_i32 = arith.constant 0 : i32
    %c0_i32_0 = arith.constant 0 : i32
    %c0_i32_1 = arith.constant 0 : i32
    %c0_i32_2 = arith.constant 0 : i32
    return %c0_i32, %c0_i32_0, %c0_i32_1 : i32, i32, i32
  }
  func.func @transform_6(%arg0: i32) -> (i32, i32) {
    %c0_i32 = arith.constant 0 : i32
    %c0_i32_0 = arith.constant 0 : i32
    %c0_i32_1 = arith.constant 0 : i32
    return %c0_i32, %c0_i32_0 : i32, i32
  }
  func.func @transform_7(%arg0: i32) -> (i32, i32) {
    %c0_i32 = arith.constant 0 : i32
    %c0_i32_0 = arith.constant 0 : i32
    %c0_i32_1 = arith.constant 0 : i32
    return %c0_i32, %c0_i32_0 : i32, i32
  }
  func.func @transform_8(%arg0: i32) -> (i32, i32) {
    %c0_i32 = arith.constant 0 : i32
    %c0_i32_0 = arith.constant 0 : i32
    %c0_i32_1 = arith.constant 0 : i32
    return %c0_i32, %c0_i32_0 : i32, i32
  }
  func.func @transform_9(%arg0: i32) -> (i32, i32) {
    %c0_i32 = arith.constant 0 : i32
    %c0_i32_0 = arith.constant 0 : i32
    %c0_i32_1 = arith.constant 0 : i32
    return %c0_i32, %c0_i32_0 : i32, i32
  }
  func.func @transform_10(%arg0: i32) -> (i32, i32) {
    %c0_i32 = arith.constant 0 : i32
    %c0_i32_0 = arith.constant 0 : i32
    %c0_i32_1 = arith.constant 0 : i32
    return %c0_i32, %c0_i32_0 : i32, i32
  }
  func.func @transform_11(%arg0: i32) -> (i32, i32) {
    %c0_i32 = arith.constant 0 : i32
    %c0_i32_0 = arith.constant 0 : i32
    %c0_i32_1 = arith.constant 0 : i32
    return %c0_i32, %c0_i32_0 : i32, i32
  }
  func.func @transform_12(%arg0: i32) -> (i32, i32) {
    %c0_i32 = arith.constant 0 : i32
    %c0_i32_0 = arith.constant 0 : i32
    return %arg0, %c0_i32 : i32, i32
  }
  func.func @transform_13(%arg0: i32) -> (i32, i32) {
    %c0_i32 = arith.constant 0 : i32
    %c0_i32_0 = arith.constant 0 : i32
    return %arg0, %c0_i32 : i32, i32
  }
}

module attributes {stable_mosaic.version = 14 : i64} {
  func.func @body(%arg0: i32, %arg1: memref<2048x3xf32, #tpu.memory_space<vmem>>, %arg2: memref<2048x128xf32, #tpu.memory_space<vmem>>, %arg3: memref<8x64xf32, #tpu.memory_space<vmem>>, %arg4: memref<64x64xf32, #tpu.memory_space<vmem>>, %arg5: memref<64x64xf32, #tpu.memory_space<vmem>>, %arg6: memref<64x160xf32, #tpu.memory_space<vmem>>, %arg7: memref<2048x128xf32, #tpu.memory_space<vmem>>) attributes {dimension_semantics = [#tpu.dimension_semantics<arbitrary>], iteration_bounds = array<i64: 80>, scalar_prefetch = 0 : i64, scratch_operands = 0 : i64, tpu.core_type = #tpu.core_type<tc>, window_params = [{transform_indices = @transform_0, window_bounds = array<i64: 2048, 3>}, {transform_indices = @transform_1, window_bounds = array<i64: 2048, 128>}, {pipeline_mode = #tpu.pipeline_mode<synchronous>, transform_indices = @transform_2, window_bounds = array<i64: 8, 64>}, {pipeline_mode = #tpu.pipeline_mode<synchronous>, transform_indices = @transform_3, window_bounds = array<i64: 64, 64>}, {pipeline_mode = #tpu.pipeline_mode<synchronous>, transform_indices = @transform_4, window_bounds = array<i64: 64, 64>}, {pipeline_mode = #tpu.pipeline_mode<synchronous>, transform_indices = @transform_5, window_bounds = array<i64: 64, 160>}, {transform_indices = @transform_6, window_bounds = array<i64: 2048, 128>}]} {
    %get3A = arith.constant 0 : index
    %get3A_0 = arith.constant 0 : index
    %get3A_1 = vector.load %arg1[%get3A, %get3A_0] : memref<2048x3xf32, #tpu.memory_space<vmem>>, vector<2048x3xf32>
    %get3A_2 = arith.constant 0 : index
    %get3A_3 = arith.constant 0 : index
    %get3A_4 = vector.load %arg2[%get3A_2, %get3A_3] : memref<2048x128xf32, #tpu.memory_space<vmem>>, vector<2048x128xf32>
    %get3A_5 = arith.constant 0 : index
    %get3A_6 = arith.constant 0 : index
    %get3A_7 = vector.load %arg3[%get3A_5, %get3A_6] : memref<8x64xf32, #tpu.memory_space<vmem>>, vector<8x64xf32>
    %get3A_8 = arith.constant 0 : index
    %get3A_9 = arith.constant 0 : index
    %get3A_10 = vector.load %arg4[%get3A_8, %get3A_9] : memref<64x64xf32, #tpu.memory_space<vmem>>, vector<64x64xf32>
    %get3A_11 = arith.constant 0 : index
    %get3A_12 = arith.constant 0 : index
    %get3A_13 = vector.load %arg5[%get3A_11, %get3A_12] : memref<64x64xf32, #tpu.memory_space<vmem>>, vector<64x64xf32>
    %get3A_14 = arith.constant 0 : index
    %get3A_15 = arith.constant 0 : index
    %get3A_16 = vector.load %arg6[%get3A_14, %get3A_15] : memref<64x160xf32, #tpu.memory_space<vmem>>, vector<64x160xf32>
    %slice3A = vector.extract_strided_slice %get3A_1 {offsets = [0, 0], sizes = [2048, 1], strides = [1, 1]} : vector<2048x3xf32> to vector<2048x1xf32>
    %slice3A_17 = vector.extract_strided_slice %get3A_1 {offsets = [0, 1], sizes = [2048, 1], strides = [1, 1]} : vector<2048x3xf32> to vector<2048x1xf32>
    %slice3A_18 = vector.extract_strided_slice %get3A_1 {offsets = [0, 2], sizes = [2048, 1], strides = [1, 1]} : vector<2048x3xf32> to vector<2048x1xf32>
    %mul3A = arith.mulf %slice3A, %slice3A : vector<2048x1xf32>
    %mul3A_19 = arith.mulf %slice3A_17, %slice3A_17 : vector<2048x1xf32>
    %add3A = arith.addf %mul3A, %mul3A_19 : vector<2048x1xf32>
    %mul3A_20 = arith.mulf %slice3A_18, %slice3A_18 : vector<2048x1xf32>
    %add3A_21 = arith.addf %add3A, %mul3A_20 : vector<2048x1xf32>
    %sqrt3A = math.sqrt %add3A_21 : vector<2048x1xf32>
    %max3A = arith.constant 9.99999971E-10 : f32
    %max3A_22 = vector.broadcast %max3A : f32 to vector<2048x1xf32>
    %max3A_23 = arith.maximumf %sqrt3A, %max3A_22 : vector<2048x1xf32>
    %div3A = arith.divf %slice3A, %max3A_23 : vector<2048x1xf32>
    %div3A_24 = arith.divf %slice3A_17, %max3A_23 : vector<2048x1xf32>
    %div3A_25 = arith.divf %slice3A_18, %max3A_23 : vector<2048x1xf32>
    %iota3A = tpu.iota {dimensions = array<i32: 1>} : vector<1x8xi32>
    %convert_element_type3A = arith.sitofp %iota3A : vector<1x8xi32> to vector<1x8xf32>
    %add3A_26 = arith.constant 1.000000e+00 : f32
    %add3A_27 = vector.broadcast %add3A_26 : f32 to vector<1x8xf32>
    %add3A_28 = arith.addf %convert_element_type3A, %add3A_27 : vector<1x8xf32>
    %mul3A_29 = arith.constant 0.628318548 : f32
    %mul3A_30 = vector.broadcast %mul3A_29 : f32 to vector<1x8xf32>
    %mul3A_31 = arith.mulf %add3A_28, %mul3A_30 : vector<1x8xf32>
    %mul3A_32 = vector.broadcast %mul3A_31 : vector<1x8xf32> to vector<2048x8xf32>
    %mul3A_33 = vector.broadcast %max3A_23 : vector<2048x1xf32> to vector<2048x8xf32>
    %mul3A_34 = arith.mulf %mul3A_32, %mul3A_33 : vector<2048x8xf32>
    %sin3A = math.sin %mul3A_34 : vector<2048x8xf32>
    %mul3A_35 = arith.constant 0.632455527 : f32
    %mul3A_36 = vector.broadcast %mul3A_35 : f32 to vector<2048x8xf32>
    %mul3A_37 = arith.mulf %mul3A_36, %sin3A : vector<2048x8xf32>
    %div3A_38 = vector.broadcast %max3A_23 : vector<2048x1xf32> to vector<2048x8xf32>
    %div3A_39 = arith.divf %mul3A_37, %div3A_38 : vector<2048x8xf32>
    %mul3A_40 = arith.constant 2.000000e-01 : f32
    %mul3A_41 = vector.broadcast %mul3A_40 : f32 to vector<2048x1xf32>
    %mul3A_42 = arith.mulf %sqrt3A, %mul3A_41 : vector<2048x1xf32>
    %mul3A_43 = arith.mulf %mul3A_42, %mul3A_42 : vector<2048x1xf32>
    %mul3A_44 = arith.mulf %mul3A_43, %mul3A_42 : vector<2048x1xf32>
    %mul3A_45 = arith.mulf %mul3A_44, %mul3A_42 : vector<2048x1xf32>
    %mul3A_46 = arith.mulf %mul3A_45, %mul3A_42 : vector<2048x1xf32>
    %mul3A_47 = arith.constant 2.100000e+01 : f32
    %mul3A_48 = vector.broadcast %mul3A_47 : f32 to vector<2048x1xf32>
    %mul3A_49 = arith.mulf %mul3A_48, %mul3A_46 : vector<2048x1xf32>
    %sub3A = arith.constant 1.000000e+00 : f32
    %sub3A_50 = vector.broadcast %sub3A : f32 to vector<2048x1xf32>
    %sub3A_51 = arith.subf %sub3A_50, %mul3A_49 : vector<2048x1xf32>
    %mul3A_52 = arith.constant 3.500000e+01 : f32
    %mul3A_53 = vector.broadcast %mul3A_52 : f32 to vector<2048x1xf32>
    %mul3A_54 = arith.mulf %mul3A_53, %mul3A_46 : vector<2048x1xf32>
    %mul3A_55 = arith.mulf %mul3A_54, %mul3A_42 : vector<2048x1xf32>
    %add3A_56 = arith.addf %sub3A_51, %mul3A_55 : vector<2048x1xf32>
    %mul3A_57 = arith.constant 1.500000e+01 : f32
    %mul3A_58 = vector.broadcast %mul3A_57 : f32 to vector<2048x1xf32>
    %mul3A_59 = arith.mulf %mul3A_58, %mul3A_46 : vector<2048x1xf32>
    %mul3A_60 = arith.mulf %mul3A_59, %mul3A_42 : vector<2048x1xf32>
    %mul3A_61 = arith.mulf %mul3A_60, %mul3A_42 : vector<2048x1xf32>
    %sub3A_62 = arith.subf %add3A_56, %mul3A_61 : vector<2048x1xf32>
    %lt3A = arith.constant 5.000000e+00 : f32
    %lt3A_63 = vector.broadcast %lt3A : f32 to vector<2048x1xf32>
    %lt3A_64 = arith.cmpf olt, %sqrt3A, %lt3A_63 : vector<2048x1xf32>
    %jit3A = arith.constant 0.000000e+00 : f32
    %broadcast_in_dim3A = vector.broadcast %jit3A : f32 to vector<2048x1xf32>
    %select_n3A = arith.select %lt3A_64, %sub3A_62, %broadcast_in_dim3A : vector<2048x1xi1>, vector<2048x1xf32>
    %mul3A_65 = vector.broadcast %select_n3A : vector<2048x1xf32> to vector<2048x8xf32>
    %mul3A_66 = arith.mulf %div3A_39, %mul3A_65 : vector<2048x8xf32>
    %dot_general3A = arith.constant dense<0.000000e+00> : vector<2048x64xf32>
    %dot_general3A_67 = tpu.matmul %mul3A_66, %get3A_7, %dot_general3A {dimension_numbers = #tpu.dot_dimension_numbers<[1], [0], [0], [1], [0, 0, 1, 1], [], []>, transpose_lhs_hint = false} : vector<2048x8xf32>, vector<8x64xf32>, vector<2048x64xf32> -> vector<2048x64xf32>
    %logistic3A = arith.negf %dot_general3A_67 : vector<2048x64xf32>
    %logistic3A_68 = math.exp %logistic3A : vector<2048x64xf32>
    %logistic3A_69 = arith.constant 1.000000e+00 : f32
    %logistic3A_70 = vector.broadcast %logistic3A_69 : f32 to vector<2048x64xf32>
    %logistic3A_71 = arith.addf %logistic3A_70, %logistic3A_68 : vector<2048x64xf32>
    %logistic3A_72 = arith.divf %logistic3A_70, %logistic3A_71 : vector<2048x64xf32>
    %mul3A_73 = arith.mulf %dot_general3A_67, %logistic3A_72 : vector<2048x64xf32>
    %dot_general3A_74 = arith.constant dense<0.000000e+00> : vector<2048x64xf32>
    %dot_general3A_75 = tpu.matmul %mul3A_73, %get3A_10, %dot_general3A_74 {dimension_numbers = #tpu.dot_dimension_numbers<[1], [0], [0], [1], [0, 0, 1, 1], [], []>, transpose_lhs_hint = false} : vector<2048x64xf32>, vector<64x64xf32>, vector<2048x64xf32> -> vector<2048x64xf32>
    %logistic3A_76 = arith.negf %dot_general3A_75 : vector<2048x64xf32>
    %logistic3A_77 = math.exp %logistic3A_76 : vector<2048x64xf32>
    %logistic3A_78 = arith.constant 1.000000e+00 : f32
    %logistic3A_79 = vector.broadcast %logistic3A_78 : f32 to vector<2048x64xf32>
    %logistic3A_80 = arith.addf %logistic3A_79, %logistic3A_77 : vector<2048x64xf32>
    %logistic3A_81 = arith.divf %logistic3A_79, %logistic3A_80 : vector<2048x64xf32>
    %mul3A_82 = arith.mulf %dot_general3A_75, %logistic3A_81 : vector<2048x64xf32>
    %dot_general3A_83 = arith.constant dense<0.000000e+00> : vector<2048x64xf32>
    %dot_general3A_84 = tpu.matmul %mul3A_82, %get3A_13, %dot_general3A_83 {dimension_numbers = #tpu.dot_dimension_numbers<[1], [0], [0], [1], [0, 0, 1, 1], [], []>, transpose_lhs_hint = false} : vector<2048x64xf32>, vector<64x64xf32>, vector<2048x64xf32> -> vector<2048x64xf32>
    %logistic3A_85 = arith.negf %dot_general3A_84 : vector<2048x64xf32>
    %logistic3A_86 = math.exp %logistic3A_85 : vector<2048x64xf32>
    %logistic3A_87 = arith.constant 1.000000e+00 : f32
    %logistic3A_88 = vector.broadcast %logistic3A_87 : f32 to vector<2048x64xf32>
    %logistic3A_89 = arith.addf %logistic3A_88, %logistic3A_86 : vector<2048x64xf32>
    %logistic3A_90 = arith.divf %logistic3A_88, %logistic3A_89 : vector<2048x64xf32>
    %mul3A_91 = arith.mulf %dot_general3A_84, %logistic3A_90 : vector<2048x64xf32>
    %dot_general3A_92 = arith.constant dense<0.000000e+00> : vector<2048x160xf32>
    %dot_general3A_93 = tpu.matmul %mul3A_91, %get3A_16, %dot_general3A_92 {dimension_numbers = #tpu.dot_dimension_numbers<[1], [0], [0], [1], [0, 0, 1, 1], [], []>, transpose_lhs_hint = false} : vector<2048x64xf32>, vector<64x160xf32>, vector<2048x160xf32> -> vector<2048x160xf32>
    %slice3A_94 = vector.extract_strided_slice %dot_general3A_93 {offsets = [0, 0], sizes = [2048, 32], strides = [1, 1]} : vector<2048x160xf32> to vector<2048x32xf32>
    %slice3A_95 = vector.extract_strided_slice %dot_general3A_93 {offsets = [0, 32], sizes = [2048, 32], strides = [1, 1]} : vector<2048x160xf32> to vector<2048x32xf32>
    %slice3A_96 = vector.extract_strided_slice %dot_general3A_93 {offsets = [0, 64], sizes = [2048, 32], strides = [1, 1]} : vector<2048x160xf32> to vector<2048x32xf32>
    %slice3A_97 = vector.extract_strided_slice %dot_general3A_93 {offsets = [0, 96], sizes = [2048, 32], strides = [1, 1]} : vector<2048x160xf32> to vector<2048x32xf32>
    %slice3A_98 = vector.extract_strided_slice %dot_general3A_93 {offsets = [0, 128], sizes = [2048, 32], strides = [1, 1]} : vector<2048x160xf32> to vector<2048x32xf32>
    %slice3A_99 = vector.extract_strided_slice %get3A_4 {offsets = [0, 0], sizes = [2048, 32], strides = [1, 1]} : vector<2048x128xf32> to vector<2048x32xf32>
    %slice3A_100 = vector.extract_strided_slice %get3A_4 {offsets = [0, 32], sizes = [2048, 32], strides = [1, 1]} : vector<2048x128xf32> to vector<2048x32xf32>
    %slice3A_101 = vector.extract_strided_slice %get3A_4 {offsets = [0, 64], sizes = [2048, 32], strides = [1, 1]} : vector<2048x128xf32> to vector<2048x32xf32>
    %slice3A_102 = vector.extract_strided_slice %get3A_4 {offsets = [0, 96], sizes = [2048, 32], strides = [1, 1]} : vector<2048x128xf32> to vector<2048x32xf32>
    %mul3A_103 = vector.broadcast %div3A : vector<2048x1xf32> to vector<2048x32xf32>
    %mul3A_104 = arith.mulf %slice3A_100, %mul3A_103 : vector<2048x32xf32>
    %mul3A_105 = vector.broadcast %div3A_24 : vector<2048x1xf32> to vector<2048x32xf32>
    %mul3A_106 = arith.mulf %slice3A_101, %mul3A_105 : vector<2048x32xf32>
    %add3A_107 = arith.addf %mul3A_104, %mul3A_106 : vector<2048x32xf32>
    %mul3A_108 = vector.broadcast %div3A_25 : vector<2048x1xf32> to vector<2048x32xf32>
    %mul3A_109 = arith.mulf %slice3A_102, %mul3A_108 : vector<2048x32xf32>
    %add3A_110 = arith.addf %add3A_107, %mul3A_109 : vector<2048x32xf32>
    %mul3A_111 = arith.mulf %slice3A_94, %slice3A_99 : vector<2048x32xf32>
    %mul3A_112 = arith.mulf %slice3A_95, %add3A_110 : vector<2048x32xf32>
    %add3A_113 = arith.addf %mul3A_111, %mul3A_112 : vector<2048x32xf32>
    %mul3A_114 = vector.broadcast %div3A_25 : vector<2048x1xf32> to vector<2048x32xf32>
    %mul3A_115 = arith.mulf %slice3A_101, %mul3A_114 : vector<2048x32xf32>
    %mul3A_116 = vector.broadcast %div3A_24 : vector<2048x1xf32> to vector<2048x32xf32>
    %mul3A_117 = arith.mulf %slice3A_102, %mul3A_116 : vector<2048x32xf32>
    %sub3A_118 = arith.subf %mul3A_115, %mul3A_117 : vector<2048x32xf32>
    %mul3A_119 = vector.broadcast %div3A : vector<2048x1xf32> to vector<2048x32xf32>
    %mul3A_120 = arith.mulf %slice3A_102, %mul3A_119 : vector<2048x32xf32>
    %mul3A_121 = vector.broadcast %div3A_25 : vector<2048x1xf32> to vector<2048x32xf32>
    %mul3A_122 = arith.mulf %slice3A_100, %mul3A_121 : vector<2048x32xf32>
    %sub3A_123 = arith.subf %mul3A_120, %mul3A_122 : vector<2048x32xf32>
    %mul3A_124 = vector.broadcast %div3A_24 : vector<2048x1xf32> to vector<2048x32xf32>
    %mul3A_125 = arith.mulf %slice3A_100, %mul3A_124 : vector<2048x32xf32>
    %mul3A_126 = vector.broadcast %div3A : vector<2048x1xf32> to vector<2048x32xf32>
    %mul3A_127 = arith.mulf %slice3A_101, %mul3A_126 : vector<2048x32xf32>
    %sub3A_128 = arith.subf %mul3A_125, %mul3A_127 : vector<2048x32xf32>
    %mul3A_129 = arith.mulf %slice3A_96, %slice3A_99 : vector<2048x32xf32>
    %mul3A_130 = vector.broadcast %div3A : vector<2048x1xf32> to vector<2048x32xf32>
    %mul3A_131 = arith.mulf %mul3A_129, %mul3A_130 : vector<2048x32xf32>
    %mul3A_132 = arith.mulf %slice3A_97, %slice3A_100 : vector<2048x32xf32>
    %add3A_133 = arith.addf %mul3A_131, %mul3A_132 : vector<2048x32xf32>
    %mul3A_134 = arith.mulf %slice3A_98, %sub3A_118 : vector<2048x32xf32>
    %add3A_135 = arith.addf %add3A_133, %mul3A_134 : vector<2048x32xf32>
    %mul3A_136 = arith.mulf %slice3A_96, %slice3A_99 : vector<2048x32xf32>
    %mul3A_137 = vector.broadcast %div3A_24 : vector<2048x1xf32> to vector<2048x32xf32>
    %mul3A_138 = arith.mulf %mul3A_136, %mul3A_137 : vector<2048x32xf32>
    %mul3A_139 = arith.mulf %slice3A_97, %slice3A_101 : vector<2048x32xf32>
    %add3A_140 = arith.addf %mul3A_138, %mul3A_139 : vector<2048x32xf32>
    %mul3A_141 = arith.mulf %slice3A_98, %sub3A_123 : vector<2048x32xf32>
    %add3A_142 = arith.addf %add3A_140, %mul3A_141 : vector<2048x32xf32>
    %mul3A_143 = arith.mulf %slice3A_96, %slice3A_99 : vector<2048x32xf32>
    %mul3A_144 = vector.broadcast %div3A_25 : vector<2048x1xf32> to vector<2048x32xf32>
    %mul3A_145 = arith.mulf %mul3A_143, %mul3A_144 : vector<2048x32xf32>
    %mul3A_146 = arith.mulf %slice3A_97, %slice3A_102 : vector<2048x32xf32>
    %add3A_147 = arith.addf %mul3A_145, %mul3A_146 : vector<2048x32xf32>
    %mul3A_148 = arith.mulf %slice3A_98, %sub3A_128 : vector<2048x32xf32>
    %add3A_149 = arith.addf %add3A_147, %mul3A_148 : vector<2048x32xf32>
    %concatenate3A = tpu.concatenate %add3A_113, %add3A_135, %add3A_142, %add3A_149 in 1 : vector<2048x32xf32>, vector<2048x32xf32>, vector<2048x32xf32>, vector<2048x32xf32> -> vector<2048x128xf32>
    %mul3A_150 = arith.constant 1.000000e-01 : f32
    %mul3A_151 = vector.broadcast %mul3A_150 : f32 to vector<2048x128xf32>
    %mul3A_152 = arith.mulf %concatenate3A, %mul3A_151 : vector<2048x128xf32>
    %swap3A = arith.constant 0 : index
    %swap3A_153 = arith.constant 0 : index
    %swap3A_154 = vector.load %arg7[%swap3A, %swap3A_153] : memref<2048x128xf32, #tpu.memory_space<vmem>>, vector<2048x128xf32>
    tpu.vector_store %arg7[%swap3A, %swap3A_153], %mul3A_152 {strides = array<i32>} : memref<2048x128xf32, #tpu.memory_space<vmem>>, vector<2048x128xf32>,
    return
  }
  func.func @transform_0(%arg0: i32) -> (i32, i32) {
    %c0_i32 = arith.constant 0 : i32
    %c0_i32_0 = arith.constant 0 : i32
    return %arg0, %c0_i32 : i32, i32
  }
  func.func @transform_1(%arg0: i32) -> (i32, i32) {
    %c0_i32 = arith.constant 0 : i32
    %c0_i32_0 = arith.constant 0 : i32
    return %arg0, %c0_i32 : i32, i32
  }
  func.func @transform_2(%arg0: i32) -> (i32, i32) {
    %c0_i32 = arith.constant 0 : i32
    %c0_i32_0 = arith.constant 0 : i32
    %c0_i32_1 = arith.constant 0 : i32
    return %c0_i32, %c0_i32_0 : i32, i32
  }
  func.func @transform_3(%arg0: i32) -> (i32, i32) {
    %c0_i32 = arith.constant 0 : i32
    %c0_i32_0 = arith.constant 0 : i32
    %c0_i32_1 = arith.constant 0 : i32
    return %c0_i32, %c0_i32_0 : i32, i32
  }
  func.func @transform_4(%arg0: i32) -> (i32, i32) {
    %c0_i32 = arith.constant 0 : i32
    %c0_i32_0 = arith.constant 0 : i32
    %c0_i32_1 = arith.constant 0 : i32
    return %c0_i32, %c0_i32_0 : i32, i32
  }
  func.func @transform_5(%arg0: i32) -> (i32, i32) {
    %c0_i32 = arith.constant 0 : i32
    %c0_i32_0 = arith.constant 0 : i32
    %c0_i32_1 = arith.constant 0 : i32
    return %c0_i32, %c0_i32_0 : i32, i32
  }
  func.func @transform_6(%arg0: i32) -> (i32, i32) {
    %c0_i32 = arith.constant 0 : i32
    %c0_i32_0 = arith.constant 0 : i32
    return %arg0, %c0_i32 : i32, i32
  }
}

module attributes {stable_mosaic.version = 14 : i64} {
  func.func @body(%arg0: i32, %arg1: memref<1000x32xf32, #tpu.memory_space<vmem>>, %arg2: memref<1000x32xf32, #tpu.memory_space<vmem>>, %arg3: memref<1x1x1000xf32, #tpu.memory_space<vmem>>, %arg4: memref<32x32xf32, #tpu.memory_space<vmem>>, %arg5: memref<8x64xf32, #tpu.memory_space<vmem>>, %arg6: memref<32x32xf32, #tpu.memory_space<vmem>>, %arg7: memref<32x16xf32, #tpu.memory_space<vmem>>, %arg8: memref<16x1xf32, #tpu.memory_space<vmem>>, %arg9: memref<1000x32xf32, #tpu.memory_space<vmem>>) attributes {dimension_semantics = [#tpu.dimension_semantics<arbitrary>], iteration_bounds = array<i64: 10>, scalar_prefetch = 0 : i64, scratch_operands = 0 : i64, tpu.core_type = #tpu.core_type<tc>, window_params = [{transform_indices = @transform_0, window_bounds = array<i64: 1000, 32>}, {transform_indices = @transform_1, window_bounds = array<i64: 1000, 32>}, {transform_indices = @transform_2, window_bounds = array<i64: 1, 1, 1000>}, {pipeline_mode = #tpu.pipeline_mode<synchronous>, transform_indices = @transform_3, window_bounds = array<i64: 32, 32>}, {pipeline_mode = #tpu.pipeline_mode<synchronous>, transform_indices = @transform_4, window_bounds = array<i64: 8, 64>}, {pipeline_mode = #tpu.pipeline_mode<synchronous>, transform_indices = @transform_5, window_bounds = array<i64: 32, 32>}, {pipeline_mode = #tpu.pipeline_mode<synchronous>, transform_indices = @transform_6, window_bounds = array<i64: 32, 16>}, {pipeline_mode = #tpu.pipeline_mode<synchronous>, transform_indices = @transform_7, window_bounds = array<i64: 16, 1>}, {transform_indices = @transform_8, window_bounds = array<i64: 1000, 32>}]} {
    %get3A = arith.constant 0 : index
    %get3A_0 = arith.constant 0 : index
    %get3A_1 = vector.load %arg1[%get3A, %get3A_0] : memref<1000x32xf32, #tpu.memory_space<vmem>>, vector<1000x32xf32>
    %get3A_2 = arith.constant 0 : index
    %get3A_3 = arith.constant 0 : index
    %get3A_4 = vector.load %arg2[%get3A_2, %get3A_3] : memref<1000x32xf32, #tpu.memory_space<vmem>>, vector<1000x32xf32>
    %add3A = arith.addf %get3A_1, %get3A_4 : vector<1000x32xf32>
    %get3A_5 = arith.constant 0 : index
    %get3A_6 = arith.constant 0 : index
    %get3A_7 = arith.constant 0 : index
    %get3A_8 = vector.load %arg3[%get3A_5, %get3A_6, %get3A_7] : memref<1x1x1000xf32, #tpu.memory_space<vmem>>, vector<1x1x1000xf32>
    %get3A_9 = vector.shape_cast %get3A_8 : vector<1x1x1000xf32> to vector<1000xf32>
    %iota3A = tpu.iota {dimensions = array<i32: 1>} : vector<1000x8xi32>
    %convert_element_type3A = arith.sitofp %iota3A : vector<1000x8xi32> to vector<1000x8xf32>
    %broadcast_in_dim3A = vector.shape_cast %get3A_9 : vector<1000xf32> to vector<1000x1xf32>
    %eq3A = vector.broadcast %broadcast_in_dim3A : vector<1000x1xf32> to vector<1000x8xf32>
    %eq3A_10 = arith.cmpf oeq, %eq3A, %convert_element_type3A : vector<1000x8xf32>
    %jit3A = arith.constant 1.000000e+00 : f32
    %jit3A_11 = arith.constant 0.000000e+00 : f32
    %broadcast_in_dim3A_12 = vector.broadcast %jit3A : f32 to vector<1000x8xf32>
    %broadcast_in_dim3A_13 = vector.broadcast %jit3A_11 : f32 to vector<1000x8xf32>
    %select_n3A = arith.select %eq3A_10, %broadcast_in_dim3A_12, %broadcast_in_dim3A_13 : vector<1000x8xi1>, vector<1000x8xf32>
    %get3A_14 = arith.constant 0 : index
    %get3A_15 = arith.constant 0 : index
    %get3A_16 = vector.load %arg4[%get3A_14, %get3A_15] : memref<32x32xf32, #tpu.memory_space<vmem>>, vector<32x32xf32>
    %get3A_17 = arith.constant 0 : index
    %get3A_18 = arith.constant 0 : index
    %get3A_19 = vector.load %arg5[%get3A_17, %get3A_18] : memref<8x64xf32, #tpu.memory_space<vmem>>, vector<8x64xf32>
    %get3A_20 = arith.constant 0 : index
    %get3A_21 = arith.constant 0 : index
    %get3A_22 = vector.load %arg6[%get3A_20, %get3A_21] : memref<32x32xf32, #tpu.memory_space<vmem>>, vector<32x32xf32>
    %get3A_23 = arith.constant 0 : index
    %get3A_24 = arith.constant 0 : index
    %get3A_25 = vector.load %arg7[%get3A_23, %get3A_24] : memref<32x16xf32, #tpu.memory_space<vmem>>, vector<32x16xf32>
    %get3A_26 = arith.constant 0 : index
    %get3A_27 = arith.constant 0 : index
    %get3A_28 = vector.load %arg8[%get3A_26, %get3A_27] : memref<16x1xf32, #tpu.memory_space<vmem>>, vector<16x1xf32>
    "tpu.trace_start"() <{level = 10 : i32, message = "jvp"}> : () -> ()
    %dot_general3A = arith.constant dense<0.000000e+00> : vector<1000x32xf32>
    %dot_general3A_29 = tpu.matmul %add3A, %get3A_16, %dot_general3A {dimension_numbers = #tpu.dot_dimension_numbers<[1], [0], [0], [1], [0, 0, 1, 1], [], []>, transpose_lhs_hint = false} : vector<1000x32xf32>, vector<32x32xf32>, vector<1000x32xf32> -> vector<1000x32xf32>
    %dot_general3A_30 = arith.constant dense<0.000000e+00> : vector<1000x64xf32>
    %dot_general3A_31 = tpu.matmul %select_n3A, %get3A_19, %dot_general3A_30 {dimension_numbers = #tpu.dot_dimension_numbers<[1], [0], [0], [1], [0, 0, 1, 1], [], []>, transpose_lhs_hint = false} : vector<1000x8xf32>, vector<8x64xf32>, vector<1000x64xf32> -> vector<1000x64xf32>
    %slice3A = vector.extract_strided_slice %dot_general3A_31 {offsets = [0, 0], sizes = [1000, 32], strides = [1, 1]} : vector<1000x64xf32> to vector<1000x32xf32>
    %mul3A = arith.mulf %slice3A, %dot_general3A_29 : vector<1000x32xf32>
    %slice3A_32 = vector.extract_strided_slice %dot_general3A_31 {offsets = [0, 32], sizes = [1000, 32], strides = [1, 1]} : vector<1000x64xf32> to vector<1000x32xf32>
    %mul3A_33 = arith.mulf %slice3A_32, %dot_general3A_29 : vector<1000x32xf32>
    %mul3A_34 = arith.mulf %mul3A_33, %dot_general3A_29 : vector<1000x32xf32>
    %add3A_35 = arith.addf %mul3A, %mul3A_34 : vector<1000x32xf32>
    %dot_general3A_36 = arith.constant dense<0.000000e+00> : vector<1000x32xf32>
    %dot_general3A_37 = tpu.matmul %add3A_35, %get3A_22, %dot_general3A_36 {dimension_numbers = #tpu.dot_dimension_numbers<[1], [0], [0], [1], [0, 0, 1, 1], [], []>, transpose_lhs_hint = false} : vector<1000x32xf32>, vector<32x32xf32>, vector<1000x32xf32> -> vector<1000x32xf32>
    %dot_general3A_38 = arith.constant dense<0.000000e+00> : vector<1000x16xf32>
    %dot_general3A_39 = tpu.matmul %dot_general3A_37, %get3A_25, %dot_general3A_38 {dimension_numbers = #tpu.dot_dimension_numbers<[1], [0], [0], [1], [0, 0, 1, 1], [], []>, transpose_lhs_hint = false} : vector<1000x32xf32>, vector<32x16xf32>, vector<1000x16xf32> -> vector<1000x16xf32>
    %logistic3A = arith.negf %dot_general3A_39 : vector<1000x16xf32>
    %logistic3A_40 = math.exp %logistic3A : vector<1000x16xf32>
    %logistic3A_41 = arith.constant 1.000000e+00 : f32
    %logistic3A_42 = vector.broadcast %logistic3A_41 : f32 to vector<1000x16xf32>
    %logistic3A_43 = arith.addf %logistic3A_42, %logistic3A_40 : vector<1000x16xf32>
    %logistic3A_44 = arith.divf %logistic3A_42, %logistic3A_43 : vector<1000x16xf32>
    %sub3A = arith.constant 1.000000e+00 : f32
    %sub3A_45 = vector.broadcast %sub3A : f32 to vector<1000x16xf32>
    %sub3A_46 = arith.subf %sub3A_45, %logistic3A_44 : vector<1000x16xf32>
    %mul3A_47 = arith.mulf %logistic3A_44, %sub3A_46 : vector<1000x16xf32>
    %broadcast_in_dim3A_48 = arith.constant 1.000000e+00 : f32
    "tpu.trace_stop"() : () -> ()
    %broadcast_in_dim3A_49 = vector.broadcast %broadcast_in_dim3A_48 : f32 to vector<1000x1xf32>
    "tpu.trace_start"() <{level = 10 : i32, message = "transpose"}> : () -> ()
    "tpu.trace_start"() <{level = 10 : i32, message = "jvp"}> : () -> ()
    %dot_general3A_50 = arith.constant dense<0.000000e+00> : vector<1000x16xf32>
    %dot_general3A_51 = tpu.matmul %broadcast_in_dim3A_49, %get3A_28, %dot_general3A_50 {dimension_numbers = #tpu.dot_dimension_numbers<[1], [1], [0], [0], [0, 0, 1, 0], [], []>, transpose_lhs_hint = false} : vector<1000x1xf32>, vector<16x1xf32>, vector<1000x16xf32> -> vector<1000x16xf32>
    %mul3A_52 = arith.mulf %dot_general3A_39, %dot_general3A_51 : vector<1000x16xf32>
    %mul3A_53 = arith.mulf %dot_general3A_51, %logistic3A_44 : vector<1000x16xf32>
    %mul3A_54 = arith.mulf %mul3A_52, %mul3A_47 : vector<1000x16xf32>
    %add_any3A = arith.addf %mul3A_53, %mul3A_54 : vector<1000x16xf32>
    %dot_general3A_55 = arith.constant dense<0.000000e+00> : vector<1000x32xf32>
    %dot_general3A_56 = tpu.matmul %add_any3A, %get3A_25, %dot_general3A_55 {dimension_numbers = #tpu.dot_dimension_numbers<[1], [1], [0], [0], [0, 0, 1, 0], [], []>, transpose_lhs_hint = false} : vector<1000x16xf32>, vector<32x16xf32>, vector<1000x32xf32> -> vector<1000x32xf32>
    %dot_general3A_57 = arith.constant dense<0.000000e+00> : vector<1000x32xf32>
    %dot_general3A_58 = tpu.matmul %dot_general3A_56, %get3A_22, %dot_general3A_57 {dimension_numbers = #tpu.dot_dimension_numbers<[1], [1], [0], [0], [0, 0, 1, 0], [], []>, transpose_lhs_hint = false} : vector<1000x32xf32>, vector<32x32xf32>, vector<1000x32xf32> -> vector<1000x32xf32>
    %mul3A_59 = arith.mulf %mul3A_33, %dot_general3A_58 : vector<1000x32xf32>
    %mul3A_60 = arith.mulf %dot_general3A_58, %dot_general3A_29 : vector<1000x32xf32>
    %mul3A_61 = arith.mulf %slice3A_32, %mul3A_60 : vector<1000x32xf32>
    %add_any3A_62 = arith.addf %mul3A_59, %mul3A_61 : vector<1000x32xf32>
    %mul3A_63 = arith.mulf %slice3A, %dot_general3A_58 : vector<1000x32xf32>
    %add_any3A_64 = arith.addf %add_any3A_62, %mul3A_63 : vector<1000x32xf32>
    %dot_general3A_65 = arith.constant dense<0.000000e+00> : vector<1000x32xf32>
    %dot_general3A_66 = tpu.matmul %add_any3A_64, %get3A_16, %dot_general3A_65 {dimension_numbers = #tpu.dot_dimension_numbers<[1], [1], [0], [0], [0, 0, 1, 0], [], []>, transpose_lhs_hint = false} : vector<1000x32xf32>, vector<32x32xf32>, vector<1000x32xf32> -> vector<1000x32xf32>
    "tpu.trace_stop"() : () -> ()
    "tpu.trace_stop"() : () -> ()
    %swap3A = arith.constant 0 : index
    %swap3A_67 = arith.constant 0 : index
    %swap3A_68 = vector.load %arg9[%swap3A, %swap3A_67] : memref<1000x32xf32, #tpu.memory_space<vmem>>, vector<1000x32xf32>
    tpu.vector_store %arg9[%swap3A, %swap3A_67], %dot_general3A_66 {strides = array<i32>} : memref<1000x32xf32, #tpu.memory_space<vmem>>, vector<1000x32xf32>,
    return
  }
  func.func @transform_0(%arg0: i32) -> (i32, i32) {
    %c0_i32 = arith.constant 0 : i32
    %c0_i32_0 = arith.constant 0 : i32
    return %arg0, %c0_i32 : i32, i32
  }
  func.func @transform_1(%arg0: i32) -> (i32, i32) {
    %c0_i32 = arith.constant 0 : i32
    %c0_i32_0 = arith.constant 0 : i32
    return %arg0, %c0_i32 : i32, i32
  }
  func.func @transform_2(%arg0: i32) -> (i32, i32, i32) {
    %c0_i32 = arith.constant 0 : i32
    %c0_i32_0 = arith.constant 0 : i32
    %c0_i32_1 = arith.constant 0 : i32
    return %arg0, %c0_i32, %c0_i32_0 : i32, i32, i32
  }
  func.func @transform_3(%arg0: i32) -> (i32, i32) {
    %c0_i32 = arith.constant 0 : i32
    %c0_i32_0 = arith.constant 0 : i32
    %c0_i32_1 = arith.constant 0 : i32
    return %c0_i32, %c0_i32_0 : i32, i32
  }
  func.func @transform_4(%arg0: i32) -> (i32, i32) {
    %c0_i32 = arith.constant 0 : i32
    %c0_i32_0 = arith.constant 0 : i32
    %c0_i32_1 = arith.constant 0 : i32
    return %c0_i32, %c0_i32_0 : i32, i32
  }
  func.func @transform_5(%arg0: i32) -> (i32, i32) {
    %c0_i32 = arith.constant 0 : i32
    %c0_i32_0 = arith.constant 0 : i32
    %c0_i32_1 = arith.constant 0 : i32
    return %c0_i32, %c0_i32_0 : i32, i32
  }
  func.func @transform_6(%arg0: i32) -> (i32, i32) {
    %c0_i32 = arith.constant 0 : i32
    %c0_i32_0 = arith.constant 0 : i32
    %c0_i32_1 = arith.constant 0 : i32
    return %c0_i32, %c0_i32_0 : i32, i32
  }
  func.func @transform_7(%arg0: i32) -> (i32, i32) {
    %c0_i32 = arith.constant 0 : i32
    %c0_i32_0 = arith.constant 0 : i32
    %c0_i32_1 = arith.constant 0 : i32
    return %c0_i32, %c0_i32_0 : i32, i32
  }
  func.func @transform_8(%arg0: i32) -> (i32, i32) {
    %c0_i32 = arith.constant 0 : i32
    %c0_i32_0 = arith.constant 0 : i32
    return %arg0, %c0_i32 : i32, i32
  }
}

module attributes {stable_mosaic.version = 14 : i64} {
  func.func @body(%arg0: i32, %arg1: memref<1024x3xf32, #tpu.memory_space<vmem>>, %arg2: memref<1024x128xf32, #tpu.memory_space<vmem>>, %arg3: memref<1024x32xf32, #tpu.memory_space<vmem>>, %arg4: memref<8x64xf32, #tpu.memory_space<vmem>>, %arg5: memref<64x64xf32, #tpu.memory_space<vmem>>, %arg6: memref<64x64xf32, #tpu.memory_space<vmem>>, %arg7: memref<64x64xf32, #tpu.memory_space<vmem>>, %arg8: memref<1024x3xf32, #tpu.memory_space<vmem>>, %arg9: memref<1024x128xf32, #tpu.memory_space<vmem>>) attributes {dimension_semantics = [#tpu.dimension_semantics<arbitrary>], iteration_bounds = array<i64: 160>, scalar_prefetch = 0 : i64, scratch_operands = 0 : i64, tpu.core_type = #tpu.core_type<tc>, window_params = [{transform_indices = @transform_0, window_bounds = array<i64: 1024, 3>}, {transform_indices = @transform_1, window_bounds = array<i64: 1024, 128>}, {transform_indices = @transform_2, window_bounds = array<i64: 1024, 32>}, {pipeline_mode = #tpu.pipeline_mode<synchronous>, transform_indices = @transform_3, window_bounds = array<i64: 8, 64>}, {pipeline_mode = #tpu.pipeline_mode<synchronous>, transform_indices = @transform_4, window_bounds = array<i64: 64, 64>}, {pipeline_mode = #tpu.pipeline_mode<synchronous>, transform_indices = @transform_5, window_bounds = array<i64: 64, 64>}, {pipeline_mode = #tpu.pipeline_mode<synchronous>, transform_indices = @transform_6, window_bounds = array<i64: 64, 64>}, {transform_indices = @transform_7, window_bounds = array<i64: 1024, 3>}, {transform_indices = @transform_8, window_bounds = array<i64: 1024, 128>}]} {
    %get3A = arith.constant 0 : index
    %get3A_0 = arith.constant 0 : index
    %get3A_1 = vector.load %arg4[%get3A, %get3A_0] : memref<8x64xf32, #tpu.memory_space<vmem>>, vector<8x64xf32>
    %get3A_2 = arith.constant 0 : index
    %get3A_3 = arith.constant 0 : index
    %get3A_4 = vector.load %arg5[%get3A_2, %get3A_3] : memref<64x64xf32, #tpu.memory_space<vmem>>, vector<64x64xf32>
    %get3A_5 = arith.constant 0 : index
    %get3A_6 = arith.constant 0 : index
    %get3A_7 = vector.load %arg6[%get3A_5, %get3A_6] : memref<64x64xf32, #tpu.memory_space<vmem>>, vector<64x64xf32>
    %get3A_8 = arith.constant 0 : index
    %get3A_9 = arith.constant 0 : index
    %get3A_10 = vector.load %arg7[%get3A_8, %get3A_9] : memref<64x64xf32, #tpu.memory_space<vmem>>, vector<64x64xf32>
    %get3A_11 = arith.constant 0 : index
    %get3A_12 = arith.constant 0 : index
    %get3A_13 = vector.load %arg1[%get3A_11, %get3A_12] : memref<1024x3xf32, #tpu.memory_space<vmem>>, vector<1024x3xf32>
    %get3A_14 = arith.constant 0 : index
    %get3A_15 = arith.constant 0 : index
    %get3A_16 = vector.load %arg2[%get3A_14, %get3A_15] : memref<1024x128xf32, #tpu.memory_space<vmem>>, vector<1024x128xf32>
    "tpu.trace_start"() <{level = 10 : i32, message = "jvp"}> : () -> ()
    %slice3A = vector.extract_strided_slice %get3A_13 {offsets = [0, 0], sizes = [1024, 1], strides = [1, 1]} : vector<1024x3xf32> to vector<1024x1xf32>
    %slice3A_17 = vector.extract_strided_slice %get3A_13 {offsets = [0, 1], sizes = [1024, 1], strides = [1, 1]} : vector<1024x3xf32> to vector<1024x1xf32>
    %slice3A_18 = vector.extract_strided_slice %get3A_13 {offsets = [0, 2], sizes = [1024, 1], strides = [1, 1]} : vector<1024x3xf32> to vector<1024x1xf32>
    %mul3A = arith.mulf %slice3A, %slice3A : vector<1024x1xf32>
    %mul3A_19 = arith.mulf %slice3A_17, %slice3A_17 : vector<1024x1xf32>
    %add3A = arith.addf %mul3A, %mul3A_19 : vector<1024x1xf32>
    %mul3A_20 = arith.mulf %slice3A_18, %slice3A_18 : vector<1024x1xf32>
    %add3A_21 = arith.addf %add3A, %mul3A_20 : vector<1024x1xf32>
    %sqrt3A = math.sqrt %add3A_21 : vector<1024x1xf32>
    %div3A = arith.constant 5.000000e-01 : f32
    %div3A_22 = vector.broadcast %div3A : f32 to vector<1024x1xf32>
    %div3A_23 = arith.divf %div3A_22, %sqrt3A : vector<1024x1xf32>
    %max3A = arith.constant 9.99999971E-10 : f32
    %max3A_24 = vector.broadcast %max3A : f32 to vector<1024x1xf32>
    %max3A_25 = arith.maximumf %sqrt3A, %max3A_24 : vector<1024x1xf32>
    %eq3A = arith.cmpf oeq, %sqrt3A, %max3A_25 : vector<1024x1xf32>
    %broadcast_in_dim3A = arith.constant 1.000000e+00 : f32
    %broadcast_in_dim3A_26 = vector.broadcast %broadcast_in_dim3A : f32 to vector<1024x1xf32>
    %broadcast_in_dim3A_27 = arith.constant 0.000000e+00 : f32
    %broadcast_in_dim3A_28 = vector.broadcast %broadcast_in_dim3A_27 : f32 to vector<1024x1xf32>
    %select_n3A = arith.select %eq3A, %broadcast_in_dim3A_26, %broadcast_in_dim3A_28 : vector<1024x1xi1>, vector<1024x1xf32>
    %eq3A_29 = arith.constant 9.99999971E-10 : f32
    %eq3A_30 = vector.broadcast %eq3A_29 : f32 to vector<1024x1xf32>
    %eq3A_31 = arith.cmpf oeq, %eq3A_30, %max3A_25 : vector<1024x1xf32>
    %broadcast_in_dim3A_32 = arith.constant 2.000000e+00 : f32
    %broadcast_in_dim3A_33 = vector.broadcast %broadcast_in_dim3A_32 : f32 to vector<1024x1xf32>
    %broadcast_in_dim3A_34 = arith.constant 1.000000e+00 : f32
    %broadcast_in_dim3A_35 = vector.broadcast %broadcast_in_dim3A_34 : f32 to vector<1024x1xf32>
    %select_n3A_36 = arith.select %eq3A_31, %broadcast_in_dim3A_33, %broadcast_in_dim3A_35 : vector<1024x1xi1>, vector<1024x1xf32>
    %div3A_37 = arith.divf %select_n3A, %select_n3A_36 : vector<1024x1xf32>
    %iota3A = tpu.iota {dimensions = array<i32: 1>} : vector<1x8xi32>
    %convert_element_type3A = arith.sitofp %iota3A : vector<1x8xi32> to vector<1x8xf32>
    %add3A_38 = arith.constant 1.000000e+00 : f32
    %add3A_39 = vector.broadcast %add3A_38 : f32 to vector<1x8xf32>
    %add3A_40 = arith.addf %convert_element_type3A, %add3A_39 : vector<1x8xf32>
    %mul3A_41 = arith.constant 0.628318548 : f32
    %mul3A_42 = vector.broadcast %mul3A_41 : f32 to vector<1x8xf32>
    %mul3A_43 = arith.mulf %add3A_40, %mul3A_42 : vector<1x8xf32>
    %mul3A_44 = vector.broadcast %mul3A_43 : vector<1x8xf32> to vector<1024x8xf32>
    %mul3A_45 = vector.broadcast %max3A_25 : vector<1024x1xf32> to vector<1024x8xf32>
    %mul3A_46 = arith.mulf %mul3A_44, %mul3A_45 : vector<1024x8xf32>
    %sin3A = math.sin %mul3A_46 : vector<1024x8xf32>
    %cos3A = math.cos %mul3A_46 : vector<1024x8xf32>
    %mul3A_47 = arith.constant 0.632455527 : f32
    %mul3A_48 = vector.broadcast %mul3A_47 : f32 to vector<1024x8xf32>
    %mul3A_49 = arith.mulf %mul3A_48, %sin3A : vector<1024x8xf32>
    %div3A_50 = vector.broadcast %max3A_25 : vector<1024x1xf32> to vector<1024x8xf32>
    %div3A_51 = arith.divf %mul3A_49, %div3A_50 : vector<1024x8xf32>
    %integer_pow3A = arith.mulf %max3A_25, %max3A_25 : vector<1024x1xf32>
    %integer_pow3A_52 = arith.constant 1.000000e+00 : f32
    %integer_pow3A_53 = vector.broadcast %integer_pow3A_52 : f32 to vector<1024x1xf32>
    %integer_pow3A_54 = arith.divf %integer_pow3A_53, %integer_pow3A : vector<1024x1xf32>
    %mul3A_55 = arith.constant 2.000000e-01 : f32
    %mul3A_56 = vector.broadcast %mul3A_55 : f32 to vector<1024x1xf32>
    %mul3A_57 = arith.mulf %sqrt3A, %mul3A_56 : vector<1024x1xf32>
    %mul3A_58 = arith.mulf %mul3A_57, %mul3A_57 : vector<1024x1xf32>
    %mul3A_59 = arith.mulf %mul3A_58, %mul3A_57 : vector<1024x1xf32>
    %mul3A_60 = arith.mulf %mul3A_59, %mul3A_57 : vector<1024x1xf32>
    %mul3A_61 = arith.mulf %mul3A_60, %mul3A_57 : vector<1024x1xf32>
    %mul3A_62 = arith.constant 2.100000e+01 : f32
    %mul3A_63 = vector.broadcast %mul3A_62 : f32 to vector<1024x1xf32>
    %mul3A_64 = arith.mulf %mul3A_63, %mul3A_61 : vector<1024x1xf32>
    %sub3A = arith.constant 1.000000e+00 : f32
    %sub3A_65 = vector.broadcast %sub3A : f32 to vector<1024x1xf32>
    %sub3A_66 = arith.subf %sub3A_65, %mul3A_64 : vector<1024x1xf32>
    %mul3A_67 = arith.constant 3.500000e+01 : f32
    %mul3A_68 = vector.broadcast %mul3A_67 : f32 to vector<1024x1xf32>
    %mul3A_69 = arith.mulf %mul3A_68, %mul3A_61 : vector<1024x1xf32>
    %mul3A_70 = arith.mulf %mul3A_69, %mul3A_57 : vector<1024x1xf32>
    %add3A_71 = arith.addf %sub3A_66, %mul3A_70 : vector<1024x1xf32>
    %mul3A_72 = arith.constant 1.500000e+01 : f32
    %mul3A_73 = vector.broadcast %mul3A_72 : f32 to vector<1024x1xf32>
    %mul3A_74 = arith.mulf %mul3A_73, %mul3A_61 : vector<1024x1xf32>
    %mul3A_75 = arith.mulf %mul3A_74, %mul3A_57 : vector<1024x1xf32>
    %mul3A_76 = arith.mulf %mul3A_75, %mul3A_57 : vector<1024x1xf32>
    %sub3A_77 = arith.subf %add3A_71, %mul3A_76 : vector<1024x1xf32>
    %lt3A = arith.constant 5.000000e+00 : f32
    %lt3A_78 = vector.broadcast %lt3A : f32 to vector<1024x1xf32>
    %lt3A_79 = arith.cmpf olt, %sqrt3A, %lt3A_78 : vector<1024x1xf32>
    %jit3A = arith.constant 0.000000e+00 : f32
    %broadcast_in_dim3A_80 = vector.broadcast %jit3A : f32 to vector<1024x1xf32>
    %select_n3A_81 = arith.select %lt3A_79, %sub3A_77, %broadcast_in_dim3A_80 : vector<1024x1xi1>, vector<1024x1xf32>
    %mul3A_82 = vector.broadcast %select_n3A_81 : vector<1024x1xf32> to vector<1024x8xf32>
    %mul3A_83 = arith.mulf %div3A_51, %mul3A_82 : vector<1024x8xf32>
    %div3A_84 = arith.divf %slice3A, %max3A_25 : vector<1024x1xf32>
    %integer_pow3A_85 = arith.mulf %max3A_25, %max3A_25 : vector<1024x1xf32>
    %integer_pow3A_86 = arith.constant 1.000000e+00 : f32
    %integer_pow3A_87 = vector.broadcast %integer_pow3A_86 : f32 to vector<1024x1xf32>
    %integer_pow3A_88 = arith.divf %integer_pow3A_87, %integer_pow3A_85 : vector<1024x1xf32>
    %div3A_89 = arith.divf %slice3A_17, %max3A_25 : vector<1024x1xf32>
    %integer_pow3A_90 = arith.mulf %max3A_25, %max3A_25 : vector<1024x1xf32>
    %integer_pow3A_91 = arith.constant 1.000000e+00 : f32
    %integer_pow3A_92 = vector.broadcast %integer_pow3A_91 : f32 to vector<1024x1xf32>
    %integer_pow3A_93 = arith.divf %integer_pow3A_92, %integer_pow3A_90 : vector<1024x1xf32>
    %div3A_94 = arith.divf %slice3A_18, %max3A_25 : vector<1024x1xf32>
    %integer_pow3A_95 = arith.mulf %max3A_25, %max3A_25 : vector<1024x1xf32>
    %integer_pow3A_96 = arith.constant 1.000000e+00 : f32
    %integer_pow3A_97 = vector.broadcast %integer_pow3A_96 : f32 to vector<1024x1xf32>
    %integer_pow3A_98 = arith.divf %integer_pow3A_97, %integer_pow3A_95 : vector<1024x1xf32>
    %dot_general3A = arith.constant dense<0.000000e+00> : vector<1024x64xf32>
    %dot_general3A_99 = tpu.matmul %mul3A_83, %get3A_1, %dot_general3A {dimension_numbers = #tpu.dot_dimension_numbers<[1], [0], [0], [1], [0, 0, 1, 1], [], []>, transpose_lhs_hint = false} : vector<1024x8xf32>, vector<8x64xf32>, vector<1024x64xf32> -> vector<1024x64xf32>
    %logistic3A = arith.negf %dot_general3A_99 : vector<1024x64xf32>
    %logistic3A_100 = math.exp %logistic3A : vector<1024x64xf32>
    %logistic3A_101 = arith.constant 1.000000e+00 : f32
    %logistic3A_102 = vector.broadcast %logistic3A_101 : f32 to vector<1024x64xf32>
    %logistic3A_103 = arith.addf %logistic3A_102, %logistic3A_100 : vector<1024x64xf32>
    %logistic3A_104 = arith.divf %logistic3A_102, %logistic3A_103 : vector<1024x64xf32>
    %sub3A_105 = arith.constant 1.000000e+00 : f32
    %sub3A_106 = vector.broadcast %sub3A_105 : f32 to vector<1024x64xf32>
    %sub3A_107 = arith.subf %sub3A_106, %logistic3A_104 : vector<1024x64xf32>
    %mul3A_108 = arith.mulf %logistic3A_104, %sub3A_107 : vector<1024x64xf32>
    %mul3A_109 = arith.mulf %dot_general3A_99, %logistic3A_104 : vector<1024x64xf32>
    %dot_general3A_110 = arith.constant dense<0.000000e+00> : vector<1024x64xf32>
    %dot_general3A_111 = tpu.matmul %mul3A_109, %get3A_4, %dot_general3A_110 {dimension_numbers = #tpu.dot_dimension_numbers<[1], [0], [0], [1], [0, 0, 1, 1], [], []>, transpose_lhs_hint = false} : vector<1024x64xf32>, vector<64x64xf32>, vector<1024x64xf32> -> vector<1024x64xf32>
    %logistic3A_112 = arith.negf %dot_general3A_111 : vector<1024x64xf32>
    %logistic3A_113 = math.exp %logistic3A_112 : vector<1024x64xf32>
    %logistic3A_114 = arith.constant 1.000000e+00 : f32
    %logistic3A_115 = vector.broadcast %logistic3A_114 : f32 to vector<1024x64xf32>
    %logistic3A_116 = arith.addf %logistic3A_115, %logistic3A_113 : vector<1024x64xf32>
    %logistic3A_117 = arith.divf %logistic3A_115, %logistic3A_116 : vector<1024x64xf32>
    %sub3A_118 = arith.constant 1.000000e+00 : f32
    %sub3A_119 = vector.broadcast %sub3A_118 : f32 to vector<1024x64xf32>
    %sub3A_120 = arith.subf %sub3A_119, %logistic3A_117 : vector<1024x64xf32>
    %mul3A_121 = arith.mulf %logistic3A_117, %sub3A_120 : vector<1024x64xf32>
    %mul3A_122 = arith.mulf %dot_general3A_111, %logistic3A_117 : vector<1024x64xf32>
    %dot_general3A_123 = arith.constant dense<0.000000e+00> : vector<1024x64xf32>
    %dot_general3A_124 = tpu.matmul %mul3A_122, %get3A_7, %dot_general3A_123 {dimension_numbers = #tpu.dot_dimension_numbers<[1], [0], [0], [1], [0, 0, 1, 1], [], []>, transpose_lhs_hint = false} : vector<1024x64xf32>, vector<64x64xf32>, vector<1024x64xf32> -> vector<1024x64xf32>
    %logistic3A_125 = arith.negf %dot_general3A_124 : vector<1024x64xf32>
    %logistic3A_126 = math.exp %logistic3A_125 : vector<1024x64xf32>
    %logistic3A_127 = arith.constant 1.000000e+00 : f32
    %logistic3A_128 = vector.broadcast %logistic3A_127 : f32 to vector<1024x64xf32>
    %logistic3A_129 = arith.addf %logistic3A_128, %logistic3A_126 : vector<1024x64xf32>
    %logistic3A_130 = arith.divf %logistic3A_128, %logistic3A_129 : vector<1024x64xf32>
    %sub3A_131 = arith.constant 1.000000e+00 : f32
    %sub3A_132 = vector.broadcast %sub3A_131 : f32 to vector<1024x64xf32>
    %sub3A_133 = arith.subf %sub3A_132, %logistic3A_130 : vector<1024x64xf32>
    %mul3A_134 = arith.mulf %logistic3A_130, %sub3A_133 : vector<1024x64xf32>
    %mul3A_135 = arith.mulf %dot_general3A_124, %logistic3A_130 : vector<1024x64xf32>
    %dot_general3A_136 = arith.constant dense<0.000000e+00> : vector<1024x64xf32>
    %dot_general3A_137 = tpu.matmul %mul3A_135, %get3A_10, %dot_general3A_136 {dimension_numbers = #tpu.dot_dimension_numbers<[1], [0], [0], [1], [0, 0, 1, 1], [], []>, transpose_lhs_hint = false} : vector<1024x64xf32>, vector<64x64xf32>, vector<1024x64xf32> -> vector<1024x64xf32>
    %slice3A_138 = vector.extract_strided_slice %dot_general3A_137 {offsets = [0, 0], sizes = [1024, 32], strides = [1, 1]} : vector<1024x64xf32> to vector<1024x32xf32>
    %slice3A_139 = vector.extract_strided_slice %dot_general3A_137 {offsets = [0, 32], sizes = [1024, 32], strides = [1, 1]} : vector<1024x64xf32> to vector<1024x32xf32>
    %slice3A_140 = vector.extract_strided_slice %get3A_16 {offsets = [0, 0], sizes = [1024, 32], strides = [1, 1]} : vector<1024x128xf32> to vector<1024x32xf32>
    %slice3A_141 = vector.extract_strided_slice %get3A_16 {offsets = [0, 32], sizes = [1024, 32], strides = [1, 1]} : vector<1024x128xf32> to vector<1024x32xf32>
    %slice3A_142 = vector.extract_strided_slice %get3A_16 {offsets = [0, 64], sizes = [1024, 32], strides = [1, 1]} : vector<1024x128xf32> to vector<1024x32xf32>
    %slice3A_143 = vector.extract_strided_slice %get3A_16 {offsets = [0, 96], sizes = [1024, 32], strides = [1, 1]} : vector<1024x128xf32> to vector<1024x32xf32>
    %mul3A_144 = vector.broadcast %div3A_84 : vector<1024x1xf32> to vector<1024x32xf32>
    %mul3A_145 = arith.mulf %slice3A_141, %mul3A_144 : vector<1024x32xf32>
    %mul3A_146 = vector.broadcast %div3A_89 : vector<1024x1xf32> to vector<1024x32xf32>
    %mul3A_147 = arith.mulf %slice3A_142, %mul3A_146 : vector<1024x32xf32>
    %add3A_148 = arith.addf %mul3A_145, %mul3A_147 : vector<1024x32xf32>
    %mul3A_149 = vector.broadcast %div3A_94 : vector<1024x1xf32> to vector<1024x32xf32>
    %mul3A_150 = arith.mulf %slice3A_143, %mul3A_149 : vector<1024x32xf32>
    %add3A_151 = arith.addf %add3A_148, %mul3A_150 : vector<1024x32xf32>
    "tpu.trace_stop"() : () -> ()
    %get3A_152 = arith.constant 0 : index
    %get3A_153 = arith.constant 0 : index
    %get3A_154 = vector.load %arg3[%get3A_152, %get3A_153] : memref<1024x32xf32, #tpu.memory_space<vmem>>, vector<1024x32xf32>
    "tpu.trace_start"() <{level = 10 : i32, message = "transpose"}> : () -> ()
    "tpu.trace_start"() <{level = 10 : i32, message = "jvp"}> : () -> ()
    %mul3A_155 = arith.constant 1.000000e-01 : f32
    %mul3A_156 = vector.broadcast %mul3A_155 : f32 to vector<1024x32xf32>
    %mul3A_157 = arith.mulf %get3A_154, %mul3A_156 : vector<1024x32xf32>
    %mul3A_158 = arith.mulf %slice3A_139, %mul3A_157 : vector<1024x32xf32>
    %mul3A_159 = arith.mulf %mul3A_157, %add3A_151 : vector<1024x32xf32>
    %mul3A_160 = arith.mulf %slice3A_138, %mul3A_157 : vector<1024x32xf32>
    %mul3A_161 = arith.mulf %mul3A_157, %slice3A_140 : vector<1024x32xf32>
    %mul3A_162 = arith.mulf %slice3A_143, %mul3A_158 : vector<1024x32xf32>
    %reduce_sum3A = arith.constant dense<0.000000e+00> : vector<1024xf32>
    %reduce_sum3A_163 = vector.multi_reduction <add>, %mul3A_162, %reduce_sum3A [1] : vector<1024x32xf32> to vector<1024xf32>
    %reshape3A = vector.shape_cast %reduce_sum3A_163 : vector<1024xf32> to vector<1024x1xf32>
    %mul3A_164 = vector.broadcast %div3A_94 : vector<1024x1xf32> to vector<1024x32xf32>
    %mul3A_165 = arith.mulf %mul3A_158, %mul3A_164 : vector<1024x32xf32>
    %mul3A_166 = arith.mulf %slice3A_142, %mul3A_158 : vector<1024x32xf32>
    %reduce_sum3A_167 = arith.constant dense<0.000000e+00> : vector<1024xf32>
    %reduce_sum3A_168 = vector.multi_reduction <add>, %mul3A_166, %reduce_sum3A_167 [1] : vector<1024x32xf32> to vector<1024xf32>
    %reshape3A_169 = vector.shape_cast %reduce_sum3A_168 : vector<1024xf32> to vector<1024x1xf32>
    %mul3A_170 = vector.broadcast %div3A_89 : vector<1024x1xf32> to vector<1024x32xf32>
    %mul3A_171 = arith.mulf %mul3A_158, %mul3A_170 : vector<1024x32xf32>
    %mul3A_172 = arith.mulf %slice3A_141, %mul3A_158 : vector<1024x32xf32>
    %reduce_sum3A_173 = arith.constant dense<0.000000e+00> : vector<1024xf32>
    %reduce_sum3A_174 = vector.multi_reduction <add>, %mul3A_172, %reduce_sum3A_173 [1] : vector<1024x32xf32> to vector<1024xf32>
    %reshape3A_175 = vector.shape_cast %reduce_sum3A_174 : vector<1024xf32> to vector<1024x1xf32>
    %mul3A_176 = vector.broadcast %div3A_84 : vector<1024x1xf32> to vector<1024x32xf32>
    %mul3A_177 = arith.mulf %mul3A_158, %mul3A_176 : vector<1024x32xf32>
    %pad3A = arith.constant 0.000000e+00 : f32
    %pad3A_178 = vector.broadcast %pad3A : f32 to vector<1024x96xf32>
    %pad3A_179 = tpu.concatenate %pad3A_178, %mul3A_165 in 1 : vector<1024x96xf32>, vector<1024x32xf32> -> vector<1024x128xf32>
    %pad3A_180 = arith.constant 0.000000e+00 : f32
    %pad3A_181 = vector.broadcast %pad3A_180 : f32 to vector<1024x64xf32>
    %pad3A_182 = tpu.concatenate %pad3A_181, %mul3A_171 in 1 : vector<1024x64xf32>, vector<1024x32xf32> -> vector<1024x96xf32>
    %pad3A_183 = vector.broadcast %pad3A_180 : f32 to vector<1024x32xf32>
    %pad3A_184 = tpu.concatenate %pad3A_182, %pad3A_183 in 1 : vector<1024x96xf32>, vector<1024x32xf32> -> vector<1024x128xf32>
    %add_any3A = arith.addf %pad3A_179, %pad3A_184 : vector<1024x128xf32>
    %pad3A_185 = arith.constant 0.000000e+00 : f32
    %pad3A_186 = vector.broadcast %pad3A_185 : f32 to vector<1024x32xf32>
    %pad3A_187 = tpu.concatenate %pad3A_186, %mul3A_177 in 1 : vector<1024x32xf32>, vector<1024x32xf32> -> vector<1024x64xf32>
    %pad3A_188 = vector.broadcast %pad3A_185 : f32 to vector<1024x64xf32>
    %pad3A_189 = tpu.concatenate %pad3A_187, %pad3A_188 in 1 : vector<1024x64xf32>, vector<1024x64xf32> -> vector<1024x128xf32>
    %add_any3A_190 = arith.addf %add_any3A, %pad3A_189 : vector<1024x128xf32>
    %pad3A_191 = arith.constant 0.000000e+00 : f32
    %pad3A_192 = vector.broadcast %pad3A_191 : f32 to vector<1024x96xf32>
    %pad3A_193 = tpu.concatenate %mul3A_160, %pad3A_192 in 1 : vector<1024x32xf32>, vector<1024x96xf32> -> vector<1024x128xf32>
    %add_any3A_194 = arith.addf %add_any3A_190, %pad3A_193 : vector<1024x128xf32>
    %pad3A_195 = arith.constant 0.000000e+00 : f32
    %pad3A_196 = vector.broadcast %pad3A_195 : f32 to vector<1024x32xf32>
    %pad3A_197 = tpu.concatenate %pad3A_196, %mul3A_159 in 1 : vector<1024x32xf32>, vector<1024x32xf32> -> vector<1024x64xf32>
    %pad3A_198 = arith.constant 0.000000e+00 : f32
    %pad3A_199 = vector.broadcast %pad3A_198 : f32 to vector<1024x32xf32>
    %pad3A_200 = tpu.concatenate %mul3A_161, %pad3A_199 in 1 : vector<1024x32xf32>, vector<1024x32xf32> -> vector<1024x64xf32>
    %add_any3A_201 = arith.addf %pad3A_197, %pad3A_200 : vector<1024x64xf32>
    %dot_general3A_202 = arith.constant dense<0.000000e+00> : vector<1024x64xf32>
    %dot_general3A_203 = tpu.matmul %add_any3A_201, %get3A_10, %dot_general3A_202 {dimension_numbers = #tpu.dot_dimension_numbers<[1], [1], [0], [0], [0, 0, 1, 0], [], []>, transpose_lhs_hint = false} : vector<1024x64xf32>, vector<64x64xf32>, vector<1024x64xf32> -> vector<1024x64xf32>
    %mul3A_204 = arith.mulf %dot_general3A_124, %dot_general3A_203 : vector<1024x64xf32>
    %mul3A_205 = arith.mulf %dot_general3A_203, %logistic3A_130 : vector<1024x64xf32>
    %mul3A_206 = arith.mulf %mul3A_204, %mul3A_134 : vector<1024x64xf32>
    %add_any3A_207 = arith.addf %mul3A_205, %mul3A_206 : vector<1024x64xf32>
    %dot_general3A_208 = arith.constant dense<0.000000e+00> : vector<1024x64xf32>
    %dot_general3A_209 = tpu.matmul %add_any3A_207, %get3A_7, %dot_general3A_208 {dimension_numbers = #tpu.dot_dimension_numbers<[1], [1], [0], [0], [0, 0, 1, 0], [], []>, transpose_lhs_hint = false} : vector<1024x64xf32>, vector<64x64xf32>, vector<1024x64xf32> -> vector<1024x64xf32>
    %mul3A_210 = arith.mulf %dot_general3A_111, %dot_general3A_209 : vector<1024x64xf32>
    %mul3A_211 = arith.mulf %dot_general3A_209, %logistic3A_117 : vector<1024x64xf32>
    %mul3A_212 = arith.mulf %mul3A_210, %mul3A_121 : vector<1024x64xf32>
    %add_any3A_213 = arith.addf %mul3A_211, %mul3A_212 : vector<1024x64xf32>
    %dot_general3A_214 = arith.constant dense<0.000000e+00> : vector<1024x64xf32>
    %dot_general3A_215 = tpu.matmul %add_any3A_213, %get3A_4, %dot_general3A_214 {dimension_numbers = #tpu.dot_dimension_numbers<[1], [1], [0], [0], [0, 0, 1, 0], [], []>, transpose_lhs_hint = false} : vector<1024x64xf32>, vector<64x64xf32>, vector<1024x64xf32> -> vector<1024x64xf32>
    %mul3A_216 = arith.mulf %dot_general3A_99, %dot_general3A_215 : vector<1024x64xf32>
    %mul3A_217 = arith.mulf %dot_general3A_215, %logistic3A_104 : vector<1024x64xf32>
    %mul3A_218 = arith.mulf %mul3A_216, %mul3A_108 : vector<1024x64xf32>
    %add_any3A_219 = arith.addf %mul3A_217, %mul3A_218 : vector<1024x64xf32>
    %dot_general3A_220 = arith.constant dense<0.000000e+00> : vector<1024x8xf32>
    %dot_general3A_221 = tpu.matmul %add_any3A_219, %get3A_1, %dot_general3A_220 {dimension_numbers = #tpu.dot_dimension_numbers<[1], [1], [0], [0], [0, 0, 1, 0], [], []>, transpose_lhs_hint = false} : vector<1024x64xf32>, vector<8x64xf32>, vector<1024x8xf32> -> vector<1024x8xf32>
    %mul3A_222 = arith.mulf %reshape3A, %integer_pow3A_98 : vector<1024x1xf32>
    %mul3A_223 = arith.mulf %mul3A_222, %slice3A_18 : vector<1024x1xf32>
    %neg3A = arith.constant 0.000000e+00 : f32
    %neg3A_224 = vector.broadcast %neg3A : f32 to vector<1024x1xf32>
    %neg3A_225 = arith.subf %neg3A_224, %mul3A_223 : vector<1024x1xf32>
    %div3A_226 = arith.divf %reshape3A, %max3A_25 : vector<1024x1xf32>
    %mul3A_227 = arith.mulf %reshape3A_169, %integer_pow3A_93 : vector<1024x1xf32>
    %mul3A_228 = arith.mulf %mul3A_227, %slice3A_17 : vector<1024x1xf32>
    %neg3A_229 = arith.constant 0.000000e+00 : f32
    %neg3A_230 = vector.broadcast %neg3A_229 : f32 to vector<1024x1xf32>
    %neg3A_231 = arith.subf %neg3A_230, %mul3A_228 : vector<1024x1xf32>
    %add_any3A_232 = arith.addf %neg3A_225, %neg3A_231 : vector<1024x1xf32>
    %div3A_233 = arith.divf %reshape3A_169, %max3A_25 : vector<1024x1xf32>
    %mul3A_234 = arith.mulf %reshape3A_175, %integer_pow3A_88 : vector<1024x1xf32>
    %mul3A_235 = arith.mulf %mul3A_234, %slice3A : vector<1024x1xf32>
    %neg3A_236 = arith.constant 0.000000e+00 : f32
    %neg3A_237 = vector.broadcast %neg3A_236 : f32 to vector<1024x1xf32>
    %neg3A_238 = arith.subf %neg3A_237, %mul3A_235 : vector<1024x1xf32>
    %add_any3A_239 = arith.addf %add_any3A_232, %neg3A_238 : vector<1024x1xf32>
    %div3A_240 = arith.divf %reshape3A_175, %max3A_25 : vector<1024x1xf32>
    %mul3A_241 = arith.mulf %div3A_51, %dot_general3A_221 : vector<1024x8xf32>
    %reduce_sum3A_242 = arith.constant dense<0.000000e+00> : vector<1024xf32>
    %reduce_sum3A_243 = vector.multi_reduction <add>, %mul3A_241, %reduce_sum3A_242 [1] : vector<1024x8xf32> to vector<1024xf32>
    %reshape3A_244 = vector.shape_cast %reduce_sum3A_243 : vector<1024xf32> to vector<1024x1xf32>
    %mul3A_245 = vector.broadcast %select_n3A_81 : vector<1024x1xf32> to vector<1024x8xf32>
    %mul3A_246 = arith.mulf %dot_general3A_221, %mul3A_245 : vector<1024x8xf32>
    %broadcast_in_dim3A_247 = arith.constant 0.000000e+00 : f32
    %broadcast_in_dim3A_248 = vector.broadcast %broadcast_in_dim3A_247 : f32 to vector<1024x1xf32>
    %select_n3A_249 = arith.select %lt3A_79, %reshape3A_244, %broadcast_in_dim3A_248 : vector<1024x1xi1>, vector<1024x1xf32>
    %neg3A_250 = arith.constant 0.000000e+00 : f32
    %neg3A_251 = vector.broadcast %neg3A_250 : f32 to vector<1024x1xf32>
    %neg3A_252 = arith.subf %neg3A_251, %select_n3A_249 : vector<1024x1xf32>
    %mul3A_253 = arith.mulf %mul3A_75, %neg3A_252 : vector<1024x1xf32>
    %mul3A_254 = arith.mulf %neg3A_252, %mul3A_57 : vector<1024x1xf32>
    %mul3A_255 = arith.mulf %mul3A_74, %mul3A_254 : vector<1024x1xf32>
    %add_any3A_256 = arith.addf %mul3A_253, %mul3A_255 : vector<1024x1xf32>
    %mul3A_257 = arith.mulf %mul3A_254, %mul3A_57 : vector<1024x1xf32>
    %mul3A_258 = arith.constant 1.500000e+01 : f32
    %mul3A_259 = vector.broadcast %mul3A_258 : f32 to vector<1024x1xf32>
    %mul3A_260 = arith.mulf %mul3A_259, %mul3A_257 : vector<1024x1xf32>
    %mul3A_261 = arith.mulf %mul3A_69, %select_n3A_249 : vector<1024x1xf32>
    %add_any3A_262 = arith.addf %add_any3A_256, %mul3A_261 : vector<1024x1xf32>
    %mul3A_263 = arith.mulf %select_n3A_249, %mul3A_57 : vector<1024x1xf32>
    %mul3A_264 = arith.constant 3.500000e+01 : f32
    %mul3A_265 = vector.broadcast %mul3A_264 : f32 to vector<1024x1xf32>
    %mul3A_266 = arith.mulf %mul3A_265, %mul3A_263 : vector<1024x1xf32>
    %add_any3A_267 = arith.addf %mul3A_260, %mul3A_266 : vector<1024x1xf32>
    %neg3A_268 = arith.constant 0.000000e+00 : f32
    %neg3A_269 = vector.broadcast %neg3A_268 : f32 to vector<1024x1xf32>
    %neg3A_270 = arith.subf %neg3A_269, %select_n3A_249 : vector<1024x1xf32>
    %mul3A_271 = arith.constant 2.100000e+01 : f32
    %mul3A_272 = vector.broadcast %mul3A_271 : f32 to vector<1024x1xf32>
    %mul3A_273 = arith.mulf %mul3A_272, %neg3A_270 : vector<1024x1xf32>
    %add_any3A_274 = arith.addf %add_any3A_267, %mul3A_273 : vector<1024x1xf32>
    %mul3A_275 = arith.mulf %mul3A_60, %add_any3A_274 : vector<1024x1xf32>
    %add_any3A_276 = arith.addf %add_any3A_262, %mul3A_275 : vector<1024x1xf32>
    %mul3A_277 = arith.mulf %add_any3A_274, %mul3A_57 : vector<1024x1xf32>
    %mul3A_278 = arith.mulf %mul3A_59, %mul3A_277 : vector<1024x1xf32>
    %add_any3A_279 = arith.addf %add_any3A_276, %mul3A_278 : vector<1024x1xf32>
    %mul3A_280 = arith.mulf %mul3A_277, %mul3A_57 : vector<1024x1xf32>
    %mul3A_281 = arith.mulf %mul3A_58, %mul3A_280 : vector<1024x1xf32>
    %add_any3A_282 = arith.addf %add_any3A_279, %mul3A_281 : vector<1024x1xf32>
    %mul3A_283 = arith.mulf %mul3A_280, %mul3A_57 : vector<1024x1xf32>
    %mul3A_284 = arith.mulf %mul3A_57, %mul3A_283 : vector<1024x1xf32>
    %add_any3A_285 = arith.addf %add_any3A_282, %mul3A_284 : vector<1024x1xf32>
    %mul3A_286 = arith.mulf %mul3A_283, %mul3A_57 : vector<1024x1xf32>
    %add_any3A_287 = arith.addf %add_any3A_285, %mul3A_286 : vector<1024x1xf32>
    %mul3A_288 = arith.constant 2.000000e-01 : f32
    %mul3A_289 = vector.broadcast %mul3A_288 : f32 to vector<1024x1xf32>
    %mul3A_290 = arith.mulf %add_any3A_287, %mul3A_289 : vector<1024x1xf32>
    %mul3A_291 = vector.broadcast %integer_pow3A_54 : vector<1024x1xf32> to vector<1024x8xf32>
    %mul3A_292 = arith.mulf %mul3A_246, %mul3A_291 : vector<1024x8xf32>
    %mul3A_293 = arith.mulf %mul3A_292, %mul3A_49 : vector<1024x8xf32>
    %reduce_sum3A_294 = arith.constant dense<0.000000e+00> : vector<1024xf32>
    %reduce_sum3A_295 = vector.multi_reduction <add>, %mul3A_293, %reduce_sum3A_294 [1] : vector<1024x8xf32> to vector<1024xf32>
    %reshape3A_296 = vector.shape_cast %reduce_sum3A_295 : vector<1024xf32> to vector<1024x1xf32>
    %neg3A_297 = arith.constant 0.000000e+00 : f32
    %neg3A_298 = vector.broadcast %neg3A_297 : f32 to vector<1024x1xf32>
    %neg3A_299 = arith.subf %neg3A_298, %reshape3A_296 : vector<1024x1xf32>
    %add_any3A_300 = arith.addf %add_any3A_239, %neg3A_299 : vector<1024x1xf32>
    %div3A_301 = vector.broadcast %max3A_25 : vector<1024x1xf32> to vector<1024x8xf32>
    %div3A_302 = arith.divf %mul3A_246, %div3A_301 : vector<1024x8xf32>
    %mul3A_303 = arith.constant 0.632455527 : f32
    %mul3A_304 = vector.broadcast %mul3A_303 : f32 to vector<1024x8xf32>
    %mul3A_305 = arith.mulf %mul3A_304, %div3A_302 : vector<1024x8xf32>
    %mul3A_306 = arith.mulf %mul3A_305, %cos3A : vector<1024x8xf32>
    %mul3A_307 = vector.broadcast %mul3A_43 : vector<1x8xf32> to vector<1024x8xf32>
    %mul3A_308 = arith.mulf %mul3A_307, %mul3A_306 : vector<1024x8xf32>
    %reduce_sum3A_309 = arith.constant dense<0.000000e+00> : vector<1024xf32>
    %reduce_sum3A_310 = vector.multi_reduction <add>, %mul3A_308, %reduce_sum3A_309 [1] : vector<1024x8xf32> to vector<1024xf32>
    %reshape3A_311 = vector.shape_cast %reduce_sum3A_310 : vector<1024xf32> to vector<1024x1xf32>
    %add_any3A_312 = arith.addf %add_any3A_300, %reshape3A_311 : vector<1024x1xf32>
    %mul3A_313 = arith.mulf %add_any3A_312, %div3A_37 : vector<1024x1xf32>
    %add_any3A_314 = arith.addf %mul3A_290, %mul3A_313 : vector<1024x1xf32>
    %mul3A_315 = arith.mulf %add_any3A_314, %div3A_23 : vector<1024x1xf32>
    %mul3A_316 = arith.mulf %slice3A_18, %mul3A_315 : vector<1024x1xf32>
    %add_any3A_317 = arith.addf %div3A_226, %mul3A_316 : vector<1024x1xf32>
    %mul3A_318 = arith.mulf %mul3A_315, %slice3A_18 : vector<1024x1xf32>
    %add_any3A_319 = arith.addf %add_any3A_317, %mul3A_318 : vector<1024x1xf32>
    %mul3A_320 = arith.mulf %slice3A_17, %mul3A_315 : vector<1024x1xf32>
    %add_any3A_321 = arith.addf %div3A_233, %mul3A_320 : vector<1024x1xf32>
    %mul3A_322 = arith.mulf %mul3A_315, %slice3A_17 : vector<1024x1xf32>
    %add_any3A_323 = arith.addf %add_any3A_321, %mul3A_322 : vector<1024x1xf32>
    %mul3A_324 = arith.mulf %slice3A, %mul3A_315 : vector<1024x1xf32>
    %add_any3A_325 = arith.addf %div3A_240, %mul3A_324 : vector<1024x1xf32>
    %mul3A_326 = arith.mulf %mul3A_315, %slice3A : vector<1024x1xf32>
    %add_any3A_327 = arith.addf %add_any3A_325, %mul3A_326 : vector<1024x1xf32>
    %pad3A_328 = arith.constant 0.000000e+00 : f32
    %pad3A_329 = vector.broadcast %pad3A_328 : f32 to vector<1024x2xf32>
    %pad3A_330 = tpu.concatenate %pad3A_329, %add_any3A_319 in 1 : vector<1024x2xf32>, vector<1024x1xf32> -> vector<1024x3xf32>
    %pad3A_331 = arith.constant 0.000000e+00 : f32
    %pad3A_332 = vector.broadcast %pad3A_331 : f32 to vector<1024x1xf32>
    %pad3A_333 = tpu.concatenate %pad3A_332, %add_any3A_323 in 1 : vector<1024x1xf32>, vector<1024x1xf32> -> vector<1024x2xf32>
    %pad3A_334 = vector.broadcast %pad3A_331 : f32 to vector<1024x1xf32>
    %pad3A_335 = tpu.concatenate %pad3A_333, %pad3A_334 in 1 : vector<1024x2xf32>, vector<1024x1xf32> -> vector<1024x3xf32>
    %add_any3A_336 = arith.addf %pad3A_330, %pad3A_335 : vector<1024x3xf32>
    %pad3A_337 = arith.constant 0.000000e+00 : f32
    %pad3A_338 = vector.broadcast %pad3A_337 : f32 to vector<1024x2xf32>
    %pad3A_339 = tpu.concatenate %add_any3A_327, %pad3A_338 in 1 : vector<1024x1xf32>, vector<1024x2xf32> -> vector<1024x3xf32>
    %add_any3A_340 = arith.addf %add_any3A_336, %pad3A_339 : vector<1024x3xf32>
    "tpu.trace_stop"() : () -> ()
    "tpu.trace_stop"() : () -> ()
    %swap3A = arith.constant 0 : index
    %swap3A_341 = arith.constant 0 : index
    %swap3A_342 = vector.load %arg8[%swap3A, %swap3A_341] : memref<1024x3xf32, #tpu.memory_space<vmem>>, vector<1024x3xf32>
    tpu.vector_store %arg8[%swap3A, %swap3A_341], %add_any3A_340 {strides = array<i32>} : memref<1024x3xf32, #tpu.memory_space<vmem>>, vector<1024x3xf32>,
    %swap3A_343 = arith.constant 0 : index
    %swap3A_344 = arith.constant 0 : index
    %swap3A_345 = vector.load %arg9[%swap3A_343, %swap3A_344] : memref<1024x128xf32, #tpu.memory_space<vmem>>, vector<1024x128xf32>
    tpu.vector_store %arg9[%swap3A_343, %swap3A_344], %add_any3A_194 {strides = array<i32>} : memref<1024x128xf32, #tpu.memory_space<vmem>>, vector<1024x128xf32>,
    return
  }
  func.func @transform_0(%arg0: i32) -> (i32, i32) {
    %c0_i32 = arith.constant 0 : i32
    %c0_i32_0 = arith.constant 0 : i32
    return %arg0, %c0_i32 : i32, i32
  }
  func.func @transform_1(%arg0: i32) -> (i32, i32) {
    %c0_i32 = arith.constant 0 : i32
    %c0_i32_0 = arith.constant 0 : i32
    return %arg0, %c0_i32 : i32, i32
  }
  func.func @transform_2(%arg0: i32) -> (i32, i32) {
    %c0_i32 = arith.constant 0 : i32
    %c0_i32_0 = arith.constant 0 : i32
    return %arg0, %c0_i32 : i32, i32
  }
  func.func @transform_3(%arg0: i32) -> (i32, i32) {
    %c0_i32 = arith.constant 0 : i32
    %c0_i32_0 = arith.constant 0 : i32
    %c0_i32_1 = arith.constant 0 : i32
    return %c0_i32, %c0_i32_0 : i32, i32
  }
  func.func @transform_4(%arg0: i32) -> (i32, i32) {
    %c0_i32 = arith.constant 0 : i32
    %c0_i32_0 = arith.constant 0 : i32
    %c0_i32_1 = arith.constant 0 : i32
    return %c0_i32, %c0_i32_0 : i32, i32
  }
  func.func @transform_5(%arg0: i32) -> (i32, i32) {
    %c0_i32 = arith.constant 0 : i32
    %c0_i32_0 = arith.constant 0 : i32
    %c0_i32_1 = arith.constant 0 : i32
    return %c0_i32, %c0_i32_0 : i32, i32
  }
  func.func @transform_6(%arg0: i32) -> (i32, i32) {
    %c0_i32 = arith.constant 0 : i32
    %c0_i32_0 = arith.constant 0 : i32
    %c0_i32_1 = arith.constant 0 : i32
    return %c0_i32, %c0_i32_0 : i32, i32
  }
  func.func @transform_7(%arg0: i32) -> (i32, i32) {
    %c0_i32 = arith.constant 0 : i32
    %c0_i32_0 = arith.constant 0 : i32
    return %arg0, %c0_i32 : i32, i32
  }
  func.func @transform_8(%arg0: i32) -> (i32, i32) {
    %c0_i32 = arith.constant 0 : i32
    %c0_i32_0 = arith.constant 0 : i32
    return %arg0, %c0_i32 : i32, i32
  }
}

module attributes {stable_mosaic.version = 14 : i64} {
  func.func @body(%arg0: i32, %arg1: memref<1000x128xf32, #tpu.memory_space<vmem>>, %arg2: memref<1000x128xf32, #tpu.memory_space<vmem>>, %arg3: memref<1x1x1000xf32, #tpu.memory_space<vmem>>, %arg4: memref<1000x128xf32, #tpu.memory_space<vmem>>, %arg5: memref<1000x128xf32, #tpu.memory_space<vmem>>, %arg6: memref<32x32xf32, #tpu.memory_space<vmem>>, %arg7: memref<32x32xf32, #tpu.memory_space<vmem>>, %arg8: memref<8x32x32xf32, #tpu.memory_space<vmem>>, %arg9: memref<8x64xf32, #tpu.memory_space<vmem>>, %arg10: memref<32x32xf32, #tpu.memory_space<vmem>>, %arg11: memref<32x32xf32, #tpu.memory_space<vmem>>, %arg12: memref<32x1xf32, #tpu.memory_space<vmem>>, %arg13: memref<32x32xf32, #tpu.memory_space<vmem>>, %arg14: memref<32x32xf32, #tpu.memory_space<vmem>>, %arg15: memref<1000x128xf32, #tpu.memory_space<vmem>>) attributes {dimension_semantics = [#tpu.dimension_semantics<arbitrary>], iteration_bounds = array<i64: 10>, scalar_prefetch = 0 : i64, scratch_operands = 0 : i64, tpu.core_type = #tpu.core_type<tc>, window_params = [{transform_indices = @transform_0, window_bounds = array<i64: 1000, 128>}, {transform_indices = @transform_1, window_bounds = array<i64: 1000, 128>}, {transform_indices = @transform_2, window_bounds = array<i64: 1, 1, 1000>}, {transform_indices = @transform_3, window_bounds = array<i64: 1000, 128>}, {transform_indices = @transform_4, window_bounds = array<i64: 1000, 128>}, {pipeline_mode = #tpu.pipeline_mode<synchronous>, transform_indices = @transform_5, window_bounds = array<i64: 32, 32>}, {pipeline_mode = #tpu.pipeline_mode<synchronous>, transform_indices = @transform_6, window_bounds = array<i64: 32, 32>}, {pipeline_mode = #tpu.pipeline_mode<synchronous>, transform_indices = @transform_7, window_bounds = array<i64: 8, 32, 32>}, {pipeline_mode = #tpu.pipeline_mode<synchronous>, transform_indices = @transform_8, window_bounds = array<i64: 8, 64>}, {pipeline_mode = #tpu.pipeline_mode<synchronous>, transform_indices = @transform_9, window_bounds = array<i64: 32, 32>}, {pipeline_mode = #tpu.pipeline_mode<synchronous>, transform_indices = @transform_10, window_bounds = array<i64: 32, 32>}, {pipeline_mode = #tpu.pipeline_mode<synchronous>, transform_indices = @transform_11, window_bounds = array<i64: 32, 1>}, {pipeline_mode = #tpu.pipeline_mode<synchronous>, transform_indices = @transform_12, window_bounds = array<i64: 32, 32>}, {pipeline_mode = #tpu.pipeline_mode<synchronous>, transform_indices = @transform_13, window_bounds = array<i64: 32, 32>}, {transform_indices = @transform_14, window_bounds = array<i64: 1000, 128>}]} {
    %get3A = arith.constant 0 : index
    %get3A_0 = arith.constant 0 : index
    %get3A_1 = vector.load %arg1[%get3A, %get3A_0] : memref<1000x128xf32, #tpu.memory_space<vmem>>, vector<1000x128xf32>
    %get3A_2 = arith.constant 0 : index
    %get3A_3 = arith.constant 0 : index
    %get3A_4 = vector.load %arg2[%get3A_2, %get3A_3] : memref<1000x128xf32, #tpu.memory_space<vmem>>, vector<1000x128xf32>
    %add3A = arith.addf %get3A_1, %get3A_4 : vector<1000x128xf32>
    %get3A_5 = arith.constant 0 : index
    %get3A_6 = arith.constant 0 : index
    %get3A_7 = arith.constant 0 : index
    %get3A_8 = vector.load %arg3[%get3A_5, %get3A_6, %get3A_7] : memref<1x1x1000xf32, #tpu.memory_space<vmem>>, vector<1x1x1000xf32>
    %get3A_9 = vector.shape_cast %get3A_8 : vector<1x1x1000xf32> to vector<1000xf32>
    %iota3A = tpu.iota {dimensions = array<i32: 1>} : vector<1000x8xi32>
    %convert_element_type3A = arith.sitofp %iota3A : vector<1000x8xi32> to vector<1000x8xf32>
    %broadcast_in_dim3A = vector.shape_cast %get3A_9 : vector<1000xf32> to vector<1000x1xf32>
    %eq3A = vector.broadcast %broadcast_in_dim3A : vector<1000x1xf32> to vector<1000x8xf32>
    %eq3A_10 = arith.cmpf oeq, %eq3A, %convert_element_type3A : vector<1000x8xf32>
    %jit3A = arith.constant 1.000000e+00 : f32
    %jit3A_11 = arith.constant 0.000000e+00 : f32
    %broadcast_in_dim3A_12 = vector.broadcast %jit3A : f32 to vector<1000x8xf32>
    %broadcast_in_dim3A_13 = vector.broadcast %jit3A_11 : f32 to vector<1000x8xf32>
    %select_n3A = arith.select %eq3A_10, %broadcast_in_dim3A_12, %broadcast_in_dim3A_13 : vector<1000x8xi1>, vector<1000x8xf32>
    %get3A_14 = arith.constant 0 : index
    %get3A_15 = arith.constant 0 : index
    %get3A_16 = vector.load %arg6[%get3A_14, %get3A_15] : memref<32x32xf32, #tpu.memory_space<vmem>>, vector<32x32xf32>
    %get3A_17 = arith.constant 0 : index
    %get3A_18 = arith.constant 0 : index
    %get3A_19 = vector.load %arg7[%get3A_17, %get3A_18] : memref<32x32xf32, #tpu.memory_space<vmem>>, vector<32x32xf32>
    %get3A_20 = arith.constant 0 : index
    %get3A_21 = arith.constant 0 : index
    %get3A_22 = arith.constant 0 : index
    %get3A_23 = vector.load %arg8[%get3A_20, %get3A_21, %get3A_22] : memref<8x32x32xf32, #tpu.memory_space<vmem>>, vector<8x32x32xf32>
    %get3A_24 = arith.constant 0 : index
    %get3A_25 = arith.constant 0 : index
    %get3A_26 = vector.load %arg9[%get3A_24, %get3A_25] : memref<8x64xf32, #tpu.memory_space<vmem>>, vector<8x64xf32>
    %get3A_27 = arith.constant 0 : index
    %get3A_28 = arith.constant 0 : index
    %get3A_29 = vector.load %arg10[%get3A_27, %get3A_28] : memref<32x32xf32, #tpu.memory_space<vmem>>, vector<32x32xf32>
    %get3A_30 = arith.constant 0 : index
    %get3A_31 = arith.constant 0 : index
    %get3A_32 = vector.load %arg11[%get3A_30, %get3A_31] : memref<32x32xf32, #tpu.memory_space<vmem>>, vector<32x32xf32>
    %get3A_33 = arith.constant 0 : index
    %get3A_34 = arith.constant 0 : index
    %get3A_35 = vector.load %arg12[%get3A_33, %get3A_34] : memref<32x1xf32, #tpu.memory_space<vmem>>, vector<32x1xf32>
    %get3A_36 = arith.constant 0 : index
    %get3A_37 = arith.constant 0 : index
    %get3A_38 = vector.load %arg13[%get3A_36, %get3A_37] : memref<32x32xf32, #tpu.memory_space<vmem>>, vector<32x32xf32>
    %get3A_39 = arith.constant 0 : index
    %get3A_40 = arith.constant 0 : index
    %get3A_41 = vector.load %arg14[%get3A_39, %get3A_40] : memref<32x32xf32, #tpu.memory_space<vmem>>, vector<32x32xf32>
    "tpu.trace_start"() <{level = 10 : i32, message = "jvp"}> : () -> ()
    %slice3A = vector.extract_strided_slice %add3A {offsets = [0, 0], sizes = [1000, 32], strides = [1, 1]} : vector<1000x128xf32> to vector<1000x32xf32>
    %dot_general3A = arith.constant dense<0.000000e+00> : vector<1000x32xf32>
    %dot_general3A_42 = tpu.matmul %slice3A, %get3A_16, %dot_general3A {dimension_numbers = #tpu.dot_dimension_numbers<[1], [0], [0], [1], [0, 0, 1, 1], [], []>, transpose_lhs_hint = false} : vector<1000x32xf32>, vector<32x32xf32>, vector<1000x32xf32> -> vector<1000x32xf32>
    %broadcast_in_dim3A_43 = arith.constant 0.000000e+00 : f32
    %broadcast_in_dim3A_44 = vector.broadcast %broadcast_in_dim3A_43 : f32 to vector<1000x32xf32>
    %slice3A_45 = vector.extract_strided_slice %select_n3A {offsets = [0, 0], sizes = [1000, 1], strides = [1, 1]} : vector<1000x8xf32> to vector<1000x1xf32>
    %slice3A_46 = vector.extract_strided_slice %get3A_23 {offsets = [0, 0, 0], sizes = [1, 32, 32], strides = [1, 1, 1]} : vector<8x32x32xf32> to vector<1x32x32xf32>
    %squeeze3A = vector.shape_cast %slice3A_46 : vector<1x32x32xf32> to vector<32x32xf32>
    %dot_general3A_47 = arith.constant dense<0.000000e+00> : vector<1000x32xf32>
    %dot_general3A_48 = tpu.matmul %dot_general3A_42, %squeeze3A, %dot_general3A_47 {dimension_numbers = #tpu.dot_dimension_numbers<[1], [0], [0], [1], [0, 0, 1, 1], [], []>, transpose_lhs_hint = false} : vector<1000x32xf32>, vector<32x32xf32>, vector<1000x32xf32> -> vector<1000x32xf32>
    %mul3A = vector.broadcast %slice3A_45 : vector<1000x1xf32> to vector<1000x32xf32>
    %mul3A_49 = arith.mulf %mul3A, %dot_general3A_48 : vector<1000x32xf32>
    %add3A_50 = arith.addf %broadcast_in_dim3A_44, %mul3A_49 : vector<1000x32xf32>
    %slice3A_51 = vector.extract_strided_slice %select_n3A {offsets = [0, 1], sizes = [1000, 1], strides = [1, 1]} : vector<1000x8xf32> to vector<1000x1xf32>
    %slice3A_52 = vector.extract_strided_slice %get3A_23 {offsets = [1, 0, 0], sizes = [1, 32, 32], strides = [1, 1, 1]} : vector<8x32x32xf32> to vector<1x32x32xf32>
    %squeeze3A_53 = vector.shape_cast %slice3A_52 : vector<1x32x32xf32> to vector<32x32xf32>
    %dot_general3A_54 = arith.constant dense<0.000000e+00> : vector<1000x32xf32>
    %dot_general3A_55 = tpu.matmul %dot_general3A_42, %squeeze3A_53, %dot_general3A_54 {dimension_numbers = #tpu.dot_dimension_numbers<[1], [0], [0], [1], [0, 0, 1, 1], [], []>, transpose_lhs_hint = false} : vector<1000x32xf32>, vector<32x32xf32>, vector<1000x32xf32> -> vector<1000x32xf32>
    %mul3A_56 = vector.broadcast %slice3A_51 : vector<1000x1xf32> to vector<1000x32xf32>
    %mul3A_57 = arith.mulf %mul3A_56, %dot_general3A_55 : vector<1000x32xf32>
    %add3A_58 = arith.addf %add3A_50, %mul3A_57 : vector<1000x32xf32>
    %slice3A_59 = vector.extract_strided_slice %select_n3A {offsets = [0, 2], sizes = [1000, 1], strides = [1, 1]} : vector<1000x8xf32> to vector<1000x1xf32>
    %slice3A_60 = vector.extract_strided_slice %get3A_23 {offsets = [2, 0, 0], sizes = [1, 32, 32], strides = [1, 1, 1]} : vector<8x32x32xf32> to vector<1x32x32xf32>
    %squeeze3A_61 = vector.shape_cast %slice3A_60 : vector<1x32x32xf32> to vector<32x32xf32>
    %dot_general3A_62 = arith.constant dense<0.000000e+00> : vector<1000x32xf32>
    %dot_general3A_63 = tpu.matmul %dot_general3A_42, %squeeze3A_61, %dot_general3A_62 {dimension_numbers = #tpu.dot_dimension_numbers<[1], [0], [0], [1], [0, 0, 1, 1], [], []>, transpose_lhs_hint = false} : vector<1000x32xf32>, vector<32x32xf32>, vector<1000x32xf32> -> vector<1000x32xf32>
    %mul3A_64 = vector.broadcast %slice3A_59 : vector<1000x1xf32> to vector<1000x32xf32>
    %mul3A_65 = arith.mulf %mul3A_64, %dot_general3A_63 : vector<1000x32xf32>
    %add3A_66 = arith.addf %add3A_58, %mul3A_65 : vector<1000x32xf32>
    %slice3A_67 = vector.extract_strided_slice %select_n3A {offsets = [0, 3], sizes = [1000, 1], strides = [1, 1]} : vector<1000x8xf32> to vector<1000x1xf32>
    %slice3A_68 = vector.extract_strided_slice %get3A_23 {offsets = [3, 0, 0], sizes = [1, 32, 32], strides = [1, 1, 1]} : vector<8x32x32xf32> to vector<1x32x32xf32>
    %squeeze3A_69 = vector.shape_cast %slice3A_68 : vector<1x32x32xf32> to vector<32x32xf32>
    %dot_general3A_70 = arith.constant dense<0.000000e+00> : vector<1000x32xf32>
    %dot_general3A_71 = tpu.matmul %dot_general3A_42, %squeeze3A_69, %dot_general3A_70 {dimension_numbers = #tpu.dot_dimension_numbers<[1], [0], [0], [1], [0, 0, 1, 1], [], []>, transpose_lhs_hint = false} : vector<1000x32xf32>, vector<32x32xf32>, vector<1000x32xf32> -> vector<1000x32xf32>
    %mul3A_72 = vector.broadcast %slice3A_67 : vector<1000x1xf32> to vector<1000x32xf32>
    %mul3A_73 = arith.mulf %mul3A_72, %dot_general3A_71 : vector<1000x32xf32>
    %add3A_74 = arith.addf %add3A_66, %mul3A_73 : vector<1000x32xf32>
    %slice3A_75 = vector.extract_strided_slice %select_n3A {offsets = [0, 4], sizes = [1000, 1], strides = [1, 1]} : vector<1000x8xf32> to vector<1000x1xf32>
    %slice3A_76 = vector.extract_strided_slice %get3A_23 {offsets = [4, 0, 0], sizes = [1, 32, 32], strides = [1, 1, 1]} : vector<8x32x32xf32> to vector<1x32x32xf32>
    %squeeze3A_77 = vector.shape_cast %slice3A_76 : vector<1x32x32xf32> to vector<32x32xf32>
    %dot_general3A_78 = arith.constant dense<0.000000e+00> : vector<1000x32xf32>
    %dot_general3A_79 = tpu.matmul %dot_general3A_42, %squeeze3A_77, %dot_general3A_78 {dimension_numbers = #tpu.dot_dimension_numbers<[1], [0], [0], [1], [0, 0, 1, 1], [], []>, transpose_lhs_hint = false} : vector<1000x32xf32>, vector<32x32xf32>, vector<1000x32xf32> -> vector<1000x32xf32>
    %mul3A_80 = vector.broadcast %slice3A_75 : vector<1000x1xf32> to vector<1000x32xf32>
    %mul3A_81 = arith.mulf %mul3A_80, %dot_general3A_79 : vector<1000x32xf32>
    %add3A_82 = arith.addf %add3A_74, %mul3A_81 : vector<1000x32xf32>
    %slice3A_83 = vector.extract_strided_slice %select_n3A {offsets = [0, 5], sizes = [1000, 1], strides = [1, 1]} : vector<1000x8xf32> to vector<1000x1xf32>
    %slice3A_84 = vector.extract_strided_slice %get3A_23 {offsets = [5, 0, 0], sizes = [1, 32, 32], strides = [1, 1, 1]} : vector<8x32x32xf32> to vector<1x32x32xf32>
    %squeeze3A_85 = vector.shape_cast %slice3A_84 : vector<1x32x32xf32> to vector<32x32xf32>
    %dot_general3A_86 = arith.constant dense<0.000000e+00> : vector<1000x32xf32>
    %dot_general3A_87 = tpu.matmul %dot_general3A_42, %squeeze3A_85, %dot_general3A_86 {dimension_numbers = #tpu.dot_dimension_numbers<[1], [0], [0], [1], [0, 0, 1, 1], [], []>, transpose_lhs_hint = false} : vector<1000x32xf32>, vector<32x32xf32>, vector<1000x32xf32> -> vector<1000x32xf32>
    %mul3A_88 = vector.broadcast %slice3A_83 : vector<1000x1xf32> to vector<1000x32xf32>
    %mul3A_89 = arith.mulf %mul3A_88, %dot_general3A_87 : vector<1000x32xf32>
    %add3A_90 = arith.addf %add3A_82, %mul3A_89 : vector<1000x32xf32>
    %slice3A_91 = vector.extract_strided_slice %select_n3A {offsets = [0, 6], sizes = [1000, 1], strides = [1, 1]} : vector<1000x8xf32> to vector<1000x1xf32>
    %slice3A_92 = vector.extract_strided_slice %get3A_23 {offsets = [6, 0, 0], sizes = [1, 32, 32], strides = [1, 1, 1]} : vector<8x32x32xf32> to vector<1x32x32xf32>
    %squeeze3A_93 = vector.shape_cast %slice3A_92 : vector<1x32x32xf32> to vector<32x32xf32>
    %dot_general3A_94 = arith.constant dense<0.000000e+00> : vector<1000x32xf32>
    %dot_general3A_95 = tpu.matmul %dot_general3A_42, %squeeze3A_93, %dot_general3A_94 {dimension_numbers = #tpu.dot_dimension_numbers<[1], [0], [0], [1], [0, 0, 1, 1], [], []>, transpose_lhs_hint = false} : vector<1000x32xf32>, vector<32x32xf32>, vector<1000x32xf32> -> vector<1000x32xf32>
    %mul3A_96 = vector.broadcast %slice3A_91 : vector<1000x1xf32> to vector<1000x32xf32>
    %mul3A_97 = arith.mulf %mul3A_96, %dot_general3A_95 : vector<1000x32xf32>
    %add3A_98 = arith.addf %add3A_90, %mul3A_97 : vector<1000x32xf32>
    %slice3A_99 = vector.extract_strided_slice %select_n3A {offsets = [0, 7], sizes = [1000, 1], strides = [1, 1]} : vector<1000x8xf32> to vector<1000x1xf32>
    %slice3A_100 = vector.extract_strided_slice %get3A_23 {offsets = [7, 0, 0], sizes = [1, 32, 32], strides = [1, 1, 1]} : vector<8x32x32xf32> to vector<1x32x32xf32>
    %squeeze3A_101 = vector.shape_cast %slice3A_100 : vector<1x32x32xf32> to vector<32x32xf32>
    %dot_general3A_102 = arith.constant dense<0.000000e+00> : vector<1000x32xf32>
    %dot_general3A_103 = tpu.matmul %dot_general3A_42, %squeeze3A_101, %dot_general3A_102 {dimension_numbers = #tpu.dot_dimension_numbers<[1], [0], [0], [1], [0, 0, 1, 1], [], []>, transpose_lhs_hint = false} : vector<1000x32xf32>, vector<32x32xf32>, vector<1000x32xf32> -> vector<1000x32xf32>
    %mul3A_104 = vector.broadcast %slice3A_99 : vector<1000x1xf32> to vector<1000x32xf32>
    %mul3A_105 = arith.mulf %mul3A_104, %dot_general3A_103 : vector<1000x32xf32>
    %add3A_106 = arith.addf %add3A_98, %mul3A_105 : vector<1000x32xf32>
    %mul3A_107 = arith.constant 0.353553385 : f32
    %mul3A_108 = vector.broadcast %mul3A_107 : f32 to vector<1000x32xf32>
    %mul3A_109 = arith.mulf %add3A_106, %mul3A_108 : vector<1000x32xf32>
    %slice3A_110 = vector.extract_strided_slice %select_n3A {offsets = [0, 0], sizes = [1000, 1], strides = [1, 1]} : vector<1000x8xf32> to vector<1000x1xf32>
    %slice3A_111 = vector.extract_strided_slice %get3A_23 {offsets = [0, 0, 0], sizes = [1, 32, 32], strides = [1, 1, 1]} : vector<8x32x32xf32> to vector<1x32x32xf32>
    %squeeze3A_112 = vector.shape_cast %slice3A_111 : vector<1x32x32xf32> to vector<32x32xf32>
    %slice3A_113 = vector.extract_strided_slice %select_n3A {offsets = [0, 1], sizes = [1000, 1], strides = [1, 1]} : vector<1000x8xf32> to vector<1000x1xf32>
    %slice3A_114 = vector.extract_strided_slice %get3A_23 {offsets = [1, 0, 0], sizes = [1, 32, 32], strides = [1, 1, 1]} : vector<8x32x32xf32> to vector<1x32x32xf32>
    %squeeze3A_115 = vector.shape_cast %slice3A_114 : vector<1x32x32xf32> to vector<32x32xf32>
    %slice3A_116 = vector.extract_strided_slice %select_n3A {offsets = [0, 2], sizes = [1000, 1], strides = [1, 1]} : vector<1000x8xf32> to vector<1000x1xf32>
    %slice3A_117 = vector.extract_strided_slice %get3A_23 {offsets = [2, 0, 0], sizes = [1, 32, 32], strides = [1, 1, 1]} : vector<8x32x32xf32> to vector<1x32x32xf32>
    %squeeze3A_118 = vector.shape_cast %slice3A_117 : vector<1x32x32xf32> to vector<32x32xf32>
    %slice3A_119 = vector.extract_strided_slice %select_n3A {offsets = [0, 3], sizes = [1000, 1], strides = [1, 1]} : vector<1000x8xf32> to vector<1000x1xf32>
    %slice3A_120 = vector.extract_strided_slice %get3A_23 {offsets = [3, 0, 0], sizes = [1, 32, 32], strides = [1, 1, 1]} : vector<8x32x32xf32> to vector<1x32x32xf32>
    %squeeze3A_121 = vector.shape_cast %slice3A_120 : vector<1x32x32xf32> to vector<32x32xf32>
    %slice3A_122 = vector.extract_strided_slice %select_n3A {offsets = [0, 4], sizes = [1000, 1], strides = [1, 1]} : vector<1000x8xf32> to vector<1000x1xf32>
    %slice3A_123 = vector.extract_strided_slice %get3A_23 {offsets = [4, 0, 0], sizes = [1, 32, 32], strides = [1, 1, 1]} : vector<8x32x32xf32> to vector<1x32x32xf32>
    %squeeze3A_124 = vector.shape_cast %slice3A_123 : vector<1x32x32xf32> to vector<32x32xf32>
    %slice3A_125 = vector.extract_strided_slice %select_n3A {offsets = [0, 5], sizes = [1000, 1], strides = [1, 1]} : vector<1000x8xf32> to vector<1000x1xf32>
    %slice3A_126 = vector.extract_strided_slice %get3A_23 {offsets = [5, 0, 0], sizes = [1, 32, 32], strides = [1, 1, 1]} : vector<8x32x32xf32> to vector<1x32x32xf32>
    %squeeze3A_127 = vector.shape_cast %slice3A_126 : vector<1x32x32xf32> to vector<32x32xf32>
    %slice3A_128 = vector.extract_strided_slice %select_n3A {offsets = [0, 6], sizes = [1000, 1], strides = [1, 1]} : vector<1000x8xf32> to vector<1000x1xf32>
    %slice3A_129 = vector.extract_strided_slice %get3A_23 {offsets = [6, 0, 0], sizes = [1, 32, 32], strides = [1, 1, 1]} : vector<8x32x32xf32> to vector<1x32x32xf32>
    %squeeze3A_130 = vector.shape_cast %slice3A_129 : vector<1x32x32xf32> to vector<32x32xf32>
    %slice3A_131 = vector.extract_strided_slice %select_n3A {offsets = [0, 7], sizes = [1000, 1], strides = [1, 1]} : vector<1000x8xf32> to vector<1000x1xf32>
    %slice3A_132 = vector.extract_strided_slice %get3A_23 {offsets = [7, 0, 0], sizes = [1, 32, 32], strides = [1, 1, 1]} : vector<8x32x32xf32> to vector<1x32x32xf32>
    %squeeze3A_133 = vector.shape_cast %slice3A_132 : vector<1x32x32xf32> to vector<32x32xf32>
    %slice3A_134 = vector.extract_strided_slice %select_n3A {offsets = [0, 0], sizes = [1000, 1], strides = [1, 1]} : vector<1000x8xf32> to vector<1000x1xf32>
    %slice3A_135 = vector.extract_strided_slice %get3A_23 {offsets = [0, 0, 0], sizes = [1, 32, 32], strides = [1, 1, 1]} : vector<8x32x32xf32> to vector<1x32x32xf32>
    %squeeze3A_136 = vector.shape_cast %slice3A_135 : vector<1x32x32xf32> to vector<32x32xf32>
    %slice3A_137 = vector.extract_strided_slice %select_n3A {offsets = [0, 1], sizes = [1000, 1], strides = [1, 1]} : vector<1000x8xf32> to vector<1000x1xf32>
    %slice3A_138 = vector.extract_strided_slice %get3A_23 {offsets = [1, 0, 0], sizes = [1, 32, 32], strides = [1, 1, 1]} : vector<8x32x32xf32> to vector<1x32x32xf32>
    %squeeze3A_139 = vector.shape_cast %slice3A_138 : vector<1x32x32xf32> to vector<32x32xf32>
    %slice3A_140 = vector.extract_strided_slice %select_n3A {offsets = [0, 2], sizes = [1000, 1], strides = [1, 1]} : vector<1000x8xf32> to vector<1000x1xf32>
    %slice3A_141 = vector.extract_strided_slice %get3A_23 {offsets = [2, 0, 0], sizes = [1, 32, 32], strides = [1, 1, 1]} : vector<8x32x32xf32> to vector<1x32x32xf32>
    %squeeze3A_142 = vector.shape_cast %slice3A_141 : vector<1x32x32xf32> to vector<32x32xf32>
    %slice3A_143 = vector.extract_strided_slice %select_n3A {offsets = [0, 3], sizes = [1000, 1], strides = [1, 1]} : vector<1000x8xf32> to vector<1000x1xf32>
    %slice3A_144 = vector.extract_strided_slice %get3A_23 {offsets = [3, 0, 0], sizes = [1, 32, 32], strides = [1, 1, 1]} : vector<8x32x32xf32> to vector<1x32x32xf32>
    %squeeze3A_145 = vector.shape_cast %slice3A_144 : vector<1x32x32xf32> to vector<32x32xf32>
    %slice3A_146 = vector.extract_strided_slice %select_n3A {offsets = [0, 4], sizes = [1000, 1], strides = [1, 1]} : vector<1000x8xf32> to vector<1000x1xf32>
    %slice3A_147 = vector.extract_strided_slice %get3A_23 {offsets = [4, 0, 0], sizes = [1, 32, 32], strides = [1, 1, 1]} : vector<8x32x32xf32> to vector<1x32x32xf32>
    %squeeze3A_148 = vector.shape_cast %slice3A_147 : vector<1x32x32xf32> to vector<32x32xf32>
    %slice3A_149 = vector.extract_strided_slice %select_n3A {offsets = [0, 5], sizes = [1000, 1], strides = [1, 1]} : vector<1000x8xf32> to vector<1000x1xf32>
    %slice3A_150 = vector.extract_strided_slice %get3A_23 {offsets = [5, 0, 0], sizes = [1, 32, 32], strides = [1, 1, 1]} : vector<8x32x32xf32> to vector<1x32x32xf32>
    %squeeze3A_151 = vector.shape_cast %slice3A_150 : vector<1x32x32xf32> to vector<32x32xf32>
    %slice3A_152 = vector.extract_strided_slice %select_n3A {offsets = [0, 6], sizes = [1000, 1], strides = [1, 1]} : vector<1000x8xf32> to vector<1000x1xf32>
    %slice3A_153 = vector.extract_strided_slice %get3A_23 {offsets = [6, 0, 0], sizes = [1, 32, 32], strides = [1, 1, 1]} : vector<8x32x32xf32> to vector<1x32x32xf32>
    %squeeze3A_154 = vector.shape_cast %slice3A_153 : vector<1x32x32xf32> to vector<32x32xf32>
    %slice3A_155 = vector.extract_strided_slice %select_n3A {offsets = [0, 7], sizes = [1000, 1], strides = [1, 1]} : vector<1000x8xf32> to vector<1000x1xf32>
    %slice3A_156 = vector.extract_strided_slice %get3A_23 {offsets = [7, 0, 0], sizes = [1, 32, 32], strides = [1, 1, 1]} : vector<8x32x32xf32> to vector<1x32x32xf32>
    %squeeze3A_157 = vector.shape_cast %slice3A_156 : vector<1x32x32xf32> to vector<32x32xf32>
    %slice3A_158 = vector.extract_strided_slice %select_n3A {offsets = [0, 0], sizes = [1000, 1], strides = [1, 1]} : vector<1000x8xf32> to vector<1000x1xf32>
    %slice3A_159 = vector.extract_strided_slice %get3A_23 {offsets = [0, 0, 0], sizes = [1, 32, 32], strides = [1, 1, 1]} : vector<8x32x32xf32> to vector<1x32x32xf32>
    %squeeze3A_160 = vector.shape_cast %slice3A_159 : vector<1x32x32xf32> to vector<32x32xf32>
    %slice3A_161 = vector.extract_strided_slice %select_n3A {offsets = [0, 1], sizes = [1000, 1], strides = [1, 1]} : vector<1000x8xf32> to vector<1000x1xf32>
    %slice3A_162 = vector.extract_strided_slice %get3A_23 {offsets = [1, 0, 0], sizes = [1, 32, 32], strides = [1, 1, 1]} : vector<8x32x32xf32> to vector<1x32x32xf32>
    %squeeze3A_163 = vector.shape_cast %slice3A_162 : vector<1x32x32xf32> to vector<32x32xf32>
    %slice3A_164 = vector.extract_strided_slice %select_n3A {offsets = [0, 2], sizes = [1000, 1], strides = [1, 1]} : vector<1000x8xf32> to vector<1000x1xf32>
    %slice3A_165 = vector.extract_strided_slice %get3A_23 {offsets = [2, 0, 0], sizes = [1, 32, 32], strides = [1, 1, 1]} : vector<8x32x32xf32> to vector<1x32x32xf32>
    %squeeze3A_166 = vector.shape_cast %slice3A_165 : vector<1x32x32xf32> to vector<32x32xf32>
    %slice3A_167 = vector.extract_strided_slice %select_n3A {offsets = [0, 3], sizes = [1000, 1], strides = [1, 1]} : vector<1000x8xf32> to vector<1000x1xf32>
    %slice3A_168 = vector.extract_strided_slice %get3A_23 {offsets = [3, 0, 0], sizes = [1, 32, 32], strides = [1, 1, 1]} : vector<8x32x32xf32> to vector<1x32x32xf32>
    %squeeze3A_169 = vector.shape_cast %slice3A_168 : vector<1x32x32xf32> to vector<32x32xf32>
    %slice3A_170 = vector.extract_strided_slice %select_n3A {offsets = [0, 4], sizes = [1000, 1], strides = [1, 1]} : vector<1000x8xf32> to vector<1000x1xf32>
    %slice3A_171 = vector.extract_strided_slice %get3A_23 {offsets = [4, 0, 0], sizes = [1, 32, 32], strides = [1, 1, 1]} : vector<8x32x32xf32> to vector<1x32x32xf32>
    %squeeze3A_172 = vector.shape_cast %slice3A_171 : vector<1x32x32xf32> to vector<32x32xf32>
    %slice3A_173 = vector.extract_strided_slice %select_n3A {offsets = [0, 5], sizes = [1000, 1], strides = [1, 1]} : vector<1000x8xf32> to vector<1000x1xf32>
    %slice3A_174 = vector.extract_strided_slice %get3A_23 {offsets = [5, 0, 0], sizes = [1, 32, 32], strides = [1, 1, 1]} : vector<8x32x32xf32> to vector<1x32x32xf32>
    %squeeze3A_175 = vector.shape_cast %slice3A_174 : vector<1x32x32xf32> to vector<32x32xf32>
    %slice3A_176 = vector.extract_strided_slice %select_n3A {offsets = [0, 6], sizes = [1000, 1], strides = [1, 1]} : vector<1000x8xf32> to vector<1000x1xf32>
    %slice3A_177 = vector.extract_strided_slice %get3A_23 {offsets = [6, 0, 0], sizes = [1, 32, 32], strides = [1, 1, 1]} : vector<8x32x32xf32> to vector<1x32x32xf32>
    %squeeze3A_178 = vector.shape_cast %slice3A_177 : vector<1x32x32xf32> to vector<32x32xf32>
    %slice3A_179 = vector.extract_strided_slice %select_n3A {offsets = [0, 7], sizes = [1000, 1], strides = [1, 1]} : vector<1000x8xf32> to vector<1000x1xf32>
    %slice3A_180 = vector.extract_strided_slice %get3A_23 {offsets = [7, 0, 0], sizes = [1, 32, 32], strides = [1, 1, 1]} : vector<8x32x32xf32> to vector<1x32x32xf32>
    %squeeze3A_181 = vector.shape_cast %slice3A_180 : vector<1x32x32xf32> to vector<32x32xf32>
    %dot_general3A_182 = arith.constant dense<0.000000e+00> : vector<1000x64xf32>
    %dot_general3A_183 = tpu.matmul %select_n3A, %get3A_26, %dot_general3A_182 {dimension_numbers = #tpu.dot_dimension_numbers<[1], [0], [0], [1], [0, 0, 1, 1], [], []>, transpose_lhs_hint = false} : vector<1000x8xf32>, vector<8x64xf32>, vector<1000x64xf32> -> vector<1000x64xf32>
    %slice3A_184 = vector.extract_strided_slice %dot_general3A_183 {offsets = [0, 0], sizes = [1000, 32], strides = [1, 1]} : vector<1000x64xf32> to vector<1000x32xf32>
    %slice3A_185 = vector.extract_strided_slice %dot_general3A_183 {offsets = [0, 32], sizes = [1000, 32], strides = [1, 1]} : vector<1000x64xf32> to vector<1000x32xf32>
    %mul3A_186 = arith.mulf %slice3A_185, %mul3A_109 : vector<1000x32xf32>
    "tpu.trace_stop"() : () -> ()
    %get3A_187 = arith.constant 0 : index
    %get3A_188 = arith.constant 0 : index
    %get3A_189 = vector.load %arg4[%get3A_187, %get3A_188] : memref<1000x128xf32, #tpu.memory_space<vmem>>, vector<1000x128xf32>
    %get3A_190 = arith.constant 0 : index
    %get3A_191 = arith.constant 0 : index
    %get3A_192 = vector.load %arg5[%get3A_190, %get3A_191] : memref<1000x128xf32, #tpu.memory_space<vmem>>, vector<1000x128xf32>
    %add3A_193 = arith.addf %get3A_189, %get3A_192 : vector<1000x128xf32>
    %broadcast_in_dim3A_194 = arith.constant 1.000000e+00 : f32
    %broadcast_in_dim3A_195 = vector.broadcast %broadcast_in_dim3A_194 : f32 to vector<1000x1xf32>
    "tpu.trace_start"() <{level = 10 : i32, message = "transpose"}> : () -> ()
    "tpu.trace_start"() <{level = 10 : i32, message = "jvp"}> : () -> ()
    %split3A = vector.extract_strided_slice %add3A_193 {offsets = [0, 0], sizes = [1000, 32], strides = [1, 1]} : vector<1000x128xf32> to vector<1000x32xf32>
    %split3A_196 = vector.extract_strided_slice %add3A_193 {offsets = [0, 32], sizes = [1000, 32], strides = [1, 1]} : vector<1000x128xf32> to vector<1000x32xf32>
    %split3A_197 = vector.extract_strided_slice %add3A_193 {offsets = [0, 64], sizes = [1000, 32], strides = [1, 1]} : vector<1000x128xf32> to vector<1000x32xf32>
    %split3A_198 = vector.extract_strided_slice %add3A_193 {offsets = [0, 96], sizes = [1000, 32], strides = [1, 1]} : vector<1000x128xf32> to vector<1000x32xf32>
    %dot_general3A_199 = arith.constant dense<0.000000e+00> : vector<1000x32xf32>
    %dot_general3A_200 = tpu.matmul %split3A_198, %get3A_41, %dot_general3A_199 {dimension_numbers = #tpu.dot_dimension_numbers<[1], [1], [0], [0], [0, 0, 1, 0], [], []>, transpose_lhs_hint = false} : vector<1000x32xf32>, vector<32x32xf32>, vector<1000x32xf32> -> vector<1000x32xf32>
    %dot_general3A_201 = arith.constant dense<0.000000e+00> : vector<1000x32xf32>
    %dot_general3A_202 = tpu.matmul %split3A_197, %get3A_41, %dot_general3A_201 {dimension_numbers = #tpu.dot_dimension_numbers<[1], [1], [0], [0], [0, 0, 1, 0], [], []>, transpose_lhs_hint = false} : vector<1000x32xf32>, vector<32x32xf32>, vector<1000x32xf32> -> vector<1000x32xf32>
    %dot_general3A_203 = arith.constant dense<0.000000e+00> : vector<1000x32xf32>
    %dot_general3A_204 = tpu.matmul %split3A_196, %get3A_41, %dot_general3A_203 {dimension_numbers = #tpu.dot_dimension_numbers<[1], [1], [0], [0], [0, 0, 1, 0], [], []>, transpose_lhs_hint = false} : vector<1000x32xf32>, vector<32x32xf32>, vector<1000x32xf32> -> vector<1000x32xf32>
    %dot_general3A_205 = arith.constant dense<0.000000e+00> : vector<1000x32xf32>
    %dot_general3A_206 = tpu.matmul %split3A, %get3A_38, %dot_general3A_205 {dimension_numbers = #tpu.dot_dimension_numbers<[1], [1], [0], [0], [0, 0, 1, 0], [], []>, transpose_lhs_hint = false} : vector<1000x32xf32>, vector<32x32xf32>, vector<1000x32xf32> -> vector<1000x32xf32>
    %dot_general3A_207 = arith.constant dense<0.000000e+00> : vector<1000x32xf32>
    %dot_general3A_208 = tpu.matmul %broadcast_in_dim3A_195, %get3A_35, %dot_general3A_207 {dimension_numbers = #tpu.dot_dimension_numbers<[1], [1], [0], [0], [0, 0, 1, 0], [], []>, transpose_lhs_hint = false} : vector<1000x1xf32>, vector<32x1xf32>, vector<1000x32xf32> -> vector<1000x32xf32>
    %add_any3A = arith.addf %dot_general3A_206, %dot_general3A_208 : vector<1000x32xf32>
    %dot_general3A_209 = arith.constant dense<0.000000e+00> : vector<1000x32xf32>
    %dot_general3A_210 = tpu.matmul %dot_general3A_200, %get3A_32, %dot_general3A_209 {dimension_numbers = #tpu.dot_dimension_numbers<[1], [1], [0], [0], [0, 0, 1, 0], [], []>, transpose_lhs_hint = false} : vector<1000x32xf32>, vector<32x32xf32>, vector<1000x32xf32> -> vector<1000x32xf32>
    %mul3A_211 = arith.mulf %slice3A_184, %dot_general3A_210 : vector<1000x32xf32>
    %dot_general3A_212 = arith.constant dense<0.000000e+00> : vector<1000x32xf32>
    %dot_general3A_213 = tpu.matmul %dot_general3A_202, %get3A_32, %dot_general3A_212 {dimension_numbers = #tpu.dot_dimension_numbers<[1], [1], [0], [0], [0, 0, 1, 0], [], []>, transpose_lhs_hint = false} : vector<1000x32xf32>, vector<32x32xf32>, vector<1000x32xf32> -> vector<1000x32xf32>
    %mul3A_214 = arith.mulf %slice3A_184, %dot_general3A_213 : vector<1000x32xf32>
    %dot_general3A_215 = arith.constant dense<0.000000e+00> : vector<1000x32xf32>
    %dot_general3A_216 = tpu.matmul %dot_general3A_204, %get3A_32, %dot_general3A_215 {dimension_numbers = #tpu.dot_dimension_numbers<[1], [1], [0], [0], [0, 0, 1, 0], [], []>, transpose_lhs_hint = false} : vector<1000x32xf32>, vector<32x32xf32>, vector<1000x32xf32> -> vector<1000x32xf32>
    %mul3A_217 = arith.mulf %slice3A_184, %dot_general3A_216 : vector<1000x32xf32>
    %dot_general3A_218 = arith.constant dense<0.000000e+00> : vector<1000x32xf32>
    %dot_general3A_219 = tpu.matmul %add_any3A, %get3A_29, %dot_general3A_218 {dimension_numbers = #tpu.dot_dimension_numbers<[1], [1], [0], [0], [0, 0, 1, 0], [], []>, transpose_lhs_hint = false} : vector<1000x32xf32>, vector<32x32xf32>, vector<1000x32xf32> -> vector<1000x32xf32>
    %mul3A_220 = arith.mulf %mul3A_186, %dot_general3A_219 : vector<1000x32xf32>
    %mul3A_221 = arith.mulf %dot_general3A_219, %mul3A_109 : vector<1000x32xf32>
    %mul3A_222 = arith.mulf %slice3A_185, %mul3A_221 : vector<1000x32xf32>
    %add_any3A_223 = arith.addf %mul3A_220, %mul3A_222 : vector<1000x32xf32>
    %mul3A_224 = arith.mulf %slice3A_184, %dot_general3A_219 : vector<1000x32xf32>
    %add_any3A_225 = arith.addf %add_any3A_223, %mul3A_224 : vector<1000x32xf32>
    %mul3A_226 = arith.constant 0.353553385 : f32
    %mul3A_227 = vector.broadcast %mul3A_226 : f32 to vector<1000x32xf32>
    %mul3A_228 = arith.mulf %mul3A_211, %mul3A_227 : vector<1000x32xf32>
    %mul3A_229 = vector.broadcast %slice3A_179 : vector<1000x1xf32> to vector<1000x32xf32>
    %mul3A_230 = arith.mulf %mul3A_229, %mul3A_228 : vector<1000x32xf32>
    %dot_general3A_231 = arith.constant dense<0.000000e+00> : vector<1000x32xf32>
    %dot_general3A_232 = tpu.matmul %mul3A_230, %squeeze3A_181, %dot_general3A_231 {dimension_numbers = #tpu.dot_dimension_numbers<[1], [1], [0], [0], [0, 0, 1, 0], [], []>, transpose_lhs_hint = false} : vector<1000x32xf32>, vector<32x32xf32>, vector<1000x32xf32> -> vector<1000x32xf32>
    %mul3A_233 = vector.broadcast %slice3A_176 : vector<1000x1xf32> to vector<1000x32xf32>
    %mul3A_234 = arith.mulf %mul3A_233, %mul3A_228 : vector<1000x32xf32>
    %dot_general3A_235 = arith.constant dense<0.000000e+00> : vector<1000x32xf32>
    %dot_general3A_236 = tpu.matmul %mul3A_234, %squeeze3A_178, %dot_general3A_235 {dimension_numbers = #tpu.dot_dimension_numbers<[1], [1], [0], [0], [0, 0, 1, 0], [], []>, transpose_lhs_hint = false} : vector<1000x32xf32>, vector<32x32xf32>, vector<1000x32xf32> -> vector<1000x32xf32>
    %add_any3A_237 = arith.addf %dot_general3A_232, %dot_general3A_236 : vector<1000x32xf32>
    %mul3A_238 = vector.broadcast %slice3A_173 : vector<1000x1xf32> to vector<1000x32xf32>
    %mul3A_239 = arith.mulf %mul3A_238, %mul3A_228 : vector<1000x32xf32>
    %dot_general3A_240 = arith.constant dense<0.000000e+00> : vector<1000x32xf32>
    %dot_general3A_241 = tpu.matmul %mul3A_239, %squeeze3A_175, %dot_general3A_240 {dimension_numbers = #tpu.dot_dimension_numbers<[1], [1], [0], [0], [0, 0, 1, 0], [], []>, transpose_lhs_hint = false} : vector<1000x32xf32>, vector<32x32xf32>, vector<1000x32xf32> -> vector<1000x32xf32>
    %add_any3A_242 = arith.addf %add_any3A_237, %dot_general3A_241 : vector<1000x32xf32>
    %mul3A_243 = vector.broadcast %slice3A_170 : vector<1000x1xf32> to vector<1000x32xf32>
    %mul3A_244 = arith.mulf %mul3A_243, %mul3A_228 : vector<1000x32xf32>
    %dot_general3A_245 = arith.constant dense<0.000000e+00> : vector<1000x32xf32>
    %dot_general3A_246 = tpu.matmul %mul3A_244, %squeeze3A_172, %dot_general3A_245 {dimension_numbers = #tpu.dot_dimension_numbers<[1], [1], [0], [0], [0, 0, 1, 0], [], []>, transpose_lhs_hint = false} : vector<1000x32xf32>, vector<32x32xf32>, vector<1000x32xf32> -> vector<1000x32xf32>
    %add_any3A_247 = arith.addf %add_any3A_242, %dot_general3A_246 : vector<1000x32xf32>
    %mul3A_248 = vector.broadcast %slice3A_167 : vector<1000x1xf32> to vector<1000x32xf32>
    %mul3A_249 = arith.mulf %mul3A_248, %mul3A_228 : vector<1000x32xf32>
    %dot_general3A_250 = arith.constant dense<0.000000e+00> : vector<1000x32xf32>
    %dot_general3A_251 = tpu.matmul %mul3A_249, %squeeze3A_169, %dot_general3A_250 {dimension_numbers = #tpu.dot_dimension_numbers<[1], [1], [0], [0], [0, 0, 1, 0], [], []>, transpose_lhs_hint = false} : vector<1000x32xf32>, vector<32x32xf32>, vector<1000x32xf32> -> vector<1000x32xf32>
    %add_any3A_252 = arith.addf %add_any3A_247, %dot_general3A_251 : vector<1000x32xf32>
    %mul3A_253 = vector.broadcast %slice3A_164 : vector<1000x1xf32> to vector<1000x32xf32>
    %mul3A_254 = arith.mulf %mul3A_253, %mul3A_228 : vector<1000x32xf32>
    %dot_general3A_255 = arith.constant dense<0.000000e+00> : vector<1000x32xf32>
    %dot_general3A_256 = tpu.matmul %mul3A_254, %squeeze3A_166, %dot_general3A_255 {dimension_numbers = #tpu.dot_dimension_numbers<[1], [1], [0], [0], [0, 0, 1, 0], [], []>, transpose_lhs_hint = false} : vector<1000x32xf32>, vector<32x32xf32>, vector<1000x32xf32> -> vector<1000x32xf32>
    %add_any3A_257 = arith.addf %add_any3A_252, %dot_general3A_256 : vector<1000x32xf32>
    %mul3A_258 = vector.broadcast %slice3A_161 : vector<1000x1xf32> to vector<1000x32xf32>
    %mul3A_259 = arith.mulf %mul3A_258, %mul3A_228 : vector<1000x32xf32>
    %dot_general3A_260 = arith.constant dense<0.000000e+00> : vector<1000x32xf32>
    %dot_general3A_261 = tpu.matmul %mul3A_259, %squeeze3A_163, %dot_general3A_260 {dimension_numbers = #tpu.dot_dimension_numbers<[1], [1], [0], [0], [0, 0, 1, 0], [], []>, transpose_lhs_hint = false} : vector<1000x32xf32>, vector<32x32xf32>, vector<1000x32xf32> -> vector<1000x32xf32>
    %add_any3A_262 = arith.addf %add_any3A_257, %dot_general3A_261 : vector<1000x32xf32>
    %mul3A_263 = vector.broadcast %slice3A_158 : vector<1000x1xf32> to vector<1000x32xf32>
    %mul3A_264 = arith.mulf %mul3A_263, %mul3A_228 : vector<1000x32xf32>
    %dot_general3A_265 = arith.constant dense<0.000000e+00> : vector<1000x32xf32>
    %dot_general3A_266 = tpu.matmul %mul3A_264, %squeeze3A_160, %dot_general3A_265 {dimension_numbers = #tpu.dot_dimension_numbers<[1], [1], [0], [0], [0, 0, 1, 0], [], []>, transpose_lhs_hint = false} : vector<1000x32xf32>, vector<32x32xf32>, vector<1000x32xf32> -> vector<1000x32xf32>
    %add_any3A_267 = arith.addf %add_any3A_262, %dot_general3A_266 : vector<1000x32xf32>
    %mul3A_268 = arith.constant 0.353553385 : f32
    %mul3A_269 = vector.broadcast %mul3A_268 : f32 to vector<1000x32xf32>
    %mul3A_270 = arith.mulf %mul3A_214, %mul3A_269 : vector<1000x32xf32>
    %mul3A_271 = vector.broadcast %slice3A_155 : vector<1000x1xf32> to vector<1000x32xf32>
    %mul3A_272 = arith.mulf %mul3A_271, %mul3A_270 : vector<1000x32xf32>
    %dot_general3A_273 = arith.constant dense<0.000000e+00> : vector<1000x32xf32>
    %dot_general3A_274 = tpu.matmul %mul3A_272, %squeeze3A_157, %dot_general3A_273 {dimension_numbers = #tpu.dot_dimension_numbers<[1], [1], [0], [0], [0, 0, 1, 0], [], []>, transpose_lhs_hint = false} : vector<1000x32xf32>, vector<32x32xf32>, vector<1000x32xf32> -> vector<1000x32xf32>
    %mul3A_275 = vector.broadcast %slice3A_152 : vector<1000x1xf32> to vector<1000x32xf32>
    %mul3A_276 = arith.mulf %mul3A_275, %mul3A_270 : vector<1000x32xf32>
    %dot_general3A_277 = arith.constant dense<0.000000e+00> : vector<1000x32xf32>
    %dot_general3A_278 = tpu.matmul %mul3A_276, %squeeze3A_154, %dot_general3A_277 {dimension_numbers = #tpu.dot_dimension_numbers<[1], [1], [0], [0], [0, 0, 1, 0], [], []>, transpose_lhs_hint = false} : vector<1000x32xf32>, vector<32x32xf32>, vector<1000x32xf32> -> vector<1000x32xf32>
    %add_any3A_279 = arith.addf %dot_general3A_274, %dot_general3A_278 : vector<1000x32xf32>
    %mul3A_280 = vector.broadcast %slice3A_149 : vector<1000x1xf32> to vector<1000x32xf32>
    %mul3A_281 = arith.mulf %mul3A_280, %mul3A_270 : vector<1000x32xf32>
    %dot_general3A_282 = arith.constant dense<0.000000e+00> : vector<1000x32xf32>
    %dot_general3A_283 = tpu.matmul %mul3A_281, %squeeze3A_151, %dot_general3A_282 {dimension_numbers = #tpu.dot_dimension_numbers<[1], [1], [0], [0], [0, 0, 1, 0], [], []>, transpose_lhs_hint = false} : vector<1000x32xf32>, vector<32x32xf32>, vector<1000x32xf32> -> vector<1000x32xf32>
    %add_any3A_284 = arith.addf %add_any3A_279, %dot_general3A_283 : vector<1000x32xf32>
    %mul3A_285 = vector.broadcast %slice3A_146 : vector<1000x1xf32> to vector<1000x32xf32>
    %mul3A_286 = arith.mulf %mul3A_285, %mul3A_270 : vector<1000x32xf32>
    %dot_general3A_287 = arith.constant dense<0.000000e+00> : vector<1000x32xf32>
    %dot_general3A_288 = tpu.matmul %mul3A_286, %squeeze3A_148, %dot_general3A_287 {dimension_numbers = #tpu.dot_dimension_numbers<[1], [1], [0], [0], [0, 0, 1, 0], [], []>, transpose_lhs_hint = false} : vector<1000x32xf32>, vector<32x32xf32>, vector<1000x32xf32> -> vector<1000x32xf32>
    %add_any3A_289 = arith.addf %add_any3A_284, %dot_general3A_288 : vector<1000x32xf32>
    %mul3A_290 = vector.broadcast %slice3A_143 : vector<1000x1xf32> to vector<1000x32xf32>
    %mul3A_291 = arith.mulf %mul3A_290, %mul3A_270 : vector<1000x32xf32>
    %dot_general3A_292 = arith.constant dense<0.000000e+00> : vector<1000x32xf32>
    %dot_general3A_293 = tpu.matmul %mul3A_291, %squeeze3A_145, %dot_general3A_292 {dimension_numbers = #tpu.dot_dimension_numbers<[1], [1], [0], [0], [0, 0, 1, 0], [], []>, transpose_lhs_hint = false} : vector<1000x32xf32>, vector<32x32xf32>, vector<1000x32xf32> -> vector<1000x32xf32>
    %add_any3A_294 = arith.addf %add_any3A_289, %dot_general3A_293 : vector<1000x32xf32>
    %mul3A_295 = vector.broadcast %slice3A_140 : vector<1000x1xf32> to vector<1000x32xf32>
    %mul3A_296 = arith.mulf %mul3A_295, %mul3A_270 : vector<1000x32xf32>
    %dot_general3A_297 = arith.constant dense<0.000000e+00> : vector<1000x32xf32>
    %dot_general3A_298 = tpu.matmul %mul3A_296, %squeeze3A_142, %dot_general3A_297 {dimension_numbers = #tpu.dot_dimension_numbers<[1], [1], [0], [0], [0, 0, 1, 0], [], []>, transpose_lhs_hint = false} : vector<1000x32xf32>, vector<32x32xf32>, vector<1000x32xf32> -> vector<1000x32xf32>
    %add_any3A_299 = arith.addf %add_any3A_294, %dot_general3A_298 : vector<1000x32xf32>
    %mul3A_300 = vector.broadcast %slice3A_137 : vector<1000x1xf32> to vector<1000x32xf32>
    %mul3A_301 = arith.mulf %mul3A_300, %mul3A_270 : vector<1000x32xf32>
    %dot_general3A_302 = arith.constant dense<0.000000e+00> : vector<1000x32xf32>
    %dot_general3A_303 = tpu.matmul %mul3A_301, %squeeze3A_139, %dot_general3A_302 {dimension_numbers = #tpu.dot_dimension_numbers<[1], [1], [0], [0], [0, 0, 1, 0], [], []>, transpose_lhs_hint = false} : vector<1000x32xf32>, vector<32x32xf32>, vector<1000x32xf32> -> vector<1000x32xf32>
    %add_any3A_304 = arith.addf %add_any3A_299, %dot_general3A_303 : vector<1000x32xf32>
    %mul3A_305 = vector.broadcast %slice3A_134 : vector<1000x1xf32> to vector<1000x32xf32>
    %mul3A_306 = arith.mulf %mul3A_305, %mul3A_270 : vector<1000x32xf32>
    %dot_general3A_307 = arith.constant dense<0.000000e+00> : vector<1000x32xf32>
    %dot_general3A_308 = tpu.matmul %mul3A_306, %squeeze3A_136, %dot_general3A_307 {dimension_numbers = #tpu.dot_dimension_numbers<[1], [1], [0], [0], [0, 0, 1, 0], [], []>, transpose_lhs_hint = false} : vector<1000x32xf32>, vector<32x32xf32>, vector<1000x32xf32> -> vector<1000x32xf32>
    %add_any3A_309 = arith.addf %add_any3A_304, %dot_general3A_308 : vector<1000x32xf32>
    %mul3A_310 = arith.constant 0.353553385 : f32
    %mul3A_311 = vector.broadcast %mul3A_310 : f32 to vector<1000x32xf32>
    %mul3A_312 = arith.mulf %mul3A_217, %mul3A_311 : vector<1000x32xf32>
    %mul3A_313 = vector.broadcast %slice3A_131 : vector<1000x1xf32> to vector<1000x32xf32>
    %mul3A_314 = arith.mulf %mul3A_313, %mul3A_312 : vector<1000x32xf32>
    %dot_general3A_315 = arith.constant dense<0.000000e+00> : vector<1000x32xf32>
    %dot_general3A_316 = tpu.matmul %mul3A_314, %squeeze3A_133, %dot_general3A_315 {dimension_numbers = #tpu.dot_dimension_numbers<[1], [1], [0], [0], [0, 0, 1, 0], [], []>, transpose_lhs_hint = false} : vector<1000x32xf32>, vector<32x32xf32>, vector<1000x32xf32> -> vector<1000x32xf32>
    %mul3A_317 = vector.broadcast %slice3A_128 : vector<1000x1xf32> to vector<1000x32xf32>
    %mul3A_318 = arith.mulf %mul3A_317, %mul3A_312 : vector<1000x32xf32>
    %dot_general3A_319 = arith.constant dense<0.000000e+00> : vector<1000x32xf32>
    %dot_general3A_320 = tpu.matmul %mul3A_318, %squeeze3A_130, %dot_general3A_319 {dimension_numbers = #tpu.dot_dimension_numbers<[1], [1], [0], [0], [0, 0, 1, 0], [], []>, transpose_lhs_hint = false} : vector<1000x32xf32>, vector<32x32xf32>, vector<1000x32xf32> -> vector<1000x32xf32>
    %add_any3A_321 = arith.addf %dot_general3A_316, %dot_general3A_320 : vector<1000x32xf32>
    %mul3A_322 = vector.broadcast %slice3A_125 : vector<1000x1xf32> to vector<1000x32xf32>
    %mul3A_323 = arith.mulf %mul3A_322, %mul3A_312 : vector<1000x32xf32>
    %dot_general3A_324 = arith.constant dense<0.000000e+00> : vector<1000x32xf32>
    %dot_general3A_325 = tpu.matmul %mul3A_323, %squeeze3A_127, %dot_general3A_324 {dimension_numbers = #tpu.dot_dimension_numbers<[1], [1], [0], [0], [0, 0, 1, 0], [], []>, transpose_lhs_hint = false} : vector<1000x32xf32>, vector<32x32xf32>, vector<1000x32xf32> -> vector<1000x32xf32>
    %add_any3A_326 = arith.addf %add_any3A_321, %dot_general3A_325 : vector<1000x32xf32>
    %mul3A_327 = vector.broadcast %slice3A_122 : vector<1000x1xf32> to vector<1000x32xf32>
    %mul3A_328 = arith.mulf %mul3A_327, %mul3A_312 : vector<1000x32xf32>
    %dot_general3A_329 = arith.constant dense<0.000000e+00> : vector<1000x32xf32>
    %dot_general3A_330 = tpu.matmul %mul3A_328, %squeeze3A_124, %dot_general3A_329 {dimension_numbers = #tpu.dot_dimension_numbers<[1], [1], [0], [0], [0, 0, 1, 0], [], []>, transpose_lhs_hint = false} : vector<1000x32xf32>, vector<32x32xf32>, vector<1000x32xf32> -> vector<1000x32xf32>
    %add_any3A_331 = arith.addf %add_any3A_326, %dot_general3A_330 : vector<1000x32xf32>
    %mul3A_332 = vector.broadcast %slice3A_119 : vector<1000x1xf32> to vector<1000x32xf32>
    %mul3A_333 = arith.mulf %mul3A_332, %mul3A_312 : vector<1000x32xf32>
    %dot_general3A_334 = arith.constant dense<0.000000e+00> : vector<1000x32xf32>
    %dot_general3A_335 = tpu.matmul %mul3A_333, %squeeze3A_121, %dot_general3A_334 {dimension_numbers = #tpu.dot_dimension_numbers<[1], [1], [0], [0], [0, 0, 1, 0], [], []>, transpose_lhs_hint = false} : vector<1000x32xf32>, vector<32x32xf32>, vector<1000x32xf32> -> vector<1000x32xf32>
    %add_any3A_336 = arith.addf %add_any3A_331, %dot_general3A_335 : vector<1000x32xf32>
    %mul3A_337 = vector.broadcast %slice3A_116 : vector<1000x1xf32> to vector<1000x32xf32>
    %mul3A_338 = arith.mulf %mul3A_337, %mul3A_312 : vector<1000x32xf32>
    %dot_general3A_339 = arith.constant dense<0.000000e+00> : vector<1000x32xf32>
    %dot_general3A_340 = tpu.matmul %mul3A_338, %squeeze3A_118, %dot_general3A_339 {dimension_numbers = #tpu.dot_dimension_numbers<[1], [1], [0], [0], [0, 0, 1, 0], [], []>, transpose_lhs_hint = false} : vector<1000x32xf32>, vector<32x32xf32>, vector<1000x32xf32> -> vector<1000x32xf32>
    %add_any3A_341 = arith.addf %add_any3A_336, %dot_general3A_340 : vector<1000x32xf32>
    %mul3A_342 = vector.broadcast %slice3A_113 : vector<1000x1xf32> to vector<1000x32xf32>
    %mul3A_343 = arith.mulf %mul3A_342, %mul3A_312 : vector<1000x32xf32>
    %dot_general3A_344 = arith.constant dense<0.000000e+00> : vector<1000x32xf32>
    %dot_general3A_345 = tpu.matmul %mul3A_343, %squeeze3A_115, %dot_general3A_344 {dimension_numbers = #tpu.dot_dimension_numbers<[1], [1], [0], [0], [0, 0, 1, 0], [], []>, transpose_lhs_hint = false} : vector<1000x32xf32>, vector<32x32xf32>, vector<1000x32xf32> -> vector<1000x32xf32>
    %add_any3A_346 = arith.addf %add_any3A_341, %dot_general3A_345 : vector<1000x32xf32>
    %mul3A_347 = vector.broadcast %slice3A_110 : vector<1000x1xf32> to vector<1000x32xf32>
    %mul3A_348 = arith.mulf %mul3A_347, %mul3A_312 : vector<1000x32xf32>
    %dot_general3A_349 = arith.constant dense<0.000000e+00> : vector<1000x32xf32>
    %dot_general3A_350 = tpu.matmul %mul3A_348, %squeeze3A_112, %dot_general3A_349 {dimension_numbers = #tpu.dot_dimension_numbers<[1], [1], [0], [0], [0, 0, 1, 0], [], []>, transpose_lhs_hint = false} : vector<1000x32xf32>, vector<32x32xf32>, vector<1000x32xf32> -> vector<1000x32xf32>
    %add_any3A_351 = arith.addf %add_any3A_346, %dot_general3A_350 : vector<1000x32xf32>
    %mul3A_352 = arith.constant 0.353553385 : f32
    %mul3A_353 = vector.broadcast %mul3A_352 : f32 to vector<1000x32xf32>
    %mul3A_354 = arith.mulf %add_any3A_225, %mul3A_353 : vector<1000x32xf32>
    %mul3A_355 = vector.broadcast %slice3A_99 : vector<1000x1xf32> to vector<1000x32xf32>
    %mul3A_356 = arith.mulf %mul3A_355, %mul3A_354 : vector<1000x32xf32>
    %dot_general3A_357 = arith.constant dense<0.000000e+00> : vector<1000x32xf32>
    %dot_general3A_358 = tpu.matmul %mul3A_356, %squeeze3A_101, %dot_general3A_357 {dimension_numbers = #tpu.dot_dimension_numbers<[1], [1], [0], [0], [0, 0, 1, 0], [], []>, transpose_lhs_hint = false} : vector<1000x32xf32>, vector<32x32xf32>, vector<1000x32xf32> -> vector<1000x32xf32>
    %mul3A_359 = vector.broadcast %slice3A_91 : vector<1000x1xf32> to vector<1000x32xf32>
    %mul3A_360 = arith.mulf %mul3A_359, %mul3A_354 : vector<1000x32xf32>
    %dot_general3A_361 = arith.constant dense<0.000000e+00> : vector<1000x32xf32>
    %dot_general3A_362 = tpu.matmul %mul3A_360, %squeeze3A_93, %dot_general3A_361 {dimension_numbers = #tpu.dot_dimension_numbers<[1], [1], [0], [0], [0, 0, 1, 0], [], []>, transpose_lhs_hint = false} : vector<1000x32xf32>, vector<32x32xf32>, vector<1000x32xf32> -> vector<1000x32xf32>
    %add_any3A_363 = arith.addf %dot_general3A_358, %dot_general3A_362 : vector<1000x32xf32>
    %mul3A_364 = vector.broadcast %slice3A_83 : vector<1000x1xf32> to vector<1000x32xf32>
    %mul3A_365 = arith.mulf %mul3A_364, %mul3A_354 : vector<1000x32xf32>
    %dot_general3A_366 = arith.constant dense<0.000000e+00> : vector<1000x32xf32>
    %dot_general3A_367 = tpu.matmul %mul3A_365, %squeeze3A_85, %dot_general3A_366 {dimension_numbers = #tpu.dot_dimension_numbers<[1], [1], [0], [0], [0, 0, 1, 0], [], []>, transpose_lhs_hint = false} : vector<1000x32xf32>, vector<32x32xf32>, vector<1000x32xf32> -> vector<1000x32xf32>
    %add_any3A_368 = arith.addf %add_any3A_363, %dot_general3A_367 : vector<1000x32xf32>
    %mul3A_369 = vector.broadcast %slice3A_75 : vector<1000x1xf32> to vector<1000x32xf32>
    %mul3A_370 = arith.mulf %mul3A_369, %mul3A_354 : vector<1000x32xf32>
    %dot_general3A_371 = arith.constant dense<0.000000e+00> : vector<1000x32xf32>
    %dot_general3A_372 = tpu.matmul %mul3A_370, %squeeze3A_77, %dot_general3A_371 {dimension_numbers = #tpu.dot_dimension_numbers<[1], [1], [0], [0], [0, 0, 1, 0], [], []>, transpose_lhs_hint = false} : vector<1000x32xf32>, vector<32x32xf32>, vector<1000x32xf32> -> vector<1000x32xf32>
    %add_any3A_373 = arith.addf %add_any3A_368, %dot_general3A_372 : vector<1000x32xf32>
    %mul3A_374 = vector.broadcast %slice3A_67 : vector<1000x1xf32> to vector<1000x32xf32>
    %mul3A_375 = arith.mulf %mul3A_374, %mul3A_354 : vector<1000x32xf32>
    %dot_general3A_376 = arith.constant dense<0.000000e+00> : vector<1000x32xf32>
    %dot_general3A_377 = tpu.matmul %mul3A_375, %squeeze3A_69, %dot_general3A_376 {dimension_numbers = #tpu.dot_dimension_numbers<[1], [1], [0], [0], [0, 0, 1, 0], [], []>, transpose_lhs_hint = false} : vector<1000x32xf32>, vector<32x32xf32>, vector<1000x32xf32> -> vector<1000x32xf32>
    %add_any3A_378 = arith.addf %add_any3A_373, %dot_general3A_377 : vector<1000x32xf32>
    %mul3A_379 = vector.broadcast %slice3A_59 : vector<1000x1xf32> to vector<1000x32xf32>
    %mul3A_380 = arith.mulf %mul3A_379, %mul3A_354 : vector<1000x32xf32>
    %dot_general3A_381 = arith.constant dense<0.000000e+00> : vector<1000x32xf32>
    %dot_general3A_382 = tpu.matmul %mul3A_380, %squeeze3A_61, %dot_general3A_381 {dimension_numbers = #tpu.dot_dimension_numbers<[1], [1], [0], [0], [0, 0, 1, 0], [], []>, transpose_lhs_hint = false} : vector<1000x32xf32>, vector<32x32xf32>, vector<1000x32xf32> -> vector<1000x32xf32>
    %add_any3A_383 = arith.addf %add_any3A_378, %dot_general3A_382 : vector<1000x32xf32>
    %mul3A_384 = vector.broadcast %slice3A_51 : vector<1000x1xf32> to vector<1000x32xf32>
    %mul3A_385 = arith.mulf %mul3A_384, %mul3A_354 : vector<1000x32xf32>
    %dot_general3A_386 = arith.constant dense<0.000000e+00> : vector<1000x32xf32>
    %dot_general3A_387 = tpu.matmul %mul3A_385, %squeeze3A_53, %dot_general3A_386 {dimension_numbers = #tpu.dot_dimension_numbers<[1], [1], [0], [0], [0, 0, 1, 0], [], []>, transpose_lhs_hint = false} : vector<1000x32xf32>, vector<32x32xf32>, vector<1000x32xf32> -> vector<1000x32xf32>
    %add_any3A_388 = arith.addf %add_any3A_383, %dot_general3A_387 : vector<1000x32xf32>
    %mul3A_389 = vector.broadcast %slice3A_45 : vector<1000x1xf32> to vector<1000x32xf32>
    %mul3A_390 = arith.mulf %mul3A_389, %mul3A_354 : vector<1000x32xf32>
    %dot_general3A_391 = arith.constant dense<0.000000e+00> : vector<1000x32xf32>
    %dot_general3A_392 = tpu.matmul %mul3A_390, %squeeze3A, %dot_general3A_391 {dimension_numbers = #tpu.dot_dimension_numbers<[1], [1], [0], [0], [0, 0, 1, 0], [], []>, transpose_lhs_hint = false} : vector<1000x32xf32>, vector<32x32xf32>, vector<1000x32xf32> -> vector<1000x32xf32>
    %add_any3A_393 = arith.addf %add_any3A_388, %dot_general3A_392 : vector<1000x32xf32>
    %dot_general3A_394 = arith.constant dense<0.000000e+00> : vector<1000x32xf32>
    %dot_general3A_395 = tpu.matmul %add_any3A_267, %get3A_19, %dot_general3A_394 {dimension_numbers = #tpu.dot_dimension_numbers<[1], [1], [0], [0], [0, 0, 1, 0], [], []>, transpose_lhs_hint = false} : vector<1000x32xf32>, vector<32x32xf32>, vector<1000x32xf32> -> vector<1000x32xf32>
    %dot_general3A_396 = arith.constant dense<0.000000e+00> : vector<1000x32xf32>
    %dot_general3A_397 = tpu.matmul %add_any3A_309, %get3A_19, %dot_general3A_396 {dimension_numbers = #tpu.dot_dimension_numbers<[1], [1], [0], [0], [0, 0, 1, 0], [], []>, transpose_lhs_hint = false} : vector<1000x32xf32>, vector<32x32xf32>, vector<1000x32xf32> -> vector<1000x32xf32>
    %dot_general3A_398 = arith.constant dense<0.000000e+00> : vector<1000x32xf32>
    %dot_general3A_399 = tpu.matmul %add_any3A_351, %get3A_19, %dot_general3A_398 {dimension_numbers = #tpu.dot_dimension_numbers<[1], [1], [0], [0], [0, 0, 1, 0], [], []>, transpose_lhs_hint = false} : vector<1000x32xf32>, vector<32x32xf32>, vector<1000x32xf32> -> vector<1000x32xf32>
    %dot_general3A_400 = arith.constant dense<0.000000e+00> : vector<1000x32xf32>
    %dot_general3A_401 = tpu.matmul %add_any3A_393, %get3A_16, %dot_general3A_400 {dimension_numbers = #tpu.dot_dimension_numbers<[1], [1], [0], [0], [0, 0, 1, 0], [], []>, transpose_lhs_hint = false} : vector<1000x32xf32>, vector<32x32xf32>, vector<1000x32xf32> -> vector<1000x32xf32>
    %pad3A = arith.constant 0.000000e+00 : f32
    %pad3A_402 = vector.broadcast %pad3A : f32 to vector<1000x96xf32>
    %pad3A_403 = tpu.concatenate %pad3A_402, %dot_general3A_395 in 1 : vector<1000x96xf32>, vector<1000x32xf32> -> vector<1000x128xf32>
    %pad3A_404 = arith.constant 0.000000e+00 : f32
    %pad3A_405 = vector.broadcast %pad3A_404 : f32 to vector<1000x64xf32>
    %pad3A_406 = tpu.concatenate %pad3A_405, %dot_general3A_397 in 1 : vector<1000x64xf32>, vector<1000x32xf32> -> vector<1000x96xf32>
    %pad3A_407 = vector.broadcast %pad3A_404 : f32 to vector<1000x32xf32>
    %pad3A_408 = tpu.concatenate %pad3A_406, %pad3A_407 in 1 : vector<1000x96xf32>, vector<1000x32xf32> -> vector<1000x128xf32>
    %add_any3A_409 = arith.addf %pad3A_403, %pad3A_408 : vector<1000x128xf32>
    %pad3A_410 = arith.constant 0.000000e+00 : f32
    %pad3A_411 = vector.broadcast %pad3A_410 : f32 to vector<1000x32xf32>
    %pad3A_412 = tpu.concatenate %pad3A_411, %dot_general3A_399 in 1 : vector<1000x32xf32>, vector<1000x32xf32> -> vector<1000x64xf32>
    %pad3A_413 = vector.broadcast %pad3A_410 : f32 to vector<1000x64xf32>
    %pad3A_414 = tpu.concatenate %pad3A_412, %pad3A_413 in 1 : vector<1000x64xf32>, vector<1000x64xf32> -> vector<1000x128xf32>
    %add_any3A_415 = arith.addf %add_any3A_409, %pad3A_414 : vector<1000x128xf32>
    %pad3A_416 = arith.constant 0.000000e+00 : f32
    %pad3A_417 = vector.broadcast %pad3A_416 : f32 to vector<1000x96xf32>
    %pad3A_418 = tpu.concatenate %dot_general3A_401, %pad3A_417 in 1 : vector<1000x32xf32>, vector<1000x96xf32> -> vector<1000x128xf32>
    %add_any3A_419 = arith.addf %add_any3A_415, %pad3A_418 : vector<1000x128xf32>
    "tpu.trace_stop"() : () -> ()
    "tpu.trace_stop"() : () -> ()
    %swap3A = arith.constant 0 : index
    %swap3A_420 = arith.constant 0 : index
    %swap3A_421 = vector.load %arg15[%swap3A, %swap3A_420] : memref<1000x128xf32, #tpu.memory_space<vmem>>, vector<1000x128xf32>
    tpu.vector_store %arg15[%swap3A, %swap3A_420], %add_any3A_419 {strides = array<i32>} : memref<1000x128xf32, #tpu.memory_space<vmem>>, vector<1000x128xf32>,
    return
  }
  func.func @transform_0(%arg0: i32) -> (i32, i32) {
    %c0_i32 = arith.constant 0 : i32
    %c0_i32_0 = arith.constant 0 : i32
    return %arg0, %c0_i32 : i32, i32
  }
  func.func @transform_1(%arg0: i32) -> (i32, i32) {
    %c0_i32 = arith.constant 0 : i32
    %c0_i32_0 = arith.constant 0 : i32
    return %arg0, %c0_i32 : i32, i32
  }
  func.func @transform_2(%arg0: i32) -> (i32, i32, i32) {
    %c0_i32 = arith.constant 0 : i32
    %c0_i32_0 = arith.constant 0 : i32
    %c0_i32_1 = arith.constant 0 : i32
    return %arg0, %c0_i32, %c0_i32_0 : i32, i32, i32
  }
  func.func @transform_3(%arg0: i32) -> (i32, i32) {
    %c0_i32 = arith.constant 0 : i32
    %c0_i32_0 = arith.constant 0 : i32
    return %arg0, %c0_i32 : i32, i32
  }
  func.func @transform_4(%arg0: i32) -> (i32, i32) {
    %c0_i32 = arith.constant 0 : i32
    %c0_i32_0 = arith.constant 0 : i32
    return %arg0, %c0_i32 : i32, i32
  }
  func.func @transform_5(%arg0: i32) -> (i32, i32) {
    %c0_i32 = arith.constant 0 : i32
    %c0_i32_0 = arith.constant 0 : i32
    %c0_i32_1 = arith.constant 0 : i32
    return %c0_i32, %c0_i32_0 : i32, i32
  }
  func.func @transform_6(%arg0: i32) -> (i32, i32) {
    %c0_i32 = arith.constant 0 : i32
    %c0_i32_0 = arith.constant 0 : i32
    %c0_i32_1 = arith.constant 0 : i32
    return %c0_i32, %c0_i32_0 : i32, i32
  }
  func.func @transform_7(%arg0: i32) -> (i32, i32, i32) {
    %c0_i32 = arith.constant 0 : i32
    %c0_i32_0 = arith.constant 0 : i32
    %c0_i32_1 = arith.constant 0 : i32
    %c0_i32_2 = arith.constant 0 : i32
    return %c0_i32, %c0_i32_0, %c0_i32_1 : i32, i32, i32
  }
  func.func @transform_8(%arg0: i32) -> (i32, i32) {
    %c0_i32 = arith.constant 0 : i32
    %c0_i32_0 = arith.constant 0 : i32
    %c0_i32_1 = arith.constant 0 : i32
    return %c0_i32, %c0_i32_0 : i32, i32
  }
  func.func @transform_9(%arg0: i32) -> (i32, i32) {
    %c0_i32 = arith.constant 0 : i32
    %c0_i32_0 = arith.constant 0 : i32
    %c0_i32_1 = arith.constant 0 : i32
    return %c0_i32, %c0_i32_0 : i32, i32
  }
  func.func @transform_10(%arg0: i32) -> (i32, i32) {
    %c0_i32 = arith.constant 0 : i32
    %c0_i32_0 = arith.constant 0 : i32
    %c0_i32_1 = arith.constant 0 : i32
    return %c0_i32, %c0_i32_0 : i32, i32
  }
  func.func @transform_11(%arg0: i32) -> (i32, i32) {
    %c0_i32 = arith.constant 0 : i32
    %c0_i32_0 = arith.constant 0 : i32
    %c0_i32_1 = arith.constant 0 : i32
    return %c0_i32, %c0_i32_0 : i32, i32
  }
  func.func @transform_12(%arg0: i32) -> (i32, i32) {
    %c0_i32 = arith.constant 0 : i32
    %c0_i32_0 = arith.constant 0 : i32
    %c0_i32_1 = arith.constant 0 : i32
    return %c0_i32, %c0_i32_0 : i32, i32
  }
  func.func @transform_13(%arg0: i32) -> (i32, i32) {
    %c0_i32 = arith.constant 0 : i32
    %c0_i32_0 = arith.constant 0 : i32
    %c0_i32_1 = arith.constant 0 : i32
    return %c0_i32, %c0_i32_0 : i32, i32
  }
  func.func @transform_14(%arg0: i32) -> (i32, i32) {
    %c0_i32 = arith.constant 0 : i32
    %c0_i32_0 = arith.constant 0 : i32
    return %arg0, %c0_i32 : i32, i32
  }
}

module attributes {stable_mosaic.version = 14 : i64} {
  func.func @body(%arg0: i32, %arg1: memref<1024x3xf32, #tpu.memory_space<vmem>>, %arg2: memref<1024x32xf32, #tpu.memory_space<vmem>>, %arg3: memref<1024x128xf32, #tpu.memory_space<vmem>>, %arg4: memref<8x64xf32, #tpu.memory_space<vmem>>, %arg5: memref<64x64xf32, #tpu.memory_space<vmem>>, %arg6: memref<64x64xf32, #tpu.memory_space<vmem>>, %arg7: memref<64x64xf32, #tpu.memory_space<vmem>>, %arg8: memref<1024x3xf32, #tpu.memory_space<vmem>>) attributes {dimension_semantics = [#tpu.dimension_semantics<arbitrary>], iteration_bounds = array<i64: 160>, scalar_prefetch = 0 : i64, scratch_operands = 0 : i64, tpu.core_type = #tpu.core_type<tc>, window_params = [{transform_indices = @transform_0, window_bounds = array<i64: 1024, 3>}, {transform_indices = @transform_1, window_bounds = array<i64: 1024, 32>}, {transform_indices = @transform_2, window_bounds = array<i64: 1024, 128>}, {pipeline_mode = #tpu.pipeline_mode<synchronous>, transform_indices = @transform_3, window_bounds = array<i64: 8, 64>}, {pipeline_mode = #tpu.pipeline_mode<synchronous>, transform_indices = @transform_4, window_bounds = array<i64: 64, 64>}, {pipeline_mode = #tpu.pipeline_mode<synchronous>, transform_indices = @transform_5, window_bounds = array<i64: 64, 64>}, {pipeline_mode = #tpu.pipeline_mode<synchronous>, transform_indices = @transform_6, window_bounds = array<i64: 64, 64>}, {transform_indices = @transform_7, window_bounds = array<i64: 1024, 3>}]} {
    %get3A = arith.constant 0 : index
    %get3A_0 = arith.constant 0 : index
    %get3A_1 = vector.load %arg4[%get3A, %get3A_0] : memref<8x64xf32, #tpu.memory_space<vmem>>, vector<8x64xf32>
    %get3A_2 = arith.constant 0 : index
    %get3A_3 = arith.constant 0 : index
    %get3A_4 = vector.load %arg5[%get3A_2, %get3A_3] : memref<64x64xf32, #tpu.memory_space<vmem>>, vector<64x64xf32>
    %get3A_5 = arith.constant 0 : index
    %get3A_6 = arith.constant 0 : index
    %get3A_7 = vector.load %arg6[%get3A_5, %get3A_6] : memref<64x64xf32, #tpu.memory_space<vmem>>, vector<64x64xf32>
    %get3A_8 = arith.constant 0 : index
    %get3A_9 = arith.constant 0 : index
    %get3A_10 = vector.load %arg7[%get3A_8, %get3A_9] : memref<64x64xf32, #tpu.memory_space<vmem>>, vector<64x64xf32>
    %get3A_11 = arith.constant 0 : index
    %get3A_12 = arith.constant 0 : index
    %get3A_13 = vector.load %arg2[%get3A_11, %get3A_12] : memref<1024x32xf32, #tpu.memory_space<vmem>>, vector<1024x32xf32>
    %get3A_14 = arith.constant 0 : index
    %get3A_15 = arith.constant 0 : index
    %get3A_16 = vector.load %arg1[%get3A_14, %get3A_15] : memref<1024x3xf32, #tpu.memory_space<vmem>>, vector<1024x3xf32>
    "tpu.trace_start"() <{level = 10 : i32, message = "jvp"}> : () -> ()
    %slice3A = vector.extract_strided_slice %get3A_16 {offsets = [0, 0], sizes = [1024, 1], strides = [1, 1]} : vector<1024x3xf32> to vector<1024x1xf32>
    %slice3A_17 = vector.extract_strided_slice %get3A_16 {offsets = [0, 1], sizes = [1024, 1], strides = [1, 1]} : vector<1024x3xf32> to vector<1024x1xf32>
    %slice3A_18 = vector.extract_strided_slice %get3A_16 {offsets = [0, 2], sizes = [1024, 1], strides = [1, 1]} : vector<1024x3xf32> to vector<1024x1xf32>
    %mul3A = arith.mulf %slice3A, %slice3A : vector<1024x1xf32>
    %mul3A_19 = arith.mulf %slice3A_17, %slice3A_17 : vector<1024x1xf32>
    %add3A = arith.addf %mul3A, %mul3A_19 : vector<1024x1xf32>
    %mul3A_20 = arith.mulf %slice3A_18, %slice3A_18 : vector<1024x1xf32>
    %add3A_21 = arith.addf %add3A, %mul3A_20 : vector<1024x1xf32>
    %sqrt3A = math.sqrt %add3A_21 : vector<1024x1xf32>
    %div3A = arith.constant 5.000000e-01 : f32
    %div3A_22 = vector.broadcast %div3A : f32 to vector<1024x1xf32>
    %div3A_23 = arith.divf %div3A_22, %sqrt3A : vector<1024x1xf32>
    %max3A = arith.constant 9.99999971E-10 : f32
    %max3A_24 = vector.broadcast %max3A : f32 to vector<1024x1xf32>
    %max3A_25 = arith.maximumf %sqrt3A, %max3A_24 : vector<1024x1xf32>
    %eq3A = arith.cmpf oeq, %sqrt3A, %max3A_25 : vector<1024x1xf32>
    %broadcast_in_dim3A = arith.constant 1.000000e+00 : f32
    %broadcast_in_dim3A_26 = vector.broadcast %broadcast_in_dim3A : f32 to vector<1024x1xf32>
    %broadcast_in_dim3A_27 = arith.constant 0.000000e+00 : f32
    %broadcast_in_dim3A_28 = vector.broadcast %broadcast_in_dim3A_27 : f32 to vector<1024x1xf32>
    %select_n3A = arith.select %eq3A, %broadcast_in_dim3A_26, %broadcast_in_dim3A_28 : vector<1024x1xi1>, vector<1024x1xf32>
    %eq3A_29 = arith.constant 9.99999971E-10 : f32
    %eq3A_30 = vector.broadcast %eq3A_29 : f32 to vector<1024x1xf32>
    %eq3A_31 = arith.cmpf oeq, %eq3A_30, %max3A_25 : vector<1024x1xf32>
    %broadcast_in_dim3A_32 = arith.constant 2.000000e+00 : f32
    %broadcast_in_dim3A_33 = vector.broadcast %broadcast_in_dim3A_32 : f32 to vector<1024x1xf32>
    %broadcast_in_dim3A_34 = arith.constant 1.000000e+00 : f32
    %broadcast_in_dim3A_35 = vector.broadcast %broadcast_in_dim3A_34 : f32 to vector<1024x1xf32>
    %select_n3A_36 = arith.select %eq3A_31, %broadcast_in_dim3A_33, %broadcast_in_dim3A_35 : vector<1024x1xi1>, vector<1024x1xf32>
    %div3A_37 = arith.divf %select_n3A, %select_n3A_36 : vector<1024x1xf32>
    %iota3A = tpu.iota {dimensions = array<i32: 1>} : vector<1x8xi32>
    %convert_element_type3A = arith.sitofp %iota3A : vector<1x8xi32> to vector<1x8xf32>
    %add3A_38 = arith.constant 1.000000e+00 : f32
    %add3A_39 = vector.broadcast %add3A_38 : f32 to vector<1x8xf32>
    %add3A_40 = arith.addf %convert_element_type3A, %add3A_39 : vector<1x8xf32>
    %mul3A_41 = arith.constant 0.628318548 : f32
    %mul3A_42 = vector.broadcast %mul3A_41 : f32 to vector<1x8xf32>
    %mul3A_43 = arith.mulf %add3A_40, %mul3A_42 : vector<1x8xf32>
    %mul3A_44 = vector.broadcast %mul3A_43 : vector<1x8xf32> to vector<1024x8xf32>
    %mul3A_45 = vector.broadcast %max3A_25 : vector<1024x1xf32> to vector<1024x8xf32>
    %mul3A_46 = arith.mulf %mul3A_44, %mul3A_45 : vector<1024x8xf32>
    %sin3A = math.sin %mul3A_46 : vector<1024x8xf32>
    %cos3A = math.cos %mul3A_46 : vector<1024x8xf32>
    %mul3A_47 = arith.constant 0.632455527 : f32
    %mul3A_48 = vector.broadcast %mul3A_47 : f32 to vector<1024x8xf32>
    %mul3A_49 = arith.mulf %mul3A_48, %sin3A : vector<1024x8xf32>
    %div3A_50 = vector.broadcast %max3A_25 : vector<1024x1xf32> to vector<1024x8xf32>
    %div3A_51 = arith.divf %mul3A_49, %div3A_50 : vector<1024x8xf32>
    %integer_pow3A = arith.mulf %max3A_25, %max3A_25 : vector<1024x1xf32>
    %integer_pow3A_52 = arith.constant 1.000000e+00 : f32
    %integer_pow3A_53 = vector.broadcast %integer_pow3A_52 : f32 to vector<1024x1xf32>
    %integer_pow3A_54 = arith.divf %integer_pow3A_53, %integer_pow3A : vector<1024x1xf32>
    %mul3A_55 = arith.constant 2.000000e-01 : f32
    %mul3A_56 = vector.broadcast %mul3A_55 : f32 to vector<1024x1xf32>
    %mul3A_57 = arith.mulf %sqrt3A, %mul3A_56 : vector<1024x1xf32>
    %mul3A_58 = arith.mulf %mul3A_57, %mul3A_57 : vector<1024x1xf32>
    %mul3A_59 = arith.mulf %mul3A_58, %mul3A_57 : vector<1024x1xf32>
    %mul3A_60 = arith.mulf %mul3A_59, %mul3A_57 : vector<1024x1xf32>
    %mul3A_61 = arith.mulf %mul3A_60, %mul3A_57 : vector<1024x1xf32>
    %mul3A_62 = arith.constant 2.100000e+01 : f32
    %mul3A_63 = vector.broadcast %mul3A_62 : f32 to vector<1024x1xf32>
    %mul3A_64 = arith.mulf %mul3A_63, %mul3A_61 : vector<1024x1xf32>
    %sub3A = arith.constant 1.000000e+00 : f32
    %sub3A_65 = vector.broadcast %sub3A : f32 to vector<1024x1xf32>
    %sub3A_66 = arith.subf %sub3A_65, %mul3A_64 : vector<1024x1xf32>
    %mul3A_67 = arith.constant 3.500000e+01 : f32
    %mul3A_68 = vector.broadcast %mul3A_67 : f32 to vector<1024x1xf32>
    %mul3A_69 = arith.mulf %mul3A_68, %mul3A_61 : vector<1024x1xf32>
    %mul3A_70 = arith.mulf %mul3A_69, %mul3A_57 : vector<1024x1xf32>
    %add3A_71 = arith.addf %sub3A_66, %mul3A_70 : vector<1024x1xf32>
    %mul3A_72 = arith.constant 1.500000e+01 : f32
    %mul3A_73 = vector.broadcast %mul3A_72 : f32 to vector<1024x1xf32>
    %mul3A_74 = arith.mulf %mul3A_73, %mul3A_61 : vector<1024x1xf32>
    %mul3A_75 = arith.mulf %mul3A_74, %mul3A_57 : vector<1024x1xf32>
    %mul3A_76 = arith.mulf %mul3A_75, %mul3A_57 : vector<1024x1xf32>
    %sub3A_77 = arith.subf %add3A_71, %mul3A_76 : vector<1024x1xf32>
    %lt3A = arith.constant 5.000000e+00 : f32
    %lt3A_78 = vector.broadcast %lt3A : f32 to vector<1024x1xf32>
    %lt3A_79 = arith.cmpf olt, %sqrt3A, %lt3A_78 : vector<1024x1xf32>
    %jit3A = arith.constant 0.000000e+00 : f32
    %broadcast_in_dim3A_80 = vector.broadcast %jit3A : f32 to vector<1024x1xf32>
    %select_n3A_81 = arith.select %lt3A_79, %sub3A_77, %broadcast_in_dim3A_80 : vector<1024x1xi1>, vector<1024x1xf32>
    %mul3A_82 = vector.broadcast %select_n3A_81 : vector<1024x1xf32> to vector<1024x8xf32>
    %mul3A_83 = arith.mulf %div3A_51, %mul3A_82 : vector<1024x8xf32>
    %div3A_84 = arith.divf %slice3A, %max3A_25 : vector<1024x1xf32>
    %integer_pow3A_85 = arith.mulf %max3A_25, %max3A_25 : vector<1024x1xf32>
    %integer_pow3A_86 = arith.constant 1.000000e+00 : f32
    %integer_pow3A_87 = vector.broadcast %integer_pow3A_86 : f32 to vector<1024x1xf32>
    %integer_pow3A_88 = arith.divf %integer_pow3A_87, %integer_pow3A_85 : vector<1024x1xf32>
    %div3A_89 = arith.divf %slice3A_17, %max3A_25 : vector<1024x1xf32>
    %integer_pow3A_90 = arith.mulf %max3A_25, %max3A_25 : vector<1024x1xf32>
    %integer_pow3A_91 = arith.constant 1.000000e+00 : f32
    %integer_pow3A_92 = vector.broadcast %integer_pow3A_91 : f32 to vector<1024x1xf32>
    %integer_pow3A_93 = arith.divf %integer_pow3A_92, %integer_pow3A_90 : vector<1024x1xf32>
    %div3A_94 = arith.divf %slice3A_18, %max3A_25 : vector<1024x1xf32>
    %integer_pow3A_95 = arith.mulf %max3A_25, %max3A_25 : vector<1024x1xf32>
    %integer_pow3A_96 = arith.constant 1.000000e+00 : f32
    %integer_pow3A_97 = vector.broadcast %integer_pow3A_96 : f32 to vector<1024x1xf32>
    %integer_pow3A_98 = arith.divf %integer_pow3A_97, %integer_pow3A_95 : vector<1024x1xf32>
    %dot_general3A = arith.constant dense<0.000000e+00> : vector<1024x64xf32>
    %dot_general3A_99 = tpu.matmul %mul3A_83, %get3A_1, %dot_general3A {dimension_numbers = #tpu.dot_dimension_numbers<[1], [0], [0], [1], [0, 0, 1, 1], [], []>, transpose_lhs_hint = false} : vector<1024x8xf32>, vector<8x64xf32>, vector<1024x64xf32> -> vector<1024x64xf32>
    %logistic3A = arith.negf %dot_general3A_99 : vector<1024x64xf32>
    %logistic3A_100 = math.exp %logistic3A : vector<1024x64xf32>
    %logistic3A_101 = arith.constant 1.000000e+00 : f32
    %logistic3A_102 = vector.broadcast %logistic3A_101 : f32 to vector<1024x64xf32>
    %logistic3A_103 = arith.addf %logistic3A_102, %logistic3A_100 : vector<1024x64xf32>
    %logistic3A_104 = arith.divf %logistic3A_102, %logistic3A_103 : vector<1024x64xf32>
    %sub3A_105 = arith.constant 1.000000e+00 : f32
    %sub3A_106 = vector.broadcast %sub3A_105 : f32 to vector<1024x64xf32>
    %sub3A_107 = arith.subf %sub3A_106, %logistic3A_104 : vector<1024x64xf32>
    %mul3A_108 = arith.mulf %logistic3A_104, %sub3A_107 : vector<1024x64xf32>
    %mul3A_109 = arith.mulf %dot_general3A_99, %logistic3A_104 : vector<1024x64xf32>
    %dot_general3A_110 = arith.constant dense<0.000000e+00> : vector<1024x64xf32>
    %dot_general3A_111 = tpu.matmul %mul3A_109, %get3A_4, %dot_general3A_110 {dimension_numbers = #tpu.dot_dimension_numbers<[1], [0], [0], [1], [0, 0, 1, 1], [], []>, transpose_lhs_hint = false} : vector<1024x64xf32>, vector<64x64xf32>, vector<1024x64xf32> -> vector<1024x64xf32>
    %logistic3A_112 = arith.negf %dot_general3A_111 : vector<1024x64xf32>
    %logistic3A_113 = math.exp %logistic3A_112 : vector<1024x64xf32>
    %logistic3A_114 = arith.constant 1.000000e+00 : f32
    %logistic3A_115 = vector.broadcast %logistic3A_114 : f32 to vector<1024x64xf32>
    %logistic3A_116 = arith.addf %logistic3A_115, %logistic3A_113 : vector<1024x64xf32>
    %logistic3A_117 = arith.divf %logistic3A_115, %logistic3A_116 : vector<1024x64xf32>
    %sub3A_118 = arith.constant 1.000000e+00 : f32
    %sub3A_119 = vector.broadcast %sub3A_118 : f32 to vector<1024x64xf32>
    %sub3A_120 = arith.subf %sub3A_119, %logistic3A_117 : vector<1024x64xf32>
    %mul3A_121 = arith.mulf %logistic3A_117, %sub3A_120 : vector<1024x64xf32>
    %mul3A_122 = arith.mulf %dot_general3A_111, %logistic3A_117 : vector<1024x64xf32>
    %dot_general3A_123 = arith.constant dense<0.000000e+00> : vector<1024x64xf32>
    %dot_general3A_124 = tpu.matmul %mul3A_122, %get3A_7, %dot_general3A_123 {dimension_numbers = #tpu.dot_dimension_numbers<[1], [0], [0], [1], [0, 0, 1, 1], [], []>, transpose_lhs_hint = false} : vector<1024x64xf32>, vector<64x64xf32>, vector<1024x64xf32> -> vector<1024x64xf32>
    %logistic3A_125 = arith.negf %dot_general3A_124 : vector<1024x64xf32>
    %logistic3A_126 = math.exp %logistic3A_125 : vector<1024x64xf32>
    %logistic3A_127 = arith.constant 1.000000e+00 : f32
    %logistic3A_128 = vector.broadcast %logistic3A_127 : f32 to vector<1024x64xf32>
    %logistic3A_129 = arith.addf %logistic3A_128, %logistic3A_126 : vector<1024x64xf32>
    %logistic3A_130 = arith.divf %logistic3A_128, %logistic3A_129 : vector<1024x64xf32>
    %sub3A_131 = arith.constant 1.000000e+00 : f32
    %sub3A_132 = vector.broadcast %sub3A_131 : f32 to vector<1024x64xf32>
    %sub3A_133 = arith.subf %sub3A_132, %logistic3A_130 : vector<1024x64xf32>
    %mul3A_134 = arith.mulf %logistic3A_130, %sub3A_133 : vector<1024x64xf32>
    %mul3A_135 = arith.mulf %dot_general3A_124, %logistic3A_130 : vector<1024x64xf32>
    %dot_general3A_136 = arith.constant dense<0.000000e+00> : vector<1024x64xf32>
    %dot_general3A_137 = tpu.matmul %mul3A_135, %get3A_10, %dot_general3A_136 {dimension_numbers = #tpu.dot_dimension_numbers<[1], [0], [0], [1], [0, 0, 1, 1], [], []>, transpose_lhs_hint = false} : vector<1024x64xf32>, vector<64x64xf32>, vector<1024x64xf32> -> vector<1024x64xf32>
    %slice3A_138 = vector.extract_strided_slice %dot_general3A_137 {offsets = [0, 32], sizes = [1024, 32], strides = [1, 1]} : vector<1024x64xf32> to vector<1024x32xf32>
    %mul3A_139 = arith.mulf %slice3A_138, %get3A_13 : vector<1024x32xf32>
    "tpu.trace_stop"() : () -> ()
    %get3A_140 = arith.constant 0 : index
    %get3A_141 = arith.constant 0 : index
    %get3A_142 = vector.load %arg3[%get3A_140, %get3A_141] : memref<1024x128xf32, #tpu.memory_space<vmem>>, vector<1024x128xf32>
    "tpu.trace_start"() <{level = 10 : i32, message = "transpose"}> : () -> ()
    "tpu.trace_start"() <{level = 10 : i32, message = "jvp"}> : () -> ()
    %mul3A_143 = arith.constant 1.000000e-01 : f32
    %mul3A_144 = vector.broadcast %mul3A_143 : f32 to vector<1024x128xf32>
    %mul3A_145 = arith.mulf %get3A_142, %mul3A_144 : vector<1024x128xf32>
    %split3A = vector.extract_strided_slice %mul3A_145 {offsets = [0, 0], sizes = [1024, 32], strides = [1, 1]} : vector<1024x128xf32> to vector<1024x32xf32>
    %split3A_146 = vector.extract_strided_slice %mul3A_145 {offsets = [0, 32], sizes = [1024, 32], strides = [1, 1]} : vector<1024x128xf32> to vector<1024x32xf32>
    %split3A_147 = vector.extract_strided_slice %mul3A_145 {offsets = [0, 64], sizes = [1024, 32], strides = [1, 1]} : vector<1024x128xf32> to vector<1024x32xf32>
    %split3A_148 = vector.extract_strided_slice %mul3A_145 {offsets = [0, 96], sizes = [1024, 32], strides = [1, 1]} : vector<1024x128xf32> to vector<1024x32xf32>
    %mul3A_149 = arith.mulf %mul3A_139, %split3A_148 : vector<1024x32xf32>
    %reduce_sum3A = arith.constant dense<0.000000e+00> : vector<1024xf32>
    %reduce_sum3A_150 = vector.multi_reduction <add>, %mul3A_149, %reduce_sum3A [1] : vector<1024x32xf32> to vector<1024xf32>
    %reshape3A = vector.shape_cast %reduce_sum3A_150 : vector<1024xf32> to vector<1024x1xf32>
    %mul3A_151 = vector.broadcast %div3A_94 : vector<1024x1xf32> to vector<1024x32xf32>
    %mul3A_152 = arith.mulf %split3A_148, %mul3A_151 : vector<1024x32xf32>
    %mul3A_153 = arith.mulf %mul3A_139, %split3A_147 : vector<1024x32xf32>
    %reduce_sum3A_154 = arith.constant dense<0.000000e+00> : vector<1024xf32>
    %reduce_sum3A_155 = vector.multi_reduction <add>, %mul3A_153, %reduce_sum3A_154 [1] : vector<1024x32xf32> to vector<1024xf32>
    %reshape3A_156 = vector.shape_cast %reduce_sum3A_155 : vector<1024xf32> to vector<1024x1xf32>
    %mul3A_157 = vector.broadcast %div3A_89 : vector<1024x1xf32> to vector<1024x32xf32>
    %mul3A_158 = arith.mulf %split3A_147, %mul3A_157 : vector<1024x32xf32>
    %add_any3A = arith.addf %mul3A_152, %mul3A_158 : vector<1024x32xf32>
    %mul3A_159 = arith.mulf %mul3A_139, %split3A_146 : vector<1024x32xf32>
    %reduce_sum3A_160 = arith.constant dense<0.000000e+00> : vector<1024xf32>
    %reduce_sum3A_161 = vector.multi_reduction <add>, %mul3A_159, %reduce_sum3A_160 [1] : vector<1024x32xf32> to vector<1024xf32>
    %reshape3A_162 = vector.shape_cast %reduce_sum3A_161 : vector<1024xf32> to vector<1024x1xf32>
    %mul3A_163 = vector.broadcast %div3A_84 : vector<1024x1xf32> to vector<1024x32xf32>
    %mul3A_164 = arith.mulf %split3A_146, %mul3A_163 : vector<1024x32xf32>
    %add_any3A_165 = arith.addf %add_any3A, %mul3A_164 : vector<1024x32xf32>
    %mul3A_166 = arith.mulf %split3A, %get3A_13 : vector<1024x32xf32>
    %mul3A_167 = arith.mulf %add_any3A_165, %get3A_13 : vector<1024x32xf32>
    %pad3A = arith.constant 0.000000e+00 : f32
    %pad3A_168 = vector.broadcast %pad3A : f32 to vector<1024x32xf32>
    %pad3A_169 = tpu.concatenate %pad3A_168, %mul3A_167 in 1 : vector<1024x32xf32>, vector<1024x32xf32> -> vector<1024x64xf32>
    %pad3A_170 = arith.constant 0.000000e+00 : f32
    %pad3A_171 = vector.broadcast %pad3A_170 : f32 to vector<1024x32xf32>
    %pad3A_172 = tpu.concatenate %mul3A_166, %pad3A_171 in 1 : vector<1024x32xf32>, vector<1024x32xf32> -> vector<1024x64xf32>
    %add_any3A_173 = arith.addf %pad3A_169, %pad3A_172 : vector<1024x64xf32>
    %dot_general3A_174 = arith.constant dense<0.000000e+00> : vector<1024x64xf32>
    %dot_general3A_175 = tpu.matmul %add_any3A_173, %get3A_10, %dot_general3A_174 {dimension_numbers = #tpu.dot_dimension_numbers<[1], [1], [0], [0], [0, 0, 1, 0], [], []>, transpose_lhs_hint = false} : vector<1024x64xf32>, vector<64x64xf32>, vector<1024x64xf32> -> vector<1024x64xf32>
    %mul3A_176 = arith.mulf %dot_general3A_124, %dot_general3A_175 : vector<1024x64xf32>
    %mul3A_177 = arith.mulf %dot_general3A_175, %logistic3A_130 : vector<1024x64xf32>
    %mul3A_178 = arith.mulf %mul3A_176, %mul3A_134 : vector<1024x64xf32>
    %add_any3A_179 = arith.addf %mul3A_177, %mul3A_178 : vector<1024x64xf32>
    %dot_general3A_180 = arith.constant dense<0.000000e+00> : vector<1024x64xf32>
    %dot_general3A_181 = tpu.matmul %add_any3A_179, %get3A_7, %dot_general3A_180 {dimension_numbers = #tpu.dot_dimension_numbers<[1], [1], [0], [0], [0, 0, 1, 0], [], []>, transpose_lhs_hint = false} : vector<1024x64xf32>, vector<64x64xf32>, vector<1024x64xf32> -> vector<1024x64xf32>
    %mul3A_182 = arith.mulf %dot_general3A_111, %dot_general3A_181 : vector<1024x64xf32>
    %mul3A_183 = arith.mulf %dot_general3A_181, %logistic3A_117 : vector<1024x64xf32>
    %mul3A_184 = arith.mulf %mul3A_182, %mul3A_121 : vector<1024x64xf32>
    %add_any3A_185 = arith.addf %mul3A_183, %mul3A_184 : vector<1024x64xf32>
    %dot_general3A_186 = arith.constant dense<0.000000e+00> : vector<1024x64xf32>
    %dot_general3A_187 = tpu.matmul %add_any3A_185, %get3A_4, %dot_general3A_186 {dimension_numbers = #tpu.dot_dimension_numbers<[1], [1], [0], [0], [0, 0, 1, 0], [], []>, transpose_lhs_hint = false} : vector<1024x64xf32>, vector<64x64xf32>, vector<1024x64xf32> -> vector<1024x64xf32>
    %mul3A_188 = arith.mulf %dot_general3A_99, %dot_general3A_187 : vector<1024x64xf32>
    %mul3A_189 = arith.mulf %dot_general3A_187, %logistic3A_104 : vector<1024x64xf32>
    %mul3A_190 = arith.mulf %mul3A_188, %mul3A_108 : vector<1024x64xf32>
    %add_any3A_191 = arith.addf %mul3A_189, %mul3A_190 : vector<1024x64xf32>
    %dot_general3A_192 = arith.constant dense<0.000000e+00> : vector<1024x8xf32>
    %dot_general3A_193 = tpu.matmul %add_any3A_191, %get3A_1, %dot_general3A_192 {dimension_numbers = #tpu.dot_dimension_numbers<[1], [1], [0], [0], [0, 0, 1, 0], [], []>, transpose_lhs_hint = false} : vector<1024x64xf32>, vector<8x64xf32>, vector<1024x8xf32> -> vector<1024x8xf32>
    %mul3A_194 = arith.mulf %reshape3A, %integer_pow3A_98 : vector<1024x1xf32>
    %mul3A_195 = arith.mulf %mul3A_194, %slice3A_18 : vector<1024x1xf32>
    %neg3A = arith.constant 0.000000e+00 : f32
    %neg3A_196 = vector.broadcast %neg3A : f32 to vector<1024x1xf32>
    %neg3A_197 = arith.subf %neg3A_196, %mul3A_195 : vector<1024x1xf32>
    %div3A_198 = arith.divf %reshape3A, %max3A_25 : vector<1024x1xf32>
    %mul3A_199 = arith.mulf %reshape3A_156, %integer_pow3A_93 : vector<1024x1xf32>
    %mul3A_200 = arith.mulf %mul3A_199, %slice3A_17 : vector<1024x1xf32>
    %neg3A_201 = arith.constant 0.000000e+00 : f32
    %neg3A_202 = vector.broadcast %neg3A_201 : f32 to vector<1024x1xf32>
    %neg3A_203 = arith.subf %neg3A_202, %mul3A_200 : vector<1024x1xf32>
    %add_any3A_204 = arith.addf %neg3A_197, %neg3A_203 : vector<1024x1xf32>
    %div3A_205 = arith.divf %reshape3A_156, %max3A_25 : vector<1024x1xf32>
    %mul3A_206 = arith.mulf %reshape3A_162, %integer_pow3A_88 : vector<1024x1xf32>
    %mul3A_207 = arith.mulf %mul3A_206, %slice3A : vector<1024x1xf32>
    %neg3A_208 = arith.constant 0.000000e+00 : f32
    %neg3A_209 = vector.broadcast %neg3A_208 : f32 to vector<1024x1xf32>
    %neg3A_210 = arith.subf %neg3A_209, %mul3A_207 : vector<1024x1xf32>
    %add_any3A_211 = arith.addf %add_any3A_204, %neg3A_210 : vector<1024x1xf32>
    %div3A_212 = arith.divf %reshape3A_162, %max3A_25 : vector<1024x1xf32>
    %mul3A_213 = arith.mulf %div3A_51, %dot_general3A_193 : vector<1024x8xf32>
    %reduce_sum3A_214 = arith.constant dense<0.000000e+00> : vector<1024xf32>
    %reduce_sum3A_215 = vector.multi_reduction <add>, %mul3A_213, %reduce_sum3A_214 [1] : vector<1024x8xf32> to vector<1024xf32>
    %reshape3A_216 = vector.shape_cast %reduce_sum3A_215 : vector<1024xf32> to vector<1024x1xf32>
    %mul3A_217 = vector.broadcast %select_n3A_81 : vector<1024x1xf32> to vector<1024x8xf32>
    %mul3A_218 = arith.mulf %dot_general3A_193, %mul3A_217 : vector<1024x8xf32>
    %broadcast_in_dim3A_219 = arith.constant 0.000000e+00 : f32
    %broadcast_in_dim3A_220 = vector.broadcast %broadcast_in_dim3A_219 : f32 to vector<1024x1xf32>
    %select_n3A_221 = arith.select %lt3A_79, %reshape3A_216, %broadcast_in_dim3A_220 : vector<1024x1xi1>, vector<1024x1xf32>
    %neg3A_222 = arith.constant 0.000000e+00 : f32
    %neg3A_223 = vector.broadcast %neg3A_222 : f32 to vector<1024x1xf32>
    %neg3A_224 = arith.subf %neg3A_223, %select_n3A_221 : vector<1024x1xf32>
    %mul3A_225 = arith.mulf %mul3A_75, %neg3A_224 : vector<1024x1xf32>
    %mul3A_226 = arith.mulf %neg3A_224, %mul3A_57 : vector<1024x1xf32>
    %mul3A_227 = arith.mulf %mul3A_74, %mul3A_226 : vector<1024x1xf32>
    %add_any3A_228 = arith.addf %mul3A_225, %mul3A_227 : vector<1024x1xf32>
    %mul3A_229 = arith.mulf %mul3A_226, %mul3A_57 : vector<1024x1xf32>
    %mul3A_230 = arith.constant 1.500000e+01 : f32
    %mul3A_231 = vector.broadcast %mul3A_230 : f32 to vector<1024x1xf32>
    %mul3A_232 = arith.mulf %mul3A_231, %mul3A_229 : vector<1024x1xf32>
    %mul3A_233 = arith.mulf %mul3A_69, %select_n3A_221 : vector<1024x1xf32>
    %add_any3A_234 = arith.addf %add_any3A_228, %mul3A_233 : vector<1024x1xf32>
    %mul3A_235 = arith.mulf %select_n3A_221, %mul3A_57 : vector<1024x1xf32>
    %mul3A_236 = arith.constant 3.500000e+01 : f32
    %mul3A_237 = vector.broadcast %mul3A_236 : f32 to vector<1024x1xf32>
    %mul3A_238 = arith.mulf %mul3A_237, %mul3A_235 : vector<1024x1xf32>
    %add_any3A_239 = arith.addf %mul3A_232, %mul3A_238 : vector<1024x1xf32>
    %neg3A_240 = arith.constant 0.000000e+00 : f32
    %neg3A_241 = vector.broadcast %neg3A_240 : f32 to vector<1024x1xf32>
    %neg3A_242 = arith.subf %neg3A_241, %select_n3A_221 : vector<1024x1xf32>
    %mul3A_243 = arith.constant 2.100000e+01 : f32
    %mul3A_244 = vector.broadcast %mul3A_243 : f32 to vector<1024x1xf32>
    %mul3A_245 = arith.mulf %mul3A_244, %neg3A_242 : vector<1024x1xf32>
    %add_any3A_246 = arith.addf %add_any3A_239, %mul3A_245 : vector<1024x1xf32>
    %mul3A_247 = arith.mulf %mul3A_60, %add_any3A_246 : vector<1024x1xf32>
    %add_any3A_248 = arith.addf %add_any3A_234, %mul3A_247 : vector<1024x1xf32>
    %mul3A_249 = arith.mulf %add_any3A_246, %mul3A_57 : vector<1024x1xf32>
    %mul3A_250 = arith.mulf %mul3A_59, %mul3A_249 : vector<1024x1xf32>
    %add_any3A_251 = arith.addf %add_any3A_248, %mul3A_250 : vector<1024x1xf32>
    %mul3A_252 = arith.mulf %mul3A_249, %mul3A_57 : vector<1024x1xf32>
    %mul3A_253 = arith.mulf %mul3A_58, %mul3A_252 : vector<1024x1xf32>
    %add_any3A_254 = arith.addf %add_any3A_251, %mul3A_253 : vector<1024x1xf32>
    %mul3A_255 = arith.mulf %mul3A_252, %mul3A_57 : vector<1024x1xf32>
    %mul3A_256 = arith.mulf %mul3A_57, %mul3A_255 : vector<1024x1xf32>
    %add_any3A_257 = arith.addf %add_any3A_254, %mul3A_256 : vector<1024x1xf32>
    %mul3A_258 = arith.mulf %mul3A_255, %mul3A_57 : vector<1024x1xf32>
    %add_any3A_259 = arith.addf %add_any3A_257, %mul3A_258 : vector<1024x1xf32>
    %mul3A_260 = arith.constant 2.000000e-01 : f32
    %mul3A_261 = vector.broadcast %mul3A_260 : f32 to vector<1024x1xf32>
    %mul3A_262 = arith.mulf %add_any3A_259, %mul3A_261 : vector<1024x1xf32>
    %mul3A_263 = vector.broadcast %integer_pow3A_54 : vector<1024x1xf32> to vector<1024x8xf32>
    %mul3A_264 = arith.mulf %mul3A_218, %mul3A_263 : vector<1024x8xf32>
    %mul3A_265 = arith.mulf %mul3A_264, %mul3A_49 : vector<1024x8xf32>
    %reduce_sum3A_266 = arith.constant dense<0.000000e+00> : vector<1024xf32>
    %reduce_sum3A_267 = vector.multi_reduction <add>, %mul3A_265, %reduce_sum3A_266 [1] : vector<1024x8xf32> to vector<1024xf32>
    %reshape3A_268 = vector.shape_cast %reduce_sum3A_267 : vector<1024xf32> to vector<1024x1xf32>
    %neg3A_269 = arith.constant 0.000000e+00 : f32
    %neg3A_270 = vector.broadcast %neg3A_269 : f32 to vector<1024x1xf32>
    %neg3A_271 = arith.subf %neg3A_270, %reshape3A_268 : vector<1024x1xf32>
    %add_any3A_272 = arith.addf %add_any3A_211, %neg3A_271 : vector<1024x1xf32>
    %div3A_273 = vector.broadcast %max3A_25 : vector<1024x1xf32> to vector<1024x8xf32>
    %div3A_274 = arith.divf %mul3A_218, %div3A_273 : vector<1024x8xf32>
    %mul3A_275 = arith.constant 0.632455527 : f32
    %mul3A_276 = vector.broadcast %mul3A_275 : f32 to vector<1024x8xf32>
    %mul3A_277 = arith.mulf %mul3A_276, %div3A_274 : vector<1024x8xf32>
    %mul3A_278 = arith.mulf %mul3A_277, %cos3A : vector<1024x8xf32>
    %mul3A_279 = vector.broadcast %mul3A_43 : vector<1x8xf32> to vector<1024x8xf32>
    %mul3A_280 = arith.mulf %mul3A_279, %mul3A_278 : vector<1024x8xf32>
    %reduce_sum3A_281 = arith.constant dense<0.000000e+00> : vector<1024xf32>
    %reduce_sum3A_282 = vector.multi_reduction <add>, %mul3A_280, %reduce_sum3A_281 [1] : vector<1024x8xf32> to vector<1024xf32>
    %reshape3A_283 = vector.shape_cast %reduce_sum3A_282 : vector<1024xf32> to vector<1024x1xf32>
    %add_any3A_284 = arith.addf %add_any3A_272, %reshape3A_283 : vector<1024x1xf32>
    %mul3A_285 = arith.mulf %add_any3A_284, %div3A_37 : vector<1024x1xf32>
    %add_any3A_286 = arith.addf %mul3A_262, %mul3A_285 : vector<1024x1xf32>
    %mul3A_287 = arith.mulf %add_any3A_286, %div3A_23 : vector<1024x1xf32>
    %mul3A_288 = arith.mulf %slice3A_18, %mul3A_287 : vector<1024x1xf32>
    %add_any3A_289 = arith.addf %div3A_198, %mul3A_288 : vector<1024x1xf32>
    %mul3A_290 = arith.mulf %mul3A_287, %slice3A_18 : vector<1024x1xf32>
    %add_any3A_291 = arith.addf %add_any3A_289, %mul3A_290 : vector<1024x1xf32>
    %mul3A_292 = arith.mulf %slice3A_17, %mul3A_287 : vector<1024x1xf32>
    %add_any3A_293 = arith.addf %div3A_205, %mul3A_292 : vector<1024x1xf32>
    %mul3A_294 = arith.mulf %mul3A_287, %slice3A_17 : vector<1024x1xf32>
    %add_any3A_295 = arith.addf %add_any3A_293, %mul3A_294 : vector<1024x1xf32>
    %mul3A_296 = arith.mulf %slice3A, %mul3A_287 : vector<1024x1xf32>
    %add_any3A_297 = arith.addf %div3A_212, %mul3A_296 : vector<1024x1xf32>
    %mul3A_298 = arith.mulf %mul3A_287, %slice3A : vector<1024x1xf32>
    %add_any3A_299 = arith.addf %add_any3A_297, %mul3A_298 : vector<1024x1xf32>
    %pad3A_300 = arith.constant 0.000000e+00 : f32
    %pad3A_301 = vector.broadcast %pad3A_300 : f32 to vector<1024x2xf32>
    %pad3A_302 = tpu.concatenate %pad3A_301, %add_any3A_291 in 1 : vector<1024x2xf32>, vector<1024x1xf32> -> vector<1024x3xf32>
    %pad3A_303 = arith.constant 0.000000e+00 : f32
    %pad3A_304 = vector.broadcast %pad3A_303 : f32 to vector<1024x1xf32>
    %pad3A_305 = tpu.concatenate %pad3A_304, %add_any3A_295 in 1 : vector<1024x1xf32>, vector<1024x1xf32> -> vector<1024x2xf32>
    %pad3A_306 = vector.broadcast %pad3A_303 : f32 to vector<1024x1xf32>
    %pad3A_307 = tpu.concatenate %pad3A_305, %pad3A_306 in 1 : vector<1024x2xf32>, vector<1024x1xf32> -> vector<1024x3xf32>
    %add_any3A_308 = arith.addf %pad3A_302, %pad3A_307 : vector<1024x3xf32>
    %pad3A_309 = arith.constant 0.000000e+00 : f32
    %pad3A_310 = vector.broadcast %pad3A_309 : f32 to vector<1024x2xf32>
    %pad3A_311 = tpu.concatenate %add_any3A_299, %pad3A_310 in 1 : vector<1024x1xf32>, vector<1024x2xf32> -> vector<1024x3xf32>
    %add_any3A_312 = arith.addf %add_any3A_308, %pad3A_311 : vector<1024x3xf32>
    "tpu.trace_stop"() : () -> ()
    "tpu.trace_stop"() : () -> ()
    %swap3A = arith.constant 0 : index
    %swap3A_313 = arith.constant 0 : index
    %swap3A_314 = vector.load %arg8[%swap3A, %swap3A_313] : memref<1024x3xf32, #tpu.memory_space<vmem>>, vector<1024x3xf32>
    tpu.vector_store %arg8[%swap3A, %swap3A_313], %add_any3A_312 {strides = array<i32>} : memref<1024x3xf32, #tpu.memory_space<vmem>>, vector<1024x3xf32>,
    return
  }
  func.func @transform_0(%arg0: i32) -> (i32, i32) {
    %c0_i32 = arith.constant 0 : i32
    %c0_i32_0 = arith.constant 0 : i32
    return %arg0, %c0_i32 : i32, i32
  }
  func.func @transform_1(%arg0: i32) -> (i32, i32) {
    %c0_i32 = arith.constant 0 : i32
    %c0_i32_0 = arith.constant 0 : i32
    return %arg0, %c0_i32 : i32, i32
  }
  func.func @transform_2(%arg0: i32) -> (i32, i32) {
    %c0_i32 = arith.constant 0 : i32
    %c0_i32_0 = arith.constant 0 : i32
    return %arg0, %c0_i32 : i32, i32
  }
  func.func @transform_3(%arg0: i32) -> (i32, i32) {
    %c0_i32 = arith.constant 0 : i32
    %c0_i32_0 = arith.constant 0 : i32
    %c0_i32_1 = arith.constant 0 : i32
    return %c0_i32, %c0_i32_0 : i32, i32
  }
  func.func @transform_4(%arg0: i32) -> (i32, i32) {
    %c0_i32 = arith.constant 0 : i32
    %c0_i32_0 = arith.constant 0 : i32
    %c0_i32_1 = arith.constant 0 : i32
    return %c0_i32, %c0_i32_0 : i32, i32
  }
  func.func @transform_5(%arg0: i32) -> (i32, i32) {
    %c0_i32 = arith.constant 0 : i32
    %c0_i32_0 = arith.constant 0 : i32
    %c0_i32_1 = arith.constant 0 : i32
    return %c0_i32, %c0_i32_0 : i32, i32
  }
  func.func @transform_6(%arg0: i32) -> (i32, i32) {
    %c0_i32 = arith.constant 0 : i32
    %c0_i32_0 = arith.constant 0 : i32
    %c0_i32_1 = arith.constant 0 : i32
    return %c0_i32, %c0_i32_0 : i32, i32
  }
  func.func @transform_7(%arg0: i32) -> (i32, i32) {
    %c0_i32 = arith.constant 0 : i32
    %c0_i32_0 = arith.constant 0 : i32
    return %arg0, %c0_i32 : i32, i32
  }
}

module attributes {stable_mosaic.version = 14 : i64} {
  func.func @body(%arg0: i32, %arg1: memref<2048x3xf32, #tpu.memory_space<vmem>>, %arg2: memref<2048x3xf32, #tpu.memory_space<vmem>>, %arg3: memref<2048x1xf32, #tpu.memory_space<vmem>>, %arg4: memref<2048x16xf32, #tpu.memory_space<vmem>>, %arg5: memref<2048x16xf32, #tpu.memory_space<vmem>>) attributes {dimension_semantics = [#tpu.dimension_semantics<arbitrary>], iteration_bounds = array<i64: 80>, scalar_prefetch = 0 : i64, scratch_operands = 0 : i64, tpu.core_type = #tpu.core_type<tc>, window_params = [{transform_indices = @transform_0, window_bounds = array<i64: 2048, 3>}, {transform_indices = @transform_1, window_bounds = array<i64: 2048, 3>}, {transform_indices = @transform_2, window_bounds = array<i64: 2048, 1>}, {transform_indices = @transform_3, window_bounds = array<i64: 2048, 16>}, {transform_indices = @transform_4, window_bounds = array<i64: 2048, 16>}]} {
    %get3A = arith.constant 0 : index
    %get3A_0 = arith.constant 0 : index
    %get3A_1 = vector.load %arg1[%get3A, %get3A_0] : memref<2048x3xf32, #tpu.memory_space<vmem>>, vector<2048x3xf32>
    %get3A_2 = arith.constant 0 : index
    %get3A_3 = arith.constant 0 : index
    %get3A_4 = vector.load %arg2[%get3A_2, %get3A_3] : memref<2048x3xf32, #tpu.memory_space<vmem>>, vector<2048x3xf32>
    %add3A = arith.addf %get3A_1, %get3A_4 : vector<2048x3xf32>
    %get3A_5 = arith.constant 0 : index
    %get3A_6 = arith.constant 0 : index
    %get3A_7 = vector.load %arg3[%get3A_5, %get3A_6] : memref<2048x1xf32, #tpu.memory_space<vmem>>, vector<2048x1xf32>
    %mul3A = vector.broadcast %get3A_7 : vector<2048x1xf32> to vector<2048x3xf32>
    %mul3A_8 = arith.mulf %add3A, %mul3A : vector<2048x3xf32>
    %broadcast_in_dim3A = arith.constant 0.000000e+00 : f32
    %broadcast_in_dim3A_9 = vector.broadcast %broadcast_in_dim3A : f32 to vector<2048x13xf32>
    %concatenate3A = tpu.concatenate %mul3A_8, %broadcast_in_dim3A_9 in 1 : vector<2048x3xf32>, vector<2048x13xf32> -> vector<2048x16xf32>
    %swap3A = arith.constant 0 : index
    %swap3A_10 = arith.constant 0 : index
    %swap3A_11 = vector.load %arg4[%swap3A, %swap3A_10] : memref<2048x16xf32, #tpu.memory_space<vmem>>, vector<2048x16xf32>
    tpu.vector_store %arg4[%swap3A, %swap3A_10], %concatenate3A {strides = array<i32>} : memref<2048x16xf32, #tpu.memory_space<vmem>>, vector<2048x16xf32>,
    %neg3A = arith.constant 0.000000e+00 : f32
    %neg3A_12 = vector.broadcast %neg3A : f32 to vector<2048x16xf32>
    %neg3A_13 = arith.subf %neg3A_12, %concatenate3A : vector<2048x16xf32>
    %swap3A_14 = arith.constant 0 : index
    %swap3A_15 = arith.constant 0 : index
    %swap3A_16 = vector.load %arg5[%swap3A_14, %swap3A_15] : memref<2048x16xf32, #tpu.memory_space<vmem>>, vector<2048x16xf32>
    tpu.vector_store %arg5[%swap3A_14, %swap3A_15], %neg3A_13 {strides = array<i32>} : memref<2048x16xf32, #tpu.memory_space<vmem>>, vector<2048x16xf32>,
    return
  }
  func.func @transform_0(%arg0: i32) -> (i32, i32) {
    %c0_i32 = arith.constant 0 : i32
    %c0_i32_0 = arith.constant 0 : i32
    return %arg0, %c0_i32 : i32, i32
  }
  func.func @transform_1(%arg0: i32) -> (i32, i32) {
    %c0_i32 = arith.constant 0 : i32
    %c0_i32_0 = arith.constant 0 : i32
    return %arg0, %c0_i32 : i32, i32
  }
  func.func @transform_2(%arg0: i32) -> (i32, i32) {
    %c0_i32 = arith.constant 0 : i32
    %c0_i32_0 = arith.constant 0 : i32
    return %arg0, %c0_i32 : i32, i32
  }
  func.func @transform_3(%arg0: i32) -> (i32, i32) {
    %c0_i32 = arith.constant 0 : i32
    %c0_i32_0 = arith.constant 0 : i32
    return %arg0, %c0_i32 : i32, i32
  }
  func.func @transform_4(%arg0: i32) -> (i32, i32) {
    %c0_i32 = arith.constant 0 : i32
    %c0_i32_0 = arith.constant 0 : i32
    return %arg0, %c0_i32 : i32, i32
  }
}

module attributes {stable_mosaic.version = 14 : i64} {
  func.func @body(%arg0: i32, %arg1: memref<1000x32xf32, #tpu.memory_space<vmem>>, %arg2: memref<1000x32xf32, #tpu.memory_space<vmem>>, %arg3: memref<1x1x1000xf32, #tpu.memory_space<vmem>>, %arg4: memref<1x1x1000xf32, #tpu.memory_space<vmem>>, %arg5: memref<1000x1xf32, #tpu.memory_space<vmem>>, %arg6: memref<32x32xf32, #tpu.memory_space<vmem>>, %arg7: memref<8x64xf32, #tpu.memory_space<vmem>>, %arg8: memref<32x32xf32, #tpu.memory_space<vmem>>, %arg9: memref<32x16xf32, #tpu.memory_space<vmem>>, %arg10: memref<16x1xf32, #tpu.memory_space<vmem>>, %arg11: memref<8x1xf32, #tpu.memory_space<vmem>>, %arg12: memref<1x64xf32, #tpu.memory_space<vmem>>) attributes {dimension_semantics = [#tpu.dimension_semantics<arbitrary>], iteration_bounds = array<i64: 10>, scalar_prefetch = 0 : i64, scratch_operands = 0 : i64, tpu.core_type = #tpu.core_type<tc>, window_params = [{transform_indices = @transform_0, window_bounds = array<i64: 1000, 32>}, {transform_indices = @transform_1, window_bounds = array<i64: 1000, 32>}, {transform_indices = @transform_2, window_bounds = array<i64: 1, 1, 1000>}, {transform_indices = @transform_3, window_bounds = array<i64: 1, 1, 1000>}, {transform_indices = @transform_4, window_bounds = array<i64: 1000, 1>}, {pipeline_mode = #tpu.pipeline_mode<synchronous>, transform_indices = @transform_5, window_bounds = array<i64: 32, 32>}, {pipeline_mode = #tpu.pipeline_mode<synchronous>, transform_indices = @transform_6, window_bounds = array<i64: 8, 64>}, {pipeline_mode = #tpu.pipeline_mode<synchronous>, transform_indices = @transform_7, window_bounds = array<i64: 32, 32>}, {pipeline_mode = #tpu.pipeline_mode<synchronous>, transform_indices = @transform_8, window_bounds = array<i64: 32, 16>}, {pipeline_mode = #tpu.pipeline_mode<synchronous>, transform_indices = @transform_9, window_bounds = array<i64: 16, 1>}, {pipeline_mode = #tpu.pipeline_mode<synchronous>, transform_indices = @transform_10, window_bounds = array<i64: 8, 1>}, {pipeline_mode = #tpu.pipeline_mode<synchronous>, transform_indices = @transform_11, window_bounds = array<i64: 1, 64>}]} {
    %get3A = arith.constant 0 : index
    %get3A_0 = arith.constant 0 : index
    %get3A_1 = vector.load %arg1[%get3A, %get3A_0] : memref<1000x32xf32, #tpu.memory_space<vmem>>, vector<1000x32xf32>
    %get3A_2 = arith.constant 0 : index
    %get3A_3 = arith.constant 0 : index
    %get3A_4 = vector.load %arg2[%get3A_2, %get3A_3] : memref<1000x32xf32, #tpu.memory_space<vmem>>, vector<1000x32xf32>
    %add3A = arith.addf %get3A_1, %get3A_4 : vector<1000x32xf32>
    %get3A_5 = arith.constant 0 : index
    %get3A_6 = arith.constant 0 : index
    %get3A_7 = arith.constant 0 : index
    %get3A_8 = vector.load %arg3[%get3A_5, %get3A_6, %get3A_7] : memref<1x1x1000xf32, #tpu.memory_space<vmem>>, vector<1x1x1000xf32>
    %get3A_9 = vector.shape_cast %get3A_8 : vector<1x1x1000xf32> to vector<1000xf32>
    %iota3A = tpu.iota {dimensions = array<i32: 1>} : vector<1000x8xi32>
    %convert_element_type3A = arith.sitofp %iota3A : vector<1000x8xi32> to vector<1000x8xf32>
    %broadcast_in_dim3A = vector.shape_cast %get3A_9 : vector<1000xf32> to vector<1000x1xf32>
    %eq3A = vector.broadcast %broadcast_in_dim3A : vector<1000x1xf32> to vector<1000x8xf32>
    %eq3A_10 = arith.cmpf oeq, %eq3A, %convert_element_type3A : vector<1000x8xf32>
    %jit3A = arith.constant 1.000000e+00 : f32
    %jit3A_11 = arith.constant 0.000000e+00 : f32
    %broadcast_in_dim3A_12 = vector.broadcast %jit3A : f32 to vector<1000x8xf32>
    %broadcast_in_dim3A_13 = vector.broadcast %jit3A_11 : f32 to vector<1000x8xf32>
    %select_n3A = arith.select %eq3A_10, %broadcast_in_dim3A_12, %broadcast_in_dim3A_13 : vector<1000x8xi1>, vector<1000x8xf32>
    %get3A_14 = arith.constant 0 : index
    %get3A_15 = arith.constant 0 : index
    %get3A_16 = vector.load %arg6[%get3A_14, %get3A_15] : memref<32x32xf32, #tpu.memory_space<vmem>>, vector<32x32xf32>
    %get3A_17 = arith.constant 0 : index
    %get3A_18 = arith.constant 0 : index
    %get3A_19 = vector.load %arg7[%get3A_17, %get3A_18] : memref<8x64xf32, #tpu.memory_space<vmem>>, vector<8x64xf32>
    %get3A_20 = arith.constant 0 : index
    %get3A_21 = arith.constant 0 : index
    %get3A_22 = vector.load %arg8[%get3A_20, %get3A_21] : memref<32x32xf32, #tpu.memory_space<vmem>>, vector<32x32xf32>
    %get3A_23 = arith.constant 0 : index
    %get3A_24 = arith.constant 0 : index
    %get3A_25 = vector.load %arg9[%get3A_23, %get3A_24] : memref<32x16xf32, #tpu.memory_space<vmem>>, vector<32x16xf32>
    %get3A_26 = arith.constant 0 : index
    %get3A_27 = arith.constant 0 : index
    %get3A_28 = vector.load %arg10[%get3A_26, %get3A_27] : memref<16x1xf32, #tpu.memory_space<vmem>>, vector<16x1xf32>
    %dot_general3A = arith.constant dense<0.000000e+00> : vector<1000x32xf32>
    %dot_general3A_29 = tpu.matmul %add3A, %get3A_16, %dot_general3A {dimension_numbers = #tpu.dot_dimension_numbers<[1], [0], [0], [1], [0, 0, 1, 1], [], []>, transpose_lhs_hint = false} : vector<1000x32xf32>, vector<32x32xf32>, vector<1000x32xf32> -> vector<1000x32xf32>
    %dot_general3A_30 = arith.constant dense<0.000000e+00> : vector<1000x64xf32>
    %dot_general3A_31 = tpu.matmul %select_n3A, %get3A_19, %dot_general3A_30 {dimension_numbers = #tpu.dot_dimension_numbers<[1], [0], [0], [1], [0, 0, 1, 1], [], []>, transpose_lhs_hint = false} : vector<1000x8xf32>, vector<8x64xf32>, vector<1000x64xf32> -> vector<1000x64xf32>
    %slice3A = vector.extract_strided_slice %dot_general3A_31 {offsets = [0, 0], sizes = [1000, 32], strides = [1, 1]} : vector<1000x64xf32> to vector<1000x32xf32>
    %mul3A = arith.mulf %slice3A, %dot_general3A_29 : vector<1000x32xf32>
    %slice3A_32 = vector.extract_strided_slice %dot_general3A_31 {offsets = [0, 32], sizes = [1000, 32], strides = [1, 1]} : vector<1000x64xf32> to vector<1000x32xf32>
    %mul3A_33 = arith.mulf %slice3A_32, %dot_general3A_29 : vector<1000x32xf32>
    %mul3A_34 = arith.mulf %mul3A_33, %dot_general3A_29 : vector<1000x32xf32>
    %add3A_35 = arith.addf %mul3A, %mul3A_34 : vector<1000x32xf32>
    %dot_general3A_36 = arith.constant dense<0.000000e+00> : vector<1000x32xf32>
    %dot_general3A_37 = tpu.matmul %add3A_35, %get3A_22, %dot_general3A_36 {dimension_numbers = #tpu.dot_dimension_numbers<[1], [0], [0], [1], [0, 0, 1, 1], [], []>, transpose_lhs_hint = false} : vector<1000x32xf32>, vector<32x32xf32>, vector<1000x32xf32> -> vector<1000x32xf32>
    %dot_general3A_38 = arith.constant dense<0.000000e+00> : vector<1000x16xf32>
    %dot_general3A_39 = tpu.matmul %dot_general3A_37, %get3A_25, %dot_general3A_38 {dimension_numbers = #tpu.dot_dimension_numbers<[1], [0], [0], [1], [0, 0, 1, 1], [], []>, transpose_lhs_hint = false} : vector<1000x32xf32>, vector<32x16xf32>, vector<1000x16xf32> -> vector<1000x16xf32>
    %logistic3A = arith.negf %dot_general3A_39 : vector<1000x16xf32>
    %logistic3A_40 = math.exp %logistic3A : vector<1000x16xf32>
    %logistic3A_41 = arith.constant 1.000000e+00 : f32
    %logistic3A_42 = vector.broadcast %logistic3A_41 : f32 to vector<1000x16xf32>
    %logistic3A_43 = arith.addf %logistic3A_42, %logistic3A_40 : vector<1000x16xf32>
    %logistic3A_44 = arith.divf %logistic3A_42, %logistic3A_43 : vector<1000x16xf32>
    %mul3A_45 = arith.mulf %dot_general3A_39, %logistic3A_44 : vector<1000x16xf32>
    %dot_general3A_46 = arith.constant dense<0.000000e+00> : vector<1000x1xf32>
    %dot_general3A_47 = tpu.matmul %mul3A_45, %get3A_28, %dot_general3A_46 {dimension_numbers = #tpu.dot_dimension_numbers<[1], [0], [0], [1], [0, 0, 1, 1], [], []>, transpose_lhs_hint = false} : vector<1000x16xf32>, vector<16x1xf32>, vector<1000x1xf32> -> vector<1000x1xf32>
    %get3A_48 = arith.constant 0 : index
    %get3A_49 = arith.constant 0 : index
    %get3A_50 = vector.load %arg11[%get3A_48, %get3A_49] : memref<8x1xf32, #tpu.memory_space<vmem>>, vector<8x1xf32>
    %dot_general3A_51 = arith.constant dense<0.000000e+00> : vector<1000x1xf32>
    %dot_general3A_52 = tpu.matmul %select_n3A, %get3A_50, %dot_general3A_51 {dimension_numbers = #tpu.dot_dimension_numbers<[1], [0], [0], [1], [0, 0, 1, 1], [], []>, transpose_lhs_hint = false} : vector<1000x8xf32>, vector<8x1xf32>, vector<1000x1xf32> -> vector<1000x1xf32>
    %get3A_53 = arith.constant 0 : index
    %get3A_54 = arith.constant 0 : index
    %get3A_55 = vector.load %arg5[%get3A_53, %get3A_54] : memref<1000x1xf32, #tpu.memory_space<vmem>>, vector<1000x1xf32>
    %add3A_56 = arith.addf %get3A_55, %dot_general3A_47 : vector<1000x1xf32>
    %add3A_57 = arith.addf %add3A_56, %dot_general3A_52 : vector<1000x1xf32>
    %get3A_58 = arith.constant 0 : index
    %get3A_59 = arith.constant 0 : index
    %get3A_60 = arith.constant 0 : index
    %get3A_61 = vector.load %arg4[%get3A_58, %get3A_59, %get3A_60] : memref<1x1x1000xf32, #tpu.memory_space<vmem>>, vector<1x1x1000xf32>
    %get3A_62 = vector.shape_cast %get3A_61 : vector<1x1x1000xf32> to vector<1000xf32>
    %iota3A_63 = tpu.iota {dimensions = array<i32: 1>} : vector<1000x64xi32>
    %convert_element_type3A_64 = arith.sitofp %iota3A_63 : vector<1000x64xi32> to vector<1000x64xf32>
    %broadcast_in_dim3A_65 = vector.shape_cast %get3A_62 : vector<1000xf32> to vector<1000x1xf32>
    %eq3A_66 = vector.broadcast %broadcast_in_dim3A_65 : vector<1000x1xf32> to vector<1000x64xf32>
    %eq3A_67 = arith.cmpf oeq, %eq3A_66, %convert_element_type3A_64 : vector<1000x64xf32>
    %jit3A_68 = arith.constant 1.000000e+00 : f32
    %jit3A_69 = arith.constant 0.000000e+00 : f32
    %broadcast_in_dim3A_70 = vector.broadcast %jit3A_68 : f32 to vector<1000x64xf32>
    %broadcast_in_dim3A_71 = vector.broadcast %jit3A_69 : f32 to vector<1000x64xf32>
    %select_n3A_72 = arith.select %eq3A_67, %broadcast_in_dim3A_70, %broadcast_in_dim3A_71 : vector<1000x64xi1>, vector<1000x64xf32>
    %reshape3A = vector.shape_cast %add3A_57 : vector<1000x1xf32> to vector<1x1000xf32>
    %dot_general3A_73 = arith.constant dense<0.000000e+00> : vector<1x64xf32>
    %dot_general3A_74 = tpu.matmul %reshape3A, %select_n3A_72, %dot_general3A_73 {dimension_numbers = #tpu.dot_dimension_numbers<[1], [0], [0], [1], [0, 0, 1, 1], [], []>, transpose_lhs_hint = false} : vector<1x1000xf32>, vector<1000x64xf32>, vector<1x64xf32> -> vector<1x64xf32>
    %eq3A_75 = arith.constant 0 : i32
    %eq3A_76 = arith.cmpi eq, %arg0, %eq3A_75 : i32
    %convert_element_type3A_77 = arith.extui %eq3A_76 : i1 to i32
    %cond3A = arith.constant 0 : i32
    %cond3A_78 = arith.cmpi ne, %convert_element_type3A_77, %cond3A : i32
    scf.if %cond3A_78 {
      %broadcast_in_dim3A_85 = arith.constant 0.000000e+00 : f32
      %broadcast_in_dim3A_86 = vector.broadcast %broadcast_in_dim3A_85 : f32 to vector<1x64xf32>
      %swap3A_87 = arith.constant 0 : index
      %swap3A_88 = arith.constant 0 : index
      %swap3A_89 = vector.load %arg12[%swap3A_87, %swap3A_88] : memref<1x64xf32, #tpu.memory_space<vmem>>, vector<1x64xf32>
      tpu.vector_store %arg12[%swap3A_87, %swap3A_88], %broadcast_in_dim3A_86 {strides = array<i32>} : memref<1x64xf32, #tpu.memory_space<vmem>>, vector<1x64xf32>,
    } else {
    }
    %get3A_79 = arith.constant 0 : index
    %get3A_80 = arith.constant 0 : index
    %get3A_81 = vector.load %arg12[%get3A_79, %get3A_80] : memref<1x64xf32, #tpu.memory_space<vmem>>, vector<1x64xf32>
    %add3A_82 = arith.addf %get3A_81, %dot_general3A_74 : vector<1x64xf32>
    %swap3A = arith.constant 0 : index
    %swap3A_83 = arith.constant 0 : index
    %swap3A_84 = vector.load %arg12[%swap3A, %swap3A_83] : memref<1x64xf32, #tpu.memory_space<vmem>>, vector<1x64xf32>
    tpu.vector_store %arg12[%swap3A, %swap3A_83], %add3A_82 {strides = array<i32>} : memref<1x64xf32, #tpu.memory_space<vmem>>, vector<1x64xf32>,
    return
  }
  func.func @transform_0(%arg0: i32) -> (i32, i32) {
    %c0_i32 = arith.constant 0 : i32
    %c0_i32_0 = arith.constant 0 : i32
    return %arg0, %c0_i32 : i32, i32
  }
  func.func @transform_1(%arg0: i32) -> (i32, i32) {
    %c0_i32 = arith.constant 0 : i32
    %c0_i32_0 = arith.constant 0 : i32
    return %arg0, %c0_i32 : i32, i32
  }
  func.func @transform_2(%arg0: i32) -> (i32, i32, i32) {
    %c0_i32 = arith.constant 0 : i32
    %c0_i32_0 = arith.constant 0 : i32
    %c0_i32_1 = arith.constant 0 : i32
    return %arg0, %c0_i32, %c0_i32_0 : i32, i32, i32
  }
  func.func @transform_3(%arg0: i32) -> (i32, i32, i32) {
    %c0_i32 = arith.constant 0 : i32
    %c0_i32_0 = arith.constant 0 : i32
    %c0_i32_1 = arith.constant 0 : i32
    return %arg0, %c0_i32, %c0_i32_0 : i32, i32, i32
  }
  func.func @transform_4(%arg0: i32) -> (i32, i32) {
    %c0_i32 = arith.constant 0 : i32
    %c0_i32_0 = arith.constant 0 : i32
    return %arg0, %c0_i32 : i32, i32
  }
  func.func @transform_5(%arg0: i32) -> (i32, i32) {
    %c0_i32 = arith.constant 0 : i32
    %c0_i32_0 = arith.constant 0 : i32
    %c0_i32_1 = arith.constant 0 : i32
    return %c0_i32, %c0_i32_0 : i32, i32
  }
  func.func @transform_6(%arg0: i32) -> (i32, i32) {
    %c0_i32 = arith.constant 0 : i32
    %c0_i32_0 = arith.constant 0 : i32
    %c0_i32_1 = arith.constant 0 : i32
    return %c0_i32, %c0_i32_0 : i32, i32
  }
  func.func @transform_7(%arg0: i32) -> (i32, i32) {
    %c0_i32 = arith.constant 0 : i32
    %c0_i32_0 = arith.constant 0 : i32
    %c0_i32_1 = arith.constant 0 : i32
    return %c0_i32, %c0_i32_0 : i32, i32
  }
  func.func @transform_8(%arg0: i32) -> (i32, i32) {
    %c0_i32 = arith.constant 0 : i32
    %c0_i32_0 = arith.constant 0 : i32
    %c0_i32_1 = arith.constant 0 : i32
    return %c0_i32, %c0_i32_0 : i32, i32
  }
  func.func @transform_9(%arg0: i32) -> (i32, i32) {
    %c0_i32 = arith.constant 0 : i32
    %c0_i32_0 = arith.constant 0 : i32
    %c0_i32_1 = arith.constant 0 : i32
    return %c0_i32, %c0_i32_0 : i32, i32
  }
  func.func @transform_10(%arg0: i32) -> (i32, i32) {
    %c0_i32 = arith.constant 0 : i32
    %c0_i32_0 = arith.constant 0 : i32
    %c0_i32_1 = arith.constant 0 : i32
    return %c0_i32, %c0_i32_0 : i32, i32
  }
  func.func @transform_11(%arg0: i32) -> (i32, i32) {
    %c0_i32 = arith.constant 0 : i32
    %c0_i32_0 = arith.constant 0 : i32
    %c0_i32_1 = arith.constant 0 : i32
    return %c0_i32, %c0_i32_0 : i32, i32
  }
}

</mosaic_0001>

<sc_bundles>
// kernel: kernel.20.cloned.1.call-start
scs
__scs_entry_jumppad:
0x0: {  	(pc) =	sbr.rel $0x88, $3  }
0x1: {  	(tag) =	ssettag $0x0;
	lr =	simm.s32 $0x1  }
0x2: {  	[smem:$0x3F8E] =	sst lr;
	_ =	strace $0xD0000000  }
0x3: {  	_ = 	snop  }
0x4: {  	_ = 	snop  }
0x5: {  	_ = 	snop  }
0x6: {  	_ = 	snop  }
0x7: {  	_ = 	snop  }
__scs_overlays_trampoline_lowered:
0x8: {  	[smem:$0x3F9D] =	sst s0  }
0x9: {  	[smem:$0x3F9E] =	sst s1  }
0xa: {  	[smem:$0x3F9F] =	sst s2  }
0xb: {  	[smem:$0x3FA0] =	sst s3  }
0xc: {  	[smem:$0x3FA1] =	sst s4  }
0xd: {  	[smem:$0x3FA2] =	sst s5  }
0xe: {  	[smem:$0x3FA3] =	sst s6  }
0xf: {  	[smem:$0x3FA4] =	sst s7  }
0x10: {  	[smem:$0x3FA5] =	sst s8  }
0x11: {  	[smem:$0x3FA6] =	sst s9;
	s0 =	simm.s32 @!p0 $0x0  }
0x12: {  	s1 =	sld [smem:$0x3F8C];
	s0 =	simm.s32 @p0 $0x1  }
0x13: {  	[smem:$0x3FA7] =	sst s0;
	s0 =	simm.s32 @!p1 $0x0  }
0x14: {  	s2 =	sld [smem:$0x3F8B];
	s0 =	simm.s32 @p1 $0x1  }
0x15: {  	[smem:$0x3FA8] =	sst s0;
	s0 =	simm.s32 @!p2 $0x0  }
0x16: {  	s3 =	sld [smem:$0x3FDB];
	s0 =	simm.s32 @p2 $0x1  }
0x17: {  	s4 =	simm.s32 $0x1BF5;
	[smem:$0x3FAA] =	sst s0  }
0x18: {  	s0 =	sld [smem:$0x3F8D];
	_ =	swait.ge [sflag:s4], $0x0  }
0x19: {  	s7 =	sld [smem:$0x3F8E]  }
0x1a: {  	s8 =	sadd.s32 $0xFFFFE003, lr  }
0x1b: {  	s9 =	sadd.s32 $0xFFFFFEF7, lr;
	s5 =	simm.s32 $0xFFFFFFFF;
	p2 =	slt.u32 s8, $0xFFFFF086  }
0x1c: {  	p1 =	slt.u32 s9, $0xF7A;
	s5 =	simm.s32 @!p2 $0x0  }
0x1d: {  	s5 =	simm.s32 @p1 $0x1;
	p0 =	seq.s32 s7, s2  }
0x1e: {  	s7 =	smul.u32 @!p0 $0xF7A, s2;
	p2 =	seq.s32 @!p0 s5, $0x0  }
0x1f: {  	s9 =	smul.u32 $0xF7A, s1;
	s8 =	simm.s32 @!p0 $0x1BF5;
	p2 =	por !p2, p0  }
0x20: {  	[sflag:s8] =	ssyncset.s32 @!p0 $0xFFFFF086;
	s6 =	sadd.s32 @!p0 s3, s7;
	s7 =	simm.s32 @!p0 $0x108  }
0x21: {  	s3 =	sadd.s32 s3, s9;
	s6 =	sadd.s32 @!p0 $0x88, s6;
	s7 =	simm.s32 @p2 $0x1082  }
0x22: {  	[simem:s7], [sflag:s8] =	dma.local @!p0 [hbm:s6], $0xF7A  }
0x23: {  	s9 =	sor.u32 $0xD0000000, s2;
	s6 =	simm.s32 $0x108;
	_ =	swait.ge @!p0 [sflag:s8], $0x0  }
0x24: {  	s3 =	sadd.s32 $0x88, s3;
	s6 =	simm.s32 @!p1 $0x1082;
	[sflag:s4] =	ssyncset.s32 $0xFFFFF086  }
0x25: {  	[simem:s6], [sflag:s4] =	dma.local [hbm:s3], $0xF7A  }
0x26: {  	[smem:$0x3F8E] =	sst s1;
	(tag) =	ssettag s2;
	_ =	strace s9  }
0x27: {  	s1 =	sld [smem:$0x3F9E]  }
0x28: {  	s2 =	sld [smem:$0x3F9F]  }
0x29: {  	s4 =	sld [smem:$0x3FA1]  }
0x2a: {  	p0 =	seq.s32 s5, $0x0;
	s5 =	sld [smem:$0x3FA2]  }
0x2b: {  	s6 =	sld [smem:$0x3FA3]  }
0x2c: {  	s7 =	sld [smem:$0x3FA4]  }
0x2d: {  	s3 =	simm.s32 $0x108;
	s8 =	sld [smem:$0x3FA5]  }
0x2e: {  	s3 =	simm.s32 @!p0 $0x1082;
	s9 =	sld [smem:$0x3FA6]  }
0x2f: {  	lr =	sadd.s32 s0, s3;
	s0 =	sld [smem:$0x3F9D]  }
0x30: {  	s3 =	sld [smem:$0x3FA0]  }
0x31: {  	[smem:$0x3FA9] =	sst s10  }
0x32: {  	s10 =	sld [smem:$0x3FA7];
	_ =	sdelay $0x3  }
0x33: {  	p0 =	seq.s32 s10, $0x1;
	s10 =	sld [smem:$0x3FA9];
	_ =	sdelay $0x3  }
0x34: {  	[smem:$0x3FA9] =	sst s10  }
0x35: {  	s10 =	sld [smem:$0x3FA8];
	_ =	sdelay $0x3  }
0x36: {  	p1 =	seq.s32 s10, $0x1;
	s10 =	sld [smem:$0x3FA9];
	_ =	sdelay $0x3  }
0x37: {  	[smem:$0x3FA9] =	sst s10  }
0x38: {  	s10 =	sld [smem:$0x3FAA]  }
0x39: {  	_ = 	snop;
	(pc) =	sbr.ind lr, $3  }
0x3a: {  	_ = 	snop  }
0x3b: {  	_ = 	snop  }
0x3c: {  	p2 =	seq.s32 s10, $0x1;
	s10 =	sld [smem:$0x3FA9]  }
0x3d: {  	_ =	shalt  }
0x3e: {  	_ =	shalt  }
0x3f: {  	_ =	shalt  }
0x40: {  	_ =	shalt  }
0x41: {  	_ =	shalt  }
0x42: {  	_ =	shalt  }
0x43: {  	_ =	shalt  }
0x44: {  	_ =	shalt  }
0x45: {  	_ =	shalt  }
0x46: {  	_ =	shalt  }
0x47: {  	_ =	shalt  }
0x48: {  	_ =	shalt  }
0x49: {  	_ =	shalt  }
0x4a: {  	_ =	shalt  }
0x4b: {  	_ =	shalt  }
0x4c: {  	_ =	shalt  }
0x4d: {  	_ =	shalt  }
0x4e: {  	_ =	shalt  }
0x4f: {  	_ =	shalt  }
0x50: {  	_ =	shalt  }
0x51: {  	_ =	shalt  }
0x52: {  	_ =	shalt  }
0x53: {  	_ =	shalt  }
0x54: {  	_ =	shalt  }
0x55: {  	_ =	shalt  }
0x56: {  	_ =	shalt  }
0x57: {  	_ =	shalt  }
0x58: {  	_ =	shalt  }
0x59: {  	_ =	shalt  }
0x5a: {  	_ =	shalt  }
0x5b: {  	_ =	shalt  }
0x5c: {  	_ =	shalt  }
0x5d: {  	_ =	shalt  }
0x5e: {  	_ =	shalt  }
0x5f: {  	_ =	shalt  }
0x60: {  	_ =	shalt  }
0x61: {  	_ =	shalt  }
0x62: {  	_ =	shalt  }
0x63: {  	_ =	shalt  }
0x64: {  	_ =	shalt  }
0x65: {  	_ =	shalt  }
0x66: {  	_ =	shalt  }
0x67: {  	_ =	shalt  }
0x68: {  	_ =	shalt  }
0x69: {  	_ =	shalt  }
0x6a: {  	_ =	shalt  }
0x6b: {  	_ =	shalt  }
0x6c: {  	_ =	shalt  }
0x6d: {  	_ =	shalt  }
0x6e: {  	_ =	shalt  }
0x6f: {  	_ =	shalt  }
0x70: {  	_ =	shalt  }
0x71: {  	_ =	shalt  }
0x72: {  	_ =	shalt  }
0x73: {  	_ =	shalt  }
0x74: {  	_ =	shalt  }
0x75: {  	_ =	shalt  }
0x76: {  	_ =	shalt  }
0x77: {  	_ =	shalt  }
0x78: {  	_ =	shalt  }
0x79: {  	_ =	shalt  }
0x7a: {  	_ =	shalt  }
0x7b: {  	_ =	shalt  }
0x7c: {  	_ =	shalt  }
0x7d: {  	_ =	shalt  }
0x7e: {  	_ =	shalt  }
0x7f: {  	_ =	shalt  }
0x80: {  	_ =	shalt  }
0x81: {  	_ =	shalt  }
0x82: {  	_ =	shalt  }
0x83: {  	_ =	shalt  }
0x84: {  	_ =	shalt  }
0x85: {  	_ =	shalt  }
0x86: {  	_ =	shalt  }
0x87: {  	_ =	shalt  }
.Lfunc_end0:
.L_simem_size_0:
called_computation_lowered:
.L_overlay_start_0:
0x88: {  	s2 =	sld [smem:$0x3FD9]  }
0x89: {  	s3 =	sld [smem:$0x3FFE];
	_ =	sdelay $0x1  }
0x8a: {  	s1 =	srdreg.scid  }
0x8b: {  	s0 =	sand.u32 $0x1, s1  }
0x8c: {  	s16 =	sshll.u32 s0, $0xA;
	s2 =	sadd.s32 s3, s2  }
0x8d: {  	s2 =	sadd.s32 s2, s16  }
0x8e: {  	[smem:$0x3FB5] =	sst s2  }
0x8f: {  	_ = 	snop  }
0x90: {  	(tm) =	ssettm $0x1  }
0x91: {  	s17 =	sld [smem:$0x3FFB];
	_ =	sdelay $0x3  }
0x92: {  	_ =	strace s17  }
0x93: {  	s2 =	sld [smem:$0x3FFC];
	_ =	sdelay $0x3  }
0x94: {  	_ =	strace s2  }
0x95: {  	s2 =	sld [smem:$0x3FFD];
	_ =	sdelay $0x3  }
0x96: {  	_ =	strace s2  }
0x97: {  	_ =	strace $0x8FFFFFFF  }
0x98: {  	s18 =	sld [smem:$0x3FDB];
	_ =	sdelay $0x1  }
0x99: {  	s19 =	simm.s32 $_scs_section_size  }
0x9a: {  	s4 =	simm.s32 $_size__tile_overlayer_lowered;
	s5 =	simm.s32 $_tile_overlayer_lowered  }
0x9b: {  	s22 =	simm.s32 $0x1BFF;
	s21 =	sshll.u32 s5, $0x1;
	s2 =	sadd.s32 s19, s18  }
0x9c: {  	s6 =	simm.s32 $0x0;
	s20 =	sshll.u32 s4, $0x1;
	s4 =	sadd.s32 s21, s2  }
0x9d: {  	[timem:s6], [sflag:s22] =	dma.local [hbm:s4], s20  }
0x9e: {  	_ =	swait.ge [sflag:s22], s20  }
0x9f: {  	s3 =	ssub.s32 $0x0, s20;
	[sflag:s22] =	ssyncset.done $0x0  }
0xa0: {  	[sflag:s22] =	ssyncadd.s32 s3;
	_ =	sdelay $0x1  }
0xa1: {  	s23 =	simm.s32 $0x1B8B  }
0xa2: {  	_ =	swait.ge [sflag:s23], $0x1  }
0xa3: {  	[sflag:s23] =	ssyncset.done $0x0  }
0xa4: {  	s25 =	simm.s32 $0x1B8E;
	s24 =	sld [smem:$0x3FFE];
	[sflag:s23] =	ssyncadd.s32 $0xFFFFFFFF  }
0xa5: {  	s26 =	simm.s32 $execute0_lowered;
	[smem:$0x3FD2] =	sst s25  }
0xa6: {  	s4 =	sshll.u32 s26, $0x1;
	_ =	strace $0x80000046;
	[dreg:$0x1] =	wrdreg $0xFFFFFFFF  }
0xa7: {  	s28 =	simm.s32 $_size_execute0_lowered;
	s2 =	sadd.s32 s2, s4;
	[dreg:$0x0] =	wrdreg $0x0  }
0xa8: {  	s4 =	sshll.u32 s28, $0x1;
	[dreg:$0x2] =	wrdreg s2  }
0xa9: {  	[dreg:$0x3] =	wrdreg s4  }
0xaa: {  	[dreg:$0x4] =	wrdreg $0xC0  }
0xab: {  	_ =	task [dreg:s6], $0x5FFFF  }
0xac: {  	[dreg:$0x1] =	wrdreg $0xFFFFFFFF  }
0xad: {  	[dreg:$0x0] =	wrdreg $0x60  }
0xae: {  	[dreg:$0x2] =	wrdreg s24  }
0xaf: {  	[dreg:$0x3] =	wrdreg $0x9  }
0xb0: {  	_ =	task.clear_ibuf [dreg:s6], $0x4FFFF;
	_ =	strace $0x90000046  }
0xb1: {  	s29 =	simm.s32 $0x9;
	_ =	strace $0x80000048  }
0xb2: {  	_ =	swait.ge [sflag:s29], $0x1  }
0xb3: {  	[sflag:s29] =	ssyncadd.s32 $0xFFFFFFFF  }
0xb4: {  	_ =	strace $0x90000048  }
0xb5: {  	_ =	sfence  }
0xb6: {  	s30 =	sld [smem:$0x0];
	_ =	sdelay $0x2  }
0xb7: {  	s31 =	sshll.u32 s1, $0xD;
	s1 =	sshrl.u32 s1, $0x2  }
0xb8: {  	s3 =	sand.u32 $0x4000, s31;
	s1 =	sadd.s32 s1, s30  }
0xb9: {  	s0 =	sor.u32 s3, s0;
	s1 =	sshll.u32 s1, $0x11  }
0xba: {  	s0 =	sor.u32 s1, s0  }
0xbb: {  	s0 =	sadd.s32 $0x8F2B, s0  }
0xbc: {  	[sflag:s0] =	ssyncadd.remote.s32 $0x1  }
0xbd: {  	_ =	sfence.sel $0xFFFF  }
0xbe: {  	[dreg:$0x0] =	wrdreg $0xFFFFFFFF;
	(pc) =	sbr.abs _section_cstart, $3  }
0xbf: {  	[dreg:$0x1] =	wrdreg $0xFFFFFFFF  }
0xc0: {  	_ =	task.clear_ibuf [dreg:s6], $0x2FFFF;
	_ =	strace $0x9FFFFFFF  }
0xc1: {  	(tm) =	ssettm $0x7FFFFFFF  }
tec
execute0_lowered:
.L_overlay_start_1:
0x0: {  	(tag) =	ssettag $0x1  }
0x1: {  	s4 =	rddreg [dreg:$0x0]  }
0x2: {  	s0 =	rddreg [dreg:$0x1];
	s2 =	simm.s32 $0x0;
	s1 =	stileid.u32  }
0x3: {  	s3 =	srdreg.scid;
	s10 =	simm.s32 $0x0;
	s6 =	smul.u32 $0x2800, s1  }
0x4: {  	[smem:$0x7FF] =	sst s2;
	s5 =	sand.u32 $0x1, s3;
	s8 =	smul.u32 $0xA000, s1  }
0x5: {  	s3 =	sadd.s32 $0xFA00, s4;
	s7 =	smul.u32 $0x1400, s5;
	s9 =	ssub.s32 $0x2, s5  }
0x6: {  	_ =	strace $0x80000047;
	s5 =	smul.u32 $0x5000, s5;
	s31 =	sshrl.u32 s9, $0x1  }
0x7: {  	s8 =	sadd.s32 s8, s4;
	s6 =	sadd.s32 s7, s6;
	s7 =	ssub.s32 s9, s31  }
0x8: {  	s5 =	sadd.s32 s5, s8;
	s8 =	simm.s32 $0x80;
	s6 =	sshrl.u32 s6, $0x3  }
0x9: {  	s9 =	simm.s32 $0x1;
	s5 =	sadd.s32 $0x2D800, s5;
	s6 =	sadd.s32 s6, s4  }
0xa: {  	s4 =	smax.u32 s7, $0x1;
	s7 =	simm.s32 $0x2;
	s6 =	sadd.s32 $0x19800, s6  }
.LBB2_1:
0xb: {  	s11 =	sadd.s32 $0x0, s6  }
0xc: {  	[tilespmem:s2], [sflag:$0x2] =	stream.linear.gather [hbm4b:s11+s2], $0x80, $0x38;
	[tilespmem:$0x1080] =	vst v63  }
0xd: {  	_ =	swait.ge [sflag:s7], $0x80  }
0xe: {  	[sflag:s7] =	ssyncset.done $0x0  }
0xf: {  	[sflag:s7] =	ssyncadd.s32 $0xFFFFFF80  }
0x10: {  	[tilespmem:s8], [sflag:$0x1] =	stream.indirect.gather [hbm4b:s3+s8], $0x20, s2, s8, $0xb8;
	[tilespmem:$0x1080] =	vst v63  }
0x11: {  	_ =	swait.ge [sflag:s9], $0x1000  }
0x12: {  	[sflag:s9] =	ssyncset.done $0x0  }
0x13: {  	[sflag:s9] =	ssyncadd.s32 $0xFFFFF000  }
0x14: {  	[hbm4b:s5+s2] =	stream.linear.scatter [tilespmem:s8], [sflag:$0x2], $0x1000, $0x38;
	[tilespmem:$0x1080] =	vst v63  }
0x15: {  	s12 =	simm.s32 $0x10;
	_ =	swait.ge [sflag:s7], $0x1000  }
0x16: {  	s13 =	simm.s32 $0x20;
	s11 =	sadd.s32 $0x200, s5;
	[sflag:s7] =	ssyncset.done $0x0  }
.LBB2_2:
0x17: {  	s14 =	sadd.s32 s12, s6  }
0x18: {  	[sflag:s7] =	ssyncadd.s32 $0xFFFFF000;
	s12 =	smov.u32 s13;
	s15 =	sadd.s32 $0x10, s13  }
0x19: {  	[tilespmem:s2], [sflag:$0x2] =	stream.linear.gather [hbm4b:s14+s2], $0x80, $0x38;
	[tilespmem:$0x1080] =	vst v63  }
0x1a: {  	p0 =	sne.s32 s13, $0x270;
	_ =	swait.ge [sflag:s7], $0x80  }
0x1b: {  	[sflag:s7] =	ssyncset.done $0x0  }
0x1c: {  	[sflag:s7] =	ssyncadd.s32 $0xFFFFFF80  }
0x1d: {  	[tilespmem:s8], [sflag:$0x1] =	stream.indirect.gather [hbm4b:s3+s8], $0x20, s2, s8, $0xb8;
	[tilespmem:$0x1080] =	vst v63  }
0x1e: {  	_ =	swait.ge [sflag:s9], $0x1000  }
.Ltmp0:
0x1f: {  	[sflag:s9] =	ssyncset.done $0x0;
	(pc) =	sbr.rel @p0 .LBB2_2-.Ltmp0, $4  }
0x20: {  	[sflag:s9] =	ssyncadd.s32 $0xFFFFF000  }
0x21: {  	[hbm4b:s11+s2] =	stream.linear.scatter [tilespmem:s8], [sflag:$0x2], $0x1000, $0x38;
	[tilespmem:$0x1080] =	vst v63  }
0x22: {  	_ =	swait.ge [sflag:s7], $0x1000  }
0x23: {  	s13 =	smov.u32 s15;
	s11 =	sadd.s32 $0x200, s11;
	[sflag:s7] =	ssyncset.done $0x0  }
0x24: {  	s12 =	sadd.s32 s12, s6;
	[sflag:s7] =	ssyncadd.s32 $0xFFFFF000  }
0x25: {  	[tilespmem:s2], [sflag:$0x2] =	stream.linear.gather [hbm4b:s12+s2], $0x80, $0x38;
	[tilespmem:$0x1080] =	vst v63  }
0x26: {  	_ =	swait.ge [sflag:s7], $0x80  }
0x27: {  	[sflag:s7] =	ssyncset.done $0x0  }
0x28: {  	[sflag:s7] =	ssyncadd.s32 $0xFFFFFF80  }
0x29: {  	[tilespmem:s8], [sflag:$0x1] =	stream.indirect.gather [hbm4b:s3+s8], $0x20, s2, s8, $0xb8;
	[tilespmem:$0x1080] =	vst v63  }
0x2a: {  	s10 =	sadd.s32 $0x1, s10;
	_ =	swait.ge [sflag:s9], $0x1000  }
0x2b: {  	p0 =	sne.s32 s10, s4;
	[sflag:s9] =	ssyncset.done $0x0  }
.Ltmp1:
0x2c: {  	[sflag:s9] =	ssyncadd.s32 $0xFFFFF000;
	(pc) =	sbr.rel @p0 .LBB2_1-.Ltmp1, $4  }
0x2d: {  	[hbm4b:s11+s2] =	stream.linear.scatter [tilespmem:s8], [sflag:$0x2], $0x1000, $0x38;
	[tilespmem:$0x1080] =	vst v63  }
0x2e: {  	_ =	swait.ge [sflag:s7], $0x1000  }
0x2f: {  	[sflag:s7] =	ssyncset.done $0x0  }
0x30: {  	[sflag:s7] =	ssyncadd.s32 $0xFFFFF000  }
0x31: {  	_ =	sfence.sel $0x180000  }
0x32: {  	[bflag:$0x0] =	sbarrier.arrive $0xFFFF  }
0x33: {  	p0 =	sne.s32 s1, $0x0;
	_ =	strace $0x90000047  }
0x34: {  	s0 =	sadd.s32 @!p0 $0x100000, s0;
	[bflag:$0x2] =	sbarrier.arrive $0xFFFF  }
0x35: {  	[sflag:s0] =	ssyncadd.tile.s32 @!p0 $0x1;
	_ =	shalt  }
.Lfunc_end2:
_tile_overlayer_lowered:
.L_overlay_start_2:
0x36: {  	(tag) =	ssettag $0x2  }
0x37: {  	s0 =	rddreg [dreg:$0x0];
	s2 =	stileid.u32  }
0x38: {  	s1 =	rddreg [dreg:$0x1];
	p0 =	sne.s32 s2, $0x0  }
0x39: {  	s3 =	rddreg [dreg:$0x2];
	[bflag:$0x3] =	sbarrier.arrive $0xFFFF;
	s2 =	simm.s32 @!p0 $0x1C02  }
0x3a: {  	[timem:s3], [sflag:s2] =	dma.local @!p0 [hbm:s0], s1  }
0x3b: {  	s0 =	simm.s32 @!p0 $0x2  }
0x3c: {  	_ =	swait.ge @!p0 [sflag:s0], s1  }
0x3d: {  	s1 =	ssub.s32 @!p0 $0x0, s1;
	[sflag:s0] =	ssyncset.done @!p0 $0x0  }
0x3e: {  	[sflag:s0] =	ssyncadd.s32 @!p0 s1  }
0x3f: {  	[bflag:$0x3] =	sbarrier.arrive $0xFFFF  }
0x40: {  	_ =	shalt  }

// kernel: kernel.23.cloned.1.call-start
scs
__scs_entry_jumppad:
0x0: {  	(pc) =	sbr.rel $0x88, $3  }
0x1: {  	(tag) =	ssettag $0x0;
	lr =	simm.s32 $0x1  }
0x2: {  	[smem:$0x3F8E] =	sst lr;
	_ =	strace $0xD0000000  }
0x3: {  	_ = 	snop  }
0x4: {  	_ = 	snop  }
0x5: {  	_ = 	snop  }
0x6: {  	_ = 	snop  }
0x7: {  	_ = 	snop  }
__scs_overlays_trampoline_lowered:
0x8: {  	[smem:$0x3F9D] =	sst s0  }
0x9: {  	[smem:$0x3F9E] =	sst s1  }
0xa: {  	[smem:$0x3F9F] =	sst s2  }
0xb: {  	[smem:$0x3FA0] =	sst s3  }
0xc: {  	[smem:$0x3FA1] =	sst s4  }
0xd: {  	[smem:$0x3FA2] =	sst s5  }
0xe: {  	[smem:$0x3FA3] =	sst s6  }
0xf: {  	[smem:$0x3FA4] =	sst s7  }
0x10: {  	[smem:$0x3FA5] =	sst s8  }
0x11: {  	[smem:$0x3FA6] =	sst s9;
	s0 =	simm.s32 @!p0 $0x0  }
0x12: {  	s1 =	sld [smem:$0x3F8C];
	s0 =	simm.s32 @p0 $0x1  }
0x13: {  	[smem:$0x3FA7] =	sst s0;
	s0 =	simm.s32 @!p1 $0x0  }
0x14: {  	s2 =	sld [smem:$0x3F8B];
	s0 =	simm.s32 @p1 $0x1  }
0x15: {  	[smem:$0x3FA8] =	sst s0;
	s0 =	simm.s32 @!p2 $0x0  }
0x16: {  	s3 =	sld [smem:$0x3FDB];
	s0 =	simm.s32 @p2 $0x1  }
0x17: {  	s4 =	simm.s32 $0x1BF5;
	[smem:$0x3FAA] =	sst s0  }
0x18: {  	s0 =	sld [smem:$0x3F8D];
	_ =	swait.ge [sflag:s4], $0x0  }
0x19: {  	s7 =	sld [smem:$0x3F8E]  }
0x1a: {  	s8 =	sadd.s32 $0xFFFFE003, lr  }
0x1b: {  	s9 =	sadd.s32 $0xFFFFFEF7, lr;
	s5 =	simm.s32 $0xFFFFFFFF;
	p2 =	slt.u32 s8, $0xFFFFF086  }
0x1c: {  	p1 =	slt.u32 s9, $0xF7A;
	s5 =	simm.s32 @!p2 $0x0  }
0x1d: {  	s5 =	simm.s32 @p1 $0x1;
	p0 =	seq.s32 s7, s2  }
0x1e: {  	s7 =	smul.u32 @!p0 $0xF7A, s2;
	p2 =	seq.s32 @!p0 s5, $0x0  }
0x1f: {  	s9 =	smul.u32 $0xF7A, s1;
	s8 =	simm.s32 @!p0 $0x1BF5;
	p2 =	por !p2, p0  }
0x20: {  	[sflag:s8] =	ssyncset.s32 @!p0 $0xFFFFF086;
	s6 =	sadd.s32 @!p0 s3, s7;
	s7 =	simm.s32 @!p0 $0x108  }
0x21: {  	s3 =	sadd.s32 s3, s9;
	s6 =	sadd.s32 @!p0 $0x88, s6;
	s7 =	simm.s32 @p2 $0x1082  }
0x22: {  	[simem:s7], [sflag:s8] =	dma.local @!p0 [hbm:s6], $0xF7A  }
0x23: {  	s9 =	sor.u32 $0xD0000000, s2;
	s6 =	simm.s32 $0x108;
	_ =	swait.ge @!p0 [sflag:s8], $0x0  }
0x24: {  	s3 =	sadd.s32 $0x88, s3;
	s6 =	simm.s32 @!p1 $0x1082;
	[sflag:s4] =	ssyncset.s32 $0xFFFFF086  }
0x25: {  	[simem:s6], [sflag:s4] =	dma.local [hbm:s3], $0xF7A  }
0x26: {  	[smem:$0x3F8E] =	sst s1;
	(tag) =	ssettag s2;
	_ =	strace s9  }
0x27: {  	s1 =	sld [smem:$0x3F9E]  }
0x28: {  	s2 =	sld [smem:$0x3F9F]  }
0x29: {  	s4 =	sld [smem:$0x3FA1]  }
0x2a: {  	p0 =	seq.s32 s5, $0x0;
	s5 =	sld [smem:$0x3FA2]  }
0x2b: {  	s6 =	sld [smem:$0x3FA3]  }
0x2c: {  	s7 =	sld [smem:$0x3FA4]  }
0x2d: {  	s3 =	simm.s32 $0x108;
	s8 =	sld [smem:$0x3FA5]  }
0x2e: {  	s3 =	simm.s32 @!p0 $0x1082;
	s9 =	sld [smem:$0x3FA6]  }
0x2f: {  	lr =	sadd.s32 s0, s3;
	s0 =	sld [smem:$0x3F9D]  }
0x30: {  	s3 =	sld [smem:$0x3FA0]  }
0x31: {  	[smem:$0x3FA9] =	sst s10  }
0x32: {  	s10 =	sld [smem:$0x3FA7];
	_ =	sdelay $0x3  }
0x33: {  	p0 =	seq.s32 s10, $0x1;
	s10 =	sld [smem:$0x3FA9];
	_ =	sdelay $0x3  }
0x34: {  	[smem:$0x3FA9] =	sst s10  }
0x35: {  	s10 =	sld [smem:$0x3FA8];
	_ =	sdelay $0x3  }
0x36: {  	p1 =	seq.s32 s10, $0x1;
	s10 =	sld [smem:$0x3FA9];
	_ =	sdelay $0x3  }
0x37: {  	[smem:$0x3FA9] =	sst s10  }
0x38: {  	s10 =	sld [smem:$0x3FAA]  }
0x39: {  	_ = 	snop;
	(pc) =	sbr.ind lr, $3  }
0x3a: {  	_ = 	snop  }
0x3b: {  	_ = 	snop  }
0x3c: {  	p2 =	seq.s32 s10, $0x1;
	s10 =	sld [smem:$0x3FA9]  }
0x3d: {  	_ =	shalt  }
0x3e: {  	_ =	shalt  }
0x3f: {  	_ =	shalt  }
0x40: {  	_ =	shalt  }
0x41: {  	_ =	shalt  }
0x42: {  	_ =	shalt  }
0x43: {  	_ =	shalt  }
0x44: {  	_ =	shalt  }
0x45: {  	_ =	shalt  }
0x46: {  	_ =	shalt  }
0x47: {  	_ =	shalt  }
0x48: {  	_ =	shalt  }
0x49: {  	_ =	shalt  }
0x4a: {  	_ =	shalt  }
0x4b: {  	_ =	shalt  }
0x4c: {  	_ =	shalt  }
0x4d: {  	_ =	shalt  }
0x4e: {  	_ =	shalt  }
0x4f: {  	_ =	shalt  }
0x50: {  	_ =	shalt  }
0x51: {  	_ =	shalt  }
0x52: {  	_ =	shalt  }
0x53: {  	_ =	shalt  }
0x54: {  	_ =	shalt  }
0x55: {  	_ =	shalt  }
0x56: {  	_ =	shalt  }
0x57: {  	_ =	shalt  }
0x58: {  	_ =	shalt  }
0x59: {  	_ =	shalt  }
0x5a: {  	_ =	shalt  }
0x5b: {  	_ =	shalt  }
0x5c: {  	_ =	shalt  }
0x5d: {  	_ =	shalt  }
0x5e: {  	_ =	shalt  }
0x5f: {  	_ =	shalt  }
0x60: {  	_ =	shalt  }
0x61: {  	_ =	shalt  }
0x62: {  	_ =	shalt  }
0x63: {  	_ =	shalt  }
0x64: {  	_ =	shalt  }
0x65: {  	_ =	shalt  }
0x66: {  	_ =	shalt  }
0x67: {  	_ =	shalt  }
0x68: {  	_ =	shalt  }
0x69: {  	_ =	shalt  }
0x6a: {  	_ =	shalt  }
0x6b: {  	_ =	shalt  }
0x6c: {  	_ =	shalt  }
0x6d: {  	_ =	shalt  }
0x6e: {  	_ =	shalt  }
0x6f: {  	_ =	shalt  }
0x70: {  	_ =	shalt  }
0x71: {  	_ =	shalt  }
0x72: {  	_ =	shalt  }
0x73: {  	_ =	shalt  }
0x74: {  	_ =	shalt  }
0x75: {  	_ =	shalt  }
0x76: {  	_ =	shalt  }
0x77: {  	_ =	shalt  }
0x78: {  	_ =	shalt  }
0x79: {  	_ =	shalt  }
0x7a: {  	_ =	shalt  }
0x7b: {  	_ =	shalt  }
0x7c: {  	_ =	shalt  }
0x7d: {  	_ =	shalt  }
0x7e: {  	_ =	shalt  }
0x7f: {  	_ =	shalt  }
0x80: {  	_ =	shalt  }
0x81: {  	_ =	shalt  }
0x82: {  	_ =	shalt  }
0x83: {  	_ =	shalt  }
0x84: {  	_ =	shalt  }
0x85: {  	_ =	shalt  }
0x86: {  	_ =	shalt  }
0x87: {  	_ =	shalt  }
.Lfunc_end0:
.L_simem_size_0:
called_computation.1_lowered:
.L_overlay_start_0:
0x88: {  	s2 =	sld [smem:$0x3FD9]  }
0x89: {  	s3 =	sld [smem:$0x3FFE];
	_ =	sdelay $0x1  }
0x8a: {  	s1 =	srdreg.scid  }
0x8b: {  	s0 =	sand.u32 $0x1, s1  }
0x8c: {  	s16 =	sshll.u32 s0, $0xA;
	s2 =	sadd.s32 s3, s2  }
0x8d: {  	s2 =	sadd.s32 s2, s16  }
0x8e: {  	[smem:$0x3FB5] =	sst s2  }
0x8f: {  	_ = 	snop  }
0x90: {  	(tm) =	ssettm $0x1  }
0x91: {  	s17 =	sld [smem:$0x3FFB];
	_ =	sdelay $0x3  }
0x92: {  	_ =	strace s17  }
0x93: {  	s2 =	sld [smem:$0x3FFC];
	_ =	sdelay $0x3  }
0x94: {  	_ =	strace s2  }
0x95: {  	s2 =	sld [smem:$0x3FFD];
	_ =	sdelay $0x3  }
0x96: {  	_ =	strace s2  }
0x97: {  	_ =	strace $0x8FFFFFFF  }
0x98: {  	s18 =	sld [smem:$0x3FDB];
	_ =	sdelay $0x1  }
0x99: {  	s19 =	simm.s32 $_scs_section_size  }
0x9a: {  	s4 =	simm.s32 $_size__tile_overlayer_lowered;
	s5 =	simm.s32 $_tile_overlayer_lowered  }
0x9b: {  	s22 =	simm.s32 $0x1BFF;
	s21 =	sshll.u32 s5, $0x1;
	s2 =	sadd.s32 s19, s18  }
0x9c: {  	s6 =	simm.s32 $0x0;
	s20 =	sshll.u32 s4, $0x1;
	s4 =	sadd.s32 s21, s2  }
0x9d: {  	[timem:s6], [sflag:s22] =	dma.local [hbm:s4], s20  }
0x9e: {  	_ =	swait.ge [sflag:s22], s20  }
0x9f: {  	s3 =	ssub.s32 $0x0, s20;
	[sflag:s22] =	ssyncset.done $0x0  }
0xa0: {  	[sflag:s22] =	ssyncadd.s32 s3;
	_ =	sdelay $0x1  }
0xa1: {  	s23 =	simm.s32 $0x1B8B  }
0xa2: {  	_ =	swait.ge [sflag:s23], $0x1  }
0xa3: {  	[sflag:s23] =	ssyncset.done $0x0  }
0xa4: {  	s25 =	simm.s32 $0x1B8E;
	s24 =	sld [smem:$0x3FFE];
	[sflag:s23] =	ssyncadd.s32 $0xFFFFFFFF  }
0xa5: {  	s26 =	simm.s32 $execute0_lowered;
	[smem:$0x3FD2] =	sst s25  }
0xa6: {  	s4 =	sshll.u32 s26, $0x1;
	_ =	strace $0x80000049;
	[dreg:$0x1] =	wrdreg $0xFFFFFFFF  }
0xa7: {  	s28 =	simm.s32 $_size_execute0_lowered;
	s2 =	sadd.s32 s2, s4;
	[dreg:$0x0] =	wrdreg $0x0  }
0xa8: {  	s4 =	sshll.u32 s28, $0x1;
	[dreg:$0x2] =	wrdreg s2  }
0xa9: {  	[dreg:$0x3] =	wrdreg s4  }
0xaa: {  	[dreg:$0x4] =	wrdreg $0xC0  }
0xab: {  	_ =	task [dreg:s6], $0x5FFFF  }
0xac: {  	[dreg:$0x1] =	wrdreg $0xFFFFFFFF  }
0xad: {  	[dreg:$0x0] =	wrdreg $0x60  }
0xae: {  	[dreg:$0x2] =	wrdreg s24  }
0xaf: {  	[dreg:$0x3] =	wrdreg $0x40800  }
0xb0: {  	[dreg:$0x4] =	wrdreg $0x9  }
0xb1: {  	_ =	task.clear_ibuf [dreg:s6], $0x5FFFF;
	_ =	strace $0x90000049  }
0xb2: {  	s29 =	simm.s32 $0x9;
	_ =	strace $0x8000004B  }
0xb3: {  	_ =	swait.ge [sflag:s29], $0x1  }
0xb4: {  	[sflag:s29] =	ssyncadd.s32 $0xFFFFFFFF  }
0xb5: {  	_ =	strace $0x9000004B  }
0xb6: {  	_ =	sfence  }
0xb7: {  	s30 =	sld [smem:$0x0];
	_ =	sdelay $0x2  }
0xb8: {  	s31 =	sshll.u32 s1, $0xD;
	s1 =	sshrl.u32 s1, $0x2  }
0xb9: {  	s3 =	sand.u32 $0x4000, s31;
	s1 =	sadd.s32 s1, s30  }
0xba: {  	s0 =	sor.u32 s3, s0;
	s1 =	sshll.u32 s1, $0x11  }
0xbb: {  	s0 =	sor.u32 s1, s0  }
0xbc: {  	s0 =	sadd.s32 $0x8F2B, s0  }
0xbd: {  	[sflag:s0] =	ssyncadd.remote.s32 $0x1  }
0xbe: {  	_ =	sfence.sel $0xFFFF  }
0xbf: {  	[dreg:$0x0] =	wrdreg $0xFFFFFFFF;
	(pc) =	sbr.abs _section_cstart, $3  }
0xc0: {  	[dreg:$0x1] =	wrdreg $0xFFFFFFFF  }
0xc1: {  	_ =	task.clear_ibuf [dreg:s6], $0x2FFFF;
	_ =	strace $0x9FFFFFFF  }
0xc2: {  	(tm) =	ssettm $0x7FFFFFFF  }
0xc3: {  	_ =	shalt  }
tec
execute0_lowered:
.L_overlay_start_1:
0x0: {  	(tag) =	ssettag $0x1  }
0x1: {  	s0 =	stileid.u32;
	s1 =	srdreg.scid  }
0x2: {  	s5 =	rddreg [dreg:$0x0];
	s4 =	smul.u32 $0x28000, s0  }
0x3: {  	s2 =	rddreg [dreg:$0x1];
	s3 =	simm.s32 $0x0;
	s7 =	smul.u32 $0x2800, s0  }
0x4: {  	s6 =	sand.u32 $0x1, s1;
	s1 =	rddreg [dreg:$0x2];
	s9 =	smul.u32 $0x14000, s0  }
0x5: {  	[smem:$0x7FF] =	sst s3;
	s30 =	sshll.u32 s0, $0x6;
	s8 =	smul.u32 $0x1400, s6  }
0x6: {  	s24 =	smul.u32 $0x140000, s6;
	_ =	strace $0x8000004A;
	s28 =	ssub.s32 $0x2, s6  }
0x7: {  	s13 =	smul.u32 $0x14000, s6;
	s10 =	sadd.s32 s4, s5;
	s26 =	sshrl.u32 s9, $0x3  }
0x8: {  	s29 =	sshrl.u32 s28, $0x1;
	s14 =	sadd.s32 s9, s2;
	s7 =	sadd.s32 s8, s7  }
0x9: {  	s25 =	sadd.s32 s9, s24;
	s8 =	ssub.s32 s28, s29;
	s31 =	sadd.s32 s13, s10  }
0xa: {  	s10 =	sshrl.u32 s14, $0x3;
	s13 =	simm.s32 $0x0;
	s7 =	sshrl.u32 s7, $0x3  }
0xb: {  	s4 =	sshrl.u32 s25, $0x3;
	s11 =	sadd.s32 s7, s5;
	s7 =	sadd.s32 s26, s5  }
0xc: {  	s12 =	sadd.s32 s4, s5;
	s5 =	sor.u32 $0x1C01, s30;
	s4 =	sadd.s32 $0x2D800, s7  }
0xd: {  	s6 =	sadd.s32 $0x55800, s12;
	s7 =	smax.u32 s8, $0x1;
	s8 =	sadd.s32 $0x83F000, s31  }
0xe: {  	s9 =	sadd.s32 $0x1E800, s11;
	s11 =	simm.s32 $0x1;
	s12 =	simm.s32 $0x80  }
.LBB2_1:
0xf: {  	[spmem:s10], [sflag:s5] =	dma.local [hbm:s4], $0x2800  }
0x10: {  	_ =	swait.ge [sflag:s11], $0x2800  }
0x11: {  	[sflag:s11] =	ssyncset.done $0x0  }
0x12: {  	[sflag:s11] =	ssyncadd.s32 $0xFFFFD800  }
0x13: {  	s14 =	sadd.s32 $0x0, s9;
	[bflag:$0x0] =	sbarrier.arrive $0xFFFF  }
0x14: {  	[tilespmem:s3], [sflag:$0x1] =	stream.linear.gather [hbm4b:s14+s3], $0x80, $0x38;
	[tilespmem:$0x18080] =	vst v63  }
0x15: {  	_ =	swait.ge [sflag:s11], $0x80  }
0x16: {  	[sflag:s11] =	ssyncset.done $0x0  }
0x17: {  	[sflag:s11] =	ssyncadd.s32 $0xFFFFFF80  }
0x18: {  	[tilespmem:s12], [sflag:$0x1] =	stream.linear.gather [hbm4b:s8+s3], $0x4000, $0x38;
	[tilespmem:$0x18080] =	vst v63  }
0x19: {  	_ =	swait.ge [sflag:s11], $0x4000  }
0x1a: {  	[sflag:s11] =	ssyncset.done $0x0  }
0x1b: {  	[sflag:s11] =	ssyncadd.s32 $0xFFFFC000  }
0x1c: {  	[spmem:s2] =	stream.indirect.scatter.add.f32 [tilespmem:s12], [sflag:$0x1], $0x80, s3, s12, $0xb8;
	[tilespmem:$0x18080] =	vst v63  }
0x1d: {  	s15 =	simm.s32 $0x10;
	_ =	swait.ge [sflag:s11], $0x4000  }
0x1e: {  	s16 =	simm.s32 $0x20;
	s14 =	sadd.s32 $0x800, s8;
	[sflag:s11] =	ssyncset.done $0x0  }
.LBB2_2:
0x1f: {  	s17 =	sadd.s32 s15, s9  }
0x20: {  	[sflag:s11] =	ssyncadd.s32 $0xFFFFC000;
	s15 =	smov.u32 s16;
	s18 =	sadd.s32 $0x10, s16  }
0x21: {  	[tilespmem:s3], [sflag:$0x1] =	stream.linear.gather [hbm4b:s17+s3], $0x80, $0x38;
	[tilespmem:$0x18080] =	vst v63  }
0x22: {  	p0 =	sne.s32 s16, $0x270;
	_ =	swait.ge [sflag:s11], $0x80  }
0x23: {  	[sflag:s11] =	ssyncset.done $0x0  }
0x24: {  	[sflag:s11] =	ssyncadd.s32 $0xFFFFFF80  }
0x25: {  	[tilespmem:s12], [sflag:$0x1] =	stream.linear.gather [hbm4b:s14+s3], $0x4000, $0x38;
	[tilespmem:$0x18080] =	vst v63  }
0x26: {  	_ =	swait.ge [sflag:s11], $0x4000  }
.Ltmp0:
0x27: {  	[sflag:s11] =	ssyncset.done $0x0;
	(pc) =	sbr.rel @p0 .LBB2_2-.Ltmp0, $4  }
0x28: {  	[sflag:s11] =	ssyncadd.s32 $0xFFFFC000  }
0x29: {  	[spmem:s2] =	stream.indirect.scatter.add.f32 [tilespmem:s12], [sflag:$0x1], $0x80, s3, s12, $0xb8;
	[tilespmem:$0x18080] =	vst v63  }
0x2a: {  	_ =	swait.ge [sflag:s11], $0x4000  }
0x2b: {  	s16 =	smov.u32 s18;
	s14 =	sadd.s32 $0x800, s14;
	[sflag:s11] =	ssyncset.done $0x0  }
0x2c: {  	s15 =	sadd.s32 s15, s9;
	[sflag:s11] =	ssyncadd.s32 $0xFFFFC000  }
0x2d: {  	[tilespmem:s3], [sflag:$0x1] =	stream.linear.gather [hbm4b:s15+s3], $0x80, $0x38;
	[tilespmem:$0x18080] =	vst v63  }
0x2e: {  	_ =	swait.ge [sflag:s11], $0x80  }
0x2f: {  	[sflag:s11] =	ssyncset.done $0x0  }
0x30: {  	[sflag:s11] =	ssyncadd.s32 $0xFFFFFF80  }
0x31: {  	[tilespmem:s12], [sflag:$0x1] =	stream.linear.gather [hbm4b:s14+s3], $0x4000, $0x38;
	[tilespmem:$0x18080] =	vst v63  }
0x32: {  	_ =	swait.ge [sflag:s11], $0x4000  }
0x33: {  	[sflag:s11] =	ssyncset.done $0x0  }
0x34: {  	[sflag:s11] =	ssyncadd.s32 $0xFFFFC000  }
0x35: {  	[spmem:s2] =	stream.indirect.scatter.add.f32 [tilespmem:s12], [sflag:$0x1], $0x80, s3, s12, $0xb8;
	[tilespmem:$0x18080] =	vst v63  }
0x36: {  	_ =	swait.ge [sflag:s11], $0x4000  }
0x37: {  	s13 =	sadd.s32 $0x1, s13;
	[sflag:s11] =	ssyncset.done $0x0  }
0x38: {  	p0 =	sne.s32 s13, s7;
	[sflag:s11] =	ssyncadd.s32 $0xFFFFC000  }
.Ltmp1:
0x39: {  	[bflag:$0x0] =	sbarrier.arrive $0xFFFF;
	(pc) =	sbr.rel @p0 .LBB2_1-.Ltmp1, $4  }
0x3a: {  	[hbm:s6], [sflag:s5] =	dma.local [spmem:s10], $0x2800  }
0x3b: {  	_ =	swait.ge [sflag:s11], $0x2800  }
0x3c: {  	[sflag:s11] =	ssyncset.done $0x0  }
0x3d: {  	[sflag:s11] =	ssyncadd.s32 $0xFFFFD800  }
0x3e: {  	_ =	sfence.sel $0x180000  }
0x3f: {  	[bflag:$0x0] =	sbarrier.arrive $0xFFFF  }
0x40: {  	p0 =	sne.s32 s0, $0x0;
	_ =	strace $0x9000004A  }
0x41: {  	s0 =	sadd.s32 @!p0 $0x100000, s1;
	[bflag:$0x2] =	sbarrier.arrive $0xFFFF  }
0x42: {  	[sflag:s0] =	ssyncadd.tile.s32 @!p0 $0x1;
	_ =	shalt  }
.Lfunc_end2:
_tile_overlayer_lowered:
.L_overlay_start_2:
0x43: {  	(tag) =	ssettag $0x2  }
0x44: {  	s0 =	rddreg [dreg:$0x0];
	s2 =	stileid.u32  }
0x45: {  	s1 =	rddreg [dreg:$0x1];
	p0 =	sne.s32 s2, $0x0  }
0x46: {  	s3 =	rddreg [dreg:$0x2];
	[bflag:$0x3] =	sbarrier.arrive $0xFFFF;
	s2 =	simm.s32 @!p0 $0x1C01  }
0x47: {  	[timem:s3], [sflag:s2] =	dma.local @!p0 [hbm:s0], s1  }
0x48: {  	s0 =	simm.s32 @!p0 $0x1  }
0x49: {  	_ =	swait.ge @!p0 [sflag:s0], s1  }
0x4a: {  	s1 =	ssub.s32 @!p0 $0x0, s1;
	[sflag:s0] =	ssyncset.done @!p0 $0x0  }
0x4b: {  	[sflag:s0] =	ssyncadd.s32 @!p0 s1  }
0x4c: {  	[bflag:$0x3] =	sbarrier.arrive $0xFFFF  }
0x4d: {  	_ =	shalt  }

// kernel: kernel.26.cloned.1.call-start
scs
__scs_entry_jumppad:
0x0: {  	(pc) =	sbr.rel $0x88, $3  }
0x1: {  	(tag) =	ssettag $0x0;
	lr =	simm.s32 $0x1  }
0x2: {  	[smem:$0x3F8E] =	sst lr;
	_ =	strace $0xD0000000  }
0x3: {  	_ = 	snop  }
0x4: {  	_ = 	snop  }
0x5: {  	_ = 	snop  }
0x6: {  	_ = 	snop  }
0x7: {  	_ = 	snop  }
__scs_overlays_trampoline_lowered:
0x8: {  	[smem:$0x3F9D] =	sst s0  }
0x9: {  	[smem:$0x3F9E] =	sst s1  }
0xa: {  	[smem:$0x3F9F] =	sst s2  }
0xb: {  	[smem:$0x3FA0] =	sst s3  }
0xc: {  	[smem:$0x3FA1] =	sst s4  }
0xd: {  	[smem:$0x3FA2] =	sst s5  }
0xe: {  	[smem:$0x3FA3] =	sst s6  }
0xf: {  	[smem:$0x3FA4] =	sst s7  }
0x10: {  	[smem:$0x3FA5] =	sst s8  }
0x11: {  	[smem:$0x3FA6] =	sst s9;
	s0 =	simm.s32 @!p0 $0x0  }
0x12: {  	s1 =	sld [smem:$0x3F8C];
	s0 =	simm.s32 @p0 $0x1  }
0x13: {  	[smem:$0x3FA7] =	sst s0;
	s0 =	simm.s32 @!p1 $0x0  }
0x14: {  	s2 =	sld [smem:$0x3F8B];
	s0 =	simm.s32 @p1 $0x1  }
0x15: {  	[smem:$0x3FA8] =	sst s0;
	s0 =	simm.s32 @!p2 $0x0  }
0x16: {  	s3 =	sld [smem:$0x3FDB];
	s0 =	simm.s32 @p2 $0x1  }
0x17: {  	s4 =	simm.s32 $0x1BF5;
	[smem:$0x3FAA] =	sst s0  }
0x18: {  	s0 =	sld [smem:$0x3F8D];
	_ =	swait.ge [sflag:s4], $0x0  }
0x19: {  	s7 =	sld [smem:$0x3F8E]  }
0x1a: {  	s8 =	sadd.s32 $0xFFFFE003, lr  }
0x1b: {  	s9 =	sadd.s32 $0xFFFFFEF7, lr;
	s5 =	simm.s32 $0xFFFFFFFF;
	p2 =	slt.u32 s8, $0xFFFFF086  }
0x1c: {  	p1 =	slt.u32 s9, $0xF7A;
	s5 =	simm.s32 @!p2 $0x0  }
0x1d: {  	s5 =	simm.s32 @p1 $0x1;
	p0 =	seq.s32 s7, s2  }
0x1e: {  	s7 =	smul.u32 @!p0 $0xF7A, s2;
	p2 =	seq.s32 @!p0 s5, $0x0  }
0x1f: {  	s9 =	smul.u32 $0xF7A, s1;
	s8 =	simm.s32 @!p0 $0x1BF5;
	p2 =	por !p2, p0  }
0x20: {  	[sflag:s8] =	ssyncset.s32 @!p0 $0xFFFFF086;
	s6 =	sadd.s32 @!p0 s3, s7;
	s7 =	simm.s32 @!p0 $0x108  }
0x21: {  	s3 =	sadd.s32 s3, s9;
	s6 =	sadd.s32 @!p0 $0x88, s6;
	s7 =	simm.s32 @p2 $0x1082  }
0x22: {  	[simem:s7], [sflag:s8] =	dma.local @!p0 [hbm:s6], $0xF7A  }
0x23: {  	s9 =	sor.u32 $0xD0000000, s2;
	s6 =	simm.s32 $0x108;
	_ =	swait.ge @!p0 [sflag:s8], $0x0  }
0x24: {  	s3 =	sadd.s32 $0x88, s3;
	s6 =	simm.s32 @!p1 $0x1082;
	[sflag:s4] =	ssyncset.s32 $0xFFFFF086  }
0x25: {  	[simem:s6], [sflag:s4] =	dma.local [hbm:s3], $0xF7A  }
0x26: {  	[smem:$0x3F8E] =	sst s1;
	(tag) =	ssettag s2;
	_ =	strace s9  }
0x27: {  	s1 =	sld [smem:$0x3F9E]  }
0x28: {  	s2 =	sld [smem:$0x3F9F]  }
0x29: {  	s4 =	sld [smem:$0x3FA1]  }
0x2a: {  	p0 =	seq.s32 s5, $0x0;
	s5 =	sld [smem:$0x3FA2]  }
0x2b: {  	s6 =	sld [smem:$0x3FA3]  }
0x2c: {  	s7 =	sld [smem:$0x3FA4]  }
0x2d: {  	s3 =	simm.s32 $0x108;
	s8 =	sld [smem:$0x3FA5]  }
0x2e: {  	s3 =	simm.s32 @!p0 $0x1082;
	s9 =	sld [smem:$0x3FA6]  }
0x2f: {  	lr =	sadd.s32 s0, s3;
	s0 =	sld [smem:$0x3F9D]  }
0x30: {  	s3 =	sld [smem:$0x3FA0]  }
0x31: {  	[smem:$0x3FA9] =	sst s10  }
0x32: {  	s10 =	sld [smem:$0x3FA7];
	_ =	sdelay $0x3  }
0x33: {  	p0 =	seq.s32 s10, $0x1;
	s10 =	sld [smem:$0x3FA9];
	_ =	sdelay $0x3  }
0x34: {  	[smem:$0x3FA9] =	sst s10  }
0x35: {  	s10 =	sld [smem:$0x3FA8];
	_ =	sdelay $0x3  }
0x36: {  	p1 =	seq.s32 s10, $0x1;
	s10 =	sld [smem:$0x3FA9];
	_ =	sdelay $0x3  }
0x37: {  	[smem:$0x3FA9] =	sst s10  }
0x38: {  	s10 =	sld [smem:$0x3FAA]  }
0x39: {  	_ = 	snop;
	(pc) =	sbr.ind lr, $3  }
0x3a: {  	_ = 	snop  }
0x3b: {  	_ = 	snop  }
0x3c: {  	p2 =	seq.s32 s10, $0x1;
	s10 =	sld [smem:$0x3FA9]  }
0x3d: {  	_ =	shalt  }
0x3e: {  	_ =	shalt  }
0x3f: {  	_ =	shalt  }
0x40: {  	_ =	shalt  }
0x41: {  	_ =	shalt  }
0x42: {  	_ =	shalt  }
0x43: {  	_ =	shalt  }
0x44: {  	_ =	shalt  }
0x45: {  	_ =	shalt  }
0x46: {  	_ =	shalt  }
0x47: {  	_ =	shalt  }
0x48: {  	_ =	shalt  }
0x49: {  	_ =	shalt  }
0x4a: {  	_ =	shalt  }
0x4b: {  	_ =	shalt  }
0x4c: {  	_ =	shalt  }
0x4d: {  	_ =	shalt  }
0x4e: {  	_ =	shalt  }
0x4f: {  	_ =	shalt  }
0x50: {  	_ =	shalt  }
0x51: {  	_ =	shalt  }
0x52: {  	_ =	shalt  }
0x53: {  	_ =	shalt  }
0x54: {  	_ =	shalt  }
0x55: {  	_ =	shalt  }
0x56: {  	_ =	shalt  }
0x57: {  	_ =	shalt  }
0x58: {  	_ =	shalt  }
0x59: {  	_ =	shalt  }
0x5a: {  	_ =	shalt  }
0x5b: {  	_ =	shalt  }
0x5c: {  	_ =	shalt  }
0x5d: {  	_ =	shalt  }
0x5e: {  	_ =	shalt  }
0x5f: {  	_ =	shalt  }
0x60: {  	_ =	shalt  }
0x61: {  	_ =	shalt  }
0x62: {  	_ =	shalt  }
0x63: {  	_ =	shalt  }
0x64: {  	_ =	shalt  }
0x65: {  	_ =	shalt  }
0x66: {  	_ =	shalt  }
0x67: {  	_ =	shalt  }
0x68: {  	_ =	shalt  }
0x69: {  	_ =	shalt  }
0x6a: {  	_ =	shalt  }
0x6b: {  	_ =	shalt  }
0x6c: {  	_ =	shalt  }
0x6d: {  	_ =	shalt  }
0x6e: {  	_ =	shalt  }
0x6f: {  	_ =	shalt  }
0x70: {  	_ =	shalt  }
0x71: {  	_ =	shalt  }
0x72: {  	_ =	shalt  }
0x73: {  	_ =	shalt  }
0x74: {  	_ =	shalt  }
0x75: {  	_ =	shalt  }
0x76: {  	_ =	shalt  }
0x77: {  	_ =	shalt  }
0x78: {  	_ =	shalt  }
0x79: {  	_ =	shalt  }
0x7a: {  	_ =	shalt  }
0x7b: {  	_ =	shalt  }
0x7c: {  	_ =	shalt  }
0x7d: {  	_ =	shalt  }
0x7e: {  	_ =	shalt  }
0x7f: {  	_ =	shalt  }
0x80: {  	_ =	shalt  }
0x81: {  	_ =	shalt  }
0x82: {  	_ =	shalt  }
0x83: {  	_ =	shalt  }
0x84: {  	_ =	shalt  }
0x85: {  	_ =	shalt  }
0x86: {  	_ =	shalt  }
0x87: {  	_ =	shalt  }
.Lfunc_end0:
.L_simem_size_0:
called_computation.2_lowered:
.L_overlay_start_0:
0x88: {  	s2 =	sld [smem:$0x3FD9]  }
0x89: {  	s3 =	sld [smem:$0x3FFE];
	_ =	sdelay $0x1  }
0x8a: {  	s1 =	srdreg.scid  }
0x8b: {  	s0 =	sand.u32 $0x1, s1  }
0x8c: {  	s16 =	sshll.u32 s0, $0xA;
	s2 =	sadd.s32 s3, s2  }
0x8d: {  	s2 =	sadd.s32 s2, s16  }
0x8e: {  	[smem:$0x3FB5] =	sst s2  }
0x8f: {  	_ = 	snop  }
0x90: {  	(tm) =	ssettm $0x1  }
0x91: {  	s17 =	sld [smem:$0x3FFB];
	_ =	sdelay $0x3  }
0x92: {  	_ =	strace s17  }
0x93: {  	s2 =	sld [smem:$0x3FFC];
	_ =	sdelay $0x3  }
0x94: {  	_ =	strace s2  }
0x95: {  	s2 =	sld [smem:$0x3FFD];
	_ =	sdelay $0x3  }
0x96: {  	_ =	strace s2  }
0x97: {  	_ =	strace $0x8FFFFFFF  }
0x98: {  	s18 =	sld [smem:$0x3FDB];
	_ =	sdelay $0x1  }
0x99: {  	s19 =	simm.s32 $_scs_section_size  }
0x9a: {  	s4 =	simm.s32 $_size__tile_overlayer_lowered;
	s5 =	simm.s32 $_tile_overlayer_lowered  }
0x9b: {  	s22 =	simm.s32 $0x1BFF;
	s21 =	sshll.u32 s5, $0x1;
	s2 =	sadd.s32 s19, s18  }
0x9c: {  	s6 =	simm.s32 $0x0;
	s20 =	sshll.u32 s4, $0x1;
	s4 =	sadd.s32 s21, s2  }
0x9d: {  	[timem:s6], [sflag:s22] =	dma.local [hbm:s4], s20  }
0x9e: {  	_ =	swait.ge [sflag:s22], s20  }
0x9f: {  	s3 =	ssub.s32 $0x0, s20;
	[sflag:s22] =	ssyncset.done $0x0  }
0xa0: {  	[sflag:s22] =	ssyncadd.s32 s3;
	_ =	sdelay $0x1  }
0xa1: {  	s23 =	simm.s32 $0x1B8B  }
0xa2: {  	_ =	swait.ge [sflag:s23], $0x1  }
0xa3: {  	[sflag:s23] =	ssyncset.done $0x0  }
0xa4: {  	s25 =	simm.s32 $0x1B8E;
	s24 =	sld [smem:$0x3FFE];
	[sflag:s23] =	ssyncadd.s32 $0xFFFFFFFF  }
0xa5: {  	s26 =	simm.s32 $execute0_lowered;
	[smem:$0x3FD2] =	sst s25  }
0xa6: {  	s4 =	sshll.u32 s26, $0x1;
	_ =	strace $0x8000004C;
	[dreg:$0x1] =	wrdreg $0xFFFFFFFF  }
0xa7: {  	s28 =	simm.s32 $_size_execute0_lowered;
	s2 =	sadd.s32 s2, s4;
	[dreg:$0x0] =	wrdreg $0x0  }
0xa8: {  	s4 =	sshll.u32 s28, $0x1;
	[dreg:$0x2] =	wrdreg s2  }
0xa9: {  	[dreg:$0x3] =	wrdreg s4  }
0xaa: {  	[dreg:$0x4] =	wrdreg $0xC0  }
0xab: {  	_ =	task [dreg:s6], $0x5FFFF  }
0xac: {  	[dreg:$0x1] =	wrdreg $0xFFFFFFFF  }
0xad: {  	[dreg:$0x0] =	wrdreg $0x60  }
0xae: {  	[dreg:$0x2] =	wrdreg s24  }
0xaf: {  	[dreg:$0x3] =	wrdreg $0x9  }
0xb0: {  	_ =	task.clear_ibuf [dreg:s6], $0x4FFFF;
	_ =	strace $0x9000004C  }
0xb1: {  	s29 =	simm.s32 $0x9;
	_ =	strace $0x8000004E  }
0xb2: {  	_ =	swait.ge [sflag:s29], $0x1  }
0xb3: {  	[sflag:s29] =	ssyncadd.s32 $0xFFFFFFFF  }
0xb4: {  	_ =	strace $0x9000004E  }
0xb5: {  	_ =	sfence  }
0xb6: {  	s30 =	sld [smem:$0x0];
	_ =	sdelay $0x2  }
0xb7: {  	s31 =	sshll.u32 s1, $0xD;
	s1 =	sshrl.u32 s1, $0x2  }
0xb8: {  	s3 =	sand.u32 $0x4000, s31;
	s1 =	sadd.s32 s1, s30  }
0xb9: {  	s0 =	sor.u32 s3, s0;
	s1 =	sshll.u32 s1, $0x11  }
0xba: {  	s0 =	sor.u32 s1, s0  }
0xbb: {  	s0 =	sadd.s32 $0x8F2B, s0  }
0xbc: {  	[sflag:s0] =	ssyncadd.remote.s32 $0x1  }
0xbd: {  	_ =	sfence.sel $0xFFFF  }
0xbe: {  	[dreg:$0x0] =	wrdreg $0xFFFFFFFF;
	(pc) =	sbr.abs _section_cstart, $3  }
0xbf: {  	[dreg:$0x1] =	wrdreg $0xFFFFFFFF  }
0xc0: {  	_ =	task.clear_ibuf [dreg:s6], $0x2FFFF;
	_ =	strace $0x9FFFFFFF  }
0xc1: {  	(tm) =	ssettm $0x7FFFFFFF  }
tec
execute0_lowered:
.L_overlay_start_1:
0x0: {  	(tag) =	ssettag $0x1  }
0x1: {  	s4 =	rddreg [dreg:$0x0]  }
0x2: {  	s0 =	rddreg [dreg:$0x1];
	s2 =	simm.s32 $0x0;
	s1 =	stileid.u32  }
0x3: {  	s3 =	srdreg.scid;
	s10 =	simm.s32 $0x0;
	s6 =	smul.u32 $0x2800, s1  }
0x4: {  	[smem:$0x7FF] =	sst s2;
	s5 =	sand.u32 $0x1, s3;
	s8 =	smul.u32 $0x28000, s1  }
0x5: {  	s3 =	sadd.s32 $0xA5800, s4;
	s7 =	smul.u32 $0x1400, s5;
	s9 =	ssub.s32 $0x2, s5  }
0x6: {  	_ =	strace $0x8000004D;
	s5 =	smul.u32 $0x14000, s5;
	s31 =	sshrl.u32 s9, $0x1  }
0x7: {  	s8 =	sadd.s32 s8, s4;
	s6 =	sadd.s32 s7, s6;
	s7 =	ssub.s32 s9, s31  }
0x8: {  	s5 =	sadd.s32 s5, s8;
	s8 =	simm.s32 $0x80;
	s6 =	sshrl.u32 s6, $0x3  }
0x9: {  	s9 =	simm.s32 $0x1;
	s5 =	sadd.s32 $0x83F000, s5;
	s6 =	sadd.s32 s6, s4  }
0xa: {  	s4 =	smax.u32 s7, $0x1;
	s7 =	simm.s32 $0x2;
	s6 =	sadd.s32 $0x19800, s6  }
.LBB2_1:
0xb: {  	s11 =	sadd.s32 $0x0, s6  }
0xc: {  	[tilespmem:s2], [sflag:$0x2] =	stream.linear.gather [hbm4b:s11+s2], $0x80, $0x38;
	[tilespmem:$0x4080] =	vst v63  }
0xd: {  	_ =	swait.ge [sflag:s7], $0x80  }
0xe: {  	[sflag:s7] =	ssyncset.done $0x0  }
0xf: {  	[sflag:s7] =	ssyncadd.s32 $0xFFFFFF80  }
0x10: {  	[tilespmem:s8], [sflag:$0x1] =	stream.indirect.gather [hbm4b:s3+s8], $0x80, s2, s8, $0xb8;
	[tilespmem:$0x4080] =	vst v63  }
0x11: {  	_ =	swait.ge [sflag:s9], $0x4000  }
0x12: {  	[sflag:s9] =	ssyncset.done $0x0  }
0x13: {  	[sflag:s9] =	ssyncadd.s32 $0xFFFFC000  }
0x14: {  	[hbm4b:s5+s2] =	stream.linear.scatter [tilespmem:s8], [sflag:$0x2], $0x4000, $0x38;
	[tilespmem:$0x4080] =	vst v63  }
0x15: {  	s12 =	simm.s32 $0x10;
	_ =	swait.ge [sflag:s7], $0x4000  }
0x16: {  	s13 =	simm.s32 $0x20;
	s11 =	sadd.s32 $0x800, s5;
	[sflag:s7] =	ssyncset.done $0x0  }
.LBB2_2:
0x17: {  	s14 =	sadd.s32 s12, s6  }
0x18: {  	[sflag:s7] =	ssyncadd.s32 $0xFFFFC000;
	s12 =	smov.u32 s13;
	s15 =	sadd.s32 $0x10, s13  }
0x19: {  	[tilespmem:s2], [sflag:$0x2] =	stream.linear.gather [hbm4b:s14+s2], $0x80, $0x38;
	[tilespmem:$0x4080] =	vst v63  }
0x1a: {  	p0 =	sne.s32 s13, $0x270;
	_ =	swait.ge [sflag:s7], $0x80  }
0x1b: {  	[sflag:s7] =	ssyncset.done $0x0  }
0x1c: {  	[sflag:s7] =	ssyncadd.s32 $0xFFFFFF80  }
0x1d: {  	[tilespmem:s8], [sflag:$0x1] =	stream.indirect.gather [hbm4b:s3+s8], $0x80, s2, s8, $0xb8;
	[tilespmem:$0x4080] =	vst v63  }
0x1e: {  	_ =	swait.ge [sflag:s9], $0x4000  }
.Ltmp0:
0x1f: {  	[sflag:s9] =	ssyncset.done $0x0;
	(pc) =	sbr.rel @p0 .LBB2_2-.Ltmp0, $4  }
0x20: {  	[sflag:s9] =	ssyncadd.s32 $0xFFFFC000  }
0x21: {  	[hbm4b:s11+s2] =	stream.linear.scatter [tilespmem:s8], [sflag:$0x2], $0x4000, $0x38;
	[tilespmem:$0x4080] =	vst v63  }
0x22: {  	_ =	swait.ge [sflag:s7], $0x4000  }
0x23: {  	s13 =	smov.u32 s15;
	s11 =	sadd.s32 $0x800, s11;
	[sflag:s7] =	ssyncset.done $0x0  }
0x24: {  	s12 =	sadd.s32 s12, s6;
	[sflag:s7] =	ssyncadd.s32 $0xFFFFC000  }
0x25: {  	[tilespmem:s2], [sflag:$0x2] =	stream.linear.gather [hbm4b:s12+s2], $0x80, $0x38;
	[tilespmem:$0x4080] =	vst v63  }
0x26: {  	_ =	swait.ge [sflag:s7], $0x80  }
0x27: {  	[sflag:s7] =	ssyncset.done $0x0  }
0x28: {  	[sflag:s7] =	ssyncadd.s32 $0xFFFFFF80  }
0x29: {  	[tilespmem:s8], [sflag:$0x1] =	stream.indirect.gather [hbm4b:s3+s8], $0x80, s2, s8, $0xb8;
	[tilespmem:$0x4080] =	vst v63  }
0x2a: {  	s10 =	sadd.s32 $0x1, s10;
	_ =	swait.ge [sflag:s9], $0x4000  }
0x2b: {  	p0 =	sne.s32 s10, s4;
	[sflag:s9] =	ssyncset.done $0x0  }
.Ltmp1:
0x2c: {  	[sflag:s9] =	ssyncadd.s32 $0xFFFFC000;
	(pc) =	sbr.rel @p0 .LBB2_1-.Ltmp1, $4  }
0x2d: {  	[hbm4b:s11+s2] =	stream.linear.scatter [tilespmem:s8], [sflag:$0x2], $0x4000, $0x38;
	[tilespmem:$0x4080] =	vst v63  }
0x2e: {  	_ =	swait.ge [sflag:s7], $0x4000  }
0x2f: {  	[sflag:s7] =	ssyncset.done $0x0  }
0x30: {  	[sflag:s7] =	ssyncadd.s32 $0xFFFFC000  }
0x31: {  	_ =	sfence.sel $0x180000  }
0x32: {  	[bflag:$0x0] =	sbarrier.arrive $0xFFFF  }
0x33: {  	p0 =	sne.s32 s1, $0x0;
	_ =	strace $0x9000004D  }
0x34: {  	s0 =	sadd.s32 @!p0 $0x100000, s0;
	[bflag:$0x2] =	sbarrier.arrive $0xFFFF  }
0x35: {  	[sflag:s0] =	ssyncadd.tile.s32 @!p0 $0x1;
	_ =	shalt  }
.Lfunc_end2:
_tile_overlayer_lowered:
.L_overlay_start_2:
0x36: {  	(tag) =	ssettag $0x2  }
0x37: {  	s0 =	rddreg [dreg:$0x0];
	s2 =	stileid.u32  }
0x38: {  	s1 =	rddreg [dreg:$0x1];
	p0 =	sne.s32 s2, $0x0  }
0x39: {  	s3 =	rddreg [dreg:$0x2];
	[bflag:$0x3] =	sbarrier.arrive $0xFFFF;
	s2 =	simm.s32 @!p0 $0x1C02  }
0x3a: {  	[timem:s3], [sflag:s2] =	dma.local @!p0 [hbm:s0], s1  }
0x3b: {  	s0 =	simm.s32 @!p0 $0x2  }
0x3c: {  	_ =	swait.ge @!p0 [sflag:s0], s1  }
0x3d: {  	s1 =	ssub.s32 @!p0 $0x0, s1;
	[sflag:s0] =	ssyncset.done @!p0 $0x0  }
0x3e: {  	[sflag:s0] =	ssyncadd.s32 @!p0 s1  }
0x3f: {  	[bflag:$0x3] =	sbarrier.arrive $0xFFFF  }
0x40: {  	_ =	shalt  }

// kernel: kernel.29.cloned.1.call-start
scs
__scs_entry_jumppad:
0x0: {  	(pc) =	sbr.rel $0x88, $3  }
0x1: {  	(tag) =	ssettag $0x0;
	lr =	simm.s32 $0x1  }
0x2: {  	[smem:$0x3F8E] =	sst lr;
	_ =	strace $0xD0000000  }
0x3: {  	_ = 	snop  }
0x4: {  	_ = 	snop  }
0x5: {  	_ = 	snop  }
0x6: {  	_ = 	snop  }
0x7: {  	_ = 	snop  }
__scs_overlays_trampoline_lowered:
0x8: {  	[smem:$0x3F9D] =	sst s0  }
0x9: {  	[smem:$0x3F9E] =	sst s1  }
0xa: {  	[smem:$0x3F9F] =	sst s2  }
0xb: {  	[smem:$0x3FA0] =	sst s3  }
0xc: {  	[smem:$0x3FA1] =	sst s4  }
0xd: {  	[smem:$0x3FA2] =	sst s5  }
0xe: {  	[smem:$0x3FA3] =	sst s6  }
0xf: {  	[smem:$0x3FA4] =	sst s7  }
0x10: {  	[smem:$0x3FA5] =	sst s8  }
0x11: {  	[smem:$0x3FA6] =	sst s9;
	s0 =	simm.s32 @!p0 $0x0  }
0x12: {  	s1 =	sld [smem:$0x3F8C];
	s0 =	simm.s32 @p0 $0x1  }
0x13: {  	[smem:$0x3FA7] =	sst s0;
	s0 =	simm.s32 @!p1 $0x0  }
0x14: {  	s2 =	sld [smem:$0x3F8B];
	s0 =	simm.s32 @p1 $0x1  }
0x15: {  	[smem:$0x3FA8] =	sst s0;
	s0 =	simm.s32 @!p2 $0x0  }
0x16: {  	s3 =	sld [smem:$0x3FDB];
	s0 =	simm.s32 @p2 $0x1  }
0x17: {  	s4 =	simm.s32 $0x1BF5;
	[smem:$0x3FAA] =	sst s0  }
0x18: {  	s0 =	sld [smem:$0x3F8D];
	_ =	swait.ge [sflag:s4], $0x0  }
0x19: {  	s7 =	sld [smem:$0x3F8E]  }
0x1a: {  	s8 =	sadd.s32 $0xFFFFE003, lr  }
0x1b: {  	s9 =	sadd.s32 $0xFFFFFEF7, lr;
	s5 =	simm.s32 $0xFFFFFFFF;
	p2 =	slt.u32 s8, $0xFFFFF086  }
0x1c: {  	p1 =	slt.u32 s9, $0xF7A;
	s5 =	simm.s32 @!p2 $0x0  }
0x1d: {  	s5 =	simm.s32 @p1 $0x1;
	p0 =	seq.s32 s7, s2  }
0x1e: {  	s7 =	smul.u32 @!p0 $0xF7A, s2;
	p2 =	seq.s32 @!p0 s5, $0x0  }
0x1f: {  	s9 =	smul.u32 $0xF7A, s1;
	s8 =	simm.s32 @!p0 $0x1BF5;
	p2 =	por !p2, p0  }
0x20: {  	[sflag:s8] =	ssyncset.s32 @!p0 $0xFFFFF086;
	s6 =	sadd.s32 @!p0 s3, s7;
	s7 =	simm.s32 @!p0 $0x108  }
0x21: {  	s3 =	sadd.s32 s3, s9;
	s6 =	sadd.s32 @!p0 $0x88, s6;
	s7 =	simm.s32 @p2 $0x1082  }
0x22: {  	[simem:s7], [sflag:s8] =	dma.local @!p0 [hbm:s6], $0xF7A  }
0x23: {  	s9 =	sor.u32 $0xD0000000, s2;
	s6 =	simm.s32 $0x108;
	_ =	swait.ge @!p0 [sflag:s8], $0x0  }
0x24: {  	s3 =	sadd.s32 $0x88, s3;
	s6 =	simm.s32 @!p1 $0x1082;
	[sflag:s4] =	ssyncset.s32 $0xFFFFF086  }
0x25: {  	[simem:s6], [sflag:s4] =	dma.local [hbm:s3], $0xF7A  }
0x26: {  	[smem:$0x3F8E] =	sst s1;
	(tag) =	ssettag s2;
	_ =	strace s9  }
0x27: {  	s1 =	sld [smem:$0x3F9E]  }
0x28: {  	s2 =	sld [smem:$0x3F9F]  }
0x29: {  	s4 =	sld [smem:$0x3FA1]  }
0x2a: {  	p0 =	seq.s32 s5, $0x0;
	s5 =	sld [smem:$0x3FA2]  }
0x2b: {  	s6 =	sld [smem:$0x3FA3]  }
0x2c: {  	s7 =	sld [smem:$0x3FA4]  }
0x2d: {  	s3 =	simm.s32 $0x108;
	s8 =	sld [smem:$0x3FA5]  }
0x2e: {  	s3 =	simm.s32 @!p0 $0x1082;
	s9 =	sld [smem:$0x3FA6]  }
0x2f: {  	lr =	sadd.s32 s0, s3;
	s0 =	sld [smem:$0x3F9D]  }
0x30: {  	s3 =	sld [smem:$0x3FA0]  }
0x31: {  	[smem:$0x3FA9] =	sst s10  }
0x32: {  	s10 =	sld [smem:$0x3FA7];
	_ =	sdelay $0x3  }
0x33: {  	p0 =	seq.s32 s10, $0x1;
	s10 =	sld [smem:$0x3FA9];
	_ =	sdelay $0x3  }
0x34: {  	[smem:$0x3FA9] =	sst s10  }
0x35: {  	s10 =	sld [smem:$0x3FA8];
	_ =	sdelay $0x3  }
0x36: {  	p1 =	seq.s32 s10, $0x1;
	s10 =	sld [smem:$0x3FA9];
	_ =	sdelay $0x3  }
0x37: {  	[smem:$0x3FA9] =	sst s10  }
0x38: {  	s10 =	sld [smem:$0x3FAA]  }
0x39: {  	_ = 	snop;
	(pc) =	sbr.ind lr, $3  }
0x3a: {  	_ = 	snop  }
0x3b: {  	_ = 	snop  }
0x3c: {  	p2 =	seq.s32 s10, $0x1;
	s10 =	sld [smem:$0x3FA9]  }
0x3d: {  	_ =	shalt  }
0x3e: {  	_ =	shalt  }
0x3f: {  	_ =	shalt  }
0x40: {  	_ =	shalt  }
0x41: {  	_ =	shalt  }
0x42: {  	_ =	shalt  }
0x43: {  	_ =	shalt  }
0x44: {  	_ =	shalt  }
0x45: {  	_ =	shalt  }
0x46: {  	_ =	shalt  }
0x47: {  	_ =	shalt  }
0x48: {  	_ =	shalt  }
0x49: {  	_ =	shalt  }
0x4a: {  	_ =	shalt  }
0x4b: {  	_ =	shalt  }
0x4c: {  	_ =	shalt  }
0x4d: {  	_ =	shalt  }
0x4e: {  	_ =	shalt  }
0x4f: {  	_ =	shalt  }
0x50: {  	_ =	shalt  }
0x51: {  	_ =	shalt  }
0x52: {  	_ =	shalt  }
0x53: {  	_ =	shalt  }
0x54: {  	_ =	shalt  }
0x55: {  	_ =	shalt  }
0x56: {  	_ =	shalt  }
0x57: {  	_ =	shalt  }
0x58: {  	_ =	shalt  }
0x59: {  	_ =	shalt  }
0x5a: {  	_ =	shalt  }
0x5b: {  	_ =	shalt  }
0x5c: {  	_ =	shalt  }
0x5d: {  	_ =	shalt  }
0x5e: {  	_ =	shalt  }
0x5f: {  	_ =	shalt  }
0x60: {  	_ =	shalt  }
0x61: {  	_ =	shalt  }
0x62: {  	_ =	shalt  }
0x63: {  	_ =	shalt  }
0x64: {  	_ =	shalt  }
0x65: {  	_ =	shalt  }
0x66: {  	_ =	shalt  }
0x67: {  	_ =	shalt  }
0x68: {  	_ =	shalt  }
0x69: {  	_ =	shalt  }
0x6a: {  	_ =	shalt  }
0x6b: {  	_ =	shalt  }
0x6c: {  	_ =	shalt  }
0x6d: {  	_ =	shalt  }
0x6e: {  	_ =	shalt  }
0x6f: {  	_ =	shalt  }
0x70: {  	_ =	shalt  }
0x71: {  	_ =	shalt  }
0x72: {  	_ =	shalt  }
0x73: {  	_ =	shalt  }
0x74: {  	_ =	shalt  }
0x75: {  	_ =	shalt  }
0x76: {  	_ =	shalt  }
0x77: {  	_ =	shalt  }
0x78: {  	_ =	shalt  }
0x79: {  	_ =	shalt  }
0x7a: {  	_ =	shalt  }
0x7b: {  	_ =	shalt  }
0x7c: {  	_ =	shalt  }
0x7d: {  	_ =	shalt  }
0x7e: {  	_ =	shalt  }
0x7f: {  	_ =	shalt  }
0x80: {  	_ =	shalt  }
0x81: {  	_ =	shalt  }
0x82: {  	_ =	shalt  }
0x83: {  	_ =	shalt  }
0x84: {  	_ =	shalt  }
0x85: {  	_ =	shalt  }
0x86: {  	_ =	shalt  }
0x87: {  	_ =	shalt  }
.Lfunc_end0:
.L_simem_size_0:
called_computation.3_lowered:
.L_overlay_start_0:
0x88: {  	s2 =	sld [smem:$0x3FD9]  }
0x89: {  	s3 =	sld [smem:$0x3FFE];
	_ =	sdelay $0x1  }
0x8a: {  	s1 =	srdreg.scid  }
0x8b: {  	s0 =	sand.u32 $0x1, s1  }
0x8c: {  	s16 =	sshll.u32 s0, $0xA;
	s2 =	sadd.s32 s3, s2  }
0x8d: {  	s2 =	sadd.s32 s2, s16  }
0x8e: {  	[smem:$0x3FB5] =	sst s2  }
0x8f: {  	_ = 	snop  }
0x90: {  	(tm) =	ssettm $0x1  }
0x91: {  	s17 =	sld [smem:$0x3FFB];
	_ =	sdelay $0x3  }
0x92: {  	_ =	strace s17  }
0x93: {  	s2 =	sld [smem:$0x3FFC];
	_ =	sdelay $0x3  }
0x94: {  	_ =	strace s2  }
0x95: {  	s2 =	sld [smem:$0x3FFD];
	_ =	sdelay $0x3  }
0x96: {  	_ =	strace s2  }
0x97: {  	_ =	strace $0x8FFFFFFF  }
0x98: {  	s18 =	sld [smem:$0x3FDB];
	_ =	sdelay $0x1  }
0x99: {  	s19 =	simm.s32 $_scs_section_size  }
0x9a: {  	s4 =	simm.s32 $_size__tile_overlayer_lowered;
	s5 =	simm.s32 $_tile_overlayer_lowered  }
0x9b: {  	s22 =	simm.s32 $0x1BFF;
	s21 =	sshll.u32 s5, $0x1;
	s2 =	sadd.s32 s19, s18  }
0x9c: {  	s6 =	simm.s32 $0x0;
	s20 =	sshll.u32 s4, $0x1;
	s4 =	sadd.s32 s21, s2  }
0x9d: {  	[timem:s6], [sflag:s22] =	dma.local [hbm:s4], s20  }
0x9e: {  	_ =	swait.ge [sflag:s22], s20  }
0x9f: {  	s3 =	ssub.s32 $0x0, s20;
	[sflag:s22] =	ssyncset.done $0x0  }
0xa0: {  	[sflag:s22] =	ssyncadd.s32 s3;
	_ =	sdelay $0x1  }
0xa1: {  	s23 =	simm.s32 $0x1B8B  }
0xa2: {  	_ =	swait.ge [sflag:s23], $0x1  }
0xa3: {  	[sflag:s23] =	ssyncset.done $0x0  }
0xa4: {  	s25 =	simm.s32 $0x1B8E;
	s24 =	sld [smem:$0x3FFE];
	[sflag:s23] =	ssyncadd.s32 $0xFFFFFFFF  }
0xa5: {  	s26 =	simm.s32 $execute0_lowered;
	[smem:$0x3FD2] =	sst s25  }
0xa6: {  	s4 =	sshll.u32 s26, $0x1;
	_ =	strace $0x8000004F;
	[dreg:$0x1] =	wrdreg $0xFFFFFFFF  }
0xa7: {  	s28 =	simm.s32 $_size_execute0_lowered;
	s2 =	sadd.s32 s2, s4;
	[dreg:$0x0] =	wrdreg $0x0  }
0xa8: {  	s4 =	sshll.u32 s28, $0x1;
	[dreg:$0x2] =	wrdreg s2  }
0xa9: {  	[dreg:$0x3] =	wrdreg s4  }
0xaa: {  	[dreg:$0x4] =	wrdreg $0xC0  }
0xab: {  	_ =	task [dreg:s6], $0x5FFFF  }
0xac: {  	[dreg:$0x1] =	wrdreg $0xFFFFFFFF  }
0xad: {  	[dreg:$0x0] =	wrdreg $0x60  }
0xae: {  	[dreg:$0x2] =	wrdreg s24  }
0xaf: {  	[dreg:$0x3] =	wrdreg $0x40800  }
0xb0: {  	[dreg:$0x4] =	wrdreg $0x9  }
0xb1: {  	_ =	task.clear_ibuf [dreg:s6], $0x5FFFF;
	_ =	strace $0x9000004F  }
0xb2: {  	s29 =	simm.s32 $0x9;
	_ =	strace $0x80000051  }
0xb3: {  	_ =	swait.ge [sflag:s29], $0x1  }
0xb4: {  	[sflag:s29] =	ssyncadd.s32 $0xFFFFFFFF  }
0xb5: {  	_ =	strace $0x90000051  }
0xb6: {  	_ =	sfence  }
0xb7: {  	s30 =	sld [smem:$0x0];
	_ =	sdelay $0x2  }
0xb8: {  	s31 =	sshll.u32 s1, $0xD;
	s1 =	sshrl.u32 s1, $0x2  }
0xb9: {  	s3 =	sand.u32 $0x4000, s31;
	s1 =	sadd.s32 s1, s30  }
0xba: {  	s0 =	sor.u32 s3, s0;
	s1 =	sshll.u32 s1, $0x11  }
0xbb: {  	s0 =	sor.u32 s1, s0  }
0xbc: {  	s0 =	sadd.s32 $0x8F2B, s0  }
0xbd: {  	[sflag:s0] =	ssyncadd.remote.s32 $0x1  }
0xbe: {  	_ =	sfence.sel $0xFFFF  }
0xbf: {  	[dreg:$0x0] =	wrdreg $0xFFFFFFFF;
	(pc) =	sbr.abs _section_cstart, $3  }
0xc0: {  	[dreg:$0x1] =	wrdreg $0xFFFFFFFF  }
0xc1: {  	_ =	task.clear_ibuf [dreg:s6], $0x2FFFF;
	_ =	strace $0x9FFFFFFF  }
0xc2: {  	(tm) =	ssettm $0x7FFFFFFF  }
0xc3: {  	_ =	shalt  }
tec
execute0_lowered:
.L_overlay_start_1:
0x0: {  	(tag) =	ssettag $0x1  }
0x1: {  	s0 =	stileid.u32;
	s1 =	srdreg.scid  }
0x2: {  	s5 =	rddreg [dreg:$0x0];
	s4 =	smul.u32 $0x28000, s0  }
0x3: {  	s2 =	rddreg [dreg:$0x1];
	s3 =	simm.s32 $0x0;
	s7 =	smul.u32 $0x2800, s0  }
0x4: {  	s6 =	sand.u32 $0x1, s1;
	s1 =	rddreg [dreg:$0x2];
	s9 =	smul.u32 $0x14000, s0  }
0x5: {  	[smem:$0x7FF] =	sst s3;
	s30 =	sshll.u32 s0, $0x6;
	s8 =	smul.u32 $0x1400, s6  }
0x6: {  	s24 =	smul.u32 $0x140000, s6;
	_ =	strace $0x80000050;
	s28 =	ssub.s32 $0x2, s6  }
0x7: {  	s13 =	smul.u32 $0x14000, s6;
	s10 =	sadd.s32 s4, s5;
	s26 =	sshrl.u32 s9, $0x3  }
0x8: {  	s29 =	sshrl.u32 s28, $0x1;
	s14 =	sadd.s32 s9, s2;
	s7 =	sadd.s32 s8, s7  }
0x9: {  	s25 =	sadd.s32 s9, s24;
	s8 =	ssub.s32 s28, s29;
	s31 =	sadd.s32 s13, s10  }
0xa: {  	s10 =	sshrl.u32 s14, $0x3;
	s13 =	simm.s32 $0x0;
	s7 =	sshrl.u32 s7, $0x3  }
0xb: {  	s4 =	sshrl.u32 s25, $0x3;
	s11 =	sadd.s32 s7, s5;
	s7 =	sadd.s32 s26, s5  }
0xc: {  	s12 =	sadd.s32 s4, s5;
	s5 =	sor.u32 $0x1C01, s30;
	s4 =	sadd.s32 $0x2D800, s7  }
0xd: {  	s6 =	sadd.s32 $0xF6200, s12;
	s7 =	smax.u32 s8, $0x1;
	s8 =	sadd.s32 $0xABF000, s31  }
0xe: {  	s9 =	sadd.s32 $0x1E800, s11;
	s11 =	simm.s32 $0x1;
	s12 =	simm.s32 $0x80  }
.LBB2_1:
0xf: {  	[spmem:s10], [sflag:s5] =	dma.local [hbm:s4], $0x2800  }
0x10: {  	_ =	swait.ge [sflag:s11], $0x2800  }
0x11: {  	[sflag:s11] =	ssyncset.done $0x0  }
0x12: {  	[sflag:s11] =	ssyncadd.s32 $0xFFFFD800  }
0x13: {  	s14 =	sadd.s32 $0x0, s9;
	[bflag:$0x0] =	sbarrier.arrive $0xFFFF  }
0x14: {  	[tilespmem:s3], [sflag:$0x1] =	stream.linear.gather [hbm4b:s14+s3], $0x80, $0x38;
	[tilespmem:$0x18080] =	vst v63  }
0x15: {  	_ =	swait.ge [sflag:s11], $0x80  }
0x16: {  	[sflag:s11] =	ssyncset.done $0x0  }
0x17: {  	[sflag:s11] =	ssyncadd.s32 $0xFFFFFF80  }
0x18: {  	[tilespmem:s12], [sflag:$0x1] =	stream.linear.gather [hbm4b:s8+s3], $0x4000, $0x38;
	[tilespmem:$0x18080] =	vst v63  }
0x19: {  	_ =	swait.ge [sflag:s11], $0x4000  }
0x1a: {  	[sflag:s11] =	ssyncset.done $0x0  }
0x1b: {  	[sflag:s11] =	ssyncadd.s32 $0xFFFFC000  }
0x1c: {  	[spmem:s2] =	stream.indirect.scatter.add.f32 [tilespmem:s12], [sflag:$0x1], $0x80, s3, s12, $0xb8;
	[tilespmem:$0x18080] =	vst v63  }
0x1d: {  	s15 =	simm.s32 $0x10;
	_ =	swait.ge [sflag:s11], $0x4000  }
0x1e: {  	s16 =	simm.s32 $0x20;
	s14 =	sadd.s32 $0x800, s8;
	[sflag:s11] =	ssyncset.done $0x0  }
.LBB2_2:
0x1f: {  	s17 =	sadd.s32 s15, s9  }
0x20: {  	[sflag:s11] =	ssyncadd.s32 $0xFFFFC000;
	s15 =	smov.u32 s16;
	s18 =	sadd.s32 $0x10, s16  }
0x21: {  	[tilespmem:s3], [sflag:$0x1] =	stream.linear.gather [hbm4b:s17+s3], $0x80, $0x38;
	[tilespmem:$0x18080] =	vst v63  }
0x22: {  	p0 =	sne.s32 s16, $0x270;
	_ =	swait.ge [sflag:s11], $0x80  }
0x23: {  	[sflag:s11] =	ssyncset.done $0x0  }
0x24: {  	[sflag:s11] =	ssyncadd.s32 $0xFFFFFF80  }
0x25: {  	[tilespmem:s12], [sflag:$0x1] =	stream.linear.gather [hbm4b:s14+s3], $0x4000, $0x38;
	[tilespmem:$0x18080] =	vst v63  }
0x26: {  	_ =	swait.ge [sflag:s11], $0x4000  }
.Ltmp0:
0x27: {  	[sflag:s11] =	ssyncset.done $0x0;
	(pc) =	sbr.rel @p0 .LBB2_2-.Ltmp0, $4  }
0x28: {  	[sflag:s11] =	ssyncadd.s32 $0xFFFFC000  }
0x29: {  	[spmem:s2] =	stream.indirect.scatter.add.f32 [tilespmem:s12], [sflag:$0x1], $0x80, s3, s12, $0xb8;
	[tilespmem:$0x18080] =	vst v63  }
0x2a: {  	_ =	swait.ge [sflag:s11], $0x4000  }
0x2b: {  	s16 =	smov.u32 s18;
	s14 =	sadd.s32 $0x800, s14;
	[sflag:s11] =	ssyncset.done $0x0  }
0x2c: {  	s15 =	sadd.s32 s15, s9;
	[sflag:s11] =	ssyncadd.s32 $0xFFFFC000  }
0x2d: {  	[tilespmem:s3], [sflag:$0x1] =	stream.linear.gather [hbm4b:s15+s3], $0x80, $0x38;
	[tilespmem:$0x18080] =	vst v63  }
0x2e: {  	_ =	swait.ge [sflag:s11], $0x80  }
0x2f: {  	[sflag:s11] =	ssyncset.done $0x0  }
0x30: {  	[sflag:s11] =	ssyncadd.s32 $0xFFFFFF80  }
0x31: {  	[tilespmem:s12], [sflag:$0x1] =	stream.linear.gather [hbm4b:s14+s3], $0x4000, $0x38;
	[tilespmem:$0x18080] =	vst v63  }
0x32: {  	_ =	swait.ge [sflag:s11], $0x4000  }
0x33: {  	[sflag:s11] =	ssyncset.done $0x0  }
0x34: {  	[sflag:s11] =	ssyncadd.s32 $0xFFFFC000  }
0x35: {  	[spmem:s2] =	stream.indirect.scatter.add.f32 [tilespmem:s12], [sflag:$0x1], $0x80, s3, s12, $0xb8;
	[tilespmem:$0x18080] =	vst v63  }
0x36: {  	_ =	swait.ge [sflag:s11], $0x4000  }
0x37: {  	s13 =	sadd.s32 $0x1, s13;
	[sflag:s11] =	ssyncset.done $0x0  }
0x38: {  	p0 =	sne.s32 s13, s7;
	[sflag:s11] =	ssyncadd.s32 $0xFFFFC000  }
.Ltmp1:
0x39: {  	[bflag:$0x0] =	sbarrier.arrive $0xFFFF;
	(pc) =	sbr.rel @p0 .LBB2_1-.Ltmp1, $4  }
0x3a: {  	[hbm:s6], [sflag:s5] =	dma.local [spmem:s10], $0x2800  }
0x3b: {  	_ =	swait.ge [sflag:s11], $0x2800  }
0x3c: {  	[sflag:s11] =	ssyncset.done $0x0  }
0x3d: {  	[sflag:s11] =	ssyncadd.s32 $0xFFFFD800  }
0x3e: {  	_ =	sfence.sel $0x180000  }
0x3f: {  	[bflag:$0x0] =	sbarrier.arrive $0xFFFF  }
0x40: {  	p0 =	sne.s32 s0, $0x0;
	_ =	strace $0x90000050  }
0x41: {  	s0 =	sadd.s32 @!p0 $0x100000, s1;
	[bflag:$0x2] =	sbarrier.arrive $0xFFFF  }
0x42: {  	[sflag:s0] =	ssyncadd.tile.s32 @!p0 $0x1;
	_ =	shalt  }
.Lfunc_end2:
_tile_overlayer_lowered:
.L_overlay_start_2:
0x43: {  	(tag) =	ssettag $0x2  }
0x44: {  	s0 =	rddreg [dreg:$0x0];
	s2 =	stileid.u32  }
0x45: {  	s1 =	rddreg [dreg:$0x1];
	p0 =	sne.s32 s2, $0x0  }
0x46: {  	s3 =	rddreg [dreg:$0x2];
	[bflag:$0x3] =	sbarrier.arrive $0xFFFF;
	s2 =	simm.s32 @!p0 $0x1C01  }
0x47: {  	[timem:s3], [sflag:s2] =	dma.local @!p0 [hbm:s0], s1  }
0x48: {  	s0 =	simm.s32 @!p0 $0x1  }
0x49: {  	_ =	swait.ge @!p0 [sflag:s0], s1  }
0x4a: {  	s1 =	ssub.s32 @!p0 $0x0, s1;
	[sflag:s0] =	ssyncset.done @!p0 $0x0  }
0x4b: {  	[sflag:s0] =	ssyncadd.s32 @!p0 s1  }
0x4c: {  	[bflag:$0x3] =	sbarrier.arrive $0xFFFF  }
0x4d: {  	_ =	shalt  }

// kernel: kernel.32.cloned.1.call-start
scs
__scs_entry_jumppad:
0x0: {  	(pc) =	sbr.rel $0x88, $3  }
0x1: {  	(tag) =	ssettag $0x0;
	lr =	simm.s32 $0x1  }
0x2: {  	[smem:$0x3F8E] =	sst lr;
	_ =	strace $0xD0000000  }
0x3: {  	_ = 	snop  }
0x4: {  	_ = 	snop  }
0x5: {  	_ = 	snop  }
0x6: {  	_ = 	snop  }
0x7: {  	_ = 	snop  }
__scs_overlays_trampoline_lowered:
0x8: {  	[smem:$0x3F9D] =	sst s0  }
0x9: {  	[smem:$0x3F9E] =	sst s1  }
0xa: {  	[smem:$0x3F9F] =	sst s2  }
0xb: {  	[smem:$0x3FA0] =	sst s3  }
0xc: {  	[smem:$0x3FA1] =	sst s4  }
0xd: {  	[smem:$0x3FA2] =	sst s5  }
0xe: {  	[smem:$0x3FA3] =	sst s6  }
0xf: {  	[smem:$0x3FA4] =	sst s7  }
0x10: {  	[smem:$0x3FA5] =	sst s8  }
0x11: {  	[smem:$0x3FA6] =	sst s9;
	s0 =	simm.s32 @!p0 $0x0  }
0x12: {  	s1 =	sld [smem:$0x3F8C];
	s0 =	simm.s32 @p0 $0x1  }
0x13: {  	[smem:$0x3FA7] =	sst s0;
	s0 =	simm.s32 @!p1 $0x0  }
0x14: {  	s2 =	sld [smem:$0x3F8B];
	s0 =	simm.s32 @p1 $0x1  }
0x15: {  	[smem:$0x3FA8] =	sst s0;
	s0 =	simm.s32 @!p2 $0x0  }
0x16: {  	s3 =	sld [smem:$0x3FDB];
	s0 =	simm.s32 @p2 $0x1  }
0x17: {  	s4 =	simm.s32 $0x1BF5;
	[smem:$0x3FAA] =	sst s0  }
0x18: {  	s0 =	sld [smem:$0x3F8D];
	_ =	swait.ge [sflag:s4], $0x0  }
0x19: {  	s7 =	sld [smem:$0x3F8E]  }
0x1a: {  	s8 =	sadd.s32 $0xFFFFE003, lr  }
0x1b: {  	s9 =	sadd.s32 $0xFFFFFEF7, lr;
	s5 =	simm.s32 $0xFFFFFFFF;
	p2 =	slt.u32 s8, $0xFFFFF086  }
0x1c: {  	p1 =	slt.u32 s9, $0xF7A;
	s5 =	simm.s32 @!p2 $0x0  }
0x1d: {  	s5 =	simm.s32 @p1 $0x1;
	p0 =	seq.s32 s7, s2  }
0x1e: {  	s7 =	smul.u32 @!p0 $0xF7A, s2;
	p2 =	seq.s32 @!p0 s5, $0x0  }
0x1f: {  	s9 =	smul.u32 $0xF7A, s1;
	s8 =	simm.s32 @!p0 $0x1BF5;
	p2 =	por !p2, p0  }
0x20: {  	[sflag:s8] =	ssyncset.s32 @!p0 $0xFFFFF086;
	s6 =	sadd.s32 @!p0 s3, s7;
	s7 =	simm.s32 @!p0 $0x108  }
0x21: {  	s3 =	sadd.s32 s3, s9;
	s6 =	sadd.s32 @!p0 $0x88, s6;
	s7 =	simm.s32 @p2 $0x1082  }
0x22: {  	[simem:s7], [sflag:s8] =	dma.local @!p0 [hbm:s6], $0xF7A  }
0x23: {  	s9 =	sor.u32 $0xD0000000, s2;
	s6 =	simm.s32 $0x108;
	_ =	swait.ge @!p0 [sflag:s8], $0x0  }
0x24: {  	s3 =	sadd.s32 $0x88, s3;
	s6 =	simm.s32 @!p1 $0x1082;
	[sflag:s4] =	ssyncset.s32 $0xFFFFF086  }
0x25: {  	[simem:s6], [sflag:s4] =	dma.local [hbm:s3], $0xF7A  }
0x26: {  	[smem:$0x3F8E] =	sst s1;
	(tag) =	ssettag s2;
	_ =	strace s9  }
0x27: {  	s1 =	sld [smem:$0x3F9E]  }
0x28: {  	s2 =	sld [smem:$0x3F9F]  }
0x29: {  	s4 =	sld [smem:$0x3FA1]  }
0x2a: {  	p0 =	seq.s32 s5, $0x0;
	s5 =	sld [smem:$0x3FA2]  }
0x2b: {  	s6 =	sld [smem:$0x3FA3]  }
0x2c: {  	s7 =	sld [smem:$0x3FA4]  }
0x2d: {  	s3 =	simm.s32 $0x108;
	s8 =	sld [smem:$0x3FA5]  }
0x2e: {  	s3 =	simm.s32 @!p0 $0x1082;
	s9 =	sld [smem:$0x3FA6]  }
0x2f: {  	lr =	sadd.s32 s0, s3;
	s0 =	sld [smem:$0x3F9D]  }
0x30: {  	s3 =	sld [smem:$0x3FA0]  }
0x31: {  	[smem:$0x3FA9] =	sst s10  }
0x32: {  	s10 =	sld [smem:$0x3FA7];
	_ =	sdelay $0x3  }
0x33: {  	p0 =	seq.s32 s10, $0x1;
	s10 =	sld [smem:$0x3FA9];
	_ =	sdelay $0x3  }
0x34: {  	[smem:$0x3FA9] =	sst s10  }
0x35: {  	s10 =	sld [smem:$0x3FA8];
	_ =	sdelay $0x3  }
0x36: {  	p1 =	seq.s32 s10, $0x1;
	s10 =	sld [smem:$0x3FA9];
	_ =	sdelay $0x3  }
0x37: {  	[smem:$0x3FA9] =	sst s10  }
0x38: {  	s10 =	sld [smem:$0x3FAA]  }
0x39: {  	_ = 	snop;
	(pc) =	sbr.ind lr, $3  }
0x3a: {  	_ = 	snop  }
0x3b: {  	_ = 	snop  }
0x3c: {  	p2 =	seq.s32 s10, $0x1;
	s10 =	sld [smem:$0x3FA9]  }
0x3d: {  	_ =	shalt  }
0x3e: {  	_ =	shalt  }
0x3f: {  	_ =	shalt  }
0x40: {  	_ =	shalt  }
0x41: {  	_ =	shalt  }
0x42: {  	_ =	shalt  }
0x43: {  	_ =	shalt  }
0x44: {  	_ =	shalt  }
0x45: {  	_ =	shalt  }
0x46: {  	_ =	shalt  }
0x47: {  	_ =	shalt  }
0x48: {  	_ =	shalt  }
0x49: {  	_ =	shalt  }
0x4a: {  	_ =	shalt  }
0x4b: {  	_ =	shalt  }
0x4c: {  	_ =	shalt  }
0x4d: {  	_ =	shalt  }
0x4e: {  	_ =	shalt  }
0x4f: {  	_ =	shalt  }
0x50: {  	_ =	shalt  }
0x51: {  	_ =	shalt  }
0x52: {  	_ =	shalt  }
0x53: {  	_ =	shalt  }
0x54: {  	_ =	shalt  }
0x55: {  	_ =	shalt  }
0x56: {  	_ =	shalt  }
0x57: {  	_ =	shalt  }
0x58: {  	_ =	shalt  }
0x59: {  	_ =	shalt  }
0x5a: {  	_ =	shalt  }
0x5b: {  	_ =	shalt  }
0x5c: {  	_ =	shalt  }
0x5d: {  	_ =	shalt  }
0x5e: {  	_ =	shalt  }
0x5f: {  	_ =	shalt  }
0x60: {  	_ =	shalt  }
0x61: {  	_ =	shalt  }
0x62: {  	_ =	shalt  }
0x63: {  	_ =	shalt  }
0x64: {  	_ =	shalt  }
0x65: {  	_ =	shalt  }
0x66: {  	_ =	shalt  }
0x67: {  	_ =	shalt  }
0x68: {  	_ =	shalt  }
0x69: {  	_ =	shalt  }
0x6a: {  	_ =	shalt  }
0x6b: {  	_ =	shalt  }
0x6c: {  	_ =	shalt  }
0x6d: {  	_ =	shalt  }
0x6e: {  	_ =	shalt  }
0x6f: {  	_ =	shalt  }
0x70: {  	_ =	shalt  }
0x71: {  	_ =	shalt  }
0x72: {  	_ =	shalt  }
0x73: {  	_ =	shalt  }
0x74: {  	_ =	shalt  }
0x75: {  	_ =	shalt  }
0x76: {  	_ =	shalt  }
0x77: {  	_ =	shalt  }
0x78: {  	_ =	shalt  }
0x79: {  	_ =	shalt  }
0x7a: {  	_ =	shalt  }
0x7b: {  	_ =	shalt  }
0x7c: {  	_ =	shalt  }
0x7d: {  	_ =	shalt  }
0x7e: {  	_ =	shalt  }
0x7f: {  	_ =	shalt  }
0x80: {  	_ =	shalt  }
0x81: {  	_ =	shalt  }
0x82: {  	_ =	shalt  }
0x83: {  	_ =	shalt  }
0x84: {  	_ =	shalt  }
0x85: {  	_ =	shalt  }
0x86: {  	_ =	shalt  }
0x87: {  	_ =	shalt  }
.Lfunc_end0:
.L_simem_size_0:
called_computation.4_lowered:
.L_overlay_start_0:
0x88: {  	s2 =	sld [smem:$0x3FD9]  }
0x89: {  	s3 =	sld [smem:$0x3FFE];
	_ =	sdelay $0x1  }
0x8a: {  	s1 =	srdreg.scid  }
0x8b: {  	s0 =	sand.u32 $0x1, s1  }
0x8c: {  	s16 =	sshll.u32 s0, $0xA;
	s2 =	sadd.s32 s3, s2  }
0x8d: {  	s2 =	sadd.s32 s2, s16  }
0x8e: {  	[smem:$0x3FB5] =	sst s2  }
0x8f: {  	_ = 	snop  }
0x90: {  	(tm) =	ssettm $0x1  }
0x91: {  	s17 =	sld [smem:$0x3FFB];
	_ =	sdelay $0x3  }
0x92: {  	_ =	strace s17  }
0x93: {  	s2 =	sld [smem:$0x3FFC];
	_ =	sdelay $0x3  }
0x94: {  	_ =	strace s2  }
0x95: {  	s2 =	sld [smem:$0x3FFD];
	_ =	sdelay $0x3  }
0x96: {  	_ =	strace s2  }
0x97: {  	_ =	strace $0x8FFFFFFF  }
0x98: {  	s18 =	sld [smem:$0x3FDB];
	_ =	sdelay $0x1  }
0x99: {  	s19 =	simm.s32 $_scs_section_size  }
0x9a: {  	s4 =	simm.s32 $_size__tile_overlayer_lowered;
	s5 =	simm.s32 $_tile_overlayer_lowered  }
0x9b: {  	s22 =	simm.s32 $0x1BFF;
	s21 =	sshll.u32 s5, $0x1;
	s2 =	sadd.s32 s19, s18  }
0x9c: {  	s6 =	simm.s32 $0x0;
	s20 =	sshll.u32 s4, $0x1;
	s4 =	sadd.s32 s21, s2  }
0x9d: {  	[timem:s6], [sflag:s22] =	dma.local [hbm:s4], s20  }
0x9e: {  	_ =	swait.ge [sflag:s22], s20  }
0x9f: {  	s3 =	ssub.s32 $0x0, s20;
	[sflag:s22] =	ssyncset.done $0x0  }
0xa0: {  	[sflag:s22] =	ssyncadd.s32 s3;
	_ =	sdelay $0x1  }
0xa1: {  	s23 =	simm.s32 $0x1B8B  }
0xa2: {  	_ =	swait.ge [sflag:s23], $0x1  }
0xa3: {  	[sflag:s23] =	ssyncset.done $0x0  }
0xa4: {  	s25 =	simm.s32 $0x1B8E;
	s24 =	sld [smem:$0x3FFE];
	[sflag:s23] =	ssyncadd.s32 $0xFFFFFFFF  }
0xa5: {  	s26 =	simm.s32 $execute0_lowered;
	[smem:$0x3FD2] =	sst s25  }
0xa6: {  	s4 =	sshll.u32 s26, $0x1;
	_ =	strace $0x80000052;
	[dreg:$0x1] =	wrdreg $0xFFFFFFFF  }
0xa7: {  	s28 =	simm.s32 $_size_execute0_lowered;
	s2 =	sadd.s32 s2, s4;
	[dreg:$0x0] =	wrdreg $0x0  }
0xa8: {  	s4 =	sshll.u32 s28, $0x1;
	[dreg:$0x2] =	wrdreg s2  }
0xa9: {  	[dreg:$0x3] =	wrdreg s4  }
0xaa: {  	[dreg:$0x4] =	wrdreg $0xC0  }
0xab: {  	_ =	task [dreg:s6], $0x5FFFF  }
0xac: {  	[dreg:$0x1] =	wrdreg $0xFFFFFFFF  }
0xad: {  	[dreg:$0x0] =	wrdreg $0x60  }
0xae: {  	[dreg:$0x2] =	wrdreg s24  }
0xaf: {  	[dreg:$0x3] =	wrdreg $0x9  }
0xb0: {  	_ =	task.clear_ibuf [dreg:s6], $0x4FFFF;
	_ =	strace $0x90000052  }
0xb1: {  	s29 =	simm.s32 $0x9;
	_ =	strace $0x80000054  }
0xb2: {  	_ =	swait.ge [sflag:s29], $0x1  }
0xb3: {  	[sflag:s29] =	ssyncadd.s32 $0xFFFFFFFF  }
0xb4: {  	_ =	strace $0x90000054  }
0xb5: {  	_ =	sfence  }
0xb6: {  	s30 =	sld [smem:$0x0];
	_ =	sdelay $0x2  }
0xb7: {  	s31 =	sshll.u32 s1, $0xD;
	s1 =	sshrl.u32 s1, $0x2  }
0xb8: {  	s3 =	sand.u32 $0x4000, s31;
	s1 =	sadd.s32 s1, s30  }
0xb9: {  	s0 =	sor.u32 s3, s0;
	s1 =	sshll.u32 s1, $0x11  }
0xba: {  	s0 =	sor.u32 s1, s0  }
0xbb: {  	s0 =	sadd.s32 $0x8F2B, s0  }
0xbc: {  	[sflag:s0] =	ssyncadd.remote.s32 $0x1  }
0xbd: {  	_ =	sfence.sel $0xFFFF  }
0xbe: {  	[dreg:$0x0] =	wrdreg $0xFFFFFFFF;
	(pc) =	sbr.abs _section_cstart, $3  }
0xbf: {  	[dreg:$0x1] =	wrdreg $0xFFFFFFFF  }
0xc0: {  	_ =	task.clear_ibuf [dreg:s6], $0x2FFFF;
	_ =	strace $0x9FFFFFFF  }
0xc1: {  	(tm) =	ssettm $0x7FFFFFFF  }
tec
execute0_lowered:
.L_overlay_start_1:
0x0: {  	(tag) =	ssettag $0x1  }
0x1: {  	s4 =	rddreg [dreg:$0x0]  }
0x2: {  	s0 =	rddreg [dreg:$0x1];
	s2 =	simm.s32 $0x0;
	s1 =	stileid.u32  }
0x3: {  	s3 =	srdreg.scid;
	s10 =	simm.s32 $0x0;
	s6 =	smul.u32 $0x2800, s1  }
0x4: {  	[smem:$0x7FF] =	sst s2;
	s5 =	sand.u32 $0x1, s3;
	s8 =	smul.u32 $0xA000, s1  }
0x5: {  	s3 =	sadd.s32 $0x11000, s4;
	s7 =	smul.u32 $0x1400, s5;
	s9 =	ssub.s32 $0x2, s5  }
0x6: {  	_ =	strace $0x80000053;
	s5 =	smul.u32 $0x5000, s5;
	s31 =	sshrl.u32 s9, $0x1  }
0x7: {  	s8 =	sadd.s32 s8, s4;
	s6 =	sadd.s32 s7, s6;
	s7 =	ssub.s32 s9, s31  }
0x8: {  	s5 =	sadd.s32 s5, s8;
	s8 =	simm.s32 $0x80;
	s6 =	sshrl.u32 s6, $0x3  }
0x9: {  	s9 =	simm.s32 $0x1;
	s5 =	sadd.s32 $0x11E200, s5;
	s6 =	sadd.s32 s6, s4  }
0xa: {  	s4 =	smax.u32 s7, $0x1;
	s7 =	simm.s32 $0x2;
	s6 =	sadd.s32 $0x28800, s6  }
.LBB2_1:
0xb: {  	s11 =	sadd.s32 $0x0, s6  }
0xc: {  	[tilespmem:s2], [sflag:$0x2] =	stream.linear.gather [hbm4b:s11+s2], $0x80, $0x38;
	[tilespmem:$0x1080] =	vst v63  }
0xd: {  	_ =	swait.ge [sflag:s7], $0x80  }
0xe: {  	[sflag:s7] =	ssyncset.done $0x0  }
0xf: {  	[sflag:s7] =	ssyncadd.s32 $0xFFFFFF80  }
0x10: {  	[tilespmem:s8], [sflag:$0x1] =	stream.indirect.gather [hbm4b:s3+s8], $0x20, s2, s8, $0xb8;
	[tilespmem:$0x1080] =	vst v63  }
0x11: {  	_ =	swait.ge [sflag:s9], $0x1000  }
0x12: {  	[sflag:s9] =	ssyncset.done $0x0  }
0x13: {  	[sflag:s9] =	ssyncadd.s32 $0xFFFFF000  }
0x14: {  	[hbm4b:s5+s2] =	stream.linear.scatter [tilespmem:s8], [sflag:$0x2], $0x1000, $0x38;
	[tilespmem:$0x1080] =	vst v63  }
0x15: {  	s12 =	simm.s32 $0x10;
	_ =	swait.ge [sflag:s7], $0x1000  }
0x16: {  	s13 =	simm.s32 $0x20;
	s11 =	sadd.s32 $0x200, s5;
	[sflag:s7] =	ssyncset.done $0x0  }
.LBB2_2:
0x17: {  	s14 =	sadd.s32 s12, s6  }
0x18: {  	[sflag:s7] =	ssyncadd.s32 $0xFFFFF000;
	s12 =	smov.u32 s13;
	s15 =	sadd.s32 $0x10, s13  }
0x19: {  	[tilespmem:s2], [sflag:$0x2] =	stream.linear.gather [hbm4b:s14+s2], $0x80, $0x38;
	[tilespmem:$0x1080] =	vst v63  }
0x1a: {  	p0 =	sne.s32 s13, $0x270;
	_ =	swait.ge [sflag:s7], $0x80  }
0x1b: {  	[sflag:s7] =	ssyncset.done $0x0  }
0x1c: {  	[sflag:s7] =	ssyncadd.s32 $0xFFFFFF80  }
0x1d: {  	[tilespmem:s8], [sflag:$0x1] =	stream.indirect.gather [hbm4b:s3+s8], $0x20, s2, s8, $0xb8;
	[tilespmem:$0x1080] =	vst v63  }
0x1e: {  	_ =	swait.ge [sflag:s9], $0x1000  }
.Ltmp0:
0x1f: {  	[sflag:s9] =	ssyncset.done $0x0;
	(pc) =	sbr.rel @p0 .LBB2_2-.Ltmp0, $4  }
0x20: {  	[sflag:s9] =	ssyncadd.s32 $0xFFFFF000  }
0x21: {  	[hbm4b:s11+s2] =	stream.linear.scatter [tilespmem:s8], [sflag:$0x2], $0x1000, $0x38;
	[tilespmem:$0x1080] =	vst v63  }
0x22: {  	_ =	swait.ge [sflag:s7], $0x1000  }
0x23: {  	s13 =	smov.u32 s15;
	s11 =	sadd.s32 $0x200, s11;
	[sflag:s7] =	ssyncset.done $0x0  }
0x24: {  	s12 =	sadd.s32 s12, s6;
	[sflag:s7] =	ssyncadd.s32 $0xFFFFF000  }
0x25: {  	[tilespmem:s2], [sflag:$0x2] =	stream.linear.gather [hbm4b:s12+s2], $0x80, $0x38;
	[tilespmem:$0x1080] =	vst v63  }
0x26: {  	_ =	swait.ge [sflag:s7], $0x80  }
0x27: {  	[sflag:s7] =	ssyncset.done $0x0  }
0x28: {  	[sflag:s7] =	ssyncadd.s32 $0xFFFFFF80  }
0x29: {  	[tilespmem:s8], [sflag:$0x1] =	stream.indirect.gather [hbm4b:s3+s8], $0x20, s2, s8, $0xb8;
	[tilespmem:$0x1080] =	vst v63  }
0x2a: {  	s10 =	sadd.s32 $0x1, s10;
	_ =	swait.ge [sflag:s9], $0x1000  }
0x2b: {  	p0 =	sne.s32 s10, s4;
	[sflag:s9] =	ssyncset.done $0x0  }
.Ltmp1:
0x2c: {  	[sflag:s9] =	ssyncadd.s32 $0xFFFFF000;
	(pc) =	sbr.rel @p0 .LBB2_1-.Ltmp1, $4  }
0x2d: {  	[hbm4b:s11+s2] =	stream.linear.scatter [tilespmem:s8], [sflag:$0x2], $0x1000, $0x38;
	[tilespmem:$0x1080] =	vst v63  }
0x2e: {  	_ =	swait.ge [sflag:s7], $0x1000  }
0x2f: {  	[sflag:s7] =	ssyncset.done $0x0  }
0x30: {  	[sflag:s7] =	ssyncadd.s32 $0xFFFFF000  }
0x31: {  	_ =	sfence.sel $0x180000  }
0x32: {  	[bflag:$0x0] =	sbarrier.arrive $0xFFFF  }
0x33: {  	p0 =	sne.s32 s1, $0x0;
	_ =	strace $0x90000053  }
0x34: {  	s0 =	sadd.s32 @!p0 $0x100000, s0;
	[bflag:$0x2] =	sbarrier.arrive $0xFFFF  }
0x35: {  	[sflag:s0] =	ssyncadd.tile.s32 @!p0 $0x1;
	_ =	shalt  }
.Lfunc_end2:
_tile_overlayer_lowered:
.L_overlay_start_2:
0x36: {  	(tag) =	ssettag $0x2  }
0x37: {  	s0 =	rddreg [dreg:$0x0];
	s2 =	stileid.u32  }
0x38: {  	s1 =	rddreg [dreg:$0x1];
	p0 =	sne.s32 s2, $0x0  }
0x39: {  	s3 =	rddreg [dreg:$0x2];
	[bflag:$0x3] =	sbarrier.arrive $0xFFFF;
	s2 =	simm.s32 @!p0 $0x1C02  }
0x3a: {  	[timem:s3], [sflag:s2] =	dma.local @!p0 [hbm:s0], s1  }
0x3b: {  	s0 =	simm.s32 @!p0 $0x2  }
0x3c: {  	_ =	swait.ge @!p0 [sflag:s0], s1  }
0x3d: {  	s1 =	ssub.s32 @!p0 $0x0, s1;
	[sflag:s0] =	ssyncset.done @!p0 $0x0  }
0x3e: {  	[sflag:s0] =	ssyncadd.s32 @!p0 s1  }
0x3f: {  	[bflag:$0x3] =	sbarrier.arrive $0xFFFF  }
0x40: {  	_ =	shalt  }

// kernel: kernel.35.cloned.1.call-start
scs
__scs_entry_jumppad:
0x0: {  	(pc) =	sbr.rel $0x88, $3  }
0x1: {  	(tag) =	ssettag $0x0;
	lr =	simm.s32 $0x1  }
0x2: {  	[smem:$0x3F8E] =	sst lr;
	_ =	strace $0xD0000000  }
0x3: {  	_ = 	snop  }
0x4: {  	_ = 	snop  }
0x5: {  	_ = 	snop  }
0x6: {  	_ = 	snop  }
0x7: {  	_ = 	snop  }
__scs_overlays_trampoline_lowered:
0x8: {  	[smem:$0x3F9D] =	sst s0  }
0x9: {  	[smem:$0x3F9E] =	sst s1  }
0xa: {  	[smem:$0x3F9F] =	sst s2  }
0xb: {  	[smem:$0x3FA0] =	sst s3  }
0xc: {  	[smem:$0x3FA1] =	sst s4  }
0xd: {  	[smem:$0x3FA2] =	sst s5  }
0xe: {  	[smem:$0x3FA3] =	sst s6  }
0xf: {  	[smem:$0x3FA4] =	sst s7  }
0x10: {  	[smem:$0x3FA5] =	sst s8  }
0x11: {  	[smem:$0x3FA6] =	sst s9;
	s0 =	simm.s32 @!p0 $0x0  }
0x12: {  	s1 =	sld [smem:$0x3F8C];
	s0 =	simm.s32 @p0 $0x1  }
0x13: {  	[smem:$0x3FA7] =	sst s0;
	s0 =	simm.s32 @!p1 $0x0  }
0x14: {  	s2 =	sld [smem:$0x3F8B];
	s0 =	simm.s32 @p1 $0x1  }
0x15: {  	[smem:$0x3FA8] =	sst s0;
	s0 =	simm.s32 @!p2 $0x0  }
0x16: {  	s3 =	sld [smem:$0x3FDB];
	s0 =	simm.s32 @p2 $0x1  }
0x17: {  	s4 =	simm.s32 $0x1BF5;
	[smem:$0x3FAA] =	sst s0  }
0x18: {  	s0 =	sld [smem:$0x3F8D];
	_ =	swait.ge [sflag:s4], $0x0  }
0x19: {  	s7 =	sld [smem:$0x3F8E]  }
0x1a: {  	s8 =	sadd.s32 $0xFFFFE003, lr  }
0x1b: {  	s9 =	sadd.s32 $0xFFFFFEF7, lr;
	s5 =	simm.s32 $0xFFFFFFFF;
	p2 =	slt.u32 s8, $0xFFFFF086  }
0x1c: {  	p1 =	slt.u32 s9, $0xF7A;
	s5 =	simm.s32 @!p2 $0x0  }
0x1d: {  	s5 =	simm.s32 @p1 $0x1;
	p0 =	seq.s32 s7, s2  }
0x1e: {  	s7 =	smul.u32 @!p0 $0xF7A, s2;
	p2 =	seq.s32 @!p0 s5, $0x0  }
0x1f: {  	s9 =	smul.u32 $0xF7A, s1;
	s8 =	simm.s32 @!p0 $0x1BF5;
	p2 =	por !p2, p0  }
0x20: {  	[sflag:s8] =	ssyncset.s32 @!p0 $0xFFFFF086;
	s6 =	sadd.s32 @!p0 s3, s7;
	s7 =	simm.s32 @!p0 $0x108  }
0x21: {  	s3 =	sadd.s32 s3, s9;
	s6 =	sadd.s32 @!p0 $0x88, s6;
	s7 =	simm.s32 @p2 $0x1082  }
0x22: {  	[simem:s7], [sflag:s8] =	dma.local @!p0 [hbm:s6], $0xF7A  }
0x23: {  	s9 =	sor.u32 $0xD0000000, s2;
	s6 =	simm.s32 $0x108;
	_ =	swait.ge @!p0 [sflag:s8], $0x0  }
0x24: {  	s3 =	sadd.s32 $0x88, s3;
	s6 =	simm.s32 @!p1 $0x1082;
	[sflag:s4] =	ssyncset.s32 $0xFFFFF086  }
0x25: {  	[simem:s6], [sflag:s4] =	dma.local [hbm:s3], $0xF7A  }
0x26: {  	[smem:$0x3F8E] =	sst s1;
	(tag) =	ssettag s2;
	_ =	strace s9  }
0x27: {  	s1 =	sld [smem:$0x3F9E]  }
0x28: {  	s2 =	sld [smem:$0x3F9F]  }
0x29: {  	s4 =	sld [smem:$0x3FA1]  }
0x2a: {  	p0 =	seq.s32 s5, $0x0;
	s5 =	sld [smem:$0x3FA2]  }
0x2b: {  	s6 =	sld [smem:$0x3FA3]  }
0x2c: {  	s7 =	sld [smem:$0x3FA4]  }
0x2d: {  	s3 =	simm.s32 $0x108;
	s8 =	sld [smem:$0x3FA5]  }
0x2e: {  	s3 =	simm.s32 @!p0 $0x1082;
	s9 =	sld [smem:$0x3FA6]  }
0x2f: {  	lr =	sadd.s32 s0, s3;
	s0 =	sld [smem:$0x3F9D]  }
0x30: {  	s3 =	sld [smem:$0x3FA0]  }
0x31: {  	[smem:$0x3FA9] =	sst s10  }
0x32: {  	s10 =	sld [smem:$0x3FA7];
	_ =	sdelay $0x3  }
0x33: {  	p0 =	seq.s32 s10, $0x1;
	s10 =	sld [smem:$0x3FA9];
	_ =	sdelay $0x3  }
0x34: {  	[smem:$0x3FA9] =	sst s10  }
0x35: {  	s10 =	sld [smem:$0x3FA8];
	_ =	sdelay $0x3  }
0x36: {  	p1 =	seq.s32 s10, $0x1;
	s10 =	sld [smem:$0x3FA9];
	_ =	sdelay $0x3  }
0x37: {  	[smem:$0x3FA9] =	sst s10  }
0x38: {  	s10 =	sld [smem:$0x3FAA]  }
0x39: {  	_ = 	snop;
	(pc) =	sbr.ind lr, $3  }
0x3a: {  	_ = 	snop  }
0x3b: {  	_ = 	snop  }
0x3c: {  	p2 =	seq.s32 s10, $0x1;
	s10 =	sld [smem:$0x3FA9]  }
0x3d: {  	_ =	shalt  }
0x3e: {  	_ =	shalt  }
0x3f: {  	_ =	shalt  }
0x40: {  	_ =	shalt  }
0x41: {  	_ =	shalt  }
0x42: {  	_ =	shalt  }
0x43: {  	_ =	shalt  }
0x44: {  	_ =	shalt  }
0x45: {  	_ =	shalt  }
0x46: {  	_ =	shalt  }
0x47: {  	_ =	shalt  }
0x48: {  	_ =	shalt  }
0x49: {  	_ =	shalt  }
0x4a: {  	_ =	shalt  }
0x4b: {  	_ =	shalt  }
0x4c: {  	_ =	shalt  }
0x4d: {  	_ =	shalt  }
0x4e: {  	_ =	shalt  }
0x4f: {  	_ =	shalt  }
0x50: {  	_ =	shalt  }
0x51: {  	_ =	shalt  }
0x52: {  	_ =	shalt  }
0x53: {  	_ =	shalt  }
0x54: {  	_ =	shalt  }
0x55: {  	_ =	shalt  }
0x56: {  	_ =	shalt  }
0x57: {  	_ =	shalt  }
0x58: {  	_ =	shalt  }
0x59: {  	_ =	shalt  }
0x5a: {  	_ =	shalt  }
0x5b: {  	_ =	shalt  }
0x5c: {  	_ =	shalt  }
0x5d: {  	_ =	shalt  }
0x5e: {  	_ =	shalt  }
0x5f: {  	_ =	shalt  }
0x60: {  	_ =	shalt  }
0x61: {  	_ =	shalt  }
0x62: {  	_ =	shalt  }
0x63: {  	_ =	shalt  }
0x64: {  	_ =	shalt  }
0x65: {  	_ =	shalt  }
0x66: {  	_ =	shalt  }
0x67: {  	_ =	shalt  }
0x68: {  	_ =	shalt  }
0x69: {  	_ =	shalt  }
0x6a: {  	_ =	shalt  }
0x6b: {  	_ =	shalt  }
0x6c: {  	_ =	shalt  }
0x6d: {  	_ =	shalt  }
0x6e: {  	_ =	shalt  }
0x6f: {  	_ =	shalt  }
0x70: {  	_ =	shalt  }
0x71: {  	_ =	shalt  }
0x72: {  	_ =	shalt  }
0x73: {  	_ =	shalt  }
0x74: {  	_ =	shalt  }
0x75: {  	_ =	shalt  }
0x76: {  	_ =	shalt  }
0x77: {  	_ =	shalt  }
0x78: {  	_ =	shalt  }
0x79: {  	_ =	shalt  }
0x7a: {  	_ =	shalt  }
0x7b: {  	_ =	shalt  }
0x7c: {  	_ =	shalt  }
0x7d: {  	_ =	shalt  }
0x7e: {  	_ =	shalt  }
0x7f: {  	_ =	shalt  }
0x80: {  	_ =	shalt  }
0x81: {  	_ =	shalt  }
0x82: {  	_ =	shalt  }
0x83: {  	_ =	shalt  }
0x84: {  	_ =	shalt  }
0x85: {  	_ =	shalt  }
0x86: {  	_ =	shalt  }
0x87: {  	_ =	shalt  }
.Lfunc_end0:
.L_simem_size_0:
called_computation.5_lowered:
.L_overlay_start_0:
0x88: {  	s2 =	sld [smem:$0x3FD9]  }
0x89: {  	s3 =	sld [smem:$0x3FFE];
	_ =	sdelay $0x1  }
0x8a: {  	s1 =	srdreg.scid  }
0x8b: {  	s0 =	sand.u32 $0x1, s1  }
0x8c: {  	s16 =	sshll.u32 s0, $0xA;
	s2 =	sadd.s32 s3, s2  }
0x8d: {  	s2 =	sadd.s32 s2, s16  }
0x8e: {  	[smem:$0x3FB5] =	sst s2  }
0x8f: {  	_ = 	snop  }
0x90: {  	(tm) =	ssettm $0x1  }
0x91: {  	s17 =	sld [smem:$0x3FFB];
	_ =	sdelay $0x3  }
0x92: {  	_ =	strace s17  }
0x93: {  	s2 =	sld [smem:$0x3FFC];
	_ =	sdelay $0x3  }
0x94: {  	_ =	strace s2  }
0x95: {  	s2 =	sld [smem:$0x3FFD];
	_ =	sdelay $0x3  }
0x96: {  	_ =	strace s2  }
0x97: {  	_ =	strace $0x8FFFFFFF  }
0x98: {  	s18 =	sld [smem:$0x3FDB];
	_ =	sdelay $0x1  }
0x99: {  	s19 =	simm.s32 $_scs_section_size  }
0x9a: {  	s4 =	simm.s32 $_size__tile_overlayer_lowered;
	s5 =	simm.s32 $_tile_overlayer_lowered  }
0x9b: {  	s22 =	simm.s32 $0x1BFF;
	s21 =	sshll.u32 s5, $0x1;
	s2 =	sadd.s32 s19, s18  }
0x9c: {  	s6 =	simm.s32 $0x0;
	s20 =	sshll.u32 s4, $0x1;
	s4 =	sadd.s32 s21, s2  }
0x9d: {  	[timem:s6], [sflag:s22] =	dma.local [hbm:s4], s20  }
0x9e: {  	_ =	swait.ge [sflag:s22], s20  }
0x9f: {  	s3 =	ssub.s32 $0x0, s20;
	[sflag:s22] =	ssyncset.done $0x0  }
0xa0: {  	[sflag:s22] =	ssyncadd.s32 s3;
	_ =	sdelay $0x1  }
0xa1: {  	s23 =	simm.s32 $0x1B8B  }
0xa2: {  	_ =	swait.ge [sflag:s23], $0x1  }
0xa3: {  	[sflag:s23] =	ssyncset.done $0x0  }
0xa4: {  	s25 =	simm.s32 $0x1B8E;
	s24 =	sld [smem:$0x3FFE];
	[sflag:s23] =	ssyncadd.s32 $0xFFFFFFFF  }
0xa5: {  	s26 =	simm.s32 $execute0_lowered;
	[smem:$0x3FD2] =	sst s25  }
0xa6: {  	s4 =	sshll.u32 s26, $0x1;
	_ =	strace $0x80000055;
	[dreg:$0x1] =	wrdreg $0xFFFFFFFF  }
0xa7: {  	s28 =	simm.s32 $_size_execute0_lowered;
	s2 =	sadd.s32 s2, s4;
	[dreg:$0x0] =	wrdreg $0x0  }
0xa8: {  	s4 =	sshll.u32 s28, $0x1;
	[dreg:$0x2] =	wrdreg s2  }
0xa9: {  	[dreg:$0x3] =	wrdreg s4  }
0xaa: {  	[dreg:$0x4] =	wrdreg $0xC0  }
0xab: {  	_ =	task [dreg:s6], $0x5FFFF  }
0xac: {  	[dreg:$0x1] =	wrdreg $0xFFFFFFFF  }
0xad: {  	[dreg:$0x0] =	wrdreg $0x60  }
0xae: {  	[dreg:$0x2] =	wrdreg s24  }
0xaf: {  	[dreg:$0x3] =	wrdreg $0x40800  }
0xb0: {  	[dreg:$0x4] =	wrdreg $0x9  }
0xb1: {  	_ =	task.clear_ibuf [dreg:s6], $0x5FFFF;
	_ =	strace $0x90000055  }
0xb2: {  	s29 =	simm.s32 $0x9;
	_ =	strace $0x80000057  }
0xb3: {  	_ =	swait.ge [sflag:s29], $0x1  }
0xb4: {  	[sflag:s29] =	ssyncadd.s32 $0xFFFFFFFF  }
0xb5: {  	_ =	strace $0x90000057  }
0xb6: {  	_ =	sfence  }
0xb7: {  	s30 =	sld [smem:$0x0];
	_ =	sdelay $0x2  }
0xb8: {  	s31 =	sshll.u32 s1, $0xD;
	s1 =	sshrl.u32 s1, $0x2  }
0xb9: {  	s3 =	sand.u32 $0x4000, s31;
	s1 =	sadd.s32 s1, s30  }
0xba: {  	s0 =	sor.u32 s3, s0;
	s1 =	sshll.u32 s1, $0x11  }
0xbb: {  	s0 =	sor.u32 s1, s0  }
0xbc: {  	s0 =	sadd.s32 $0x8F2B, s0  }
0xbd: {  	[sflag:s0] =	ssyncadd.remote.s32 $0x1  }
0xbe: {  	_ =	sfence.sel $0xFFFF  }
0xbf: {  	[dreg:$0x0] =	wrdreg $0xFFFFFFFF;
	(pc) =	sbr.abs _section_cstart, $3  }
0xc0: {  	[dreg:$0x1] =	wrdreg $0xFFFFFFFF  }
0xc1: {  	_ =	task.clear_ibuf [dreg:s6], $0x2FFFF;
	_ =	strace $0x9FFFFFFF  }
0xc2: {  	(tm) =	ssettm $0x7FFFFFFF  }
0xc3: {  	_ =	shalt  }
tec
execute0_lowered:
.L_overlay_start_1:
0x0: {  	(tag) =	ssettag $0x1  }
0x1: {  	s0 =	stileid.u32;
	s1 =	srdreg.scid  }
0x2: {  	s5 =	rddreg [dreg:$0x0];
	s4 =	smul.u32 $0x28000, s0  }
0x3: {  	s2 =	rddreg [dreg:$0x1];
	s3 =	simm.s32 $0x0;
	s7 =	smul.u32 $0x2800, s0  }
0x4: {  	s6 =	sand.u32 $0x1, s1;
	s1 =	rddreg [dreg:$0x2];
	s9 =	smul.u32 $0x14000, s0  }
0x5: {  	[smem:$0x7FF] =	sst s3;
	s30 =	sshll.u32 s0, $0x6;
	s8 =	smul.u32 $0x1400, s6  }
0x6: {  	s24 =	smul.u32 $0x140000, s6;
	_ =	strace $0x80000056;
	s28 =	ssub.s32 $0x2, s6  }
0x7: {  	s13 =	smul.u32 $0x14000, s6;
	s10 =	sadd.s32 s4, s5;
	s26 =	sshrl.u32 s9, $0x3  }
0x8: {  	s29 =	sshrl.u32 s28, $0x1;
	s14 =	sadd.s32 s9, s2;
	s7 =	sadd.s32 s8, s7  }
0x9: {  	s25 =	sadd.s32 s9, s24;
	s8 =	ssub.s32 s28, s29;
	s31 =	sadd.s32 s13, s10  }
0xa: {  	s10 =	sshrl.u32 s14, $0x3;
	s13 =	simm.s32 $0x0;
	s7 =	sshrl.u32 s7, $0x3  }
0xb: {  	s4 =	sshrl.u32 s25, $0x3;
	s11 =	sadd.s32 s7, s5;
	s7 =	sadd.s32 s26, s5  }
0xc: {  	s12 =	sadd.s32 s4, s5;
	s5 =	sor.u32 $0x1C01, s30;
	s4 =	sadd.s32 $0x2D800, s7  }
0xd: {  	s6 =	sadd.s32 $0x11E200, s12;
	s7 =	smax.u32 s8, $0x1;
	s8 =	sadd.s32 $0xD3F000, s31  }
0xe: {  	s9 =	sadd.s32 $0x23800, s11;
	s11 =	simm.s32 $0x1;
	s12 =	simm.s32 $0x80  }
.LBB2_1:
0xf: {  	[spmem:s10], [sflag:s5] =	dma.local [hbm:s4], $0x2800  }
0x10: {  	_ =	swait.ge [sflag:s11], $0x2800  }
0x11: {  	[sflag:s11] =	ssyncset.done $0x0  }
0x12: {  	[sflag:s11] =	ssyncadd.s32 $0xFFFFD800  }
0x13: {  	s14 =	sadd.s32 $0x0, s9;
	[bflag:$0x0] =	sbarrier.arrive $0xFFFF  }
0x14: {  	[tilespmem:s3], [sflag:$0x1] =	stream.linear.gather [hbm4b:s14+s3], $0x80, $0x38;
	[tilespmem:$0x18080] =	vst v63  }
0x15: {  	_ =	swait.ge [sflag:s11], $0x80  }
0x16: {  	[sflag:s11] =	ssyncset.done $0x0  }
0x17: {  	[sflag:s11] =	ssyncadd.s32 $0xFFFFFF80  }
0x18: {  	[tilespmem:s12], [sflag:$0x1] =	stream.linear.gather [hbm4b:s8+s3], $0x4000, $0x38;
	[tilespmem:$0x18080] =	vst v63  }
0x19: {  	_ =	swait.ge [sflag:s11], $0x4000  }
0x1a: {  	[sflag:s11] =	ssyncset.done $0x0  }
0x1b: {  	[sflag:s11] =	ssyncadd.s32 $0xFFFFC000  }
0x1c: {  	[spmem:s2] =	stream.indirect.scatter.add.f32 [tilespmem:s12], [sflag:$0x1], $0x80, s3, s12, $0xb8;
	[tilespmem:$0x18080] =	vst v63  }
0x1d: {  	s15 =	simm.s32 $0x10;
	_ =	swait.ge [sflag:s11], $0x4000  }
0x1e: {  	s16 =	simm.s32 $0x20;
	s14 =	sadd.s32 $0x800, s8;
	[sflag:s11] =	ssyncset.done $0x0  }
.LBB2_2:
0x1f: {  	s17 =	sadd.s32 s15, s9  }
0x20: {  	[sflag:s11] =	ssyncadd.s32 $0xFFFFC000;
	s15 =	smov.u32 s16;
	s18 =	sadd.s32 $0x10, s16  }
0x21: {  	[tilespmem:s3], [sflag:$0x1] =	stream.linear.gather [hbm4b:s17+s3], $0x80, $0x38;
	[tilespmem:$0x18080] =	vst v63  }
0x22: {  	p0 =	sne.s32 s16, $0x270;
	_ =	swait.ge [sflag:s11], $0x80  }
0x23: {  	[sflag:s11] =	ssyncset.done $0x0  }
0x24: {  	[sflag:s11] =	ssyncadd.s32 $0xFFFFFF80  }
0x25: {  	[tilespmem:s12], [sflag:$0x1] =	stream.linear.gather [hbm4b:s14+s3], $0x4000, $0x38;
	[tilespmem:$0x18080] =	vst v63  }
0x26: {  	_ =	swait.ge [sflag:s11], $0x4000  }
.Ltmp0:
0x27: {  	[sflag:s11] =	ssyncset.done $0x0;
	(pc) =	sbr.rel @p0 .LBB2_2-.Ltmp0, $4  }
0x28: {  	[sflag:s11] =	ssyncadd.s32 $0xFFFFC000  }
0x29: {  	[spmem:s2] =	stream.indirect.scatter.add.f32 [tilespmem:s12], [sflag:$0x1], $0x80, s3, s12, $0xb8;
	[tilespmem:$0x18080] =	vst v63  }
0x2a: {  	_ =	swait.ge [sflag:s11], $0x4000  }
0x2b: {  	s16 =	smov.u32 s18;
	s14 =	sadd.s32 $0x800, s14;
	[sflag:s11] =	ssyncset.done $0x0  }
0x2c: {  	s15 =	sadd.s32 s15, s9;
	[sflag:s11] =	ssyncadd.s32 $0xFFFFC000  }
0x2d: {  	[tilespmem:s3], [sflag:$0x1] =	stream.linear.gather [hbm4b:s15+s3], $0x80, $0x38;
	[tilespmem:$0x18080] =	vst v63  }
0x2e: {  	_ =	swait.ge [sflag:s11], $0x80  }
0x2f: {  	[sflag:s11] =	ssyncset.done $0x0  }
0x30: {  	[sflag:s11] =	ssyncadd.s32 $0xFFFFFF80  }
0x31: {  	[tilespmem:s12], [sflag:$0x1] =	stream.linear.gather [hbm4b:s14+s3], $0x4000, $0x38;
	[tilespmem:$0x18080] =	vst v63  }
0x32: {  	_ =	swait.ge [sflag:s11], $0x4000  }
0x33: {  	[sflag:s11] =	ssyncset.done $0x0  }
0x34: {  	[sflag:s11] =	ssyncadd.s32 $0xFFFFC000  }
0x35: {  	[spmem:s2] =	stream.indirect.scatter.add.f32 [tilespmem:s12], [sflag:$0x1], $0x80, s3, s12, $0xb8;
	[tilespmem:$0x18080] =	vst v63  }
0x36: {  	_ =	swait.ge [sflag:s11], $0x4000  }
0x37: {  	s13 =	sadd.s32 $0x1, s13;
	[sflag:s11] =	ssyncset.done $0x0  }
0x38: {  	p0 =	sne.s32 s13, s7;
	[sflag:s11] =	ssyncadd.s32 $0xFFFFC000  }
.Ltmp1:
0x39: {  	[bflag:$0x0] =	sbarrier.arrive $0xFFFF;
	(pc) =	sbr.rel @p0 .LBB2_1-.Ltmp1, $4  }
0x3a: {  	[hbm:s6], [sflag:s5] =	dma.local [spmem:s10], $0x2800  }
0x3b: {  	_ =	swait.ge [sflag:s11], $0x2800  }
0x3c: {  	[sflag:s11] =	ssyncset.done $0x0  }
0x3d: {  	[sflag:s11] =	ssyncadd.s32 $0xFFFFD800  }
0x3e: {  	_ =	sfence.sel $0x180000  }
0x3f: {  	[bflag:$0x0] =	sbarrier.arrive $0xFFFF  }
0x40: {  	p0 =	sne.s32 s0, $0x0;
	_ =	strace $0x90000056  }
0x41: {  	s0 =	sadd.s32 @!p0 $0x100000, s1;
	[bflag:$0x2] =	sbarrier.arrive $0xFFFF  }
0x42: {  	[sflag:s0] =	ssyncadd.tile.s32 @!p0 $0x1;
	_ =	shalt  }
.Lfunc_end2:
_tile_overlayer_lowered:
.L_overlay_start_2:
0x43: {  	(tag) =	ssettag $0x2  }
0x44: {  	s0 =	rddreg [dreg:$0x0];
	s2 =	stileid.u32  }
0x45: {  	s1 =	rddreg [dreg:$0x1];
	p0 =	sne.s32 s2, $0x0  }
0x46: {  	s3 =	rddreg [dreg:$0x2];
	[bflag:$0x3] =	sbarrier.arrive $0xFFFF;
	s2 =	simm.s32 @!p0 $0x1C01  }
0x47: {  	[timem:s3], [sflag:s2] =	dma.local @!p0 [hbm:s0], s1  }
0x48: {  	s0 =	simm.s32 @!p0 $0x1  }
0x49: {  	_ =	swait.ge @!p0 [sflag:s0], s1  }
0x4a: {  	s1 =	ssub.s32 @!p0 $0x0, s1;
	[sflag:s0] =	ssyncset.done @!p0 $0x0  }
0x4b: {  	[sflag:s0] =	ssyncadd.s32 @!p0 s1  }
0x4c: {  	[bflag:$0x3] =	sbarrier.arrive $0xFFFF  }
0x4d: {  	_ =	shalt  }

// kernel: kernel.38.cloned.1.call-start
scs
__scs_entry_jumppad:
0x0: {  	(pc) =	sbr.rel $0x88, $3  }
0x1: {  	(tag) =	ssettag $0x0;
	lr =	simm.s32 $0x1  }
0x2: {  	[smem:$0x3F8E] =	sst lr;
	_ =	strace $0xD0000000  }
0x3: {  	_ = 	snop  }
0x4: {  	_ = 	snop  }
0x5: {  	_ = 	snop  }
0x6: {  	_ = 	snop  }
0x7: {  	_ = 	snop  }
__scs_overlays_trampoline_lowered:
0x8: {  	[smem:$0x3F9D] =	sst s0  }
0x9: {  	[smem:$0x3F9E] =	sst s1  }
0xa: {  	[smem:$0x3F9F] =	sst s2  }
0xb: {  	[smem:$0x3FA0] =	sst s3  }
0xc: {  	[smem:$0x3FA1] =	sst s4  }
0xd: {  	[smem:$0x3FA2] =	sst s5  }
0xe: {  	[smem:$0x3FA3] =	sst s6  }
0xf: {  	[smem:$0x3FA4] =	sst s7  }
0x10: {  	[smem:$0x3FA5] =	sst s8  }
0x11: {  	[smem:$0x3FA6] =	sst s9;
	s0 =	simm.s32 @!p0 $0x0  }
0x12: {  	s1 =	sld [smem:$0x3F8C];
	s0 =	simm.s32 @p0 $0x1  }
0x13: {  	[smem:$0x3FA7] =	sst s0;
	s0 =	simm.s32 @!p1 $0x0  }
0x14: {  	s2 =	sld [smem:$0x3F8B];
	s0 =	simm.s32 @p1 $0x1  }
0x15: {  	[smem:$0x3FA8] =	sst s0;
	s0 =	simm.s32 @!p2 $0x0  }
0x16: {  	s3 =	sld [smem:$0x3FDB];
	s0 =	simm.s32 @p2 $0x1  }
0x17: {  	s4 =	simm.s32 $0x1BF5;
	[smem:$0x3FAA] =	sst s0  }
0x18: {  	s0 =	sld [smem:$0x3F8D];
	_ =	swait.ge [sflag:s4], $0x0  }
0x19: {  	s7 =	sld [smem:$0x3F8E]  }
0x1a: {  	s8 =	sadd.s32 $0xFFFFE003, lr  }
0x1b: {  	s9 =	sadd.s32 $0xFFFFFEF7, lr;
	s5 =	simm.s32 $0xFFFFFFFF;
	p2 =	slt.u32 s8, $0xFFFFF086  }
0x1c: {  	p1 =	slt.u32 s9, $0xF7A;
	s5 =	simm.s32 @!p2 $0x0  }
0x1d: {  	s5 =	simm.s32 @p1 $0x1;
	p0 =	seq.s32 s7, s2  }
0x1e: {  	s7 =	smul.u32 @!p0 $0xF7A, s2;
	p2 =	seq.s32 @!p0 s5, $0x0  }
0x1f: {  	s9 =	smul.u32 $0xF7A, s1;
	s8 =	simm.s32 @!p0 $0x1BF5;
	p2 =	por !p2, p0  }
0x20: {  	[sflag:s8] =	ssyncset.s32 @!p0 $0xFFFFF086;
	s6 =	sadd.s32 @!p0 s3, s7;
	s7 =	simm.s32 @!p0 $0x108  }
0x21: {  	s3 =	sadd.s32 s3, s9;
	s6 =	sadd.s32 @!p0 $0x88, s6;
	s7 =	simm.s32 @p2 $0x1082  }
0x22: {  	[simem:s7], [sflag:s8] =	dma.local @!p0 [hbm:s6], $0xF7A  }
0x23: {  	s9 =	sor.u32 $0xD0000000, s2;
	s6 =	simm.s32 $0x108;
	_ =	swait.ge @!p0 [sflag:s8], $0x0  }
0x24: {  	s3 =	sadd.s32 $0x88, s3;
	s6 =	simm.s32 @!p1 $0x1082;
	[sflag:s4] =	ssyncset.s32 $0xFFFFF086  }
0x25: {  	[simem:s6], [sflag:s4] =	dma.local [hbm:s3], $0xF7A  }
0x26: {  	[smem:$0x3F8E] =	sst s1;
	(tag) =	ssettag s2;
	_ =	strace s9  }
0x27: {  	s1 =	sld [smem:$0x3F9E]  }
0x28: {  	s2 =	sld [smem:$0x3F9F]  }
0x29: {  	s4 =	sld [smem:$0x3FA1]  }
0x2a: {  	p0 =	seq.s32 s5, $0x0;
	s5 =	sld [smem:$0x3FA2]  }
0x2b: {  	s6 =	sld [smem:$0x3FA3]  }
0x2c: {  	s7 =	sld [smem:$0x3FA4]  }
0x2d: {  	s3 =	simm.s32 $0x108;
	s8 =	sld [smem:$0x3FA5]  }
0x2e: {  	s3 =	simm.s32 @!p0 $0x1082;
	s9 =	sld [smem:$0x3FA6]  }
0x2f: {  	lr =	sadd.s32 s0, s3;
	s0 =	sld [smem:$0x3F9D]  }
0x30: {  	s3 =	sld [smem:$0x3FA0]  }
0x31: {  	[smem:$0x3FA9] =	sst s10  }
0x32: {  	s10 =	sld [smem:$0x3FA7];
	_ =	sdelay $0x3  }
0x33: {  	p0 =	seq.s32 s10, $0x1;
	s10 =	sld [smem:$0x3FA9];
	_ =	sdelay $0x3  }
0x34: {  	[smem:$0x3FA9] =	sst s10  }
0x35: {  	s10 =	sld [smem:$0x3FA8];
	_ =	sdelay $0x3  }
0x36: {  	p1 =	seq.s32 s10, $0x1;
	s10 =	sld [smem:$0x3FA9];
	_ =	sdelay $0x3  }
0x37: {  	[smem:$0x3FA9] =	sst s10  }
0x38: {  	s10 =	sld [smem:$0x3FAA]  }
0x39: {  	_ = 	snop;
	(pc) =	sbr.ind lr, $3  }
0x3a: {  	_ = 	snop  }
0x3b: {  	_ = 	snop  }
0x3c: {  	p2 =	seq.s32 s10, $0x1;
	s10 =	sld [smem:$0x3FA9]  }
0x3d: {  	_ =	shalt  }
0x3e: {  	_ =	shalt  }
0x3f: {  	_ =	shalt  }
0x40: {  	_ =	shalt  }
0x41: {  	_ =	shalt  }
0x42: {  	_ =	shalt  }
0x43: {  	_ =	shalt  }
0x44: {  	_ =	shalt  }
0x45: {  	_ =	shalt  }
0x46: {  	_ =	shalt  }
0x47: {  	_ =	shalt  }
0x48: {  	_ =	shalt  }
0x49: {  	_ =	shalt  }
0x4a: {  	_ =	shalt  }
0x4b: {  	_ =	shalt  }
0x4c: {  	_ =	shalt  }
0x4d: {  	_ =	shalt  }
0x4e: {  	_ =	shalt  }
0x4f: {  	_ =	shalt  }
0x50: {  	_ =	shalt  }
0x51: {  	_ =	shalt  }
0x52: {  	_ =	shalt  }
0x53: {  	_ =	shalt  }
0x54: {  	_ =	shalt  }
0x55: {  	_ =	shalt  }
0x56: {  	_ =	shalt  }
0x57: {  	_ =	shalt  }
0x58: {  	_ =	shalt  }
0x59: {  	_ =	shalt  }
0x5a: {  	_ =	shalt  }
0x5b: {  	_ =	shalt  }
0x5c: {  	_ =	shalt  }
0x5d: {  	_ =	shalt  }
0x5e: {  	_ =	shalt  }
0x5f: {  	_ =	shalt  }
0x60: {  	_ =	shalt  }
0x61: {  	_ =	shalt  }
0x62: {  	_ =	shalt  }
0x63: {  	_ =	shalt  }
0x64: {  	_ =	shalt  }
0x65: {  	_ =	shalt  }
0x66: {  	_ =	shalt  }
0x67: {  	_ =	shalt  }
0x68: {  	_ =	shalt  }
0x69: {  	_ =	shalt  }
0x6a: {  	_ =	shalt  }
0x6b: {  	_ =	shalt  }
0x6c: {  	_ =	shalt  }
0x6d: {  	_ =	shalt  }
0x6e: {  	_ =	shalt  }
0x6f: {  	_ =	shalt  }
0x70: {  	_ =	shalt  }
0x71: {  	_ =	shalt  }
0x72: {  	_ =	shalt  }
0x73: {  	_ =	shalt  }
0x74: {  	_ =	shalt  }
0x75: {  	_ =	shalt  }
0x76: {  	_ =	shalt  }
0x77: {  	_ =	shalt  }
0x78: {  	_ =	shalt  }
0x79: {  	_ =	shalt  }
0x7a: {  	_ =	shalt  }
0x7b: {  	_ =	shalt  }
0x7c: {  	_ =	shalt  }
0x7d: {  	_ =	shalt  }
0x7e: {  	_ =	shalt  }
0x7f: {  	_ =	shalt  }
0x80: {  	_ =	shalt  }
0x81: {  	_ =	shalt  }
0x82: {  	_ =	shalt  }
0x83: {  	_ =	shalt  }
0x84: {  	_ =	shalt  }
0x85: {  	_ =	shalt  }
0x86: {  	_ =	shalt  }
0x87: {  	_ =	shalt  }
.Lfunc_end0:
.L_simem_size_0:
called_computation.6_lowered:
.L_overlay_start_0:
0x88: {  	s2 =	sld [smem:$0x3FD9]  }
0x89: {  	s3 =	sld [smem:$0x3FFE];
	_ =	sdelay $0x1  }
0x8a: {  	s1 =	srdreg.scid  }
0x8b: {  	s0 =	sand.u32 $0x1, s1  }
0x8c: {  	s16 =	sshll.u32 s0, $0xA;
	s2 =	sadd.s32 s3, s2  }
0x8d: {  	s2 =	sadd.s32 s2, s16  }
0x8e: {  	[smem:$0x3FB5] =	sst s2  }
0x8f: {  	_ = 	snop  }
0x90: {  	(tm) =	ssettm $0x1  }
0x91: {  	s17 =	sld [smem:$0x3FFB];
	_ =	sdelay $0x3  }
0x92: {  	_ =	strace s17  }
0x93: {  	s2 =	sld [smem:$0x3FFC];
	_ =	sdelay $0x3  }
0x94: {  	_ =	strace s2  }
0x95: {  	s2 =	sld [smem:$0x3FFD];
	_ =	sdelay $0x3  }
0x96: {  	_ =	strace s2  }
0x97: {  	_ =	strace $0x8FFFFFFF  }
0x98: {  	s18 =	sld [smem:$0x3FDB];
	_ =	sdelay $0x1  }
0x99: {  	s19 =	simm.s32 $_scs_section_size  }
0x9a: {  	s4 =	simm.s32 $_size__tile_overlayer_lowered;
	s5 =	simm.s32 $_tile_overlayer_lowered  }
0x9b: {  	s22 =	simm.s32 $0x1BFF;
	s21 =	sshll.u32 s5, $0x1;
	s2 =	sadd.s32 s19, s18  }
0x9c: {  	s6 =	simm.s32 $0x0;
	s20 =	sshll.u32 s4, $0x1;
	s4 =	sadd.s32 s21, s2  }
0x9d: {  	[timem:s6], [sflag:s22] =	dma.local [hbm:s4], s20  }
0x9e: {  	_ =	swait.ge [sflag:s22], s20  }
0x9f: {  	s3 =	ssub.s32 $0x0, s20;
	[sflag:s22] =	ssyncset.done $0x0  }
0xa0: {  	[sflag:s22] =	ssyncadd.s32 s3;
	_ =	sdelay $0x1  }
0xa1: {  	s23 =	simm.s32 $0x1B8B  }
0xa2: {  	_ =	swait.ge [sflag:s23], $0x1  }
0xa3: {  	[sflag:s23] =	ssyncset.done $0x0  }
0xa4: {  	s25 =	simm.s32 $0x1B8E;
	s24 =	sld [smem:$0x3FFE];
	[sflag:s23] =	ssyncadd.s32 $0xFFFFFFFF  }
0xa5: {  	s26 =	simm.s32 $execute0_lowered;
	[smem:$0x3FD2] =	sst s25  }
0xa6: {  	s4 =	sshll.u32 s26, $0x1;
	_ =	strace $0x80000058;
	[dreg:$0x1] =	wrdreg $0xFFFFFFFF  }
0xa7: {  	s28 =	simm.s32 $_size_execute0_lowered;
	s2 =	sadd.s32 s2, s4;
	[dreg:$0x0] =	wrdreg $0x0  }
0xa8: {  	s4 =	sshll.u32 s28, $0x1;
	[dreg:$0x2] =	wrdreg s2  }
0xa9: {  	[dreg:$0x3] =	wrdreg s4  }
0xaa: {  	[dreg:$0x4] =	wrdreg $0xC0  }
0xab: {  	_ =	task [dreg:s6], $0x5FFFF  }
0xac: {  	[dreg:$0x1] =	wrdreg $0xFFFFFFFF  }
0xad: {  	[dreg:$0x0] =	wrdreg $0x60  }
0xae: {  	[dreg:$0x2] =	wrdreg s24  }
0xaf: {  	[dreg:$0x3] =	wrdreg $0x9  }
0xb0: {  	_ =	task.clear_ibuf [dreg:s6], $0x4FFFF;
	_ =	strace $0x90000058  }
0xb1: {  	s29 =	simm.s32 $0x9;
	_ =	strace $0x8000005A  }
0xb2: {  	_ =	swait.ge [sflag:s29], $0x1  }
0xb3: {  	[sflag:s29] =	ssyncadd.s32 $0xFFFFFFFF  }
0xb4: {  	_ =	strace $0x9000005A  }
0xb5: {  	_ =	sfence  }
0xb6: {  	s30 =	sld [smem:$0x0];
	_ =	sdelay $0x2  }
0xb7: {  	s31 =	sshll.u32 s1, $0xD;
	s1 =	sshrl.u32 s1, $0x2  }
0xb8: {  	s3 =	sand.u32 $0x4000, s31;
	s1 =	sadd.s32 s1, s30  }
0xb9: {  	s0 =	sor.u32 s3, s0;
	s1 =	sshll.u32 s1, $0x11  }
0xba: {  	s0 =	sor.u32 s1, s0  }
0xbb: {  	s0 =	sadd.s32 $0x8F2B, s0  }
0xbc: {  	[sflag:s0] =	ssyncadd.remote.s32 $0x1  }
0xbd: {  	_ =	sfence.sel $0xFFFF  }
0xbe: {  	[dreg:$0x0] =	wrdreg $0xFFFFFFFF;
	(pc) =	sbr.abs _section_cstart, $3  }
0xbf: {  	[dreg:$0x1] =	wrdreg $0xFFFFFFFF  }
0xc0: {  	_ =	task.clear_ibuf [dreg:s6], $0x2FFFF;
	_ =	strace $0x9FFFFFFF  }
0xc1: {  	(tm) =	ssettm $0x7FFFFFFF  }
tec
execute0_lowered:
.L_overlay_start_1:
0x0: {  	(tag) =	ssettag $0x1  }
0x1: {  	s4 =	rddreg [dreg:$0x0]  }
0x2: {  	s0 =	rddreg [dreg:$0x1];
	s2 =	simm.s32 $0x0;
	s1 =	stileid.u32  }
0x3: {  	s3 =	srdreg.scid;
	s10 =	simm.s32 $0x0;
	s6 =	smul.u32 $0x2800, s1  }
0x4: {  	[smem:$0x7FF] =	sst s2;
	s5 =	sand.u32 $0x1, s3;
	s8 =	smul.u32 $0x28000, s1  }
0x5: {  	s3 =	sadd.s32 $0x2D800, s4;
	s7 =	smul.u32 $0x1400, s5;
	s9 =	ssub.s32 $0x2, s5  }
0x6: {  	_ =	strace $0x80000059;
	s5 =	smul.u32 $0x14000, s5;
	s31 =	sshrl.u32 s9, $0x1  }
0x7: {  	s8 =	sadd.s32 s8, s4;
	s6 =	sadd.s32 s7, s6;
	s7 =	ssub.s32 s9, s31  }
0x8: {  	s5 =	sadd.s32 s5, s8;
	s8 =	simm.s32 $0x80;
	s6 =	sshrl.u32 s6, $0x3  }
0x9: {  	s9 =	simm.s32 $0x1;
	s5 =	sadd.s32 $0x83F000, s5;
	s6 =	sadd.s32 s6, s4  }
0xa: {  	s4 =	smax.u32 s7, $0x1;
	s7 =	simm.s32 $0x2;
	s6 =	sadd.s32 $0x28800, s6  }
.LBB2_1:
0xb: {  	s11 =	sadd.s32 $0x0, s6  }
0xc: {  	[tilespmem:s2], [sflag:$0x2] =	stream.linear.gather [hbm4b:s11+s2], $0x80, $0x38;
	[tilespmem:$0x4080] =	vst v63  }
0xd: {  	_ =	swait.ge [sflag:s7], $0x80  }
0xe: {  	[sflag:s7] =	ssyncset.done $0x0  }
0xf: {  	[sflag:s7] =	ssyncadd.s32 $0xFFFFFF80  }
0x10: {  	[tilespmem:s8], [sflag:$0x1] =	stream.indirect.gather [hbm4b:s3+s8], $0x80, s2, s8, $0xb8;
	[tilespmem:$0x4080] =	vst v63  }
0x11: {  	_ =	swait.ge [sflag:s9], $0x4000  }
0x12: {  	[sflag:s9] =	ssyncset.done $0x0  }
0x13: {  	[sflag:s9] =	ssyncadd.s32 $0xFFFFC000  }
0x14: {  	[hbm4b:s5+s2] =	stream.linear.scatter [tilespmem:s8], [sflag:$0x2], $0x4000, $0x38;
	[tilespmem:$0x4080] =	vst v63  }
0x15: {  	s12 =	simm.s32 $0x10;
	_ =	swait.ge [sflag:s7], $0x4000  }
0x16: {  	s13 =	simm.s32 $0x20;
	s11 =	sadd.s32 $0x800, s5;
	[sflag:s7] =	ssyncset.done $0x0  }
.LBB2_2:
0x17: {  	s14 =	sadd.s32 s12, s6  }
0x18: {  	[sflag:s7] =	ssyncadd.s32 $0xFFFFC000;
	s12 =	smov.u32 s13;
	s15 =	sadd.s32 $0x10, s13  }
0x19: {  	[tilespmem:s2], [sflag:$0x2] =	stream.linear.gather [hbm4b:s14+s2], $0x80, $0x38;
	[tilespmem:$0x4080] =	vst v63  }
0x1a: {  	p0 =	sne.s32 s13, $0x270;
	_ =	swait.ge [sflag:s7], $0x80  }
0x1b: {  	[sflag:s7] =	ssyncset.done $0x0  }
0x1c: {  	[sflag:s7] =	ssyncadd.s32 $0xFFFFFF80  }
0x1d: {  	[tilespmem:s8], [sflag:$0x1] =	stream.indirect.gather [hbm4b:s3+s8], $0x80, s2, s8, $0xb8;
	[tilespmem:$0x4080] =	vst v63  }
0x1e: {  	_ =	swait.ge [sflag:s9], $0x4000  }
.Ltmp0:
0x1f: {  	[sflag:s9] =	ssyncset.done $0x0;
	(pc) =	sbr.rel @p0 .LBB2_2-.Ltmp0, $4  }
0x20: {  	[sflag:s9] =	ssyncadd.s32 $0xFFFFC000  }
0x21: {  	[hbm4b:s11+s2] =	stream.linear.scatter [tilespmem:s8], [sflag:$0x2], $0x4000, $0x38;
	[tilespmem:$0x4080] =	vst v63  }
0x22: {  	_ =	swait.ge [sflag:s7], $0x4000  }
0x23: {  	s13 =	smov.u32 s15;
	s11 =	sadd.s32 $0x800, s11;
	[sflag:s7] =	ssyncset.done $0x0  }
0x24: {  	s12 =	sadd.s32 s12, s6;
	[sflag:s7] =	ssyncadd.s32 $0xFFFFC000  }
0x25: {  	[tilespmem:s2], [sflag:$0x2] =	stream.linear.gather [hbm4b:s12+s2], $0x80, $0x38;
	[tilespmem:$0x4080] =	vst v63  }
0x26: {  	_ =	swait.ge [sflag:s7], $0x80  }
0x27: {  	[sflag:s7] =	ssyncset.done $0x0  }
0x28: {  	[sflag:s7] =	ssyncadd.s32 $0xFFFFFF80  }
0x29: {  	[tilespmem:s8], [sflag:$0x1] =	stream.indirect.gather [hbm4b:s3+s8], $0x80, s2, s8, $0xb8;
	[tilespmem:$0x4080] =	vst v63  }
0x2a: {  	s10 =	sadd.s32 $0x1, s10;
	_ =	swait.ge [sflag:s9], $0x4000  }
0x2b: {  	p0 =	sne.s32 s10, s4;
	[sflag:s9] =	ssyncset.done $0x0  }
.Ltmp1:
0x2c: {  	[sflag:s9] =	ssyncadd.s32 $0xFFFFC000;
	(pc) =	sbr.rel @p0 .LBB2_1-.Ltmp1, $4  }
0x2d: {  	[hbm4b:s11+s2] =	stream.linear.scatter [tilespmem:s8], [sflag:$0x2], $0x4000, $0x38;
	[tilespmem:$0x4080] =	vst v63  }
0x2e: {  	_ =	swait.ge [sflag:s7], $0x4000  }
0x2f: {  	[sflag:s7] =	ssyncset.done $0x0  }
0x30: {  	[sflag:s7] =	ssyncadd.s32 $0xFFFFC000  }
0x31: {  	_ =	sfence.sel $0x180000  }
0x32: {  	[bflag:$0x0] =	sbarrier.arrive $0xFFFF  }
0x33: {  	p0 =	sne.s32 s1, $0x0;
	_ =	strace $0x90000059  }
0x34: {  	s0 =	sadd.s32 @!p0 $0x100000, s0;
	[bflag:$0x2] =	sbarrier.arrive $0xFFFF  }
0x35: {  	[sflag:s0] =	ssyncadd.tile.s32 @!p0 $0x1;
	_ =	shalt  }
.Lfunc_end2:
_tile_overlayer_lowered:
.L_overlay_start_2:
0x36: {  	(tag) =	ssettag $0x2  }
0x37: {  	s0 =	rddreg [dreg:$0x0];
	s2 =	stileid.u32  }
0x38: {  	s1 =	rddreg [dreg:$0x1];
	p0 =	sne.s32 s2, $0x0  }
0x39: {  	s3 =	rddreg [dreg:$0x2];
	[bflag:$0x3] =	sbarrier.arrive $0xFFFF;
	s2 =	simm.s32 @!p0 $0x1C02  }
0x3a: {  	[timem:s3], [sflag:s2] =	dma.local @!p0 [hbm:s0], s1  }
0x3b: {  	s0 =	simm.s32 @!p0 $0x2  }
0x3c: {  	_ =	swait.ge @!p0 [sflag:s0], s1  }
0x3d: {  	s1 =	ssub.s32 @!p0 $0x0, s1;
	[sflag:s0] =	ssyncset.done @!p0 $0x0  }
0x3e: {  	[sflag:s0] =	ssyncadd.s32 @!p0 s1  }
0x3f: {  	[bflag:$0x3] =	sbarrier.arrive $0xFFFF  }
0x40: {  	_ =	shalt  }

// kernel: kernel.41.cloned.1.call-start
scs
__scs_entry_jumppad:
0x0: {  	(pc) =	sbr.rel $0x88, $3  }
0x1: {  	(tag) =	ssettag $0x0;
	lr =	simm.s32 $0x1  }
0x2: {  	[smem:$0x3F8E] =	sst lr;
	_ =	strace $0xD0000000  }
0x3: {  	_ = 	snop  }
0x4: {  	_ = 	snop  }
0x5: {  	_ = 	snop  }
0x6: {  	_ = 	snop  }
0x7: {  	_ = 	snop  }
__scs_overlays_trampoline_lowered:
0x8: {  	[smem:$0x3F9D] =	sst s0  }
0x9: {  	[smem:$0x3F9E] =	sst s1  }
0xa: {  	[smem:$0x3F9F] =	sst s2  }
0xb: {  	[smem:$0x3FA0] =	sst s3  }
0xc: {  	[smem:$0x3FA1] =	sst s4  }
0xd: {  	[smem:$0x3FA2] =	sst s5  }
0xe: {  	[smem:$0x3FA3] =	sst s6  }
0xf: {  	[smem:$0x3FA4] =	sst s7  }
0x10: {  	[smem:$0x3FA5] =	sst s8  }
0x11: {  	[smem:$0x3FA6] =	sst s9;
	s0 =	simm.s32 @!p0 $0x0  }
0x12: {  	s1 =	sld [smem:$0x3F8C];
	s0 =	simm.s32 @p0 $0x1  }
0x13: {  	[smem:$0x3FA7] =	sst s0;
	s0 =	simm.s32 @!p1 $0x0  }
0x14: {  	s2 =	sld [smem:$0x3F8B];
	s0 =	simm.s32 @p1 $0x1  }
0x15: {  	[smem:$0x3FA8] =	sst s0;
	s0 =	simm.s32 @!p2 $0x0  }
0x16: {  	s3 =	sld [smem:$0x3FDB];
	s0 =	simm.s32 @p2 $0x1  }
0x17: {  	s4 =	simm.s32 $0x1BF5;
	[smem:$0x3FAA] =	sst s0  }
0x18: {  	s0 =	sld [smem:$0x3F8D];
	_ =	swait.ge [sflag:s4], $0x0  }
0x19: {  	s7 =	sld [smem:$0x3F8E]  }
0x1a: {  	s8 =	sadd.s32 $0xFFFFE003, lr  }
0x1b: {  	s9 =	sadd.s32 $0xFFFFFEF7, lr;
	s5 =	simm.s32 $0xFFFFFFFF;
	p2 =	slt.u32 s8, $0xFFFFF086  }
0x1c: {  	p1 =	slt.u32 s9, $0xF7A;
	s5 =	simm.s32 @!p2 $0x0  }
0x1d: {  	s5 =	simm.s32 @p1 $0x1;
	p0 =	seq.s32 s7, s2  }
0x1e: {  	s7 =	smul.u32 @!p0 $0xF7A, s2;
	p2 =	seq.s32 @!p0 s5, $0x0  }
0x1f: {  	s9 =	smul.u32 $0xF7A, s1;
	s8 =	simm.s32 @!p0 $0x1BF5;
	p2 =	por !p2, p0  }
0x20: {  	[sflag:s8] =	ssyncset.s32 @!p0 $0xFFFFF086;
	s6 =	sadd.s32 @!p0 s3, s7;
	s7 =	simm.s32 @!p0 $0x108  }
0x21: {  	s3 =	sadd.s32 s3, s9;
	s6 =	sadd.s32 @!p0 $0x88, s6;
	s7 =	simm.s32 @p2 $0x1082  }
0x22: {  	[simem:s7], [sflag:s8] =	dma.local @!p0 [hbm:s6], $0xF7A  }
0x23: {  	s9 =	sor.u32 $0xD0000000, s2;
	s6 =	simm.s32 $0x108;
	_ =	swait.ge @!p0 [sflag:s8], $0x0  }
0x24: {  	s3 =	sadd.s32 $0x88, s3;
	s6 =	simm.s32 @!p1 $0x1082;
	[sflag:s4] =	ssyncset.s32 $0xFFFFF086  }
0x25: {  	[simem:s6], [sflag:s4] =	dma.local [hbm:s3], $0xF7A  }
0x26: {  	[smem:$0x3F8E] =	sst s1;
	(tag) =	ssettag s2;
	_ =	strace s9  }
0x27: {  	s1 =	sld [smem:$0x3F9E]  }
0x28: {  	s2 =	sld [smem:$0x3F9F]  }
0x29: {  	s4 =	sld [smem:$0x3FA1]  }
0x2a: {  	p0 =	seq.s32 s5, $0x0;
	s5 =	sld [smem:$0x3FA2]  }
0x2b: {  	s6 =	sld [smem:$0x3FA3]  }
0x2c: {  	s7 =	sld [smem:$0x3FA4]  }
0x2d: {  	s3 =	simm.s32 $0x108;
	s8 =	sld [smem:$0x3FA5]  }
0x2e: {  	s3 =	simm.s32 @!p0 $0x1082;
	s9 =	sld [smem:$0x3FA6]  }
0x2f: {  	lr =	sadd.s32 s0, s3;
	s0 =	sld [smem:$0x3F9D]  }
0x30: {  	s3 =	sld [smem:$0x3FA0]  }
0x31: {  	[smem:$0x3FA9] =	sst s10  }
0x32: {  	s10 =	sld [smem:$0x3FA7];
	_ =	sdelay $0x3  }
0x33: {  	p0 =	seq.s32 s10, $0x1;
	s10 =	sld [smem:$0x3FA9];
	_ =	sdelay $0x3  }
0x34: {  	[smem:$0x3FA9] =	sst s10  }
0x35: {  	s10 =	sld [smem:$0x3FA8];
	_ =	sdelay $0x3  }
0x36: {  	p1 =	seq.s32 s10, $0x1;
	s10 =	sld [smem:$0x3FA9];
	_ =	sdelay $0x3  }
0x37: {  	[smem:$0x3FA9] =	sst s10  }
0x38: {  	s10 =	sld [smem:$0x3FAA]  }
0x39: {  	_ = 	snop;
	(pc) =	sbr.ind lr, $3  }
0x3a: {  	_ = 	snop  }
0x3b: {  	_ = 	snop  }
0x3c: {  	p2 =	seq.s32 s10, $0x1;
	s10 =	sld [smem:$0x3FA9]  }
0x3d: {  	_ =	shalt  }
0x3e: {  	_ =	shalt  }
0x3f: {  	_ =	shalt  }
0x40: {  	_ =	shalt  }
0x41: {  	_ =	shalt  }
0x42: {  	_ =	shalt  }
0x43: {  	_ =	shalt  }
0x44: {  	_ =	shalt  }
0x45: {  	_ =	shalt  }
0x46: {  	_ =	shalt  }
0x47: {  	_ =	shalt  }
0x48: {  	_ =	shalt  }
0x49: {  	_ =	shalt  }
0x4a: {  	_ =	shalt  }
0x4b: {  	_ =	shalt  }
0x4c: {  	_ =	shalt  }
0x4d: {  	_ =	shalt  }
0x4e: {  	_ =	shalt  }
0x4f: {  	_ =	shalt  }
0x50: {  	_ =	shalt  }
0x51: {  	_ =	shalt  }
0x52: {  	_ =	shalt  }
0x53: {  	_ =	shalt  }
0x54: {  	_ =	shalt  }
0x55: {  	_ =	shalt  }
0x56: {  	_ =	shalt  }
0x57: {  	_ =	shalt  }
0x58: {  	_ =	shalt  }
0x59: {  	_ =	shalt  }
0x5a: {  	_ =	shalt  }
0x5b: {  	_ =	shalt  }
0x5c: {  	_ =	shalt  }
0x5d: {  	_ =	shalt  }
0x5e: {  	_ =	shalt  }
0x5f: {  	_ =	shalt  }
0x60: {  	_ =	shalt  }
0x61: {  	_ =	shalt  }
0x62: {  	_ =	shalt  }
0x63: {  	_ =	shalt  }
0x64: {  	_ =	shalt  }
0x65: {  	_ =	shalt  }
0x66: {  	_ =	shalt  }
0x67: {  	_ =	shalt  }
0x68: {  	_ =	shalt  }
0x69: {  	_ =	shalt  }
0x6a: {  	_ =	shalt  }
0x6b: {  	_ =	shalt  }
0x6c: {  	_ =	shalt  }
0x6d: {  	_ =	shalt  }
0x6e: {  	_ =	shalt  }
0x6f: {  	_ =	shalt  }
0x70: {  	_ =	shalt  }
0x71: {  	_ =	shalt  }
0x72: {  	_ =	shalt  }
0x73: {  	_ =	shalt  }
0x74: {  	_ =	shalt  }
0x75: {  	_ =	shalt  }
0x76: {  	_ =	shalt  }
0x77: {  	_ =	shalt  }
0x78: {  	_ =	shalt  }
0x79: {  	_ =	shalt  }
0x7a: {  	_ =	shalt  }
0x7b: {  	_ =	shalt  }
0x7c: {  	_ =	shalt  }
0x7d: {  	_ =	shalt  }
0x7e: {  	_ =	shalt  }
0x7f: {  	_ =	shalt  }
0x80: {  	_ =	shalt  }
0x81: {  	_ =	shalt  }
0x82: {  	_ =	shalt  }
0x83: {  	_ =	shalt  }
0x84: {  	_ =	shalt  }
0x85: {  	_ =	shalt  }
0x86: {  	_ =	shalt  }
0x87: {  	_ =	shalt  }
.Lfunc_end0:
.L_simem_size_0:
called_computation.7_lowered:
.L_overlay_start_0:
0x88: {  	s2 =	sld [smem:$0x3FD9]  }
0x89: {  	s3 =	sld [smem:$0x3FFE];
	_ =	sdelay $0x1  }
0x8a: {  	s1 =	srdreg.scid  }
0x8b: {  	s0 =	sand.u32 $0x1, s1  }
0x8c: {  	s16 =	sshll.u32 s0, $0xA;
	s2 =	sadd.s32 s3, s2  }
0x8d: {  	s2 =	sadd.s32 s2, s16  }
0x8e: {  	[smem:$0x3FB5] =	sst s2  }
0x8f: {  	_ = 	snop  }
0x90: {  	(tm) =	ssettm $0x1  }
0x91: {  	s17 =	sld [smem:$0x3FFB];
	_ =	sdelay $0x3  }
0x92: {  	_ =	strace s17  }
0x93: {  	s2 =	sld [smem:$0x3FFC];
	_ =	sdelay $0x3  }
0x94: {  	_ =	strace s2  }
0x95: {  	s2 =	sld [smem:$0x3FFD];
	_ =	sdelay $0x3  }
0x96: {  	_ =	strace s2  }
0x97: {  	_ =	strace $0x8FFFFFFF  }
0x98: {  	s18 =	sld [smem:$0x3FDB];
	_ =	sdelay $0x1  }
0x99: {  	s19 =	simm.s32 $_scs_section_size  }
0x9a: {  	s4 =	simm.s32 $_size__tile_overlayer_lowered;
	s5 =	simm.s32 $_tile_overlayer_lowered  }
0x9b: {  	s22 =	simm.s32 $0x1BFF;
	s21 =	sshll.u32 s5, $0x1;
	s2 =	sadd.s32 s19, s18  }
0x9c: {  	s6 =	simm.s32 $0x0;
	s20 =	sshll.u32 s4, $0x1;
	s4 =	sadd.s32 s21, s2  }
0x9d: {  	[timem:s6], [sflag:s22] =	dma.local [hbm:s4], s20  }
0x9e: {  	_ =	swait.ge [sflag:s22], s20  }
0x9f: {  	s3 =	ssub.s32 $0x0, s20;
	[sflag:s22] =	ssyncset.done $0x0  }
0xa0: {  	[sflag:s22] =	ssyncadd.s32 s3;
	_ =	sdelay $0x1  }
0xa1: {  	s23 =	simm.s32 $0x1B8B  }
0xa2: {  	_ =	swait.ge [sflag:s23], $0x1  }
0xa3: {  	[sflag:s23] =	ssyncset.done $0x0  }
0xa4: {  	s25 =	simm.s32 $0x1B8E;
	s24 =	sld [smem:$0x3FFE];
	[sflag:s23] =	ssyncadd.s32 $0xFFFFFFFF  }
0xa5: {  	s26 =	simm.s32 $execute0_lowered;
	[smem:$0x3FD2] =	sst s25  }
0xa6: {  	s4 =	sshll.u32 s26, $0x1;
	_ =	strace $0x8000005B;
	[dreg:$0x1] =	wrdreg $0xFFFFFFFF  }
0xa7: {  	s28 =	simm.s32 $_size_execute0_lowered;
	s2 =	sadd.s32 s2, s4;
	[dreg:$0x0] =	wrdreg $0x0  }
0xa8: {  	s4 =	sshll.u32 s28, $0x1;
	[dreg:$0x2] =	wrdreg s2  }
0xa9: {  	[dreg:$0x3] =	wrdreg s4  }
0xaa: {  	[dreg:$0x4] =	wrdreg $0xC0  }
0xab: {  	_ =	task [dreg:s6], $0x5FFFF  }
0xac: {  	[dreg:$0x1] =	wrdreg $0xFFFFFFFF  }
0xad: {  	[dreg:$0x0] =	wrdreg $0x60  }
0xae: {  	[dreg:$0x2] =	wrdreg s24  }
0xaf: {  	[dreg:$0x3] =	wrdreg $0x8800  }
0xb0: {  	[dreg:$0x4] =	wrdreg $0x9  }
0xb1: {  	_ =	task.clear_ibuf [dreg:s6], $0x5FFFF;
	_ =	strace $0x9000005B  }
0xb2: {  	s29 =	simm.s32 $0x9;
	_ =	strace $0x8000005D  }
0xb3: {  	_ =	swait.ge [sflag:s29], $0x1  }
0xb4: {  	[sflag:s29] =	ssyncadd.s32 $0xFFFFFFFF  }
0xb5: {  	_ =	strace $0x9000005D  }
0xb6: {  	_ =	sfence  }
0xb7: {  	s30 =	sld [smem:$0x0];
	_ =	sdelay $0x2  }
0xb8: {  	s31 =	sshll.u32 s1, $0xD;
	s1 =	sshrl.u32 s1, $0x2  }
0xb9: {  	s3 =	sand.u32 $0x4000, s31;
	s1 =	sadd.s32 s1, s30  }
0xba: {  	s0 =	sor.u32 s3, s0;
	s1 =	sshll.u32 s1, $0x11  }
0xbb: {  	s0 =	sor.u32 s1, s0  }
0xbc: {  	s0 =	sadd.s32 $0x8F2B, s0  }
0xbd: {  	[sflag:s0] =	ssyncadd.remote.s32 $0x1  }
0xbe: {  	_ =	sfence.sel $0xFFFF  }
0xbf: {  	[dreg:$0x0] =	wrdreg $0xFFFFFFFF;
	(pc) =	sbr.abs _section_cstart, $3  }
0xc0: {  	[dreg:$0x1] =	wrdreg $0xFFFFFFFF  }
0xc1: {  	_ =	task.clear_ibuf [dreg:s6], $0x2FFFF;
	_ =	strace $0x9FFFFFFF  }
0xc2: {  	(tm) =	ssettm $0x7FFFFFFF  }
0xc3: {  	_ =	shalt  }
tec
execute0_lowered:
.L_overlay_start_1:
0x0: {  	(tag) =	ssettag $0x1  }
0x1: {  	s0 =	stileid.u32;
	s1 =	srdreg.scid  }
0x2: {  	s5 =	rddreg [dreg:$0x0];
	s4 =	smul.u32 $0xA000, s0  }
0x3: {  	s2 =	rddreg [dreg:$0x1];
	s3 =	simm.s32 $0x0;
	s7 =	smul.u32 $0x5000, s0  }
0x4: {  	s6 =	sand.u32 $0x1, s1;
	s1 =	rddreg [dreg:$0x2];
	s9 =	smul.u32 $0x2800, s0  }
0x5: {  	[smem:$0x7FF] =	sst s3;
	s30 =	sshll.u32 s0, $0x6;
	s8 =	smul.u32 $0x2800, s6  }
0x6: {  	s24 =	smul.u32 $0x28000, s6;
	_ =	strace $0x8000005C;
	s28 =	ssub.s32 $0x2, s6  }
0x7: {  	s13 =	smul.u32 $0x5000, s6;
	s10 =	sadd.s32 s4, s5;
	s26 =	sshrl.u32 s9, $0x3  }
0x8: {  	s29 =	sshrl.u32 s28, $0x1;
	s14 =	sadd.s32 s9, s2;
	s7 =	sadd.s32 s8, s7  }
0x9: {  	s25 =	sadd.s32 s9, s24;
	s8 =	ssub.s32 s28, s29;
	s31 =	sadd.s32 s13, s10  }
0xa: {  	s10 =	sshrl.u32 s14, $0x3;
	s13 =	simm.s32 $0x0;
	s7 =	sshrl.u32 s7, $0x3  }
0xb: {  	s4 =	sshrl.u32 s25, $0x3;
	s11 =	sadd.s32 s7, s5;
	s7 =	sadd.s32 s26, s5  }
0xc: {  	s12 =	sadd.s32 s4, s5;
	s5 =	sor.u32 $0x1C01, s30;
	s4 =	sadd.s32 $0x1B000, s7  }
0xd: {  	s6 =	sadd.s32 $0x20000, s12;
	s7 =	smax.u32 s8, $0x1;
	s8 =	sadd.s32 $0x11E200, s31  }
0xe: {  	s9 =	sadd.s32 $0x11000, s11;
	s11 =	simm.s32 $0x1;
	s12 =	simm.s32 $0x80  }
.LBB2_1:
0xf: {  	[spmem:s10], [sflag:s5] =	dma.local [hbm:s4], $0x500  }
0x10: {  	_ =	swait.ge [sflag:s11], $0x500  }
0x11: {  	[sflag:s11] =	ssyncset.done $0x0  }
0x12: {  	[sflag:s11] =	ssyncadd.s32 $0xFFFFFB00  }
0x13: {  	s14 =	sadd.s32 $0x0, s9;
	[bflag:$0x0] =	sbarrier.arrive $0xFFFF  }
0x14: {  	[tilespmem:s3], [sflag:$0x1] =	stream.linear.gather [hbm4b:s14+s3], $0x80, $0x38;
	[tilespmem:$0x3080] =	vst v63  }
0x15: {  	_ =	swait.ge [sflag:s11], $0x80  }
0x16: {  	[sflag:s11] =	ssyncset.done $0x0  }
0x17: {  	[sflag:s11] =	ssyncadd.s32 $0xFFFFFF80  }
0x18: {  	[tilespmem:s12], [sflag:$0x1] =	stream.linear.gather [hbm4b:s8+s3], $0x800, $0x38;
	[tilespmem:$0x3080] =	vst v63  }
0x19: {  	_ =	swait.ge [sflag:s11], $0x800  }
0x1a: {  	[sflag:s11] =	ssyncset.done $0x0  }
0x1b: {  	[sflag:s11] =	ssyncadd.s32 $0xFFFFF800  }
0x1c: {  	[spmem:s2] =	stream.indirect.scatter.add.f32 [tilespmem:s12], [sflag:$0x1], $0x10, s3, s12, $0xb8;
	[tilespmem:$0x3080] =	vst v63  }
0x1d: {  	s15 =	simm.s32 $0x10;
	_ =	swait.ge [sflag:s11], $0x800  }
0x1e: {  	s16 =	simm.s32 $0x20;
	s14 =	sadd.s32 $0x100, s8;
	[sflag:s11] =	ssyncset.done $0x0  }
.LBB2_2:
0x1f: {  	s17 =	sadd.s32 s15, s9  }
0x20: {  	[sflag:s11] =	ssyncadd.s32 $0xFFFFF800;
	s15 =	smov.u32 s16;
	s18 =	sadd.s32 $0x10, s16  }
0x21: {  	[tilespmem:s3], [sflag:$0x1] =	stream.linear.gather [hbm4b:s17+s3], $0x80, $0x38;
	[tilespmem:$0x3080] =	vst v63  }
0x22: {  	p0 =	sne.s32 s16, $0x4F0;
	_ =	swait.ge [sflag:s11], $0x80  }
0x23: {  	[sflag:s11] =	ssyncset.done $0x0  }
0x24: {  	[sflag:s11] =	ssyncadd.s32 $0xFFFFFF80  }
0x25: {  	[tilespmem:s12], [sflag:$0x1] =	stream.linear.gather [hbm4b:s14+s3], $0x800, $0x38;
	[tilespmem:$0x3080] =	vst v63  }
0x26: {  	_ =	swait.ge [sflag:s11], $0x800  }
.Ltmp0:
0x27: {  	[sflag:s11] =	ssyncset.done $0x0;
	(pc) =	sbr.rel @p0 .LBB2_2-.Ltmp0, $4  }
0x28: {  	[sflag:s11] =	ssyncadd.s32 $0xFFFFF800  }
0x29: {  	[spmem:s2] =	stream.indirect.scatter.add.f32 [tilespmem:s12], [sflag:$0x1], $0x10, s3, s12, $0xb8;
	[tilespmem:$0x3080] =	vst v63  }
0x2a: {  	_ =	swait.ge [sflag:s11], $0x800  }
0x2b: {  	s16 =	smov.u32 s18;
	s14 =	sadd.s32 $0x100, s14;
	[sflag:s11] =	ssyncset.done $0x0  }
0x2c: {  	s15 =	sadd.s32 s15, s9;
	[sflag:s11] =	ssyncadd.s32 $0xFFFFF800  }
0x2d: {  	[tilespmem:s3], [sflag:$0x1] =	stream.linear.gather [hbm4b:s15+s3], $0x80, $0x38;
	[tilespmem:$0x3080] =	vst v63  }
0x2e: {  	_ =	swait.ge [sflag:s11], $0x80  }
0x2f: {  	[sflag:s11] =	ssyncset.done $0x0  }
0x30: {  	[sflag:s11] =	ssyncadd.s32 $0xFFFFFF80  }
0x31: {  	[tilespmem:s12], [sflag:$0x1] =	stream.linear.gather [hbm4b:s14+s3], $0x800, $0x38;
	[tilespmem:$0x3080] =	vst v63  }
0x32: {  	_ =	swait.ge [sflag:s11], $0x800  }
0x33: {  	[sflag:s11] =	ssyncset.done $0x0  }
0x34: {  	[sflag:s11] =	ssyncadd.s32 $0xFFFFF800  }
0x35: {  	[spmem:s2] =	stream.indirect.scatter.add.f32 [tilespmem:s12], [sflag:$0x1], $0x10, s3, s12, $0xb8;
	[tilespmem:$0x3080] =	vst v63  }
0x36: {  	_ =	swait.ge [sflag:s11], $0x800  }
0x37: {  	s13 =	sadd.s32 $0x1, s13;
	[sflag:s11] =	ssyncset.done $0x0  }
0x38: {  	p0 =	sne.s32 s13, s7;
	[sflag:s11] =	ssyncadd.s32 $0xFFFFF800  }
.Ltmp1:
0x39: {  	[bflag:$0x0] =	sbarrier.arrive $0xFFFF;
	(pc) =	sbr.rel @p0 .LBB2_1-.Ltmp1, $4  }
0x3a: {  	[hbm:s6], [sflag:s5] =	dma.local [spmem:s10], $0x500  }
0x3b: {  	_ =	swait.ge [sflag:s11], $0x500  }
0x3c: {  	[sflag:s11] =	ssyncset.done $0x0  }
0x3d: {  	[sflag:s11] =	ssyncadd.s32 $0xFFFFFB00  }
0x3e: {  	_ =	sfence.sel $0x180000  }
0x3f: {  	[bflag:$0x0] =	sbarrier.arrive $0xFFFF  }
0x40: {  	p0 =	sne.s32 s0, $0x0;
	_ =	strace $0x9000005C  }
0x41: {  	s0 =	sadd.s32 @!p0 $0x100000, s1;
	[bflag:$0x2] =	sbarrier.arrive $0xFFFF  }
0x42: {  	[sflag:s0] =	ssyncadd.tile.s32 @!p0 $0x1;
	_ =	shalt  }
.Lfunc_end2:
_tile_overlayer_lowered:
.L_overlay_start_2:
0x43: {  	(tag) =	ssettag $0x2  }
0x44: {  	s0 =	rddreg [dreg:$0x0];
	s2 =	stileid.u32  }
0x45: {  	s1 =	rddreg [dreg:$0x1];
	p0 =	sne.s32 s2, $0x0  }
0x46: {  	s3 =	rddreg [dreg:$0x2];
	[bflag:$0x3] =	sbarrier.arrive $0xFFFF;
	s2 =	simm.s32 @!p0 $0x1C01  }
0x47: {  	[timem:s3], [sflag:s2] =	dma.local @!p0 [hbm:s0], s1  }
0x48: {  	s0 =	simm.s32 @!p0 $0x1  }
0x49: {  	_ =	swait.ge @!p0 [sflag:s0], s1  }
0x4a: {  	s1 =	ssub.s32 @!p0 $0x0, s1;
	[sflag:s0] =	ssyncset.done @!p0 $0x0  }
0x4b: {  	[sflag:s0] =	ssyncadd.s32 @!p0 s1  }
0x4c: {  	[bflag:$0x3] =	sbarrier.arrive $0xFFFF  }
0x4d: {  	_ =	shalt  }

</sc_bundles>
